<compile_context>
chip_gen: v7x
topology: tpu7x:2x2x1
jax: 0.10.2.dev20260603
libtpu: 0.0.44.dev20260713+nightly
codegen_flags: <defaults>
</compile_context>

<pallas_src>
import functools

import jax
import jax.numpy as jnp
from jax import lax
from jax.experimental import pallas as pl
from jax.experimental.pallas import tpu as pltpu
from jax.experimental.pallas import tpu_sc as plsc

N = 10000
K = 16
C = 128
NP = 10112
EPS = 1e-5

RB = 128
GRID = NP // RB

NW = 32
PER_W = NP * K // NW
CH = 64
NCH = PER_W // CH

FAR = 1.0e6


def _prep_body(f_ref, x16_ref, wq_ref, wk_ref, wv_ref, bq_ref, bk_ref, bv_ref,
               wp1_ref, bp1_ref, psc_ref, psh_ref, wp2_ref, bp2_ref,
               q_ref, kv_ref):
    f = f_ref[...]
    q = jnp.dot(f, wq_ref[...], preferred_element_type=jnp.float32) + bq_ref[...]
    k = jnp.dot(f, wk_ref[...], preferred_element_type=jnp.float32) + bk_ref[...]
    v = jnp.dot(f, wv_ref[...], preferred_element_type=jnp.float32) + bv_ref[...]
    x16 = x16_ref[...]
    p1 = jnp.dot(x16, wp1_ref[...], preferred_element_type=jnp.float32) + bp1_ref[...]
    p1 = jnp.maximum(p1 * psc_ref[...] + psh_ref[...], 0.0)
    p2 = jnp.dot(p1, wp2_ref[...], preferred_element_type=jnp.float32) + bp2_ref[...]
    q_ref[...] = q
    kv_ref[...] = jnp.concatenate([k + p2, v + p2], axis=1)


NPC = 10240
NSC = 40
NSCP = 48
NRW = NP // NW
FBIG = 3.0e38
IBIG = 2 ** 30


def _knn_sc(xc, yc, zc):
    mesh = plsc.VectorSubcoreMesh(core_axis_name="c", subcore_axis_name="s")

    @functools.partial(
        pl.kernel, mesh=mesh,
        out_type=jax.ShapeDtypeStruct((NP * K,), jnp.int32),
        scratch_types=[pltpu.VMEM((NPC,), jnp.float32),
                       pltpu.VMEM((NPC,), jnp.float32),
                       pltpu.VMEM((NPC,), jnp.float32),
                       pltpu.VMEM((NPC,), jnp.float32),
                       pltpu.VMEM((NSCP * 16,), jnp.float32),
                       pltpu.VMEM((NSCP * 16,), jnp.float32),
                       pltpu.VMEM((4 * K,), jnp.int32)],
        compiler_params=pltpu.CompilerParams(needs_layout_passes=False),
    )
    def knn_kernel(xc_hbm, yc_hbm, zc_hbm, idx_out, xv, yv, zv, sqv, smin2a,
                   smin2b, outv):
        iota = lax.iota(jnp.int32, 16)
        wid = lax.axis_index("s") * 2 + lax.axis_index("c")
        pltpu.sync_copy(xc_hbm, xv)
        pltpu.sync_copy(yc_hbm, yv)
        pltpu.sync_copy(zc_hbm, zv)
        inf16 = jnp.full((16,), FBIG, jnp.float32)
        for pads in range(NSC * 16, NSCP * 16, 16):
            smin2a[pl.ds(pads, 16)] = inf16
            smin2b[pl.ds(pads, 16)] = inf16

        def bf16_round(v):
            b = plsc.bitcast(v, jnp.int32)
            r = (b + 0x7FFF + ((b >> 16) & 1)) & ~0xFFFF
            return plsc.bitcast(r, jnp.float32)

        def pre_body(c, carry):
            off = pl.multiple_of(c * 16, 16)
            x = xv[pl.ds(off, 16)]
            y = yv[pl.ds(off, 16)]
            z = zv[pl.ds(off, 16)]
            sqv[pl.ds(off, 16)] = x * x + y * y + z * z
            xv[pl.ds(off, 16)] = bf16_round(x)
            yv[pl.ds(off, 16)] = bf16_round(y)
            zv[pl.ds(off, 16)] = bf16_round(z)
            return carry

        lax.fori_loop(0, NPC // 16, pre_body, 0)

        def lane_bcast(vec_ref, i):
            base = pl.multiple_of((i // 16) * 16, 16)
            chunk = vec_ref[pl.ds(base, 16)]
            s = jnp.min(jnp.where(iota == i % 16, chunk, FBIG))
            return jnp.full((16,), s, jnp.float32)

        def splat(x):
            return x if getattr(x, "ndim", 0) == 1 else jnp.full((16,), x)

        def ext_one(t, lmin, outacc, smin2, xi, yi, zi, sqi):
            m = jnp.min(lmin)
            mv = jnp.full((16,), m, jnp.float32)
            lstar = splat(plsc.all_reduce_ffs(lmin == mv))
            srows = []
            cands = []
            anys = []
            for kk in range(NSCP // 16):
                sidx = (kk * 16 + iota) * 16 + lstar
                srow = plsc.load_gather(smin2, [sidx])
                srows.append(srow)
                eq = srow == mv
                cands.append(splat(plsc.all_reduce_ffs(eq)) + kk * 16)
                anys.append(splat(plsc.all_reduce_population_count(eq)))
            sstar = jnp.where(anys[0] > 0, cands[0],
                              jnp.where(anys[1] > 0, cands[1], cands[2]))
            jv = (sstar * 16 + iota) * 16 + lstar
            t1 = plsc.load_gather(xv, [jv]) * xi
            t1 = t1 + plsc.load_gather(yv, [jv]) * yi
            t1 = t1 + plsc.load_gather(zv, [jv]) * zi
            d2v = (sqi + plsc.load_gather(sqv, [jv])) - 2.0 * t1
            cstar = sstar * 16 + splat(plsc.all_reduce_ffs(d2v == mv))
            jstar = cstar * 16 + lstar
            outacc = jnp.where(iota == t, jstar, outacc)
            cmin = jnp.min(jnp.where(d2v <= mv, FBIG, d2v))
            cminv = jnp.full((16,), cmin, jnp.float32)
            plsc.store_scatter(smin2, [sstar * 16 + lstar], cminv,
                               mask=iota == 0)
            lnew = inf16
            sstarv = sstar
            for kk in range(NSCP // 16):
                srow = jnp.where(kk * 16 + iota == sstarv, cminv, srows[kk])
                lnew = jnp.minimum(lnew, srow)
            lmin = jnp.where(iota == lstar,
                             jnp.full((16,), jnp.min(lnew), jnp.float32), lmin)
            return lmin, outacc

        def row_body(g, carry):
            for r2 in range(2):
                ia = wid * NRW + g * 4 + r2 * 2
                ib = ia + 1
                xia = lane_bcast(xv, ia)
                yia = lane_bcast(yv, ia)
                zia = lane_bcast(zv, ia)
                sqia = lane_bcast(sqv, ia)
                xib = lane_bcast(xv, ib)
                yib = lane_bcast(yv, ib)
                zib = lane_bcast(zv, ib)
                sqib = lane_bcast(sqv, ib)

                def sc_body(sc, carry2):
                    lma, lmb = carry2
                    sacca = inf16
                    saccb = inf16
                    for u in range(16):
                        off = pl.multiple_of((sc * 16 + u) * 16, 16)
                        xj = xv[pl.ds(off, 16)]
                        yj = yv[pl.ds(off, 16)]
                        zj = zv[pl.ds(off, 16)]
                        sqj = sqv[pl.ds(off, 16)]
                        ta = xj * xia
                        ta = ta + yj * yia
                        ta = ta + zj * zia
                        sacca = jnp.minimum(sacca, (sqia + sqj) - 2.0 * ta)
                        tb = xj * xib
                        tb = tb + yj * yib
                        tb = tb + zj * zib
                        saccb = jnp.minimum(saccb, (sqib + sqj) - 2.0 * tb)
                    off2 = pl.multiple_of(sc * 16, 16)
                    smin2a[pl.ds(off2, 16)] = sacca
                    smin2b[pl.ds(off2, 16)] = saccb
                    return jnp.minimum(lma, sacca), jnp.minimum(lmb, saccb)

                lma, lmb = lax.fori_loop(0, NSC, sc_body, (inf16, inf16))

                def ext2_body(t, carry2):
                    lma, outa, lmb, outb = carry2
                    lma, outa = ext_one(t, lma, outa, smin2a, xia, yia, zia, sqia)
                    lmb, outb = ext_one(t, lmb, outb, smin2b, xib, yib, zib, sqib)
                    return lma, outa, lmb, outb

                zer = jnp.zeros((16,), jnp.int32)
                _, outa, _, outb = lax.fori_loop(0, K, ext2_body,
                                                 (lma, zer, lmb, zer))
                outv[pl.ds((r2 * 2) * K, K)] = jnp.minimum(outa, NP - 1)
                outv[pl.ds((r2 * 2 + 1) * K, K)] = jnp.minimum(outb, NP - 1)
            base_i = wid * NRW + g * 4
            pltpu.sync_copy(outv, idx_out.at[pl.ds(base_i * K, 4 * K)])
            return carry

        lax.fori_loop(0, NRW // 4, row_body, 0)

    return knn_kernel(xc, yc, zc)


def _attn_body(kvg_ref, q_ref, w1sc_ref, w1sh_ref, ww1_ref, bw1_ref,
               w2sc_ref, w2sh_ref, ww2_ref, bw2_ref, t16_ref, out_ref):
    kv = kvg_ref[...]
    kp = kv[:, :C]
    vp = kv[:, C:]
    q = q_ref[...]

    qb = jnp.broadcast_to(q[:, None, :], (RB, K, C)).reshape(RB * K, C)
    w = kp - qb
    w = jnp.maximum(w * w1sc_ref[...] + w1sh_ref[...], 0.0)
    w = jnp.dot(w, ww1_ref[...], preferred_element_type=jnp.float32) + bw1_ref[...]
    w = jnp.maximum(w * w2sc_ref[...] + w2sh_ref[...], 0.0)
    w = jnp.dot(w, ww2_ref[...], preferred_element_type=jnp.float32) + bw2_ref[...]

    w3 = w.reshape(RB, K, 16)
    m = jnp.max(w3, axis=1, keepdims=True)
    e = jnp.exp(w3 - m)
    sm = (e / jnp.sum(e, axis=1, keepdims=True)).reshape(RB * K, 16)
    wfull = jnp.dot(sm, t16_ref[...], preferred_element_type=jnp.float32)

    out_ref[...] = jnp.sum((vp * wfull).reshape(RB, K, C), axis=1)


def _sc_gather(kv_t, idxw):
    mesh = plsc.VectorSubcoreMesh(core_axis_name="c", subcore_axis_name="s")

    @functools.partial(
        pl.kernel, mesh=mesh,
        out_type=jax.ShapeDtypeStruct((NP * K, 2 * C), jnp.float32),
        scratch_types=[pltpu.VMEM((NCH, CH), jnp.int32),
                       pltpu.VMEM((CH, 2 * C), jnp.float32),
                       pltpu.SemaphoreType.DMA],
    )
    def gather_kernel(kv_hbm, idx_hbm, kvg_out, idx_v, rows_kv, sem):
        wid = lax.axis_index("s") * 2 + lax.axis_index("c")
        pltpu.sync_copy(idx_hbm.at[wid], idx_v)
        base = wid * PER_W

        def body(c, carry):
            pltpu.async_copy(kv_hbm.at[idx_v.at[c]], rows_kv, sem).wait()
            pltpu.sync_copy(rows_kv, kvg_out.at[pl.ds(base + c * CH, CH)])
            return carry

        lax.fori_loop(0, NCH, body, 0)

    return gather_kernel(kv_t, idxw)


def kernel(xyz, features, Wq, bq, Wk, bk, Wv, bv, Wp1, bp1, p_g, p_b, p_m, p_v,
           Wp2, bp2, w_g1, w_b1, w_m1, w_v1, Ww1, bw1, w_g2, w_b2, w_m2, w_v2,
           Ww2, bw2):
    f32 = jnp.float32

    xyz0 = xyz[0]
    xyz8 = jnp.zeros((NP, 8), f32)
    xyz8 = xyz8.at[:N, :3].set(xyz0)
    xyz8 = xyz8.at[N:, 0].set(FAR)
    x16 = jnp.concatenate([xyz8, jnp.zeros((NP, 8), f32)], axis=1)
    xc = jnp.full((NPC,), FAR, f32).at[:N].set(xyz0[:, 0])
    yc = jnp.zeros((NPC,), f32).at[:N].set(xyz0[:, 1])
    zc = jnp.zeros((NPC,), f32).at[:N].set(xyz0[:, 2])

    featT = jnp.pad(features[0].T, ((0, NP - N), (0, 0)))

    def bn_fold(g, b, m, v):
        sc = g / jnp.sqrt(v + EPS)
        return sc, b - m * sc

    psc, psh = bn_fold(p_g, p_b, p_m, p_v)
    w1sc, w1sh = bn_fold(w_g1, w_b1, w_m1, w_v1)
    w2sc, w2sh = bn_fold(w_g2, w_b2, w_m2, w_v2)

    wp1p = jnp.zeros((16, 16), f32).at[:3, :3].set(Wp1.T)
    bp1p = jnp.zeros((1, 16), f32).at[0, :3].set(bp1)
    pscp = jnp.ones((1, 16), f32).at[0, :3].set(psc)
    pshp = jnp.zeros((1, 16), f32).at[0, :3].set(psh)
    wp2p = jnp.zeros((16, C), f32).at[:3, :].set(Wp2.T)

    t16 = (lax.broadcasted_iota(jnp.int32, (16, C), 1) % 16 ==
           lax.broadcasted_iota(jnp.int32, (16, C), 0)).astype(f32)

    q_t, kv_t = pl.pallas_call(
        _prep_body,
        grid=(GRID,),
        in_specs=[pl.BlockSpec((RB, C), lambda i: (i, 0)),
                  pl.BlockSpec((RB, 16), lambda i: (i, 0))] +
                 [pl.BlockSpec((C, C), lambda i: (0, 0))] * 3 +
                 [pl.BlockSpec((1, C), lambda i: (0, 0))] * 3 +
                 [pl.BlockSpec((16, 16), lambda i: (0, 0)),
                  pl.BlockSpec((1, 16), lambda i: (0, 0)),
                  pl.BlockSpec((1, 16), lambda i: (0, 0)),
                  pl.BlockSpec((1, 16), lambda i: (0, 0)),
                  pl.BlockSpec((16, C), lambda i: (0, 0)),
                  pl.BlockSpec((1, C), lambda i: (0, 0))],
        out_specs=[pl.BlockSpec((RB, C), lambda i: (i, 0)),
                   pl.BlockSpec((RB, 2 * C), lambda i: (i, 0))],
        out_shape=[jax.ShapeDtypeStruct((NP, C), f32),
                   jax.ShapeDtypeStruct((NP, 2 * C), f32)],
    )(featT, x16, Wq.T, Wk.T, Wv.T, bq[None], bk[None], bv[None],
      wp1p, bp1p, pscp, pshp, wp2p, bp2[None])

    idx = _knn_sc(xc, yc, zc).reshape(NP, K)

    idxw = idx.reshape(NW, NCH, CH)
    kvg = _sc_gather(kv_t, idxw)

    wspec = lambda shape: pl.BlockSpec(shape, lambda i: (0, 0))
    out = pl.pallas_call(
        _attn_body,
        grid=(GRID,),
        in_specs=[pl.BlockSpec((RB * K, 2 * C), lambda i: (i, 0)),
                  pl.BlockSpec((RB, C), lambda i: (i, 0)),
                  wspec((1, C)), wspec((1, C)),
                  wspec((C, 16)), wspec((1, 16)), wspec((1, 16)), wspec((1, 16)),
                  wspec((16, 16)), wspec((1, 16)), wspec((16, C))],
        out_specs=pl.BlockSpec((RB, C), lambda i: (i, 0)),
        out_shape=jax.ShapeDtypeStruct((NP, C), f32),
    )(kvg, q_t,
      w1sc[None], w1sh[None],
      Ww1.T, bw1[None], w2sc[None], w2sh[None],
      Ww2.T, bw2[None], t16)

    return out[:N].T[None]

# --- scband reference (transcript-rebuilt; emitter-appended) ---
"""Pipeline reference for scband-point-tranformer-block-2680059592827 (READ-ONLY COPY).

The authoritative reference and input builder live on the scoring server;
editing this copy changes nothing except your own understanding.
"""

import jax, jax.numpy as jnp
import numpy as np

B, N, K = 1, 10000, 16
C_IN = 128
C_MID = 128
S = 8
EPS = 1e-5

def conv1d(x, W, b):
    return jnp.einsum('oc,bcn->bon', W, x) + b[None, :, None]

def conv2d(x, W, b):
    return jnp.einsum('oc,bcnk->bonk', W, x) + b[None, :, None, None]

def bn2d(x, g, b, m, v):
    return (x - m[None, :, None, None]) / jnp.sqrt(v[None, :, None, None] + EPS) * g[None, :, None, None] + b[None, :, None, None]

def knn_idx(xyz):
    sq = jnp.sum(xyz * xyz, axis=-1)
    d2 = sq[:, :, None] + sq[:, None, :] - 2.0 * jnp.einsum('bnd,bmd->bnm', xyz, xyz)
    _, idx = jax.lax.top_k(-d2, K)
    return idx

def grouping(feat, idx):
    return jax.vmap(lambda f, i: f[:, i])(feat, idx)

def setup_inputs(seed: int = 0):
    key = jax.random.key(seed)
    ks = jax.random.split(key, 16)
    def lin(k, o, i):
        return (jax.random.normal(k, (o, i), jnp.float32) / np.sqrt(i)).astype(jnp.float32)
    inp = {}
    inp['xyz'] = jax.random.normal(ks[0], (B, N, 3), jnp.float32)
    inp['features'] = jax.random.normal(ks[1], (B, C_IN, N), jnp.float32)
    inp['Wq'] = lin(ks[2], C_MID, C_IN); inp['bq'] = jnp.zeros((C_MID,), jnp.float32)
    inp['Wk'] = lin(ks[3], C_MID, C_IN); inp['bk'] = jnp.zeros((C_MID,), jnp.float32)
    inp['Wv'] = lin(ks[4], C_MID, C_IN); inp['bv'] = jnp.zeros((C_MID,), jnp.float32)
    inp['Wp1'] = lin(ks[5], 3, 3); inp['bp1'] = jnp.zeros((3,), jnp.float32)
    inp['p_g'] = jnp.ones((3,), jnp.float32); inp['p_b'] = jnp.zeros((3,), jnp.float32)
    inp['p_m'] = jnp.zeros((3,), jnp.float32); inp['p_v'] = jnp.ones((3,), jnp.float32)
    inp['Wp2'] = lin(ks[6], C_MID, 3); inp['bp2'] = jnp.zeros((C_MID,), jnp.float32)
    inp['w_g1'] = jnp.ones((C_MID,), jnp.float32); inp['w_b1'] = jnp.zeros((C_MID,), jnp.float32)
    inp['w_m1'] = jnp.zeros((C_MID,), jnp.float32); inp['w_v1'] = jnp.ones((C_MID,), jnp.float32)
    inp['Ww1'] = lin(ks[7], C_MID // S, C_MID); inp['bw1'] = jnp.zeros((C_MID // S,), jnp.float32)
    inp['w_g2'] = jnp.ones((C_MID // S,), jnp.float32); inp['w_b2'] = jnp.zeros((C_MID // S,), jnp.float32)
    inp['w_m2'] = jnp.zeros((C_MID // S,), jnp.float32); inp['w_v2'] = jnp.ones((C_MID // S,), jnp.float32)
    inp['Ww2'] = lin(ks[8], C_MID // S, C_MID // S); inp['bw2'] = jnp.zeros((C_MID // S,), jnp.float32)
    return inp

def reference(xyz, features, Wq, bq, Wk, bk, Wv, bv, Wp1, bp1, p_g, p_b, p_m, p_v, Wp2, bp2, w_g1, w_b1, w_m1, w_v1, Ww1, bw1, w_g2, w_b2, w_m2, w_v2, Ww2, bw2):
    x_q = conv1d(features, Wq, bq)
    x_k = conv1d(features, Wk, bk)
    x_v = conv1d(features, Wv, bv)
    idx = knn_idx(xyz)
    p_r = grouping(jnp.transpose(xyz, (0, 2, 1)), idx)
    x_k = grouping(x_k, idx)
    x_v = grouping(x_v, idx)
    p = conv2d(p_r, Wp1, bp1)
    p = jax.nn.relu(bn2d(p, p_g, p_b, p_m, p_v))
    p = conv2d(p, Wp2, bp2)
    w = x_k - x_q[:, :, :, None] + p
    w = jax.nn.relu(bn2d(w, w_g1, w_b1, w_m1, w_v1))
    w = conv2d(w, Ww1, bw1)
    w = jax.nn.relu(bn2d(w, w_g2, w_b2, w_m2, w_v2))
    w = conv2d(w, Ww2, bw2)
    w = jax.nn.softmax(w, axis=-1)
    w_t = jnp.transpose(w, (0, 2, 3, 1))
    xv_t = jnp.transpose(x_v, (0, 2, 3, 1))
    pr_t = jnp.transpose(p, (0, 2, 3, 1))
    c = C_MID
    x = ((xv_t + pr_t).reshape(B, N, K, S, c // S) * w_t[:, :, :, None, :]).sum(axis=2).reshape(B, N, c)
    return jnp.transpose(x, (0, 2, 1))

if __name__ == "__main__":
    import jax
    _d = setup_inputs()
    print(jax.jit(kernel)(*tuple(_d.values())))

</pallas_src>

<mosaic_0001>
#map = affine_map<(d0, d1) -> (0, 0)>
#map1 = affine_map<(d0, d1) -> (0, 0, 0)>
module attributes {stable_mosaic.version = 14 : i64} {
  func.func @gather_kernel(%arg0: i32, %arg1: i32, %arg2: memref<10112x256xf32, #tpu.memory_space<hbm>>, %arg3: memref<32x79x64xi32, #tpu.memory_space<hbm>>, %arg4: memref<161792x256xf32, #tpu.memory_space<hbm>>, %arg5: memref<79x64xi32, #tpu.memory_space<vmem>>, %arg6: memref<64x256xf32, #tpu.memory_space<vmem>>, %arg7: memref<!tpu.dma_semaphore, #tpu.memory_space<semaphore_mem>>) attributes {dimension_semantics = [#tpu.dimension_semantics<core_parallel>, #tpu.dimension_semantics<subcore_parallel>], iteration_bounds = array<i64: 2, 16>, scalar_prefetch = 0 : i64, scratch_operands = 3 : i64, tpu.core_type = #tpu.core_type<sc_vector_subcore>, window_params = [{transform_indices = #map}, {transform_indices = #map1}, {transform_indices = #map}]} {
    %mul3A = arith.constant 2 : i32
    %mul3A_0 = arith.muli %arg1, %mul3A : i32
    %add3A = arith.addi %mul3A_0, %arg0 : i32
    "tpu.region"() ({
      %run_scoped3A = tpu.sem_alloc : memref<!tpu.dma_semaphore, #tpu.memory_space<semaphore_mem>>
      %dma_start3A = arith.constant 0 : i32
      %dma_start3A_8 = arith.constant 0 : i32
      %dma_start3A_9 = tpu.memref_slice %arg3[%add3A, %dma_start3A, %dma_start3A_8] : memref<32x79x64xi32, #tpu.memory_space<hbm>> -> memref<1x79x64xi32, #tpu.memory_space<hbm>>
      %dma_start3A_10 = tpu.memref_squeeze %dma_start3A_9 : memref<1x79x64xi32, #tpu.memory_space<hbm>> -> memref<79x64xi32, #tpu.memory_space<hbm>>
      %dma_start3A_11 = arith.constant 0 : i32
      %dma_start3A_12 = arith.constant 0 : i32
      %dma_start3A_13 = tpu.memref_slice %arg3[%add3A, %dma_start3A_11, %dma_start3A_12] : memref<32x79x64xi32, #tpu.memory_space<hbm>> -> memref<1x79x64xi32, #tpu.memory_space<hbm>>
      %dma_start3A_14 = tpu.memref_squeeze %dma_start3A_13 : memref<1x79x64xi32, #tpu.memory_space<hbm>> -> memref<79x64xi32, #tpu.memory_space<hbm>>
      tpu.enqueue_dma source(%dma_start3A_14 : memref<79x64xi32, #tpu.memory_space<hbm>>) target(%arg5 : memref<79x64xi32, #tpu.memory_space<vmem>>) target_semaphore(%run_scoped3A : memref<!tpu.dma_semaphore, #tpu.memory_space<semaphore_mem>>)
      %dma_wait3A = arith.constant 0 : i32
      %dma_wait3A_15 = arith.constant 0 : i32
      %dma_wait3A_16 = tpu.memref_slice %arg3[%add3A, %dma_wait3A, %dma_wait3A_15] : memref<32x79x64xi32, #tpu.memory_space<hbm>> -> memref<1x79x64xi32, #tpu.memory_space<hbm>>
      %dma_wait3A_17 = tpu.memref_squeeze %dma_wait3A_16 : memref<1x79x64xi32, #tpu.memory_space<hbm>> -> memref<79x64xi32, #tpu.memory_space<hbm>>
      %dma_wait3A_18 = arith.constant 0 : i32
      %dma_wait3A_19 = arith.constant 0 : i32
      %dma_wait3A_20 = tpu.memref_slice %arg3[%add3A, %dma_wait3A_18, %dma_wait3A_19] : memref<32x79x64xi32, #tpu.memory_space<hbm>> -> memref<1x79x64xi32, #tpu.memory_space<hbm>>
      %dma_wait3A_21 = tpu.memref_squeeze %dma_wait3A_20 : memref<1x79x64xi32, #tpu.memory_space<hbm>> -> memref<79x64xi32, #tpu.memory_space<hbm>>
      tpu.wait_dma2 semaphore(%run_scoped3A : memref<!tpu.dma_semaphore, #tpu.memory_space<semaphore_mem>>) src(%dma_wait3A_21 : memref<79x64xi32, #tpu.memory_space<hbm>>) dst(%arg5 : memref<79x64xi32, #tpu.memory_space<vmem>>)
      tpu.yield
    }) : () -> ()
    %mul3A_1 = arith.constant 5056 : i32
    %mul3A_2 = arith.muli %add3A, %mul3A_1 : i32
    %scan3A = arith.constant 0 : i32
    %scan3A_3 = arith.constant 0 : i32
    %scan3A_4 = arith.constant 79 : i32
    %scan3A_5 = arith.addi %scan3A_3, %scan3A_4 : i32
    %scan3A_6 = arith.constant 1 : i32
    scf.for %scan3A_8 = %scan3A_3 to %scan3A_5 step %scan3A_6  : i32 {
      %dma_start3A = arith.constant 0 : i32
      %dma_start3A_9 = tpu.memref_slice %arg5[%scan3A_8, %dma_start3A] : memref<79x64xi32, #tpu.memory_space<vmem>> -> memref<1x64xi32, #tpu.memory_space<vmem>>
      %dma_start3A_10 = tpu.memref_squeeze %dma_start3A_9 : memref<1x64xi32, #tpu.memory_space<vmem>> -> memref<64xi32, #tpu.memory_space<vmem>>
      %dma_start3A_11 = arith.constant 0 : i32
      %dma_start3A_12 = arith.constant 0 : i32
      %dma_start3A_13 = tpu.memref_slice %arg2[%dma_start3A_11, %dma_start3A_12] : memref<10112x256xf32, #tpu.memory_space<hbm>> -> memref<10112x256xf32, #tpu.memory_space<hbm>>
      tpu.enqueue_indirect_dma source(%dma_start3A_13 : memref<10112x256xf32, #tpu.memory_space<hbm>>) target(%arg6 : memref<64x256xf32, #tpu.memory_space<vmem>>) offsets(%dma_start3A_10 : memref<64xi32, #tpu.memory_space<vmem>>) semaphore(%arg7 : memref<!tpu.dma_semaphore, #tpu.memory_space<semaphore_mem>>)
      %dma_wait3A = arith.constant 0 : i32
      %dma_wait3A_14 = tpu.memref_slice %arg5[%scan3A_8, %dma_wait3A] : memref<79x64xi32, #tpu.memory_space<vmem>> -> memref<1x64xi32, #tpu.memory_space<vmem>>
      %dma_wait3A_15 = tpu.memref_squeeze %dma_wait3A_14 : memref<1x64xi32, #tpu.memory_space<vmem>> -> memref<64xi32, #tpu.memory_space<vmem>>
      %dma_wait3A_16 = arith.constant 0 : i32
      %dma_wait3A_17 = arith.constant 0 : i32
      %dma_wait3A_18 = tpu.memref_slice %arg2[%dma_wait3A_16, %dma_wait3A_17] : memref<10112x256xf32, #tpu.memory_space<hbm>> -> memref<10112x256xf32, #tpu.memory_space<hbm>>
      tpu.wait_indirect_dma semaphore(%arg7 : memref<!tpu.dma_semaphore, #tpu.memory_space<semaphore_mem>>) src(%dma_wait3A_18 : memref<10112x256xf32, #tpu.memory_space<hbm>>) dst(%arg6 : memref<64x256xf32, #tpu.memory_space<vmem>>)
      %mul3A_19 = arith.constant 64 : i32
      %mul3A_20 = arith.muli %scan3A_8, %mul3A_19 : i32
      %add3A_21 = arith.addi %mul3A_2, %mul3A_20 : i32
      "tpu.region"() ({
        %run_scoped3A = tpu.sem_alloc : memref<!tpu.dma_semaphore, #tpu.memory_space<semaphore_mem>>
        %dma_start3A_22 = arith.constant 0 : i32
        %dma_start3A_23 = tpu.memref_slice %arg4[%add3A_21, %dma_start3A_22] : memref<161792x256xf32, #tpu.memory_space<hbm>> -> memref<64x256xf32, #tpu.memory_space<hbm>>
        %dma_start3A_24 = arith.constant 0 : i32
        %dma_start3A_25 = tpu.memref_slice %arg4[%add3A_21, %dma_start3A_24] : memref<161792x256xf32, #tpu.memory_space<hbm>> -> memref<64x256xf32, #tpu.memory_space<hbm>>
        tpu.enqueue_dma source(%arg6 : memref<64x256xf32, #tpu.memory_space<vmem>>) target(%dma_start3A_25 : memref<64x256xf32, #tpu.memory_space<hbm>>) target_semaphore(%run_scoped3A : memref<!tpu.dma_semaphore, #tpu.memory_space<semaphore_mem>>)
        %dma_wait3A_26 = arith.constant 0 : i32
        %dma_wait3A_27 = tpu.memref_slice %arg4[%add3A_21, %dma_wait3A_26] : memref<161792x256xf32, #tpu.memory_space<hbm>> -> memref<64x256xf32, #tpu.memory_space<hbm>>
        %dma_wait3A_28 = arith.constant 0 : i32
        %dma_wait3A_29 = tpu.memref_slice %arg4[%add3A_21, %dma_wait3A_28] : memref<161792x256xf32, #tpu.memory_space<hbm>> -> memref<64x256xf32, #tpu.memory_space<hbm>>
        tpu.wait_dma2 semaphore(%run_scoped3A : memref<!tpu.dma_semaphore, #tpu.memory_space<semaphore_mem>>) src(%arg6 : memref<64x256xf32, #tpu.memory_space<vmem>>) dst(%dma_wait3A_29 : memref<64x256xf32, #tpu.memory_space<hbm>>)
        tpu.yield
      }) : () -> ()
    }
    %scan3A_7 = arith.constant 79 : i32
    return
  }
}

#map = affine_map<(d0, d1) -> (0)>
module attributes {stable_mosaic.version = 14 : i64} {
  func.func @knn_kernel(%arg0: i32, %arg1: i32, %arg2: memref<10240xf32, #tpu.memory_space<hbm>>, %arg3: memref<10240xf32, #tpu.memory_space<hbm>>, %arg4: memref<10240xf32, #tpu.memory_space<hbm>>, %arg5: memref<161792xi32, #tpu.memory_space<hbm>>, %arg6: memref<10240xf32, #tpu.memory_space<vmem>>, %arg7: memref<10240xf32, #tpu.memory_space<vmem>>, %arg8: memref<10240xf32, #tpu.memory_space<vmem>>, %arg9: memref<10240xf32, #tpu.memory_space<vmem>>, %arg10: memref<768xf32, #tpu.memory_space<vmem>>, %arg11: memref<768xf32, #tpu.memory_space<vmem>>, %arg12: memref<64xi32, #tpu.memory_space<vmem>>) attributes {dimension_semantics = [#tpu.dimension_semantics<core_parallel>, #tpu.dimension_semantics<subcore_parallel>], iteration_bounds = array<i64: 2, 16>, scalar_prefetch = 0 : i64, scratch_operands = 7 : i64, tpu.core_type = #tpu.core_type<sc_vector_subcore>, window_params = [{transform_indices = #map}, {transform_indices = #map}, {transform_indices = #map}, {transform_indices = #map}]} {
    %iota3A = tpu.iota {dimensions = array<i32: 0>} : vector<16xi32>
    %mul3A = arith.constant 2 : i32
    %mul3A_0 = arith.muli %arg1, %mul3A : i32
    %add3A = arith.addi %mul3A_0, %arg0 : i32
    "tpu.region"() ({
      %run_scoped3A = tpu.sem_alloc : memref<!tpu.dma_semaphore, #tpu.memory_space<semaphore_mem>>
      tpu.enqueue_dma source(%arg2 : memref<10240xf32, #tpu.memory_space<hbm>>) target(%arg6 : memref<10240xf32, #tpu.memory_space<vmem>>) target_semaphore(%run_scoped3A : memref<!tpu.dma_semaphore, #tpu.memory_space<semaphore_mem>>)
      tpu.wait_dma2 semaphore(%run_scoped3A : memref<!tpu.dma_semaphore, #tpu.memory_space<semaphore_mem>>) src(%arg2 : memref<10240xf32, #tpu.memory_space<hbm>>) dst(%arg6 : memref<10240xf32, #tpu.memory_space<vmem>>)
      tpu.yield
    }) : () -> ()
    "tpu.region"() ({
      %run_scoped3A = tpu.sem_alloc : memref<!tpu.dma_semaphore, #tpu.memory_space<semaphore_mem>>
      tpu.enqueue_dma source(%arg3 : memref<10240xf32, #tpu.memory_space<hbm>>) target(%arg7 : memref<10240xf32, #tpu.memory_space<vmem>>) target_semaphore(%run_scoped3A : memref<!tpu.dma_semaphore, #tpu.memory_space<semaphore_mem>>)
      tpu.wait_dma2 semaphore(%run_scoped3A : memref<!tpu.dma_semaphore, #tpu.memory_space<semaphore_mem>>) src(%arg3 : memref<10240xf32, #tpu.memory_space<hbm>>) dst(%arg7 : memref<10240xf32, #tpu.memory_space<vmem>>)
      tpu.yield
    }) : () -> ()
    "tpu.region"() ({
      %run_scoped3A = tpu.sem_alloc : memref<!tpu.dma_semaphore, #tpu.memory_space<semaphore_mem>>
      tpu.enqueue_dma source(%arg4 : memref<10240xf32, #tpu.memory_space<hbm>>) target(%arg8 : memref<10240xf32, #tpu.memory_space<vmem>>) target_semaphore(%run_scoped3A : memref<!tpu.dma_semaphore, #tpu.memory_space<semaphore_mem>>)
      tpu.wait_dma2 semaphore(%run_scoped3A : memref<!tpu.dma_semaphore, #tpu.memory_space<semaphore_mem>>) src(%arg4 : memref<10240xf32, #tpu.memory_space<hbm>>) dst(%arg8 : memref<10240xf32, #tpu.memory_space<vmem>>)
      tpu.yield
    }) : () -> ()
    %broadcast_in_dim3A = arith.constant 3.000000e+38 : f32
    %broadcast_in_dim3A_1 = vector.broadcast %broadcast_in_dim3A : f32 to vector<16xf32>
    %swap3A = arith.constant 640 : index
    %swap3A_2 = tpu.vector_load %arg10[%swap3A] {strides = array<i32>} : memref<768xf32, #tpu.memory_space<vmem>>, vector<16xf32>,
    tpu.vector_store %arg10[%swap3A], %broadcast_in_dim3A_1 {strides = array<i32>} : memref<768xf32, #tpu.memory_space<vmem>>, vector<16xf32>,
    %swap3A_3 = arith.constant 640 : index
    %swap3A_4 = tpu.vector_load %arg11[%swap3A_3] {strides = array<i32>} : memref<768xf32, #tpu.memory_space<vmem>>, vector<16xf32>,
    tpu.vector_store %arg11[%swap3A_3], %broadcast_in_dim3A_1 {strides = array<i32>} : memref<768xf32, #tpu.memory_space<vmem>>, vector<16xf32>,
    %swap3A_5 = arith.constant 656 : index
    %swap3A_6 = tpu.vector_load %arg10[%swap3A_5] {strides = array<i32>} : memref<768xf32, #tpu.memory_space<vmem>>, vector<16xf32>,
    tpu.vector_store %arg10[%swap3A_5], %broadcast_in_dim3A_1 {strides = array<i32>} : memref<768xf32, #tpu.memory_space<vmem>>, vector<16xf32>,
    %swap3A_7 = arith.constant 656 : index
    %swap3A_8 = tpu.vector_load %arg11[%swap3A_7] {strides = array<i32>} : memref<768xf32, #tpu.memory_space<vmem>>, vector<16xf32>,
    tpu.vector_store %arg11[%swap3A_7], %broadcast_in_dim3A_1 {strides = array<i32>} : memref<768xf32, #tpu.memory_space<vmem>>, vector<16xf32>,
    %swap3A_9 = arith.constant 672 : index
    %swap3A_10 = tpu.vector_load %arg10[%swap3A_9] {strides = array<i32>} : memref<768xf32, #tpu.memory_space<vmem>>, vector<16xf32>,
    tpu.vector_store %arg10[%swap3A_9], %broadcast_in_dim3A_1 {strides = array<i32>} : memref<768xf32, #tpu.memory_space<vmem>>, vector<16xf32>,
    %swap3A_11 = arith.constant 672 : index
    %swap3A_12 = tpu.vector_load %arg11[%swap3A_11] {strides = array<i32>} : memref<768xf32, #tpu.memory_space<vmem>>, vector<16xf32>,
    tpu.vector_store %arg11[%swap3A_11], %broadcast_in_dim3A_1 {strides = array<i32>} : memref<768xf32, #tpu.memory_space<vmem>>, vector<16xf32>,
    %swap3A_13 = arith.constant 688 : index
    %swap3A_14 = tpu.vector_load %arg10[%swap3A_13] {strides = array<i32>} : memref<768xf32, #tpu.memory_space<vmem>>, vector<16xf32>,
    tpu.vector_store %arg10[%swap3A_13], %broadcast_in_dim3A_1 {strides = array<i32>} : memref<768xf32, #tpu.memory_space<vmem>>, vector<16xf32>,
    %swap3A_15 = arith.constant 688 : index
    %swap3A_16 = tpu.vector_load %arg11[%swap3A_15] {strides = array<i32>} : memref<768xf32, #tpu.memory_space<vmem>>, vector<16xf32>,
    tpu.vector_store %arg11[%swap3A_15], %broadcast_in_dim3A_1 {strides = array<i32>} : memref<768xf32, #tpu.memory_space<vmem>>, vector<16xf32>,
    %swap3A_17 = arith.constant 704 : index
    %swap3A_18 = tpu.vector_load %arg10[%swap3A_17] {strides = array<i32>} : memref<768xf32, #tpu.memory_space<vmem>>, vector<16xf32>,
    tpu.vector_store %arg10[%swap3A_17], %broadcast_in_dim3A_1 {strides = array<i32>} : memref<768xf32, #tpu.memory_space<vmem>>, vector<16xf32>,
    %swap3A_19 = arith.constant 704 : index
    %swap3A_20 = tpu.vector_load %arg11[%swap3A_19] {strides = array<i32>} : memref<768xf32, #tpu.memory_space<vmem>>, vector<16xf32>,
    tpu.vector_store %arg11[%swap3A_19], %broadcast_in_dim3A_1 {strides = array<i32>} : memref<768xf32, #tpu.memory_space<vmem>>, vector<16xf32>,
    %swap3A_21 = arith.constant 720 : index
    %swap3A_22 = tpu.vector_load %arg10[%swap3A_21] {strides = array<i32>} : memref<768xf32, #tpu.memory_space<vmem>>, vector<16xf32>,
    tpu.vector_store %arg10[%swap3A_21], %broadcast_in_dim3A_1 {strides = array<i32>} : memref<768xf32, #tpu.memory_space<vmem>>, vector<16xf32>,
    %swap3A_23 = arith.constant 720 : index
    %swap3A_24 = tpu.vector_load %arg11[%swap3A_23] {strides = array<i32>} : memref<768xf32, #tpu.memory_space<vmem>>, vector<16xf32>,
    tpu.vector_store %arg11[%swap3A_23], %broadcast_in_dim3A_1 {strides = array<i32>} : memref<768xf32, #tpu.memory_space<vmem>>, vector<16xf32>,
    %swap3A_25 = arith.constant 736 : index
    %swap3A_26 = tpu.vector_load %arg10[%swap3A_25] {strides = array<i32>} : memref<768xf32, #tpu.memory_space<vmem>>, vector<16xf32>,
    tpu.vector_store %arg10[%swap3A_25], %broadcast_in_dim3A_1 {strides = array<i32>} : memref<768xf32, #tpu.memory_space<vmem>>, vector<16xf32>,
    %swap3A_27 = arith.constant 736 : index
    %swap3A_28 = tpu.vector_load %arg11[%swap3A_27] {strides = array<i32>} : memref<768xf32, #tpu.memory_space<vmem>>, vector<16xf32>,
    tpu.vector_store %arg11[%swap3A_27], %broadcast_in_dim3A_1 {strides = array<i32>} : memref<768xf32, #tpu.memory_space<vmem>>, vector<16xf32>,
    %swap3A_29 = arith.constant 752 : index
    %swap3A_30 = tpu.vector_load %arg10[%swap3A_29] {strides = array<i32>} : memref<768xf32, #tpu.memory_space<vmem>>, vector<16xf32>,
    tpu.vector_store %arg10[%swap3A_29], %broadcast_in_dim3A_1 {strides = array<i32>} : memref<768xf32, #tpu.memory_space<vmem>>, vector<16xf32>,
    %swap3A_31 = arith.constant 752 : index
    %swap3A_32 = tpu.vector_load %arg11[%swap3A_31] {strides = array<i32>} : memref<768xf32, #tpu.memory_space<vmem>>, vector<16xf32>,
    tpu.vector_store %arg11[%swap3A_31], %broadcast_in_dim3A_1 {strides = array<i32>} : memref<768xf32, #tpu.memory_space<vmem>>, vector<16xf32>,
    %scan3A = arith.constant 0 : i32
    %scan3A_33 = arith.constant 0 : i32
    %scan3A_34 = arith.constant 640 : i32
    %scan3A_35 = arith.addi %scan3A_33, %scan3A_34 : i32
    %scan3A_36 = arith.constant 1 : i32
    scf.for %scan3A_44 = %scan3A_33 to %scan3A_35 step %scan3A_36  : i32 {
      %mul3A_45 = arith.constant 16 : i32
      %mul3A_46 = arith.muli %scan3A_44, %mul3A_45 : i32
      %multiple_of3A = tpu.assume_multiple %mul3A_46, 16 : i32
      %get3A = arith.index_cast %multiple_of3A : i32 to index
      %get3A_47 = tpu.vector_load %arg6[%get3A] {strides = array<i32>} : memref<10240xf32, #tpu.memory_space<vmem>>, vector<16xf32>,
      %get3A_48 = arith.index_cast %multiple_of3A : i32 to index
      %get3A_49 = tpu.vector_load %arg7[%get3A_48] {strides = array<i32>} : memref<10240xf32, #tpu.memory_space<vmem>>, vector<16xf32>,
      %get3A_50 = arith.index_cast %multiple_of3A : i32 to index
      %get3A_51 = tpu.vector_load %arg8[%get3A_50] {strides = array<i32>} : memref<10240xf32, #tpu.memory_space<vmem>>, vector<16xf32>,
      %mul3A_52 = arith.mulf %get3A_47, %get3A_47 : vector<16xf32>
      %mul3A_53 = arith.mulf %get3A_49, %get3A_49 : vector<16xf32>
      %add3A_54 = arith.addf %mul3A_52, %mul3A_53 : vector<16xf32>
      %mul3A_55 = arith.mulf %get3A_51, %get3A_51 : vector<16xf32>
      %add3A_56 = arith.addf %add3A_54, %mul3A_55 : vector<16xf32>
      %swap3A_57 = arith.index_cast %multiple_of3A : i32 to index
      %swap3A_58 = tpu.vector_load %arg9[%swap3A_57] {strides = array<i32>} : memref<10240xf32, #tpu.memory_space<vmem>>, vector<16xf32>,
      tpu.vector_store %arg9[%swap3A_57], %add3A_56 {strides = array<i32>} : memref<10240xf32, #tpu.memory_space<vmem>>, vector<16xf32>,
      %bitcast3A = vector.bitcast %get3A_47 : vector<16xf32> to vector<16xi32>
      %add3A_59 = arith.constant 32767 : i32
      %add3A_60 = vector.broadcast %add3A_59 : i32 to vector<16xi32>
      %add3A_61 = arith.addi %bitcast3A, %add3A_60 : vector<16xi32>
      %shift_right_arithmetic3A = arith.constant 16 : i32
      %shift_right_arithmetic3A_62 = vector.broadcast %shift_right_arithmetic3A : i32 to vector<16xi32>
      %shift_right_arithmetic3A_63 = arith.shrsi %bitcast3A, %shift_right_arithmetic3A_62 : vector<16xi32>
      %and3A = arith.constant 1 : i32
      %and3A_64 = vector.broadcast %and3A : i32 to vector<16xi32>
      %and3A_65 = arith.andi %shift_right_arithmetic3A_63, %and3A_64 : vector<16xi32>
      %add3A_66 = arith.addi %add3A_61, %and3A_65 : vector<16xi32>
      %and3A_67 = arith.constant -65536 : i32
      %and3A_68 = vector.broadcast %and3A_67 : i32 to vector<16xi32>
      %and3A_69 = arith.andi %add3A_66, %and3A_68 : vector<16xi32>
      %bitcast3A_70 = vector.bitcast %and3A_69 : vector<16xi32> to vector<16xf32>
      %swap3A_71 = arith.index_cast %multiple_of3A : i32 to index
      %swap3A_72 = tpu.vector_load %arg6[%swap3A_71] {strides = array<i32>} : memref<10240xf32, #tpu.memory_space<vmem>>, vector<16xf32>,
      tpu.vector_store %arg6[%swap3A_71], %bitcast3A_70 {strides = array<i32>} : memref<10240xf32, #tpu.memory_space<vmem>>, vector<16xf32>,
      %bitcast3A_73 = vector.bitcast %get3A_49 : vector<16xf32> to vector<16xi32>
      %add3A_74 = arith.constant 32767 : i32
      %add3A_75 = vector.broadcast %add3A_74 : i32 to vector<16xi32>
      %add3A_76 = arith.addi %bitcast3A_73, %add3A_75 : vector<16xi32>
      %shift_right_arithmetic3A_77 = arith.constant 16 : i32
      %shift_right_arithmetic3A_78 = vector.broadcast %shift_right_arithmetic3A_77 : i32 to vector<16xi32>
      %shift_right_arithmetic3A_79 = arith.shrsi %bitcast3A_73, %shift_right_arithmetic3A_78 : vector<16xi32>
      %and3A_80 = arith.constant 1 : i32
      %and3A_81 = vector.broadcast %and3A_80 : i32 to vector<16xi32>
      %and3A_82 = arith.andi %shift_right_arithmetic3A_79, %and3A_81 : vector<16xi32>
      %add3A_83 = arith.addi %add3A_76, %and3A_82 : vector<16xi32>
      %and3A_84 = arith.constant -65536 : i32
      %and3A_85 = vector.broadcast %and3A_84 : i32 to vector<16xi32>
      %and3A_86 = arith.andi %add3A_83, %and3A_85 : vector<16xi32>
      %bitcast3A_87 = vector.bitcast %and3A_86 : vector<16xi32> to vector<16xf32>
      %swap3A_88 = arith.index_cast %multiple_of3A : i32 to index
      %swap3A_89 = tpu.vector_load %arg7[%swap3A_88] {strides = array<i32>} : memref<10240xf32, #tpu.memory_space<vmem>>, vector<16xf32>,
      tpu.vector_store %arg7[%swap3A_88], %bitcast3A_87 {strides = array<i32>} : memref<10240xf32, #tpu.memory_space<vmem>>, vector<16xf32>,
      %bitcast3A_90 = vector.bitcast %get3A_51 : vector<16xf32> to vector<16xi32>
      %add3A_91 = arith.constant 32767 : i32
      %add3A_92 = vector.broadcast %add3A_91 : i32 to vector<16xi32>
      %add3A_93 = arith.addi %bitcast3A_90, %add3A_92 : vector<16xi32>
      %shift_right_arithmetic3A_94 = arith.constant 16 : i32
      %shift_right_arithmetic3A_95 = vector.broadcast %shift_right_arithmetic3A_94 : i32 to vector<16xi32>
      %shift_right_arithmetic3A_96 = arith.shrsi %bitcast3A_90, %shift_right_arithmetic3A_95 : vector<16xi32>
      %and3A_97 = arith.constant 1 : i32
      %and3A_98 = vector.broadcast %and3A_97 : i32 to vector<16xi32>
      %and3A_99 = arith.andi %shift_right_arithmetic3A_96, %and3A_98 : vector<16xi32>
      %add3A_100 = arith.addi %add3A_93, %and3A_99 : vector<16xi32>
      %and3A_101 = arith.constant -65536 : i32
      %and3A_102 = vector.broadcast %and3A_101 : i32 to vector<16xi32>
      %and3A_103 = arith.andi %add3A_100, %and3A_102 : vector<16xi32>
      %bitcast3A_104 = vector.bitcast %and3A_103 : vector<16xi32> to vector<16xf32>
      %swap3A_105 = arith.index_cast %multiple_of3A : i32 to index
      %swap3A_106 = tpu.vector_load %arg8[%swap3A_105] {strides = array<i32>} : memref<10240xf32, #tpu.memory_space<vmem>>, vector<16xf32>,
      tpu.vector_store %arg8[%swap3A_105], %bitcast3A_104 {strides = array<i32>} : memref<10240xf32, #tpu.memory_space<vmem>>, vector<16xf32>,
    }
    %scan3A_37 = arith.constant 640 : i32
    %scan3A_38 = arith.constant 0 : i32
    %scan3A_39 = arith.constant 0 : i32
    %scan3A_40 = arith.constant 79 : i32
    %scan3A_41 = arith.addi %scan3A_39, %scan3A_40 : i32
    %scan3A_42 = arith.constant 1 : i32
    scf.for %scan3A_44 = %scan3A_39 to %scan3A_41 step %scan3A_42  : i32 {
      %mul3A_45 = arith.constant 316 : i32
      %mul3A_46 = arith.muli %add3A, %mul3A_45 : i32
      %mul3A_47 = arith.constant 4 : i32
      %mul3A_48 = arith.muli %scan3A_44, %mul3A_47 : i32
      %add3A_49 = arith.addi %mul3A_46, %mul3A_48 : i32
      %add3A_50 = arith.constant 0 : i32
      %add3A_51 = arith.addi %add3A_49, %add3A_50 : i32
      %add3A_52 = arith.constant 1 : i32
      %add3A_53 = arith.addi %add3A_51, %add3A_52 : i32
      %jit3A = arith.constant 16 : i32
      %div3A = arith.divsi %add3A_51, %jit3A : i32
      %sign3A = arith.constant 0 : i32
      %sign3A_54 = arith.cmpi sgt, %add3A_51, %sign3A : i32
      %sign3A_55 = arith.extui %sign3A_54 : i1 to i32
      %sign3A_56 = arith.constant 0 : i32
      %sign3A_57 = arith.cmpi slt, %add3A_51, %sign3A_56 : i32
      %sign3A_58 = arith.extui %sign3A_57 : i1 to i32
      %sign3A_59 = arith.subi %sign3A_55, %sign3A_58 : i32
      %sign3A_60 = arith.constant 0 : i32
      %sign3A_61 = arith.cmpi sgt, %jit3A, %sign3A_60 : i32
      %sign3A_62 = arith.extui %sign3A_61 : i1 to i32
      %sign3A_63 = arith.constant 0 : i32
      %sign3A_64 = arith.cmpi slt, %jit3A, %sign3A_63 : i32
      %sign3A_65 = arith.extui %sign3A_64 : i1 to i32
      %sign3A_66 = arith.subi %sign3A_62, %sign3A_65 : i32
      %ne3A = arith.cmpi ne, %sign3A_59, %sign3A_66 : i32
      %rem3A = arith.remsi %add3A_51, %jit3A : i32
      %ne3A_67 = arith.constant 0 : i32
      %ne3A_68 = arith.cmpi ne, %rem3A, %ne3A_67 : i32
      %and3A = arith.andi %ne3A, %ne3A_68 : i1
      %sub3A = arith.constant 1 : i32
      %sub3A_69 = arith.subi %div3A, %sub3A : i32
      %select_n3A = arith.select %and3A, %sub3A_69, %div3A : i32
      %mul3A_70 = arith.constant 16 : i32
      %mul3A_71 = arith.muli %select_n3A, %mul3A_70 : i32
      %multiple_of3A = tpu.assume_multiple %mul3A_71, 16 : i32
      %get3A = arith.index_cast %multiple_of3A : i32 to index
      %get3A_72 = tpu.vector_load %arg6[%get3A] {strides = array<i32>} : memref<10240xf32, #tpu.memory_space<vmem>>, vector<16xf32>,
      %jit3A_73 = arith.constant 16 : i32
      %eq3A = arith.constant 0 : i32
      %eq3A_74 = arith.cmpi eq, %jit3A_73, %eq3A : i32
      %jit3A_75 = arith.constant 1 : i32
      %select_n3A_76 = arith.select %eq3A_74, %jit3A_75, %jit3A_73 : i32
      %rem3A_77 = arith.remsi %add3A_51, %select_n3A_76 : i32
      %ne3A_78 = arith.constant 0 : i32
      %ne3A_79 = arith.cmpi ne, %rem3A_77, %ne3A_78 : i32
      %lt3A = arith.constant 0 : i32
      %lt3A_80 = arith.cmpi slt, %rem3A_77, %lt3A : i32
      %lt3A_81 = arith.constant 0 : i32
      %lt3A_82 = arith.cmpi slt, %select_n3A_76, %lt3A_81 : i32
      %ne3A_83 = arith.xori %lt3A_80, %lt3A_82 : i1
      %and3A_84 = arith.andi %ne3A_83, %ne3A_79 : i1
      %add3A_85 = arith.addi %rem3A_77, %select_n3A_76 : i32
      %select_n3A_86 = arith.select %and3A_84, %add3A_85, %rem3A_77 : i32
      %eq3A_87 = vector.broadcast %select_n3A_86 : i32 to vector<16xi32>
      %eq3A_88 = arith.cmpi eq, %iota3A, %eq3A_87 : vector<16xi32>
      %jit3A_89 = arith.constant 3.000000e+38 : f32
      %broadcast_in_dim3A_90 = vector.broadcast %jit3A_89 : f32 to vector<16xf32>
      %select_n3A_91 = arith.select %eq3A_88, %get3A_72, %broadcast_in_dim3A_90 : vector<16xi1>, vector<16xf32>
      %reduce_min3A = arith.constant true
      %reduce_min3A_92 = vector.broadcast %reduce_min3A : i1 to vector<16xi1>
      %reduce_min3A_93 = tpu.scan <min>, %select_n3A_91 masked %reduce_min3A_92 : vector<16xf32>, vector<16xi1> -> vector<16xf32>
      %reduce_min3A_94 = vector.extract %reduce_min3A_93[15] : f32 from vector<16xf32>
      %broadcast_in_dim3A_95 = vector.broadcast %reduce_min3A_94 : f32 to vector<16xf32>
      %jit3A_96 = arith.constant 16 : i32
      %div3A_97 = arith.divsi %add3A_51, %jit3A_96 : i32
      %sign3A_98 = arith.constant 0 : i32
      %sign3A_99 = arith.cmpi sgt, %add3A_51, %sign3A_98 : i32
      %sign3A_100 = arith.extui %sign3A_99 : i1 to i32
      %sign3A_101 = arith.constant 0 : i32
      %sign3A_102 = arith.cmpi slt, %add3A_51, %sign3A_101 : i32
      %sign3A_103 = arith.extui %sign3A_102 : i1 to i32
      %sign3A_104 = arith.subi %sign3A_100, %sign3A_103 : i32
      %sign3A_105 = arith.constant 0 : i32
      %sign3A_106 = arith.cmpi sgt, %jit3A_96, %sign3A_105 : i32
      %sign3A_107 = arith.extui %sign3A_106 : i1 to i32
      %sign3A_108 = arith.constant 0 : i32
      %sign3A_109 = arith.cmpi slt, %jit3A_96, %sign3A_108 : i32
      %sign3A_110 = arith.extui %sign3A_109 : i1 to i32
      %sign3A_111 = arith.subi %sign3A_107, %sign3A_110 : i32
      %ne3A_112 = arith.cmpi ne, %sign3A_104, %sign3A_111 : i32
      %rem3A_113 = arith.remsi %add3A_51, %jit3A_96 : i32
      %ne3A_114 = arith.constant 0 : i32
      %ne3A_115 = arith.cmpi ne, %rem3A_113, %ne3A_114 : i32
      %and3A_116 = arith.andi %ne3A_112, %ne3A_115 : i1
      %sub3A_117 = arith.constant 1 : i32
      %sub3A_118 = arith.subi %div3A_97, %sub3A_117 : i32
      %select_n3A_119 = arith.select %and3A_116, %sub3A_118, %div3A_97 : i32
      %mul3A_120 = arith.constant 16 : i32
      %mul3A_121 = arith.muli %select_n3A_119, %mul3A_120 : i32
      %multiple_of3A_122 = tpu.assume_multiple %mul3A_121, 16 : i32
      %get3A_123 = arith.index_cast %multiple_of3A_122 : i32 to index
      %get3A_124 = tpu.vector_load %arg7[%get3A_123] {strides = array<i32>} : memref<10240xf32, #tpu.memory_space<vmem>>, vector<16xf32>,
      %jit3A_125 = arith.constant 16 : i32
      %eq3A_126 = arith.constant 0 : i32
      %eq3A_127 = arith.cmpi eq, %jit3A_125, %eq3A_126 : i32
      %jit3A_128 = arith.constant 1 : i32
      %select_n3A_129 = arith.select %eq3A_127, %jit3A_128, %jit3A_125 : i32
      %rem3A_130 = arith.remsi %add3A_51, %select_n3A_129 : i32
      %ne3A_131 = arith.constant 0 : i32
      %ne3A_132 = arith.cmpi ne, %rem3A_130, %ne3A_131 : i32
      %lt3A_133 = arith.constant 0 : i32
      %lt3A_134 = arith.cmpi slt, %rem3A_130, %lt3A_133 : i32
      %lt3A_135 = arith.constant 0 : i32
      %lt3A_136 = arith.cmpi slt, %select_n3A_129, %lt3A_135 : i32
      %ne3A_137 = arith.xori %lt3A_134, %lt3A_136 : i1
      %and3A_138 = arith.andi %ne3A_137, %ne3A_132 : i1
      %add3A_139 = arith.addi %rem3A_130, %select_n3A_129 : i32
      %select_n3A_140 = arith.select %and3A_138, %add3A_139, %rem3A_130 : i32
      %eq3A_141 = vector.broadcast %select_n3A_140 : i32 to vector<16xi32>
      %eq3A_142 = arith.cmpi eq, %iota3A, %eq3A_141 : vector<16xi32>
      %jit3A_143 = arith.constant 3.000000e+38 : f32
      %broadcast_in_dim3A_144 = vector.broadcast %jit3A_143 : f32 to vector<16xf32>
      %select_n3A_145 = arith.select %eq3A_142, %get3A_124, %broadcast_in_dim3A_144 : vector<16xi1>, vector<16xf32>
      %reduce_min3A_146 = arith.constant true
      %reduce_min3A_147 = vector.broadcast %reduce_min3A_146 : i1 to vector<16xi1>
      %reduce_min3A_148 = tpu.scan <min>, %select_n3A_145 masked %reduce_min3A_147 : vector<16xf32>, vector<16xi1> -> vector<16xf32>
      %reduce_min3A_149 = vector.extract %reduce_min3A_148[15] : f32 from vector<16xf32>
      %broadcast_in_dim3A_150 = vector.broadcast %reduce_min3A_149 : f32 to vector<16xf32>
      %jit3A_151 = arith.constant 16 : i32
      %div3A_152 = arith.divsi %add3A_51, %jit3A_151 : i32
      %sign3A_153 = arith.constant 0 : i32
      %sign3A_154 = arith.cmpi sgt, %add3A_51, %sign3A_153 : i32
      %sign3A_155 = arith.extui %sign3A_154 : i1 to i32
      %sign3A_156 = arith.constant 0 : i32
      %sign3A_157 = arith.cmpi slt, %add3A_51, %sign3A_156 : i32
      %sign3A_158 = arith.extui %sign3A_157 : i1 to i32
      %sign3A_159 = arith.subi %sign3A_155, %sign3A_158 : i32
      %sign3A_160 = arith.constant 0 : i32
      %sign3A_161 = arith.cmpi sgt, %jit3A_151, %sign3A_160 : i32
      %sign3A_162 = arith.extui %sign3A_161 : i1 to i32
      %sign3A_163 = arith.constant 0 : i32
      %sign3A_164 = arith.cmpi slt, %jit3A_151, %sign3A_163 : i32
      %sign3A_165 = arith.extui %sign3A_164 : i1 to i32
      %sign3A_166 = arith.subi %sign3A_162, %sign3A_165 : i32
      %ne3A_167 = arith.cmpi ne, %sign3A_159, %sign3A_166 : i32
      %rem3A_168 = arith.remsi %add3A_51, %jit3A_151 : i32
      %ne3A_169 = arith.constant 0 : i32
      %ne3A_170 = arith.cmpi ne, %rem3A_168, %ne3A_169 : i32
      %and3A_171 = arith.andi %ne3A_167, %ne3A_170 : i1
      %sub3A_172 = arith.constant 1 : i32
      %sub3A_173 = arith.subi %div3A_152, %sub3A_172 : i32
      %select_n3A_174 = arith.select %and3A_171, %sub3A_173, %div3A_152 : i32
      %mul3A_175 = arith.constant 16 : i32
      %mul3A_176 = arith.muli %select_n3A_174, %mul3A_175 : i32
      %multiple_of3A_177 = tpu.assume_multiple %mul3A_176, 16 : i32
      %get3A_178 = arith.index_cast %multiple_of3A_177 : i32 to index
      %get3A_179 = tpu.vector_load %arg8[%get3A_178] {strides = array<i32>} : memref<10240xf32, #tpu.memory_space<vmem>>, vector<16xf32>,
      %jit3A_180 = arith.constant 16 : i32
      %eq3A_181 = arith.constant 0 : i32
      %eq3A_182 = arith.cmpi eq, %jit3A_180, %eq3A_181 : i32
      %jit3A_183 = arith.constant 1 : i32
      %select_n3A_184 = arith.select %eq3A_182, %jit3A_183, %jit3A_180 : i32
      %rem3A_185 = arith.remsi %add3A_51, %select_n3A_184 : i32
      %ne3A_186 = arith.constant 0 : i32
      %ne3A_187 = arith.cmpi ne, %rem3A_185, %ne3A_186 : i32
      %lt3A_188 = arith.constant 0 : i32
      %lt3A_189 = arith.cmpi slt, %rem3A_185, %lt3A_188 : i32
      %lt3A_190 = arith.constant 0 : i32
      %lt3A_191 = arith.cmpi slt, %select_n3A_184, %lt3A_190 : i32
      %ne3A_192 = arith.xori %lt3A_189, %lt3A_191 : i1
      %and3A_193 = arith.andi %ne3A_192, %ne3A_187 : i1
      %add3A_194 = arith.addi %rem3A_185, %select_n3A_184 : i32
      %select_n3A_195 = arith.select %and3A_193, %add3A_194, %rem3A_185 : i32
      %eq3A_196 = vector.broadcast %select_n3A_195 : i32 to vector<16xi32>
      %eq3A_197 = arith.cmpi eq, %iota3A, %eq3A_196 : vector<16xi32>
      %jit3A_198 = arith.constant 3.000000e+38 : f32
      %broadcast_in_dim3A_199 = vector.broadcast %jit3A_198 : f32 to vector<16xf32>
      %select_n3A_200 = arith.select %eq3A_197, %get3A_179, %broadcast_in_dim3A_199 : vector<16xi1>, vector<16xf32>
      %reduce_min3A_201 = arith.constant true
      %reduce_min3A_202 = vector.broadcast %reduce_min3A_201 : i1 to vector<16xi1>
      %reduce_min3A_203 = tpu.scan <min>, %select_n3A_200 masked %reduce_min3A_202 : vector<16xf32>, vector<16xi1> -> vector<16xf32>
      %reduce_min3A_204 = vector.extract %reduce_min3A_203[15] : f32 from vector<16xf32>
      %broadcast_in_dim3A_205 = vector.broadcast %reduce_min3A_204 : f32 to vector<16xf32>
      %jit3A_206 = arith.constant 16 : i32
      %div3A_207 = arith.divsi %add3A_51, %jit3A_206 : i32
      %sign3A_208 = arith.constant 0 : i32
      %sign3A_209 = arith.cmpi sgt, %add3A_51, %sign3A_208 : i32
      %sign3A_210 = arith.extui %sign3A_209 : i1 to i32
      %sign3A_211 = arith.constant 0 : i32
      %sign3A_212 = arith.cmpi slt, %add3A_51, %sign3A_211 : i32
      %sign3A_213 = arith.extui %sign3A_212 : i1 to i32
      %sign3A_214 = arith.subi %sign3A_210, %sign3A_213 : i32
      %sign3A_215 = arith.constant 0 : i32
      %sign3A_216 = arith.cmpi sgt, %jit3A_206, %sign3A_215 : i32
      %sign3A_217 = arith.extui %sign3A_216 : i1 to i32
      %sign3A_218 = arith.constant 0 : i32
      %sign3A_219 = arith.cmpi slt, %jit3A_206, %sign3A_218 : i32
      %sign3A_220 = arith.extui %sign3A_219 : i1 to i32
      %sign3A_221 = arith.subi %sign3A_217, %sign3A_220 : i32
      %ne3A_222 = arith.cmpi ne, %sign3A_214, %sign3A_221 : i32
      %rem3A_223 = arith.remsi %add3A_51, %jit3A_206 : i32
      %ne3A_224 = arith.constant 0 : i32
      %ne3A_225 = arith.cmpi ne, %rem3A_223, %ne3A_224 : i32
      %and3A_226 = arith.andi %ne3A_222, %ne3A_225 : i1
      %sub3A_227 = arith.constant 1 : i32
      %sub3A_228 = arith.subi %div3A_207, %sub3A_227 : i32
      %select_n3A_229 = arith.select %and3A_226, %sub3A_228, %div3A_207 : i32
      %mul3A_230 = arith.constant 16 : i32
      %mul3A_231 = arith.muli %select_n3A_229, %mul3A_230 : i32
      %multiple_of3A_232 = tpu.assume_multiple %mul3A_231, 16 : i32
      %get3A_233 = arith.index_cast %multiple_of3A_232 : i32 to index
      %get3A_234 = tpu.vector_load %arg9[%get3A_233] {strides = array<i32>} : memref<10240xf32, #tpu.memory_space<vmem>>, vector<16xf32>,
      %jit3A_235 = arith.constant 16 : i32
      %eq3A_236 = arith.constant 0 : i32
      %eq3A_237 = arith.cmpi eq, %jit3A_235, %eq3A_236 : i32
      %jit3A_238 = arith.constant 1 : i32
      %select_n3A_239 = arith.select %eq3A_237, %jit3A_238, %jit3A_235 : i32
      %rem3A_240 = arith.remsi %add3A_51, %select_n3A_239 : i32
      %ne3A_241 = arith.constant 0 : i32
      %ne3A_242 = arith.cmpi ne, %rem3A_240, %ne3A_241 : i32
      %lt3A_243 = arith.constant 0 : i32
      %lt3A_244 = arith.cmpi slt, %rem3A_240, %lt3A_243 : i32
      %lt3A_245 = arith.constant 0 : i32
      %lt3A_246 = arith.cmpi slt, %select_n3A_239, %lt3A_245 : i32
      %ne3A_247 = arith.xori %lt3A_244, %lt3A_246 : i1
      %and3A_248 = arith.andi %ne3A_247, %ne3A_242 : i1
      %add3A_249 = arith.addi %rem3A_240, %select_n3A_239 : i32
      %select_n3A_250 = arith.select %and3A_248, %add3A_249, %rem3A_240 : i32
      %eq3A_251 = vector.broadcast %select_n3A_250 : i32 to vector<16xi32>
      %eq3A_252 = arith.cmpi eq, %iota3A, %eq3A_251 : vector<16xi32>
      %jit3A_253 = arith.constant 3.000000e+38 : f32
      %broadcast_in_dim3A_254 = vector.broadcast %jit3A_253 : f32 to vector<16xf32>
      %select_n3A_255 = arith.select %eq3A_252, %get3A_234, %broadcast_in_dim3A_254 : vector<16xi1>, vector<16xf32>
      %reduce_min3A_256 = arith.constant true
      %reduce_min3A_257 = vector.broadcast %reduce_min3A_256 : i1 to vector<16xi1>
      %reduce_min3A_258 = tpu.scan <min>, %select_n3A_255 masked %reduce_min3A_257 : vector<16xf32>, vector<16xi1> -> vector<16xf32>
      %reduce_min3A_259 = vector.extract %reduce_min3A_258[15] : f32 from vector<16xf32>
      %broadcast_in_dim3A_260 = vector.broadcast %reduce_min3A_259 : f32 to vector<16xf32>
      %jit3A_261 = arith.constant 16 : i32
      %div3A_262 = arith.divsi %add3A_53, %jit3A_261 : i32
      %sign3A_263 = arith.constant 0 : i32
      %sign3A_264 = arith.cmpi sgt, %add3A_53, %sign3A_263 : i32
      %sign3A_265 = arith.extui %sign3A_264 : i1 to i32
      %sign3A_266 = arith.constant 0 : i32
      %sign3A_267 = arith.cmpi slt, %add3A_53, %sign3A_266 : i32
      %sign3A_268 = arith.extui %sign3A_267 : i1 to i32
      %sign3A_269 = arith.subi %sign3A_265, %sign3A_268 : i32
      %sign3A_270 = arith.constant 0 : i32
      %sign3A_271 = arith.cmpi sgt, %jit3A_261, %sign3A_270 : i32
      %sign3A_272 = arith.extui %sign3A_271 : i1 to i32
      %sign3A_273 = arith.constant 0 : i32
      %sign3A_274 = arith.cmpi slt, %jit3A_261, %sign3A_273 : i32
      %sign3A_275 = arith.extui %sign3A_274 : i1 to i32
      %sign3A_276 = arith.subi %sign3A_272, %sign3A_275 : i32
      %ne3A_277 = arith.cmpi ne, %sign3A_269, %sign3A_276 : i32
      %rem3A_278 = arith.remsi %add3A_53, %jit3A_261 : i32
      %ne3A_279 = arith.constant 0 : i32
      %ne3A_280 = arith.cmpi ne, %rem3A_278, %ne3A_279 : i32
      %and3A_281 = arith.andi %ne3A_277, %ne3A_280 : i1
      %sub3A_282 = arith.constant 1 : i32
      %sub3A_283 = arith.subi %div3A_262, %sub3A_282 : i32
      %select_n3A_284 = arith.select %and3A_281, %sub3A_283, %div3A_262 : i32
      %mul3A_285 = arith.constant 16 : i32
      %mul3A_286 = arith.muli %select_n3A_284, %mul3A_285 : i32
      %multiple_of3A_287 = tpu.assume_multiple %mul3A_286, 16 : i32
      %get3A_288 = arith.index_cast %multiple_of3A_287 : i32 to index
      %get3A_289 = tpu.vector_load %arg6[%get3A_288] {strides = array<i32>} : memref<10240xf32, #tpu.memory_space<vmem>>, vector<16xf32>,
      %jit3A_290 = arith.constant 16 : i32
      %eq3A_291 = arith.constant 0 : i32
      %eq3A_292 = arith.cmpi eq, %jit3A_290, %eq3A_291 : i32
      %jit3A_293 = arith.constant 1 : i32
      %select_n3A_294 = arith.select %eq3A_292, %jit3A_293, %jit3A_290 : i32
      %rem3A_295 = arith.remsi %add3A_53, %select_n3A_294 : i32
      %ne3A_296 = arith.constant 0 : i32
      %ne3A_297 = arith.cmpi ne, %rem3A_295, %ne3A_296 : i32
      %lt3A_298 = arith.constant 0 : i32
      %lt3A_299 = arith.cmpi slt, %rem3A_295, %lt3A_298 : i32
      %lt3A_300 = arith.constant 0 : i32
      %lt3A_301 = arith.cmpi slt, %select_n3A_294, %lt3A_300 : i32
      %ne3A_302 = arith.xori %lt3A_299, %lt3A_301 : i1
      %and3A_303 = arith.andi %ne3A_302, %ne3A_297 : i1
      %add3A_304 = arith.addi %rem3A_295, %select_n3A_294 : i32
      %select_n3A_305 = arith.select %and3A_303, %add3A_304, %rem3A_295 : i32
      %eq3A_306 = vector.broadcast %select_n3A_305 : i32 to vector<16xi32>
      %eq3A_307 = arith.cmpi eq, %iota3A, %eq3A_306 : vector<16xi32>
      %jit3A_308 = arith.constant 3.000000e+38 : f32
      %broadcast_in_dim3A_309 = vector.broadcast %jit3A_308 : f32 to vector<16xf32>
      %select_n3A_310 = arith.select %eq3A_307, %get3A_289, %broadcast_in_dim3A_309 : vector<16xi1>, vector<16xf32>
      %reduce_min3A_311 = arith.constant true
      %reduce_min3A_312 = vector.broadcast %reduce_min3A_311 : i1 to vector<16xi1>
      %reduce_min3A_313 = tpu.scan <min>, %select_n3A_310 masked %reduce_min3A_312 : vector<16xf32>, vector<16xi1> -> vector<16xf32>
      %reduce_min3A_314 = vector.extract %reduce_min3A_313[15] : f32 from vector<16xf32>
      %broadcast_in_dim3A_315 = vector.broadcast %reduce_min3A_314 : f32 to vector<16xf32>
      %jit3A_316 = arith.constant 16 : i32
      %div3A_317 = arith.divsi %add3A_53, %jit3A_316 : i32
      %sign3A_318 = arith.constant 0 : i32
      %sign3A_319 = arith.cmpi sgt, %add3A_53, %sign3A_318 : i32
      %sign3A_320 = arith.extui %sign3A_319 : i1 to i32
      %sign3A_321 = arith.constant 0 : i32
      %sign3A_322 = arith.cmpi slt, %add3A_53, %sign3A_321 : i32
      %sign3A_323 = arith.extui %sign3A_322 : i1 to i32
      %sign3A_324 = arith.subi %sign3A_320, %sign3A_323 : i32
      %sign3A_325 = arith.constant 0 : i32
      %sign3A_326 = arith.cmpi sgt, %jit3A_316, %sign3A_325 : i32
      %sign3A_327 = arith.extui %sign3A_326 : i1 to i32
      %sign3A_328 = arith.constant 0 : i32
      %sign3A_329 = arith.cmpi slt, %jit3A_316, %sign3A_328 : i32
      %sign3A_330 = arith.extui %sign3A_329 : i1 to i32
      %sign3A_331 = arith.subi %sign3A_327, %sign3A_330 : i32
      %ne3A_332 = arith.cmpi ne, %sign3A_324, %sign3A_331 : i32
      %rem3A_333 = arith.remsi %add3A_53, %jit3A_316 : i32
      %ne3A_334 = arith.constant 0 : i32
      %ne3A_335 = arith.cmpi ne, %rem3A_333, %ne3A_334 : i32
      %and3A_336 = arith.andi %ne3A_332, %ne3A_335 : i1
      %sub3A_337 = arith.constant 1 : i32
      %sub3A_338 = arith.subi %div3A_317, %sub3A_337 : i32
      %select_n3A_339 = arith.select %and3A_336, %sub3A_338, %div3A_317 : i32
      %mul3A_340 = arith.constant 16 : i32
      %mul3A_341 = arith.muli %select_n3A_339, %mul3A_340 : i32
      %multiple_of3A_342 = tpu.assume_multiple %mul3A_341, 16 : i32
      %get3A_343 = arith.index_cast %multiple_of3A_342 : i32 to index
      %get3A_344 = tpu.vector_load %arg7[%get3A_343] {strides = array<i32>} : memref<10240xf32, #tpu.memory_space<vmem>>, vector<16xf32>,
      %jit3A_345 = arith.constant 16 : i32
      %eq3A_346 = arith.constant 0 : i32
      %eq3A_347 = arith.cmpi eq, %jit3A_345, %eq3A_346 : i32
      %jit3A_348 = arith.constant 1 : i32
      %select_n3A_349 = arith.select %eq3A_347, %jit3A_348, %jit3A_345 : i32
      %rem3A_350 = arith.remsi %add3A_53, %select_n3A_349 : i32
      %ne3A_351 = arith.constant 0 : i32
      %ne3A_352 = arith.cmpi ne, %rem3A_350, %ne3A_351 : i32
      %lt3A_353 = arith.constant 0 : i32
      %lt3A_354 = arith.cmpi slt, %rem3A_350, %lt3A_353 : i32
      %lt3A_355 = arith.constant 0 : i32
      %lt3A_356 = arith.cmpi slt, %select_n3A_349, %lt3A_355 : i32
      %ne3A_357 = arith.xori %lt3A_354, %lt3A_356 : i1
      %and3A_358 = arith.andi %ne3A_357, %ne3A_352 : i1
      %add3A_359 = arith.addi %rem3A_350, %select_n3A_349 : i32
      %select_n3A_360 = arith.select %and3A_358, %add3A_359, %rem3A_350 : i32
      %eq3A_361 = vector.broadcast %select_n3A_360 : i32 to vector<16xi32>
      %eq3A_362 = arith.cmpi eq, %iota3A, %eq3A_361 : vector<16xi32>
      %jit3A_363 = arith.constant 3.000000e+38 : f32
      %broadcast_in_dim3A_364 = vector.broadcast %jit3A_363 : f32 to vector<16xf32>
      %select_n3A_365 = arith.select %eq3A_362, %get3A_344, %broadcast_in_dim3A_364 : vector<16xi1>, vector<16xf32>
      %reduce_min3A_366 = arith.constant true
      %reduce_min3A_367 = vector.broadcast %reduce_min3A_366 : i1 to vector<16xi1>
      %reduce_min3A_368 = tpu.scan <min>, %select_n3A_365 masked %reduce_min3A_367 : vector<16xf32>, vector<16xi1> -> vector<16xf32>
      %reduce_min3A_369 = vector.extract %reduce_min3A_368[15] : f32 from vector<16xf32>
      %broadcast_in_dim3A_370 = vector.broadcast %reduce_min3A_369 : f32 to vector<16xf32>
      %jit3A_371 = arith.constant 16 : i32
      %div3A_372 = arith.divsi %add3A_53, %jit3A_371 : i32
      %sign3A_373 = arith.constant 0 : i32
      %sign3A_374 = arith.cmpi sgt, %add3A_53, %sign3A_373 : i32
      %sign3A_375 = arith.extui %sign3A_374 : i1 to i32
      %sign3A_376 = arith.constant 0 : i32
      %sign3A_377 = arith.cmpi slt, %add3A_53, %sign3A_376 : i32
      %sign3A_378 = arith.extui %sign3A_377 : i1 to i32
      %sign3A_379 = arith.subi %sign3A_375, %sign3A_378 : i32
      %sign3A_380 = arith.constant 0 : i32
      %sign3A_381 = arith.cmpi sgt, %jit3A_371, %sign3A_380 : i32
      %sign3A_382 = arith.extui %sign3A_381 : i1 to i32
      %sign3A_383 = arith.constant 0 : i32
      %sign3A_384 = arith.cmpi slt, %jit3A_371, %sign3A_383 : i32
      %sign3A_385 = arith.extui %sign3A_384 : i1 to i32
      %sign3A_386 = arith.subi %sign3A_382, %sign3A_385 : i32
      %ne3A_387 = arith.cmpi ne, %sign3A_379, %sign3A_386 : i32
      %rem3A_388 = arith.remsi %add3A_53, %jit3A_371 : i32
      %ne3A_389 = arith.constant 0 : i32
      %ne3A_390 = arith.cmpi ne, %rem3A_388, %ne3A_389 : i32
      %and3A_391 = arith.andi %ne3A_387, %ne3A_390 : i1
      %sub3A_392 = arith.constant 1 : i32
      %sub3A_393 = arith.subi %div3A_372, %sub3A_392 : i32
      %select_n3A_394 = arith.select %and3A_391, %sub3A_393, %div3A_372 : i32
      %mul3A_395 = arith.constant 16 : i32
      %mul3A_396 = arith.muli %select_n3A_394, %mul3A_395 : i32
      %multiple_of3A_397 = tpu.assume_multiple %mul3A_396, 16 : i32
      %get3A_398 = arith.index_cast %multiple_of3A_397 : i32 to index
      %get3A_399 = tpu.vector_load %arg8[%get3A_398] {strides = array<i32>} : memref<10240xf32, #tpu.memory_space<vmem>>, vector<16xf32>,
      %jit3A_400 = arith.constant 16 : i32
      %eq3A_401 = arith.constant 0 : i32
      %eq3A_402 = arith.cmpi eq, %jit3A_400, %eq3A_401 : i32
      %jit3A_403 = arith.constant 1 : i32
      %select_n3A_404 = arith.select %eq3A_402, %jit3A_403, %jit3A_400 : i32
      %rem3A_405 = arith.remsi %add3A_53, %select_n3A_404 : i32
      %ne3A_406 = arith.constant 0 : i32
      %ne3A_407 = arith.cmpi ne, %rem3A_405, %ne3A_406 : i32
      %lt3A_408 = arith.constant 0 : i32
      %lt3A_409 = arith.cmpi slt, %rem3A_405, %lt3A_408 : i32
      %lt3A_410 = arith.constant 0 : i32
      %lt3A_411 = arith.cmpi slt, %select_n3A_404, %lt3A_410 : i32
      %ne3A_412 = arith.xori %lt3A_409, %lt3A_411 : i1
      %and3A_413 = arith.andi %ne3A_412, %ne3A_407 : i1
      %add3A_414 = arith.addi %rem3A_405, %select_n3A_404 : i32
      %select_n3A_415 = arith.select %and3A_413, %add3A_414, %rem3A_405 : i32
      %eq3A_416 = vector.broadcast %select_n3A_415 : i32 to vector<16xi32>
      %eq3A_417 = arith.cmpi eq, %iota3A, %eq3A_416 : vector<16xi32>
      %jit3A_418 = arith.constant 3.000000e+38 : f32
      %broadcast_in_dim3A_419 = vector.broadcast %jit3A_418 : f32 to vector<16xf32>
      %select_n3A_420 = arith.select %eq3A_417, %get3A_399, %broadcast_in_dim3A_419 : vector<16xi1>, vector<16xf32>
      %reduce_min3A_421 = arith.constant true
      %reduce_min3A_422 = vector.broadcast %reduce_min3A_421 : i1 to vector<16xi1>
      %reduce_min3A_423 = tpu.scan <min>, %select_n3A_420 masked %reduce_min3A_422 : vector<16xf32>, vector<16xi1> -> vector<16xf32>
      %reduce_min3A_424 = vector.extract %reduce_min3A_423[15] : f32 from vector<16xf32>
      %broadcast_in_dim3A_425 = vector.broadcast %reduce_min3A_424 : f32 to vector<16xf32>
      %jit3A_426 = arith.constant 16 : i32
      %div3A_427 = arith.divsi %add3A_53, %jit3A_426 : i32
      %sign3A_428 = arith.constant 0 : i32
      %sign3A_429 = arith.cmpi sgt, %add3A_53, %sign3A_428 : i32
      %sign3A_430 = arith.extui %sign3A_429 : i1 to i32
      %sign3A_431 = arith.constant 0 : i32
      %sign3A_432 = arith.cmpi slt, %add3A_53, %sign3A_431 : i32
      %sign3A_433 = arith.extui %sign3A_432 : i1 to i32
      %sign3A_434 = arith.subi %sign3A_430, %sign3A_433 : i32
      %sign3A_435 = arith.constant 0 : i32
      %sign3A_436 = arith.cmpi sgt, %jit3A_426, %sign3A_435 : i32
      %sign3A_437 = arith.extui %sign3A_436 : i1 to i32
      %sign3A_438 = arith.constant 0 : i32
      %sign3A_439 = arith.cmpi slt, %jit3A_426, %sign3A_438 : i32
      %sign3A_440 = arith.extui %sign3A_439 : i1 to i32
      %sign3A_441 = arith.subi %sign3A_437, %sign3A_440 : i32
      %ne3A_442 = arith.cmpi ne, %sign3A_434, %sign3A_441 : i32
      %rem3A_443 = arith.remsi %add3A_53, %jit3A_426 : i32
      %ne3A_444 = arith.constant 0 : i32
      %ne3A_445 = arith.cmpi ne, %rem3A_443, %ne3A_444 : i32
      %and3A_446 = arith.andi %ne3A_442, %ne3A_445 : i1
      %sub3A_447 = arith.constant 1 : i32
      %sub3A_448 = arith.subi %div3A_427, %sub3A_447 : i32
      %select_n3A_449 = arith.select %and3A_446, %sub3A_448, %div3A_427 : i32
      %mul3A_450 = arith.constant 16 : i32
      %mul3A_451 = arith.muli %select_n3A_449, %mul3A_450 : i32
      %multiple_of3A_452 = tpu.assume_multiple %mul3A_451, 16 : i32
      %get3A_453 = arith.index_cast %multiple_of3A_452 : i32 to index
      %get3A_454 = tpu.vector_load %arg9[%get3A_453] {strides = array<i32>} : memref<10240xf32, #tpu.memory_space<vmem>>, vector<16xf32>,
      %jit3A_455 = arith.constant 16 : i32
      %eq3A_456 = arith.constant 0 : i32
      %eq3A_457 = arith.cmpi eq, %jit3A_455, %eq3A_456 : i32
      %jit3A_458 = arith.constant 1 : i32
      %select_n3A_459 = arith.select %eq3A_457, %jit3A_458, %jit3A_455 : i32
      %rem3A_460 = arith.remsi %add3A_53, %select_n3A_459 : i32
      %ne3A_461 = arith.constant 0 : i32
      %ne3A_462 = arith.cmpi ne, %rem3A_460, %ne3A_461 : i32
      %lt3A_463 = arith.constant 0 : i32
      %lt3A_464 = arith.cmpi slt, %rem3A_460, %lt3A_463 : i32
      %lt3A_465 = arith.constant 0 : i32
      %lt3A_466 = arith.cmpi slt, %select_n3A_459, %lt3A_465 : i32
      %ne3A_467 = arith.xori %lt3A_464, %lt3A_466 : i1
      %and3A_468 = arith.andi %ne3A_467, %ne3A_462 : i1
      %add3A_469 = arith.addi %rem3A_460, %select_n3A_459 : i32
      %select_n3A_470 = arith.select %and3A_468, %add3A_469, %rem3A_460 : i32
      %eq3A_471 = vector.broadcast %select_n3A_470 : i32 to vector<16xi32>
      %eq3A_472 = arith.cmpi eq, %iota3A, %eq3A_471 : vector<16xi32>
      %jit3A_473 = arith.constant 3.000000e+38 : f32
      %broadcast_in_dim3A_474 = vector.broadcast %jit3A_473 : f32 to vector<16xf32>
      %select_n3A_475 = arith.select %eq3A_472, %get3A_454, %broadcast_in_dim3A_474 : vector<16xi1>, vector<16xf32>
      %reduce_min3A_476 = arith.constant true
      %reduce_min3A_477 = vector.broadcast %reduce_min3A_476 : i1 to vector<16xi1>
      %reduce_min3A_478 = tpu.scan <min>, %select_n3A_475 masked %reduce_min3A_477 : vector<16xf32>, vector<16xi1> -> vector<16xf32>
      %reduce_min3A_479 = vector.extract %reduce_min3A_478[15] : f32 from vector<16xf32>
      %broadcast_in_dim3A_480 = vector.broadcast %reduce_min3A_479 : f32 to vector<16xf32>
      %scan3A_481 = arith.constant 0 : i32
      %scan3A_482 = arith.constant 40 : i32
      %scan3A_483 = arith.addi %scan3A_481, %scan3A_482 : i32
      %scan3A_484 = arith.constant 1 : i32
      %scan3A_485:2 = scf.for %scan3A_984 = %scan3A_481 to %scan3A_483 step %scan3A_484 iter_args(%scan3A_985 = %broadcast_in_dim3A_1, %scan3A_986 = %broadcast_in_dim3A_1) -> (vector<16xf32>, vector<16xf32>)  : i32 {
        %mul3A_987 = arith.constant 16 : i32
        %mul3A_988 = arith.muli %scan3A_984, %mul3A_987 : i32
        %add3A_989 = arith.constant 0 : i32
        %add3A_990 = arith.addi %mul3A_988, %add3A_989 : i32
        %mul3A_991 = arith.constant 16 : i32
        %mul3A_992 = arith.muli %add3A_990, %mul3A_991 : i32
        %multiple_of3A_993 = tpu.assume_multiple %mul3A_992, 16 : i32
        %get3A_994 = arith.index_cast %multiple_of3A_993 : i32 to index
        %get3A_995 = tpu.vector_load %arg6[%get3A_994] {strides = array<i32>} : memref<10240xf32, #tpu.memory_space<vmem>>, vector<16xf32>,
        %get3A_996 = arith.index_cast %multiple_of3A_993 : i32 to index
        %get3A_997 = tpu.vector_load %arg7[%get3A_996] {strides = array<i32>} : memref<10240xf32, #tpu.memory_space<vmem>>, vector<16xf32>,
        %get3A_998 = arith.index_cast %multiple_of3A_993 : i32 to index
        %get3A_999 = tpu.vector_load %arg8[%get3A_998] {strides = array<i32>} : memref<10240xf32, #tpu.memory_space<vmem>>, vector<16xf32>,
        %get3A_1000 = arith.index_cast %multiple_of3A_993 : i32 to index
        %get3A_1001 = tpu.vector_load %arg9[%get3A_1000] {strides = array<i32>} : memref<10240xf32, #tpu.memory_space<vmem>>, vector<16xf32>,
        %mul3A_1002 = arith.mulf %get3A_995, %broadcast_in_dim3A_95 : vector<16xf32>
        %mul3A_1003 = arith.mulf %get3A_997, %broadcast_in_dim3A_150 : vector<16xf32>
        %add3A_1004 = arith.addf %mul3A_1002, %mul3A_1003 : vector<16xf32>
        %mul3A_1005 = arith.mulf %get3A_999, %broadcast_in_dim3A_205 : vector<16xf32>
        %add3A_1006 = arith.addf %add3A_1004, %mul3A_1005 : vector<16xf32>
        %add3A_1007 = arith.addf %broadcast_in_dim3A_260, %get3A_1001 : vector<16xf32>
        %mul3A_1008 = arith.constant 2.000000e+00 : f32
        %mul3A_1009 = vector.broadcast %mul3A_1008 : f32 to vector<16xf32>
        %mul3A_1010 = arith.mulf %mul3A_1009, %add3A_1006 : vector<16xf32>
        %sub3A_1011 = arith.subf %add3A_1007, %mul3A_1010 : vector<16xf32>
        %min3A_1012 = arith.minimumf %broadcast_in_dim3A_1, %sub3A_1011 : vector<16xf32>
        %mul3A_1013 = arith.mulf %get3A_995, %broadcast_in_dim3A_315 : vector<16xf32>
        %mul3A_1014 = arith.mulf %get3A_997, %broadcast_in_dim3A_370 : vector<16xf32>
        %add3A_1015 = arith.addf %mul3A_1013, %mul3A_1014 : vector<16xf32>
        %mul3A_1016 = arith.mulf %get3A_999, %broadcast_in_dim3A_425 : vector<16xf32>
        %add3A_1017 = arith.addf %add3A_1015, %mul3A_1016 : vector<16xf32>
        %add3A_1018 = arith.addf %broadcast_in_dim3A_480, %get3A_1001 : vector<16xf32>
        %mul3A_1019 = arith.constant 2.000000e+00 : f32
        %mul3A_1020 = vector.broadcast %mul3A_1019 : f32 to vector<16xf32>
        %mul3A_1021 = arith.mulf %mul3A_1020, %add3A_1017 : vector<16xf32>
        %sub3A_1022 = arith.subf %add3A_1018, %mul3A_1021 : vector<16xf32>
        %min3A_1023 = arith.minimumf %broadcast_in_dim3A_1, %sub3A_1022 : vector<16xf32>
        %mul3A_1024 = arith.constant 16 : i32
        %mul3A_1025 = arith.muli %scan3A_984, %mul3A_1024 : i32
        %add3A_1026 = arith.constant 1 : i32
        %add3A_1027 = arith.addi %mul3A_1025, %add3A_1026 : i32
        %mul3A_1028 = arith.constant 16 : i32
        %mul3A_1029 = arith.muli %add3A_1027, %mul3A_1028 : i32
        %multiple_of3A_1030 = tpu.assume_multiple %mul3A_1029, 16 : i32
        %get3A_1031 = arith.index_cast %multiple_of3A_1030 : i32 to index
        %get3A_1032 = tpu.vector_load %arg6[%get3A_1031] {strides = array<i32>} : memref<10240xf32, #tpu.memory_space<vmem>>, vector<16xf32>,
        %get3A_1033 = arith.index_cast %multiple_of3A_1030 : i32 to index
        %get3A_1034 = tpu.vector_load %arg7[%get3A_1033] {strides = array<i32>} : memref<10240xf32, #tpu.memory_space<vmem>>, vector<16xf32>,
        %get3A_1035 = arith.index_cast %multiple_of3A_1030 : i32 to index
        %get3A_1036 = tpu.vector_load %arg8[%get3A_1035] {strides = array<i32>} : memref<10240xf32, #tpu.memory_space<vmem>>, vector<16xf32>,
        %get3A_1037 = arith.index_cast %multiple_of3A_1030 : i32 to index
        %get3A_1038 = tpu.vector_load %arg9[%get3A_1037] {strides = array<i32>} : memref<10240xf32, #tpu.memory_space<vmem>>, vector<16xf32>,
        %mul3A_1039 = arith.mulf %get3A_1032, %broadcast_in_dim3A_95 : vector<16xf32>
        %mul3A_1040 = arith.mulf %get3A_1034, %broadcast_in_dim3A_150 : vector<16xf32>
        %add3A_1041 = arith.addf %mul3A_1039, %mul3A_1040 : vector<16xf32>
        %mul3A_1042 = arith.mulf %get3A_1036, %broadcast_in_dim3A_205 : vector<16xf32>
        %add3A_1043 = arith.addf %add3A_1041, %mul3A_1042 : vector<16xf32>
        %add3A_1044 = arith.addf %broadcast_in_dim3A_260, %get3A_1038 : vector<16xf32>
        %mul3A_1045 = arith.constant 2.000000e+00 : f32
        %mul3A_1046 = vector.broadcast %mul3A_1045 : f32 to vector<16xf32>
        %mul3A_1047 = arith.mulf %mul3A_1046, %add3A_1043 : vector<16xf32>
        %sub3A_1048 = arith.subf %add3A_1044, %mul3A_1047 : vector<16xf32>
        %min3A_1049 = arith.minimumf %min3A_1012, %sub3A_1048 : vector<16xf32>
        %mul3A_1050 = arith.mulf %get3A_1032, %broadcast_in_dim3A_315 : vector<16xf32>
        %mul3A_1051 = arith.mulf %get3A_1034, %broadcast_in_dim3A_370 : vector<16xf32>
        %add3A_1052 = arith.addf %mul3A_1050, %mul3A_1051 : vector<16xf32>
        %mul3A_1053 = arith.mulf %get3A_1036, %broadcast_in_dim3A_425 : vector<16xf32>
        %add3A_1054 = arith.addf %add3A_1052, %mul3A_1053 : vector<16xf32>
        %add3A_1055 = arith.addf %broadcast_in_dim3A_480, %get3A_1038 : vector<16xf32>
        %mul3A_1056 = arith.constant 2.000000e+00 : f32
        %mul3A_1057 = vector.broadcast %mul3A_1056 : f32 to vector<16xf32>
        %mul3A_1058 = arith.mulf %mul3A_1057, %add3A_1054 : vector<16xf32>
        %sub3A_1059 = arith.subf %add3A_1055, %mul3A_1058 : vector<16xf32>
        %min3A_1060 = arith.minimumf %min3A_1023, %sub3A_1059 : vector<16xf32>
        %mul3A_1061 = arith.constant 16 : i32
        %mul3A_1062 = arith.muli %scan3A_984, %mul3A_1061 : i32
        %add3A_1063 = arith.constant 2 : i32
        %add3A_1064 = arith.addi %mul3A_1062, %add3A_1063 : i32
        %mul3A_1065 = arith.constant 16 : i32
        %mul3A_1066 = arith.muli %add3A_1064, %mul3A_1065 : i32
        %multiple_of3A_1067 = tpu.assume_multiple %mul3A_1066, 16 : i32
        %get3A_1068 = arith.index_cast %multiple_of3A_1067 : i32 to index
        %get3A_1069 = tpu.vector_load %arg6[%get3A_1068] {strides = array<i32>} : memref<10240xf32, #tpu.memory_space<vmem>>, vector<16xf32>,
        %get3A_1070 = arith.index_cast %multiple_of3A_1067 : i32 to index
        %get3A_1071 = tpu.vector_load %arg7[%get3A_1070] {strides = array<i32>} : memref<10240xf32, #tpu.memory_space<vmem>>, vector<16xf32>,
        %get3A_1072 = arith.index_cast %multiple_of3A_1067 : i32 to index
        %get3A_1073 = tpu.vector_load %arg8[%get3A_1072] {strides = array<i32>} : memref<10240xf32, #tpu.memory_space<vmem>>, vector<16xf32>,
        %get3A_1074 = arith.index_cast %multiple_of3A_1067 : i32 to index
        %get3A_1075 = tpu.vector_load %arg9[%get3A_1074] {strides = array<i32>} : memref<10240xf32, #tpu.memory_space<vmem>>, vector<16xf32>,
        %mul3A_1076 = arith.mulf %get3A_1069, %broadcast_in_dim3A_95 : vector<16xf32>
        %mul3A_1077 = arith.mulf %get3A_1071, %broadcast_in_dim3A_150 : vector<16xf32>
        %add3A_1078 = arith.addf %mul3A_1076, %mul3A_1077 : vector<16xf32>
        %mul3A_1079 = arith.mulf %get3A_1073, %broadcast_in_dim3A_205 : vector<16xf32>
        %add3A_1080 = arith.addf %add3A_1078, %mul3A_1079 : vector<16xf32>
        %add3A_1081 = arith.addf %broadcast_in_dim3A_260, %get3A_1075 : vector<16xf32>
        %mul3A_1082 = arith.constant 2.000000e+00 : f32
        %mul3A_1083 = vector.broadcast %mul3A_1082 : f32 to vector<16xf32>
        %mul3A_1084 = arith.mulf %mul3A_1083, %add3A_1080 : vector<16xf32>
        %sub3A_1085 = arith.subf %add3A_1081, %mul3A_1084 : vector<16xf32>
        %min3A_1086 = arith.minimumf %min3A_1049, %sub3A_1085 : vector<16xf32>
        %mul3A_1087 = arith.mulf %get3A_1069, %broadcast_in_dim3A_315 : vector<16xf32>
        %mul3A_1088 = arith.mulf %get3A_1071, %broadcast_in_dim3A_370 : vector<16xf32>
        %add3A_1089 = arith.addf %mul3A_1087, %mul3A_1088 : vector<16xf32>
        %mul3A_1090 = arith.mulf %get3A_1073, %broadcast_in_dim3A_425 : vector<16xf32>
        %add3A_1091 = arith.addf %add3A_1089, %mul3A_1090 : vector<16xf32>
        %add3A_1092 = arith.addf %broadcast_in_dim3A_480, %get3A_1075 : vector<16xf32>
        %mul3A_1093 = arith.constant 2.000000e+00 : f32
        %mul3A_1094 = vector.broadcast %mul3A_1093 : f32 to vector<16xf32>
        %mul3A_1095 = arith.mulf %mul3A_1094, %add3A_1091 : vector<16xf32>
        %sub3A_1096 = arith.subf %add3A_1092, %mul3A_1095 : vector<16xf32>
        %min3A_1097 = arith.minimumf %min3A_1060, %sub3A_1096 : vector<16xf32>
        %mul3A_1098 = arith.constant 16 : i32
        %mul3A_1099 = arith.muli %scan3A_984, %mul3A_1098 : i32
        %add3A_1100 = arith.constant 3 : i32
        %add3A_1101 = arith.addi %mul3A_1099, %add3A_1100 : i32
        %mul3A_1102 = arith.constant 16 : i32
        %mul3A_1103 = arith.muli %add3A_1101, %mul3A_1102 : i32
        %multiple_of3A_1104 = tpu.assume_multiple %mul3A_1103, 16 : i32
        %get3A_1105 = arith.index_cast %multiple_of3A_1104 : i32 to index
        %get3A_1106 = tpu.vector_load %arg6[%get3A_1105] {strides = array<i32>} : memref<10240xf32, #tpu.memory_space<vmem>>, vector<16xf32>,
        %get3A_1107 = arith.index_cast %multiple_of3A_1104 : i32 to index
        %get3A_1108 = tpu.vector_load %arg7[%get3A_1107] {strides = array<i32>} : memref<10240xf32, #tpu.memory_space<vmem>>, vector<16xf32>,
        %get3A_1109 = arith.index_cast %multiple_of3A_1104 : i32 to index
        %get3A_1110 = tpu.vector_load %arg8[%get3A_1109] {strides = array<i32>} : memref<10240xf32, #tpu.memory_space<vmem>>, vector<16xf32>,
        %get3A_1111 = arith.index_cast %multiple_of3A_1104 : i32 to index
        %get3A_1112 = tpu.vector_load %arg9[%get3A_1111] {strides = array<i32>} : memref<10240xf32, #tpu.memory_space<vmem>>, vector<16xf32>,
        %mul3A_1113 = arith.mulf %get3A_1106, %broadcast_in_dim3A_95 : vector<16xf32>
        %mul3A_1114 = arith.mulf %get3A_1108, %broadcast_in_dim3A_150 : vector<16xf32>
        %add3A_1115 = arith.addf %mul3A_1113, %mul3A_1114 : vector<16xf32>
        %mul3A_1116 = arith.mulf %get3A_1110, %broadcast_in_dim3A_205 : vector<16xf32>
        %add3A_1117 = arith.addf %add3A_1115, %mul3A_1116 : vector<16xf32>
        %add3A_1118 = arith.addf %broadcast_in_dim3A_260, %get3A_1112 : vector<16xf32>
        %mul3A_1119 = arith.constant 2.000000e+00 : f32
        %mul3A_1120 = vector.broadcast %mul3A_1119 : f32 to vector<16xf32>
        %mul3A_1121 = arith.mulf %mul3A_1120, %add3A_1117 : vector<16xf32>
        %sub3A_1122 = arith.subf %add3A_1118, %mul3A_1121 : vector<16xf32>
        %min3A_1123 = arith.minimumf %min3A_1086, %sub3A_1122 : vector<16xf32>
        %mul3A_1124 = arith.mulf %get3A_1106, %broadcast_in_dim3A_315 : vector<16xf32>
        %mul3A_1125 = arith.mulf %get3A_1108, %broadcast_in_dim3A_370 : vector<16xf32>
        %add3A_1126 = arith.addf %mul3A_1124, %mul3A_1125 : vector<16xf32>
        %mul3A_1127 = arith.mulf %get3A_1110, %broadcast_in_dim3A_425 : vector<16xf32>
        %add3A_1128 = arith.addf %add3A_1126, %mul3A_1127 : vector<16xf32>
        %add3A_1129 = arith.addf %broadcast_in_dim3A_480, %get3A_1112 : vector<16xf32>
        %mul3A_1130 = arith.constant 2.000000e+00 : f32
        %mul3A_1131 = vector.broadcast %mul3A_1130 : f32 to vector<16xf32>
        %mul3A_1132 = arith.mulf %mul3A_1131, %add3A_1128 : vector<16xf32>
        %sub3A_1133 = arith.subf %add3A_1129, %mul3A_1132 : vector<16xf32>
        %min3A_1134 = arith.minimumf %min3A_1097, %sub3A_1133 : vector<16xf32>
        %mul3A_1135 = arith.constant 16 : i32
        %mul3A_1136 = arith.muli %scan3A_984, %mul3A_1135 : i32
        %add3A_1137 = arith.constant 4 : i32
        %add3A_1138 = arith.addi %mul3A_1136, %add3A_1137 : i32
        %mul3A_1139 = arith.constant 16 : i32
        %mul3A_1140 = arith.muli %add3A_1138, %mul3A_1139 : i32
        %multiple_of3A_1141 = tpu.assume_multiple %mul3A_1140, 16 : i32
        %get3A_1142 = arith.index_cast %multiple_of3A_1141 : i32 to index
        %get3A_1143 = tpu.vector_load %arg6[%get3A_1142] {strides = array<i32>} : memref<10240xf32, #tpu.memory_space<vmem>>, vector<16xf32>,
        %get3A_1144 = arith.index_cast %multiple_of3A_1141 : i32 to index
        %get3A_1145 = tpu.vector_load %arg7[%get3A_1144] {strides = array<i32>} : memref<10240xf32, #tpu.memory_space<vmem>>, vector<16xf32>,
        %get3A_1146 = arith.index_cast %multiple_of3A_1141 : i32 to index
        %get3A_1147 = tpu.vector_load %arg8[%get3A_1146] {strides = array<i32>} : memref<10240xf32, #tpu.memory_space<vmem>>, vector<16xf32>,
        %get3A_1148 = arith.index_cast %multiple_of3A_1141 : i32 to index
        %get3A_1149 = tpu.vector_load %arg9[%get3A_1148] {strides = array<i32>} : memref<10240xf32, #tpu.memory_space<vmem>>, vector<16xf32>,
        %mul3A_1150 = arith.mulf %get3A_1143, %broadcast_in_dim3A_95 : vector<16xf32>
        %mul3A_1151 = arith.mulf %get3A_1145, %broadcast_in_dim3A_150 : vector<16xf32>
        %add3A_1152 = arith.addf %mul3A_1150, %mul3A_1151 : vector<16xf32>
        %mul3A_1153 = arith.mulf %get3A_1147, %broadcast_in_dim3A_205 : vector<16xf32>
        %add3A_1154 = arith.addf %add3A_1152, %mul3A_1153 : vector<16xf32>
        %add3A_1155 = arith.addf %broadcast_in_dim3A_260, %get3A_1149 : vector<16xf32>
        %mul3A_1156 = arith.constant 2.000000e+00 : f32
        %mul3A_1157 = vector.broadcast %mul3A_1156 : f32 to vector<16xf32>
        %mul3A_1158 = arith.mulf %mul3A_1157, %add3A_1154 : vector<16xf32>
        %sub3A_1159 = arith.subf %add3A_1155, %mul3A_1158 : vector<16xf32>
        %min3A_1160 = arith.minimumf %min3A_1123, %sub3A_1159 : vector<16xf32>
        %mul3A_1161 = arith.mulf %get3A_1143, %broadcast_in_dim3A_315 : vector<16xf32>
        %mul3A_1162 = arith.mulf %get3A_1145, %broadcast_in_dim3A_370 : vector<16xf32>
        %add3A_1163 = arith.addf %mul3A_1161, %mul3A_1162 : vector<16xf32>
        %mul3A_1164 = arith.mulf %get3A_1147, %broadcast_in_dim3A_425 : vector<16xf32>
        %add3A_1165 = arith.addf %add3A_1163, %mul3A_1164 : vector<16xf32>
        %add3A_1166 = arith.addf %broadcast_in_dim3A_480, %get3A_1149 : vector<16xf32>
        %mul3A_1167 = arith.constant 2.000000e+00 : f32
        %mul3A_1168 = vector.broadcast %mul3A_1167 : f32 to vector<16xf32>
        %mul3A_1169 = arith.mulf %mul3A_1168, %add3A_1165 : vector<16xf32>
        %sub3A_1170 = arith.subf %add3A_1166, %mul3A_1169 : vector<16xf32>
        %min3A_1171 = arith.minimumf %min3A_1134, %sub3A_1170 : vector<16xf32>
        %mul3A_1172 = arith.constant 16 : i32
        %mul3A_1173 = arith.muli %scan3A_984, %mul3A_1172 : i32
        %add3A_1174 = arith.constant 5 : i32
        %add3A_1175 = arith.addi %mul3A_1173, %add3A_1174 : i32
        %mul3A_1176 = arith.constant 16 : i32
        %mul3A_1177 = arith.muli %add3A_1175, %mul3A_1176 : i32
        %multiple_of3A_1178 = tpu.assume_multiple %mul3A_1177, 16 : i32
        %get3A_1179 = arith.index_cast %multiple_of3A_1178 : i32 to index
        %get3A_1180 = tpu.vector_load %arg6[%get3A_1179] {strides = array<i32>} : memref<10240xf32, #tpu.memory_space<vmem>>, vector<16xf32>,
        %get3A_1181 = arith.index_cast %multiple_of3A_1178 : i32 to index
        %get3A_1182 = tpu.vector_load %arg7[%get3A_1181] {strides = array<i32>} : memref<10240xf32, #tpu.memory_space<vmem>>, vector<16xf32>,
        %get3A_1183 = arith.index_cast %multiple_of3A_1178 : i32 to index
        %get3A_1184 = tpu.vector_load %arg8[%get3A_1183] {strides = array<i32>} : memref<10240xf32, #tpu.memory_space<vmem>>, vector<16xf32>,
        %get3A_1185 = arith.index_cast %multiple_of3A_1178 : i32 to index
        %get3A_1186 = tpu.vector_load %arg9[%get3A_1185] {strides = array<i32>} : memref<10240xf32, #tpu.memory_space<vmem>>, vector<16xf32>,
        %mul3A_1187 = arith.mulf %get3A_1180, %broadcast_in_dim3A_95 : vector<16xf32>
        %mul3A_1188 = arith.mulf %get3A_1182, %broadcast_in_dim3A_150 : vector<16xf32>
        %add3A_1189 = arith.addf %mul3A_1187, %mul3A_1188 : vector<16xf32>
        %mul3A_1190 = arith.mulf %get3A_1184, %broadcast_in_dim3A_205 : vector<16xf32>
        %add3A_1191 = arith.addf %add3A_1189, %mul3A_1190 : vector<16xf32>
        %add3A_1192 = arith.addf %broadcast_in_dim3A_260, %get3A_1186 : vector<16xf32>
        %mul3A_1193 = arith.constant 2.000000e+00 : f32
        %mul3A_1194 = vector.broadcast %mul3A_1193 : f32 to vector<16xf32>
        %mul3A_1195 = arith.mulf %mul3A_1194, %add3A_1191 : vector<16xf32>
        %sub3A_1196 = arith.subf %add3A_1192, %mul3A_1195 : vector<16xf32>
        %min3A_1197 = arith.minimumf %min3A_1160, %sub3A_1196 : vector<16xf32>
        %mul3A_1198 = arith.mulf %get3A_1180, %broadcast_in_dim3A_315 : vector<16xf32>
        %mul3A_1199 = arith.mulf %get3A_1182, %broadcast_in_dim3A_370 : vector<16xf32>
        %add3A_1200 = arith.addf %mul3A_1198, %mul3A_1199 : vector<16xf32>
        %mul3A_1201 = arith.mulf %get3A_1184, %broadcast_in_dim3A_425 : vector<16xf32>
        %add3A_1202 = arith.addf %add3A_1200, %mul3A_1201 : vector<16xf32>
        %add3A_1203 = arith.addf %broadcast_in_dim3A_480, %get3A_1186 : vector<16xf32>
        %mul3A_1204 = arith.constant 2.000000e+00 : f32
        %mul3A_1205 = vector.broadcast %mul3A_1204 : f32 to vector<16xf32>
        %mul3A_1206 = arith.mulf %mul3A_1205, %add3A_1202 : vector<16xf32>
        %sub3A_1207 = arith.subf %add3A_1203, %mul3A_1206 : vector<16xf32>
        %min3A_1208 = arith.minimumf %min3A_1171, %sub3A_1207 : vector<16xf32>
        %mul3A_1209 = arith.constant 16 : i32
        %mul3A_1210 = arith.muli %scan3A_984, %mul3A_1209 : i32
        %add3A_1211 = arith.constant 6 : i32
        %add3A_1212 = arith.addi %mul3A_1210, %add3A_1211 : i32
        %mul3A_1213 = arith.constant 16 : i32
        %mul3A_1214 = arith.muli %add3A_1212, %mul3A_1213 : i32
        %multiple_of3A_1215 = tpu.assume_multiple %mul3A_1214, 16 : i32
        %get3A_1216 = arith.index_cast %multiple_of3A_1215 : i32 to index
        %get3A_1217 = tpu.vector_load %arg6[%get3A_1216] {strides = array<i32>} : memref<10240xf32, #tpu.memory_space<vmem>>, vector<16xf32>,
        %get3A_1218 = arith.index_cast %multiple_of3A_1215 : i32 to index
        %get3A_1219 = tpu.vector_load %arg7[%get3A_1218] {strides = array<i32>} : memref<10240xf32, #tpu.memory_space<vmem>>, vector<16xf32>,
        %get3A_1220 = arith.index_cast %multiple_of3A_1215 : i32 to index
        %get3A_1221 = tpu.vector_load %arg8[%get3A_1220] {strides = array<i32>} : memref<10240xf32, #tpu.memory_space<vmem>>, vector<16xf32>,
        %get3A_1222 = arith.index_cast %multiple_of3A_1215 : i32 to index
        %get3A_1223 = tpu.vector_load %arg9[%get3A_1222] {strides = array<i32>} : memref<10240xf32, #tpu.memory_space<vmem>>, vector<16xf32>,
        %mul3A_1224 = arith.mulf %get3A_1217, %broadcast_in_dim3A_95 : vector<16xf32>
        %mul3A_1225 = arith.mulf %get3A_1219, %broadcast_in_dim3A_150 : vector<16xf32>
        %add3A_1226 = arith.addf %mul3A_1224, %mul3A_1225 : vector<16xf32>
        %mul3A_1227 = arith.mulf %get3A_1221, %broadcast_in_dim3A_205 : vector<16xf32>
        %add3A_1228 = arith.addf %add3A_1226, %mul3A_1227 : vector<16xf32>
        %add3A_1229 = arith.addf %broadcast_in_dim3A_260, %get3A_1223 : vector<16xf32>
        %mul3A_1230 = arith.constant 2.000000e+00 : f32
        %mul3A_1231 = vector.broadcast %mul3A_1230 : f32 to vector<16xf32>
        %mul3A_1232 = arith.mulf %mul3A_1231, %add3A_1228 : vector<16xf32>
        %sub3A_1233 = arith.subf %add3A_1229, %mul3A_1232 : vector<16xf32>
        %min3A_1234 = arith.minimumf %min3A_1197, %sub3A_1233 : vector<16xf32>
        %mul3A_1235 = arith.mulf %get3A_1217, %broadcast_in_dim3A_315 : vector<16xf32>
        %mul3A_1236 = arith.mulf %get3A_1219, %broadcast_in_dim3A_370 : vector<16xf32>
        %add3A_1237 = arith.addf %mul3A_1235, %mul3A_1236 : vector<16xf32>
        %mul3A_1238 = arith.mulf %get3A_1221, %broadcast_in_dim3A_425 : vector<16xf32>
        %add3A_1239 = arith.addf %add3A_1237, %mul3A_1238 : vector<16xf32>
        %add3A_1240 = arith.addf %broadcast_in_dim3A_480, %get3A_1223 : vector<16xf32>
        %mul3A_1241 = arith.constant 2.000000e+00 : f32
        %mul3A_1242 = vector.broadcast %mul3A_1241 : f32 to vector<16xf32>
        %mul3A_1243 = arith.mulf %mul3A_1242, %add3A_1239 : vector<16xf32>
        %sub3A_1244 = arith.subf %add3A_1240, %mul3A_1243 : vector<16xf32>
        %min3A_1245 = arith.minimumf %min3A_1208, %sub3A_1244 : vector<16xf32>
        %mul3A_1246 = arith.constant 16 : i32
        %mul3A_1247 = arith.muli %scan3A_984, %mul3A_1246 : i32
        %add3A_1248 = arith.constant 7 : i32
        %add3A_1249 = arith.addi %mul3A_1247, %add3A_1248 : i32
        %mul3A_1250 = arith.constant 16 : i32
        %mul3A_1251 = arith.muli %add3A_1249, %mul3A_1250 : i32
        %multiple_of3A_1252 = tpu.assume_multiple %mul3A_1251, 16 : i32
        %get3A_1253 = arith.index_cast %multiple_of3A_1252 : i32 to index
        %get3A_1254 = tpu.vector_load %arg6[%get3A_1253] {strides = array<i32>} : memref<10240xf32, #tpu.memory_space<vmem>>, vector<16xf32>,
        %get3A_1255 = arith.index_cast %multiple_of3A_1252 : i32 to index
        %get3A_1256 = tpu.vector_load %arg7[%get3A_1255] {strides = array<i32>} : memref<10240xf32, #tpu.memory_space<vmem>>, vector<16xf32>,
        %get3A_1257 = arith.index_cast %multiple_of3A_1252 : i32 to index
        %get3A_1258 = tpu.vector_load %arg8[%get3A_1257] {strides = array<i32>} : memref<10240xf32, #tpu.memory_space<vmem>>, vector<16xf32>,
        %get3A_1259 = arith.index_cast %multiple_of3A_1252 : i32 to index
        %get3A_1260 = tpu.vector_load %arg9[%get3A_1259] {strides = array<i32>} : memref<10240xf32, #tpu.memory_space<vmem>>, vector<16xf32>,
        %mul3A_1261 = arith.mulf %get3A_1254, %broadcast_in_dim3A_95 : vector<16xf32>
        %mul3A_1262 = arith.mulf %get3A_1256, %broadcast_in_dim3A_150 : vector<16xf32>
        %add3A_1263 = arith.addf %mul3A_1261, %mul3A_1262 : vector<16xf32>
        %mul3A_1264 = arith.mulf %get3A_1258, %broadcast_in_dim3A_205 : vector<16xf32>
        %add3A_1265 = arith.addf %add3A_1263, %mul3A_1264 : vector<16xf32>
        %add3A_1266 = arith.addf %broadcast_in_dim3A_260, %get3A_1260 : vector<16xf32>
        %mul3A_1267 = arith.constant 2.000000e+00 : f32
        %mul3A_1268 = vector.broadcast %mul3A_1267 : f32 to vector<16xf32>
        %mul3A_1269 = arith.mulf %mul3A_1268, %add3A_1265 : vector<16xf32>
        %sub3A_1270 = arith.subf %add3A_1266, %mul3A_1269 : vector<16xf32>
        %min3A_1271 = arith.minimumf %min3A_1234, %sub3A_1270 : vector<16xf32>
        %mul3A_1272 = arith.mulf %get3A_1254, %broadcast_in_dim3A_315 : vector<16xf32>
        %mul3A_1273 = arith.mulf %get3A_1256, %broadcast_in_dim3A_370 : vector<16xf32>
        %add3A_1274 = arith.addf %mul3A_1272, %mul3A_1273 : vector<16xf32>
        %mul3A_1275 = arith.mulf %get3A_1258, %broadcast_in_dim3A_425 : vector<16xf32>
        %add3A_1276 = arith.addf %add3A_1274, %mul3A_1275 : vector<16xf32>
        %add3A_1277 = arith.addf %broadcast_in_dim3A_480, %get3A_1260 : vector<16xf32>
        %mul3A_1278 = arith.constant 2.000000e+00 : f32
        %mul3A_1279 = vector.broadcast %mul3A_1278 : f32 to vector<16xf32>
        %mul3A_1280 = arith.mulf %mul3A_1279, %add3A_1276 : vector<16xf32>
        %sub3A_1281 = arith.subf %add3A_1277, %mul3A_1280 : vector<16xf32>
        %min3A_1282 = arith.minimumf %min3A_1245, %sub3A_1281 : vector<16xf32>
        %mul3A_1283 = arith.constant 16 : i32
        %mul3A_1284 = arith.muli %scan3A_984, %mul3A_1283 : i32
        %add3A_1285 = arith.constant 8 : i32
        %add3A_1286 = arith.addi %mul3A_1284, %add3A_1285 : i32
        %mul3A_1287 = arith.constant 16 : i32
        %mul3A_1288 = arith.muli %add3A_1286, %mul3A_1287 : i32
        %multiple_of3A_1289 = tpu.assume_multiple %mul3A_1288, 16 : i32
        %get3A_1290 = arith.index_cast %multiple_of3A_1289 : i32 to index
        %get3A_1291 = tpu.vector_load %arg6[%get3A_1290] {strides = array<i32>} : memref<10240xf32, #tpu.memory_space<vmem>>, vector<16xf32>,
        %get3A_1292 = arith.index_cast %multiple_of3A_1289 : i32 to index
        %get3A_1293 = tpu.vector_load %arg7[%get3A_1292] {strides = array<i32>} : memref<10240xf32, #tpu.memory_space<vmem>>, vector<16xf32>,
        %get3A_1294 = arith.index_cast %multiple_of3A_1289 : i32 to index
        %get3A_1295 = tpu.vector_load %arg8[%get3A_1294] {strides = array<i32>} : memref<10240xf32, #tpu.memory_space<vmem>>, vector<16xf32>,
        %get3A_1296 = arith.index_cast %multiple_of3A_1289 : i32 to index
        %get3A_1297 = tpu.vector_load %arg9[%get3A_1296] {strides = array<i32>} : memref<10240xf32, #tpu.memory_space<vmem>>, vector<16xf32>,
        %mul3A_1298 = arith.mulf %get3A_1291, %broadcast_in_dim3A_95 : vector<16xf32>
        %mul3A_1299 = arith.mulf %get3A_1293, %broadcast_in_dim3A_150 : vector<16xf32>
        %add3A_1300 = arith.addf %mul3A_1298, %mul3A_1299 : vector<16xf32>
        %mul3A_1301 = arith.mulf %get3A_1295, %broadcast_in_dim3A_205 : vector<16xf32>
        %add3A_1302 = arith.addf %add3A_1300, %mul3A_1301 : vector<16xf32>
        %add3A_1303 = arith.addf %broadcast_in_dim3A_260, %get3A_1297 : vector<16xf32>
        %mul3A_1304 = arith.constant 2.000000e+00 : f32
        %mul3A_1305 = vector.broadcast %mul3A_1304 : f32 to vector<16xf32>
        %mul3A_1306 = arith.mulf %mul3A_1305, %add3A_1302 : vector<16xf32>
        %sub3A_1307 = arith.subf %add3A_1303, %mul3A_1306 : vector<16xf32>
        %min3A_1308 = arith.minimumf %min3A_1271, %sub3A_1307 : vector<16xf32>
        %mul3A_1309 = arith.mulf %get3A_1291, %broadcast_in_dim3A_315 : vector<16xf32>
        %mul3A_1310 = arith.mulf %get3A_1293, %broadcast_in_dim3A_370 : vector<16xf32>
        %add3A_1311 = arith.addf %mul3A_1309, %mul3A_1310 : vector<16xf32>
        %mul3A_1312 = arith.mulf %get3A_1295, %broadcast_in_dim3A_425 : vector<16xf32>
        %add3A_1313 = arith.addf %add3A_1311, %mul3A_1312 : vector<16xf32>
        %add3A_1314 = arith.addf %broadcast_in_dim3A_480, %get3A_1297 : vector<16xf32>
        %mul3A_1315 = arith.constant 2.000000e+00 : f32
        %mul3A_1316 = vector.broadcast %mul3A_1315 : f32 to vector<16xf32>
        %mul3A_1317 = arith.mulf %mul3A_1316, %add3A_1313 : vector<16xf32>
        %sub3A_1318 = arith.subf %add3A_1314, %mul3A_1317 : vector<16xf32>
        %min3A_1319 = arith.minimumf %min3A_1282, %sub3A_1318 : vector<16xf32>
        %mul3A_1320 = arith.constant 16 : i32
        %mul3A_1321 = arith.muli %scan3A_984, %mul3A_1320 : i32
        %add3A_1322 = arith.constant 9 : i32
        %add3A_1323 = arith.addi %mul3A_1321, %add3A_1322 : i32
        %mul3A_1324 = arith.constant 16 : i32
        %mul3A_1325 = arith.muli %add3A_1323, %mul3A_1324 : i32
        %multiple_of3A_1326 = tpu.assume_multiple %mul3A_1325, 16 : i32
        %get3A_1327 = arith.index_cast %multiple_of3A_1326 : i32 to index
        %get3A_1328 = tpu.vector_load %arg6[%get3A_1327] {strides = array<i32>} : memref<10240xf32, #tpu.memory_space<vmem>>, vector<16xf32>,
        %get3A_1329 = arith.index_cast %multiple_of3A_1326 : i32 to index
        %get3A_1330 = tpu.vector_load %arg7[%get3A_1329] {strides = array<i32>} : memref<10240xf32, #tpu.memory_space<vmem>>, vector<16xf32>,
        %get3A_1331 = arith.index_cast %multiple_of3A_1326 : i32 to index
        %get3A_1332 = tpu.vector_load %arg8[%get3A_1331] {strides = array<i32>} : memref<10240xf32, #tpu.memory_space<vmem>>, vector<16xf32>,
        %get3A_1333 = arith.index_cast %multiple_of3A_1326 : i32 to index
        %get3A_1334 = tpu.vector_load %arg9[%get3A_1333] {strides = array<i32>} : memref<10240xf32, #tpu.memory_space<vmem>>, vector<16xf32>,
        %mul3A_1335 = arith.mulf %get3A_1328, %broadcast_in_dim3A_95 : vector<16xf32>
        %mul3A_1336 = arith.mulf %get3A_1330, %broadcast_in_dim3A_150 : vector<16xf32>
        %add3A_1337 = arith.addf %mul3A_1335, %mul3A_1336 : vector<16xf32>
        %mul3A_1338 = arith.mulf %get3A_1332, %broadcast_in_dim3A_205 : vector<16xf32>
        %add3A_1339 = arith.addf %add3A_1337, %mul3A_1338 : vector<16xf32>
        %add3A_1340 = arith.addf %broadcast_in_dim3A_260, %get3A_1334 : vector<16xf32>
        %mul3A_1341 = arith.constant 2.000000e+00 : f32
        %mul3A_1342 = vector.broadcast %mul3A_1341 : f32 to vector<16xf32>
        %mul3A_1343 = arith.mulf %mul3A_1342, %add3A_1339 : vector<16xf32>
        %sub3A_1344 = arith.subf %add3A_1340, %mul3A_1343 : vector<16xf32>
        %min3A_1345 = arith.minimumf %min3A_1308, %sub3A_1344 : vector<16xf32>
        %mul3A_1346 = arith.mulf %get3A_1328, %broadcast_in_dim3A_315 : vector<16xf32>
        %mul3A_1347 = arith.mulf %get3A_1330, %broadcast_in_dim3A_370 : vector<16xf32>
        %add3A_1348 = arith.addf %mul3A_1346, %mul3A_1347 : vector<16xf32>
        %mul3A_1349 = arith.mulf %get3A_1332, %broadcast_in_dim3A_425 : vector<16xf32>
        %add3A_1350 = arith.addf %add3A_1348, %mul3A_1349 : vector<16xf32>
        %add3A_1351 = arith.addf %broadcast_in_dim3A_480, %get3A_1334 : vector<16xf32>
        %mul3A_1352 = arith.constant 2.000000e+00 : f32
        %mul3A_1353 = vector.broadcast %mul3A_1352 : f32 to vector<16xf32>
        %mul3A_1354 = arith.mulf %mul3A_1353, %add3A_1350 : vector<16xf32>
        %sub3A_1355 = arith.subf %add3A_1351, %mul3A_1354 : vector<16xf32>
        %min3A_1356 = arith.minimumf %min3A_1319, %sub3A_1355 : vector<16xf32>
        %mul3A_1357 = arith.constant 16 : i32
        %mul3A_1358 = arith.muli %scan3A_984, %mul3A_1357 : i32
        %add3A_1359 = arith.constant 10 : i32
        %add3A_1360 = arith.addi %mul3A_1358, %add3A_1359 : i32
        %mul3A_1361 = arith.constant 16 : i32
        %mul3A_1362 = arith.muli %add3A_1360, %mul3A_1361 : i32
        %multiple_of3A_1363 = tpu.assume_multiple %mul3A_1362, 16 : i32
        %get3A_1364 = arith.index_cast %multiple_of3A_1363 : i32 to index
        %get3A_1365 = tpu.vector_load %arg6[%get3A_1364] {strides = array<i32>} : memref<10240xf32, #tpu.memory_space<vmem>>, vector<16xf32>,
        %get3A_1366 = arith.index_cast %multiple_of3A_1363 : i32 to index
        %get3A_1367 = tpu.vector_load %arg7[%get3A_1366] {strides = array<i32>} : memref<10240xf32, #tpu.memory_space<vmem>>, vector<16xf32>,
        %get3A_1368 = arith.index_cast %multiple_of3A_1363 : i32 to index
        %get3A_1369 = tpu.vector_load %arg8[%get3A_1368] {strides = array<i32>} : memref<10240xf32, #tpu.memory_space<vmem>>, vector<16xf32>,
        %get3A_1370 = arith.index_cast %multiple_of3A_1363 : i32 to index
        %get3A_1371 = tpu.vector_load %arg9[%get3A_1370] {strides = array<i32>} : memref<10240xf32, #tpu.memory_space<vmem>>, vector<16xf32>,
        %mul3A_1372 = arith.mulf %get3A_1365, %broadcast_in_dim3A_95 : vector<16xf32>
        %mul3A_1373 = arith.mulf %get3A_1367, %broadcast_in_dim3A_150 : vector<16xf32>
        %add3A_1374 = arith.addf %mul3A_1372, %mul3A_1373 : vector<16xf32>
        %mul3A_1375 = arith.mulf %get3A_1369, %broadcast_in_dim3A_205 : vector<16xf32>
        %add3A_1376 = arith.addf %add3A_1374, %mul3A_1375 : vector<16xf32>
        %add3A_1377 = arith.addf %broadcast_in_dim3A_260, %get3A_1371 : vector<16xf32>
        %mul3A_1378 = arith.constant 2.000000e+00 : f32
        %mul3A_1379 = vector.broadcast %mul3A_1378 : f32 to vector<16xf32>
        %mul3A_1380 = arith.mulf %mul3A_1379, %add3A_1376 : vector<16xf32>
        %sub3A_1381 = arith.subf %add3A_1377, %mul3A_1380 : vector<16xf32>
        %min3A_1382 = arith.minimumf %min3A_1345, %sub3A_1381 : vector<16xf32>
        %mul3A_1383 = arith.mulf %get3A_1365, %broadcast_in_dim3A_315 : vector<16xf32>
        %mul3A_1384 = arith.mulf %get3A_1367, %broadcast_in_dim3A_370 : vector<16xf32>
        %add3A_1385 = arith.addf %mul3A_1383, %mul3A_1384 : vector<16xf32>
        %mul3A_1386 = arith.mulf %get3A_1369, %broadcast_in_dim3A_425 : vector<16xf32>
        %add3A_1387 = arith.addf %add3A_1385, %mul3A_1386 : vector<16xf32>
        %add3A_1388 = arith.addf %broadcast_in_dim3A_480, %get3A_1371 : vector<16xf32>
        %mul3A_1389 = arith.constant 2.000000e+00 : f32
        %mul3A_1390 = vector.broadcast %mul3A_1389 : f32 to vector<16xf32>
        %mul3A_1391 = arith.mulf %mul3A_1390, %add3A_1387 : vector<16xf32>
        %sub3A_1392 = arith.subf %add3A_1388, %mul3A_1391 : vector<16xf32>
        %min3A_1393 = arith.minimumf %min3A_1356, %sub3A_1392 : vector<16xf32>
        %mul3A_1394 = arith.constant 16 : i32
        %mul3A_1395 = arith.muli %scan3A_984, %mul3A_1394 : i32
        %add3A_1396 = arith.constant 11 : i32
        %add3A_1397 = arith.addi %mul3A_1395, %add3A_1396 : i32
        %mul3A_1398 = arith.constant 16 : i32
        %mul3A_1399 = arith.muli %add3A_1397, %mul3A_1398 : i32
        %multiple_of3A_1400 = tpu.assume_multiple %mul3A_1399, 16 : i32
        %get3A_1401 = arith.index_cast %multiple_of3A_1400 : i32 to index
        %get3A_1402 = tpu.vector_load %arg6[%get3A_1401] {strides = array<i32>} : memref<10240xf32, #tpu.memory_space<vmem>>, vector<16xf32>,
        %get3A_1403 = arith.index_cast %multiple_of3A_1400 : i32 to index
        %get3A_1404 = tpu.vector_load %arg7[%get3A_1403] {strides = array<i32>} : memref<10240xf32, #tpu.memory_space<vmem>>, vector<16xf32>,
        %get3A_1405 = arith.index_cast %multiple_of3A_1400 : i32 to index
        %get3A_1406 = tpu.vector_load %arg8[%get3A_1405] {strides = array<i32>} : memref<10240xf32, #tpu.memory_space<vmem>>, vector<16xf32>,
        %get3A_1407 = arith.index_cast %multiple_of3A_1400 : i32 to index
        %get3A_1408 = tpu.vector_load %arg9[%get3A_1407] {strides = array<i32>} : memref<10240xf32, #tpu.memory_space<vmem>>, vector<16xf32>,
        %mul3A_1409 = arith.mulf %get3A_1402, %broadcast_in_dim3A_95 : vector<16xf32>
        %mul3A_1410 = arith.mulf %get3A_1404, %broadcast_in_dim3A_150 : vector<16xf32>
        %add3A_1411 = arith.addf %mul3A_1409, %mul3A_1410 : vector<16xf32>
        %mul3A_1412 = arith.mulf %get3A_1406, %broadcast_in_dim3A_205 : vector<16xf32>
        %add3A_1413 = arith.addf %add3A_1411, %mul3A_1412 : vector<16xf32>
        %add3A_1414 = arith.addf %broadcast_in_dim3A_260, %get3A_1408 : vector<16xf32>
        %mul3A_1415 = arith.constant 2.000000e+00 : f32
        %mul3A_1416 = vector.broadcast %mul3A_1415 : f32 to vector<16xf32>
        %mul3A_1417 = arith.mulf %mul3A_1416, %add3A_1413 : vector<16xf32>
        %sub3A_1418 = arith.subf %add3A_1414, %mul3A_1417 : vector<16xf32>
        %min3A_1419 = arith.minimumf %min3A_1382, %sub3A_1418 : vector<16xf32>
        %mul3A_1420 = arith.mulf %get3A_1402, %broadcast_in_dim3A_315 : vector<16xf32>
        %mul3A_1421 = arith.mulf %get3A_1404, %broadcast_in_dim3A_370 : vector<16xf32>
        %add3A_1422 = arith.addf %mul3A_1420, %mul3A_1421 : vector<16xf32>
        %mul3A_1423 = arith.mulf %get3A_1406, %broadcast_in_dim3A_425 : vector<16xf32>
        %add3A_1424 = arith.addf %add3A_1422, %mul3A_1423 : vector<16xf32>
        %add3A_1425 = arith.addf %broadcast_in_dim3A_480, %get3A_1408 : vector<16xf32>
        %mul3A_1426 = arith.constant 2.000000e+00 : f32
        %mul3A_1427 = vector.broadcast %mul3A_1426 : f32 to vector<16xf32>
        %mul3A_1428 = arith.mulf %mul3A_1427, %add3A_1424 : vector<16xf32>
        %sub3A_1429 = arith.subf %add3A_1425, %mul3A_1428 : vector<16xf32>
        %min3A_1430 = arith.minimumf %min3A_1393, %sub3A_1429 : vector<16xf32>
        %mul3A_1431 = arith.constant 16 : i32
        %mul3A_1432 = arith.muli %scan3A_984, %mul3A_1431 : i32
        %add3A_1433 = arith.constant 12 : i32
        %add3A_1434 = arith.addi %mul3A_1432, %add3A_1433 : i32
        %mul3A_1435 = arith.constant 16 : i32
        %mul3A_1436 = arith.muli %add3A_1434, %mul3A_1435 : i32
        %multiple_of3A_1437 = tpu.assume_multiple %mul3A_1436, 16 : i32
        %get3A_1438 = arith.index_cast %multiple_of3A_1437 : i32 to index
        %get3A_1439 = tpu.vector_load %arg6[%get3A_1438] {strides = array<i32>} : memref<10240xf32, #tpu.memory_space<vmem>>, vector<16xf32>,
        %get3A_1440 = arith.index_cast %multiple_of3A_1437 : i32 to index
        %get3A_1441 = tpu.vector_load %arg7[%get3A_1440] {strides = array<i32>} : memref<10240xf32, #tpu.memory_space<vmem>>, vector<16xf32>,
        %get3A_1442 = arith.index_cast %multiple_of3A_1437 : i32 to index
        %get3A_1443 = tpu.vector_load %arg8[%get3A_1442] {strides = array<i32>} : memref<10240xf32, #tpu.memory_space<vmem>>, vector<16xf32>,
        %get3A_1444 = arith.index_cast %multiple_of3A_1437 : i32 to index
        %get3A_1445 = tpu.vector_load %arg9[%get3A_1444] {strides = array<i32>} : memref<10240xf32, #tpu.memory_space<vmem>>, vector<16xf32>,
        %mul3A_1446 = arith.mulf %get3A_1439, %broadcast_in_dim3A_95 : vector<16xf32>
        %mul3A_1447 = arith.mulf %get3A_1441, %broadcast_in_dim3A_150 : vector<16xf32>
        %add3A_1448 = arith.addf %mul3A_1446, %mul3A_1447 : vector<16xf32>
        %mul3A_1449 = arith.mulf %get3A_1443, %broadcast_in_dim3A_205 : vector<16xf32>
        %add3A_1450 = arith.addf %add3A_1448, %mul3A_1449 : vector<16xf32>
        %add3A_1451 = arith.addf %broadcast_in_dim3A_260, %get3A_1445 : vector<16xf32>
        %mul3A_1452 = arith.constant 2.000000e+00 : f32
        %mul3A_1453 = vector.broadcast %mul3A_1452 : f32 to vector<16xf32>
        %mul3A_1454 = arith.mulf %mul3A_1453, %add3A_1450 : vector<16xf32>
        %sub3A_1455 = arith.subf %add3A_1451, %mul3A_1454 : vector<16xf32>
        %min3A_1456 = arith.minimumf %min3A_1419, %sub3A_1455 : vector<16xf32>
        %mul3A_1457 = arith.mulf %get3A_1439, %broadcast_in_dim3A_315 : vector<16xf32>
        %mul3A_1458 = arith.mulf %get3A_1441, %broadcast_in_dim3A_370 : vector<16xf32>
        %add3A_1459 = arith.addf %mul3A_1457, %mul3A_1458 : vector<16xf32>
        %mul3A_1460 = arith.mulf %get3A_1443, %broadcast_in_dim3A_425 : vector<16xf32>
        %add3A_1461 = arith.addf %add3A_1459, %mul3A_1460 : vector<16xf32>
        %add3A_1462 = arith.addf %broadcast_in_dim3A_480, %get3A_1445 : vector<16xf32>
        %mul3A_1463 = arith.constant 2.000000e+00 : f32
        %mul3A_1464 = vector.broadcast %mul3A_1463 : f32 to vector<16xf32>
        %mul3A_1465 = arith.mulf %mul3A_1464, %add3A_1461 : vector<16xf32>
        %sub3A_1466 = arith.subf %add3A_1462, %mul3A_1465 : vector<16xf32>
        %min3A_1467 = arith.minimumf %min3A_1430, %sub3A_1466 : vector<16xf32>
        %mul3A_1468 = arith.constant 16 : i32
        %mul3A_1469 = arith.muli %scan3A_984, %mul3A_1468 : i32
        %add3A_1470 = arith.constant 13 : i32
        %add3A_1471 = arith.addi %mul3A_1469, %add3A_1470 : i32
        %mul3A_1472 = arith.constant 16 : i32
        %mul3A_1473 = arith.muli %add3A_1471, %mul3A_1472 : i32
        %multiple_of3A_1474 = tpu.assume_multiple %mul3A_1473, 16 : i32
        %get3A_1475 = arith.index_cast %multiple_of3A_1474 : i32 to index
        %get3A_1476 = tpu.vector_load %arg6[%get3A_1475] {strides = array<i32>} : memref<10240xf32, #tpu.memory_space<vmem>>, vector<16xf32>,
        %get3A_1477 = arith.index_cast %multiple_of3A_1474 : i32 to index
        %get3A_1478 = tpu.vector_load %arg7[%get3A_1477] {strides = array<i32>} : memref<10240xf32, #tpu.memory_space<vmem>>, vector<16xf32>,
        %get3A_1479 = arith.index_cast %multiple_of3A_1474 : i32 to index
        %get3A_1480 = tpu.vector_load %arg8[%get3A_1479] {strides = array<i32>} : memref<10240xf32, #tpu.memory_space<vmem>>, vector<16xf32>,
        %get3A_1481 = arith.index_cast %multiple_of3A_1474 : i32 to index
        %get3A_1482 = tpu.vector_load %arg9[%get3A_1481] {strides = array<i32>} : memref<10240xf32, #tpu.memory_space<vmem>>, vector<16xf32>,
        %mul3A_1483 = arith.mulf %get3A_1476, %broadcast_in_dim3A_95 : vector<16xf32>
        %mul3A_1484 = arith.mulf %get3A_1478, %broadcast_in_dim3A_150 : vector<16xf32>
        %add3A_1485 = arith.addf %mul3A_1483, %mul3A_1484 : vector<16xf32>
        %mul3A_1486 = arith.mulf %get3A_1480, %broadcast_in_dim3A_205 : vector<16xf32>
        %add3A_1487 = arith.addf %add3A_1485, %mul3A_1486 : vector<16xf32>
        %add3A_1488 = arith.addf %broadcast_in_dim3A_260, %get3A_1482 : vector<16xf32>
        %mul3A_1489 = arith.constant 2.000000e+00 : f32
        %mul3A_1490 = vector.broadcast %mul3A_1489 : f32 to vector<16xf32>
        %mul3A_1491 = arith.mulf %mul3A_1490, %add3A_1487 : vector<16xf32>
        %sub3A_1492 = arith.subf %add3A_1488, %mul3A_1491 : vector<16xf32>
        %min3A_1493 = arith.minimumf %min3A_1456, %sub3A_1492 : vector<16xf32>
        %mul3A_1494 = arith.mulf %get3A_1476, %broadcast_in_dim3A_315 : vector<16xf32>
        %mul3A_1495 = arith.mulf %get3A_1478, %broadcast_in_dim3A_370 : vector<16xf32>
        %add3A_1496 = arith.addf %mul3A_1494, %mul3A_1495 : vector<16xf32>
        %mul3A_1497 = arith.mulf %get3A_1480, %broadcast_in_dim3A_425 : vector<16xf32>
        %add3A_1498 = arith.addf %add3A_1496, %mul3A_1497 : vector<16xf32>
        %add3A_1499 = arith.addf %broadcast_in_dim3A_480, %get3A_1482 : vector<16xf32>
        %mul3A_1500 = arith.constant 2.000000e+00 : f32
        %mul3A_1501 = vector.broadcast %mul3A_1500 : f32 to vector<16xf32>
        %mul3A_1502 = arith.mulf %mul3A_1501, %add3A_1498 : vector<16xf32>
        %sub3A_1503 = arith.subf %add3A_1499, %mul3A_1502 : vector<16xf32>
        %min3A_1504 = arith.minimumf %min3A_1467, %sub3A_1503 : vector<16xf32>
        %mul3A_1505 = arith.constant 16 : i32
        %mul3A_1506 = arith.muli %scan3A_984, %mul3A_1505 : i32
        %add3A_1507 = arith.constant 14 : i32
        %add3A_1508 = arith.addi %mul3A_1506, %add3A_1507 : i32
        %mul3A_1509 = arith.constant 16 : i32
        %mul3A_1510 = arith.muli %add3A_1508, %mul3A_1509 : i32
        %multiple_of3A_1511 = tpu.assume_multiple %mul3A_1510, 16 : i32
        %get3A_1512 = arith.index_cast %multiple_of3A_1511 : i32 to index
        %get3A_1513 = tpu.vector_load %arg6[%get3A_1512] {strides = array<i32>} : memref<10240xf32, #tpu.memory_space<vmem>>, vector<16xf32>,
        %get3A_1514 = arith.index_cast %multiple_of3A_1511 : i32 to index
        %get3A_1515 = tpu.vector_load %arg7[%get3A_1514] {strides = array<i32>} : memref<10240xf32, #tpu.memory_space<vmem>>, vector<16xf32>,
        %get3A_1516 = arith.index_cast %multiple_of3A_1511 : i32 to index
        %get3A_1517 = tpu.vector_load %arg8[%get3A_1516] {strides = array<i32>} : memref<10240xf32, #tpu.memory_space<vmem>>, vector<16xf32>,
        %get3A_1518 = arith.index_cast %multiple_of3A_1511 : i32 to index
        %get3A_1519 = tpu.vector_load %arg9[%get3A_1518] {strides = array<i32>} : memref<10240xf32, #tpu.memory_space<vmem>>, vector<16xf32>,
        %mul3A_1520 = arith.mulf %get3A_1513, %broadcast_in_dim3A_95 : vector<16xf32>
        %mul3A_1521 = arith.mulf %get3A_1515, %broadcast_in_dim3A_150 : vector<16xf32>
        %add3A_1522 = arith.addf %mul3A_1520, %mul3A_1521 : vector<16xf32>
        %mul3A_1523 = arith.mulf %get3A_1517, %broadcast_in_dim3A_205 : vector<16xf32>
        %add3A_1524 = arith.addf %add3A_1522, %mul3A_1523 : vector<16xf32>
        %add3A_1525 = arith.addf %broadcast_in_dim3A_260, %get3A_1519 : vector<16xf32>
        %mul3A_1526 = arith.constant 2.000000e+00 : f32
        %mul3A_1527 = vector.broadcast %mul3A_1526 : f32 to vector<16xf32>
        %mul3A_1528 = arith.mulf %mul3A_1527, %add3A_1524 : vector<16xf32>
        %sub3A_1529 = arith.subf %add3A_1525, %mul3A_1528 : vector<16xf32>
        %min3A_1530 = arith.minimumf %min3A_1493, %sub3A_1529 : vector<16xf32>
        %mul3A_1531 = arith.mulf %get3A_1513, %broadcast_in_dim3A_315 : vector<16xf32>
        %mul3A_1532 = arith.mulf %get3A_1515, %broadcast_in_dim3A_370 : vector<16xf32>
        %add3A_1533 = arith.addf %mul3A_1531, %mul3A_1532 : vector<16xf32>
        %mul3A_1534 = arith.mulf %get3A_1517, %broadcast_in_dim3A_425 : vector<16xf32>
        %add3A_1535 = arith.addf %add3A_1533, %mul3A_1534 : vector<16xf32>
        %add3A_1536 = arith.addf %broadcast_in_dim3A_480, %get3A_1519 : vector<16xf32>
        %mul3A_1537 = arith.constant 2.000000e+00 : f32
        %mul3A_1538 = vector.broadcast %mul3A_1537 : f32 to vector<16xf32>
        %mul3A_1539 = arith.mulf %mul3A_1538, %add3A_1535 : vector<16xf32>
        %sub3A_1540 = arith.subf %add3A_1536, %mul3A_1539 : vector<16xf32>
        %min3A_1541 = arith.minimumf %min3A_1504, %sub3A_1540 : vector<16xf32>
        %mul3A_1542 = arith.constant 16 : i32
        %mul3A_1543 = arith.muli %scan3A_984, %mul3A_1542 : i32
        %add3A_1544 = arith.constant 15 : i32
        %add3A_1545 = arith.addi %mul3A_1543, %add3A_1544 : i32
        %mul3A_1546 = arith.constant 16 : i32
        %mul3A_1547 = arith.muli %add3A_1545, %mul3A_1546 : i32
        %multiple_of3A_1548 = tpu.assume_multiple %mul3A_1547, 16 : i32
        %get3A_1549 = arith.index_cast %multiple_of3A_1548 : i32 to index
        %get3A_1550 = tpu.vector_load %arg6[%get3A_1549] {strides = array<i32>} : memref<10240xf32, #tpu.memory_space<vmem>>, vector<16xf32>,
        %get3A_1551 = arith.index_cast %multiple_of3A_1548 : i32 to index
        %get3A_1552 = tpu.vector_load %arg7[%get3A_1551] {strides = array<i32>} : memref<10240xf32, #tpu.memory_space<vmem>>, vector<16xf32>,
        %get3A_1553 = arith.index_cast %multiple_of3A_1548 : i32 to index
        %get3A_1554 = tpu.vector_load %arg8[%get3A_1553] {strides = array<i32>} : memref<10240xf32, #tpu.memory_space<vmem>>, vector<16xf32>,
        %get3A_1555 = arith.index_cast %multiple_of3A_1548 : i32 to index
        %get3A_1556 = tpu.vector_load %arg9[%get3A_1555] {strides = array<i32>} : memref<10240xf32, #tpu.memory_space<vmem>>, vector<16xf32>,
        %mul3A_1557 = arith.mulf %get3A_1550, %broadcast_in_dim3A_95 : vector<16xf32>
        %mul3A_1558 = arith.mulf %get3A_1552, %broadcast_in_dim3A_150 : vector<16xf32>
        %add3A_1559 = arith.addf %mul3A_1557, %mul3A_1558 : vector<16xf32>
        %mul3A_1560 = arith.mulf %get3A_1554, %broadcast_in_dim3A_205 : vector<16xf32>
        %add3A_1561 = arith.addf %add3A_1559, %mul3A_1560 : vector<16xf32>
        %add3A_1562 = arith.addf %broadcast_in_dim3A_260, %get3A_1556 : vector<16xf32>
        %mul3A_1563 = arith.constant 2.000000e+00 : f32
        %mul3A_1564 = vector.broadcast %mul3A_1563 : f32 to vector<16xf32>
        %mul3A_1565 = arith.mulf %mul3A_1564, %add3A_1561 : vector<16xf32>
        %sub3A_1566 = arith.subf %add3A_1562, %mul3A_1565 : vector<16xf32>
        %min3A_1567 = arith.minimumf %min3A_1530, %sub3A_1566 : vector<16xf32>
        %mul3A_1568 = arith.mulf %get3A_1550, %broadcast_in_dim3A_315 : vector<16xf32>
        %mul3A_1569 = arith.mulf %get3A_1552, %broadcast_in_dim3A_370 : vector<16xf32>
        %add3A_1570 = arith.addf %mul3A_1568, %mul3A_1569 : vector<16xf32>
        %mul3A_1571 = arith.mulf %get3A_1554, %broadcast_in_dim3A_425 : vector<16xf32>
        %add3A_1572 = arith.addf %add3A_1570, %mul3A_1571 : vector<16xf32>
        %add3A_1573 = arith.addf %broadcast_in_dim3A_480, %get3A_1556 : vector<16xf32>
        %mul3A_1574 = arith.constant 2.000000e+00 : f32
        %mul3A_1575 = vector.broadcast %mul3A_1574 : f32 to vector<16xf32>
        %mul3A_1576 = arith.mulf %mul3A_1575, %add3A_1572 : vector<16xf32>
        %sub3A_1577 = arith.subf %add3A_1573, %mul3A_1576 : vector<16xf32>
        %min3A_1578 = arith.minimumf %min3A_1541, %sub3A_1577 : vector<16xf32>
        %mul3A_1579 = arith.constant 16 : i32
        %mul3A_1580 = arith.muli %scan3A_984, %mul3A_1579 : i32
        %multiple_of3A_1581 = tpu.assume_multiple %mul3A_1580, 16 : i32
        %swap3A_1582 = arith.index_cast %multiple_of3A_1581 : i32 to index
        %swap3A_1583 = tpu.vector_load %arg10[%swap3A_1582] {strides = array<i32>} : memref<768xf32, #tpu.memory_space<vmem>>, vector<16xf32>,
        tpu.vector_store %arg10[%swap3A_1582], %min3A_1567 {strides = array<i32>} : memref<768xf32, #tpu.memory_space<vmem>>, vector<16xf32>,
        %swap3A_1584 = arith.index_cast %multiple_of3A_1581 : i32 to index
        %swap3A_1585 = tpu.vector_load %arg11[%swap3A_1584] {strides = array<i32>} : memref<768xf32, #tpu.memory_space<vmem>>, vector<16xf32>,
        tpu.vector_store %arg11[%swap3A_1584], %min3A_1578 {strides = array<i32>} : memref<768xf32, #tpu.memory_space<vmem>>, vector<16xf32>,
        %min3A_1586 = arith.minimumf %scan3A_985, %min3A_1567 : vector<16xf32>
        %min3A_1587 = arith.minimumf %scan3A_986, %min3A_1578 : vector<16xf32>
        scf.yield %min3A_1586, %min3A_1587 : vector<16xf32>, vector<16xf32>
      }
      %scan3A_486 = arith.constant 40 : i32
      %broadcast_in_dim3A_487 = arith.constant 0 : i32
      %broadcast_in_dim3A_488 = vector.broadcast %broadcast_in_dim3A_487 : i32 to vector<16xi32>
      %scan3A_489 = arith.constant 0 : i32
      %scan3A_490 = arith.constant 16 : i32
      %scan3A_491 = arith.addi %scan3A_489, %scan3A_490 : i32
      %scan3A_492 = arith.constant 1 : i32
      %scan3A_493:4 = scf.for %scan3A_984 = %scan3A_489 to %scan3A_491 step %scan3A_492 iter_args(%scan3A_985 = %scan3A_485#0, %scan3A_986 = %broadcast_in_dim3A_488, %scan3A_987 = %scan3A_485#1, %scan3A_988 = %broadcast_in_dim3A_488) -> (vector<16xf32>, vector<16xi32>, vector<16xf32>, vector<16xi32>)  : i32 {
        %reduce_min3A_989 = arith.constant true
        %reduce_min3A_990 = vector.broadcast %reduce_min3A_989 : i1 to vector<16xi1>
        %reduce_min3A_991 = tpu.scan <min>, %scan3A_985 masked %reduce_min3A_990 : vector<16xf32>, vector<16xi1> -> vector<16xf32>
        %reduce_min3A_992 = vector.extract %reduce_min3A_991[15] : f32 from vector<16xf32>
        %broadcast_in_dim3A_993 = vector.broadcast %reduce_min3A_992 : f32 to vector<16xf32>
        %eq3A_994 = arith.cmpf oeq, %scan3A_985, %broadcast_in_dim3A_993 : vector<16xf32>
        %all_reduce_ffs3A = tpu.all_reduce %eq3A_994 {dim = 0 : i64, kind = #tpu.reduction_kind<find_first_set>} : vector<16xi1> -> vector<16xi32>
        %add3A_995 = arith.constant 0 : i32
        %add3A_996 = vector.broadcast %add3A_995 : i32 to vector<16xi32>
        %add3A_997 = arith.addi %add3A_996, %iota3A : vector<16xi32>
        %mul3A_998 = arith.constant 16 : i32
        %mul3A_999 = vector.broadcast %mul3A_998 : i32 to vector<16xi32>
        %mul3A_1000 = arith.muli %add3A_997, %mul3A_999 : vector<16xi32>
        %add3A_1001 = arith.addi %mul3A_1000, %all_reduce_ffs3A : vector<16xi32>
        %gather3A = tpu.vector_load_idx %arg10[%add3A_1001] : memref<768xf32, #tpu.memory_space<vmem>>[vector<16xi32>], vector<16xf32>,
        %eq3A_1002 = arith.cmpf oeq, %gather3A, %broadcast_in_dim3A_993 : vector<16xf32>
        %all_reduce_ffs3A_1003 = tpu.all_reduce %eq3A_1002 {dim = 0 : i64, kind = #tpu.reduction_kind<find_first_set>} : vector<16xi1> -> vector<16xi32>
        %add3A_1004 = arith.constant 0 : i32
        %add3A_1005 = vector.broadcast %add3A_1004 : i32 to vector<16xi32>
        %add3A_1006 = arith.addi %all_reduce_ffs3A_1003, %add3A_1005 : vector<16xi32>
        %all_reduce_population_count3A = tpu.all_reduce %eq3A_1002 {dim = 0 : i64, kind = #tpu.reduction_kind<sum>} : vector<16xi1> -> vector<16xi32>
        %add3A_1007 = arith.constant 16 : i32
        %add3A_1008 = vector.broadcast %add3A_1007 : i32 to vector<16xi32>
        %add3A_1009 = arith.addi %add3A_1008, %iota3A : vector<16xi32>
        %mul3A_1010 = arith.constant 16 : i32
        %mul3A_1011 = vector.broadcast %mul3A_1010 : i32 to vector<16xi32>
        %mul3A_1012 = arith.muli %add3A_1009, %mul3A_1011 : vector<16xi32>
        %add3A_1013 = arith.addi %mul3A_1012, %all_reduce_ffs3A : vector<16xi32>
        %gather3A_1014 = tpu.vector_load_idx %arg10[%add3A_1013] : memref<768xf32, #tpu.memory_space<vmem>>[vector<16xi32>], vector<16xf32>,
        %eq3A_1015 = arith.cmpf oeq, %gather3A_1014, %broadcast_in_dim3A_993 : vector<16xf32>
        %all_reduce_ffs3A_1016 = tpu.all_reduce %eq3A_1015 {dim = 0 : i64, kind = #tpu.reduction_kind<find_first_set>} : vector<16xi1> -> vector<16xi32>
        %add3A_1017 = arith.constant 16 : i32
        %add3A_1018 = vector.broadcast %add3A_1017 : i32 to vector<16xi32>
        %add3A_1019 = arith.addi %all_reduce_ffs3A_1016, %add3A_1018 : vector<16xi32>
        %all_reduce_population_count3A_1020 = tpu.all_reduce %eq3A_1015 {dim = 0 : i64, kind = #tpu.reduction_kind<sum>} : vector<16xi1> -> vector<16xi32>
        %add3A_1021 = arith.constant 32 : i32
        %add3A_1022 = vector.broadcast %add3A_1021 : i32 to vector<16xi32>
        %add3A_1023 = arith.addi %add3A_1022, %iota3A : vector<16xi32>
        %mul3A_1024 = arith.constant 16 : i32
        %mul3A_1025 = vector.broadcast %mul3A_1024 : i32 to vector<16xi32>
        %mul3A_1026 = arith.muli %add3A_1023, %mul3A_1025 : vector<16xi32>
        %add3A_1027 = arith.addi %mul3A_1026, %all_reduce_ffs3A : vector<16xi32>
        %gather3A_1028 = tpu.vector_load_idx %arg10[%add3A_1027] : memref<768xf32, #tpu.memory_space<vmem>>[vector<16xi32>], vector<16xf32>,
        %eq3A_1029 = arith.cmpf oeq, %gather3A_1028, %broadcast_in_dim3A_993 : vector<16xf32>
        %all_reduce_ffs3A_1030 = tpu.all_reduce %eq3A_1029 {dim = 0 : i64, kind = #tpu.reduction_kind<find_first_set>} : vector<16xi1> -> vector<16xi32>
        %add3A_1031 = arith.constant 32 : i32
        %add3A_1032 = vector.broadcast %add3A_1031 : i32 to vector<16xi32>
        %add3A_1033 = arith.addi %all_reduce_ffs3A_1030, %add3A_1032 : vector<16xi32>
        %all_reduce_population_count3A_1034 = tpu.all_reduce %eq3A_1029 {dim = 0 : i64, kind = #tpu.reduction_kind<sum>} : vector<16xi1> -> vector<16xi32>
        %gt3A = arith.constant 0 : i32
        %gt3A_1035 = vector.broadcast %gt3A : i32 to vector<16xi32>
        %gt3A_1036 = arith.cmpi sgt, %all_reduce_population_count3A, %gt3A_1035 : vector<16xi32>
        %gt3A_1037 = arith.constant 0 : i32
        %gt3A_1038 = vector.broadcast %gt3A_1037 : i32 to vector<16xi32>
        %gt3A_1039 = arith.cmpi sgt, %all_reduce_population_count3A_1020, %gt3A_1038 : vector<16xi32>
        %select_n3A_1040 = arith.select %gt3A_1039, %add3A_1019, %add3A_1033 : vector<16xi1>, vector<16xi32>
        %select_n3A_1041 = arith.select %gt3A_1036, %add3A_1006, %select_n3A_1040 : vector<16xi1>, vector<16xi32>
        %mul3A_1042 = arith.constant 16 : i32
        %mul3A_1043 = vector.broadcast %mul3A_1042 : i32 to vector<16xi32>
        %mul3A_1044 = arith.muli %select_n3A_1041, %mul3A_1043 : vector<16xi32>
        %add3A_1045 = arith.addi %mul3A_1044, %iota3A : vector<16xi32>
        %mul3A_1046 = arith.constant 16 : i32
        %mul3A_1047 = vector.broadcast %mul3A_1046 : i32 to vector<16xi32>
        %mul3A_1048 = arith.muli %add3A_1045, %mul3A_1047 : vector<16xi32>
        %add3A_1049 = arith.addi %mul3A_1048, %all_reduce_ffs3A : vector<16xi32>
        %gather3A_1050 = tpu.vector_load_idx %arg6[%add3A_1049] : memref<10240xf32, #tpu.memory_space<vmem>>[vector<16xi32>], vector<16xf32>,
        %mul3A_1051 = arith.mulf %gather3A_1050, %broadcast_in_dim3A_95 : vector<16xf32>
        %gather3A_1052 = tpu.vector_load_idx %arg7[%add3A_1049] : memref<10240xf32, #tpu.memory_space<vmem>>[vector<16xi32>], vector<16xf32>,
        %mul3A_1053 = arith.mulf %gather3A_1052, %broadcast_in_dim3A_150 : vector<16xf32>
        %add3A_1054 = arith.addf %mul3A_1051, %mul3A_1053 : vector<16xf32>
        %gather3A_1055 = tpu.vector_load_idx %arg8[%add3A_1049] : memref<10240xf32, #tpu.memory_space<vmem>>[vector<16xi32>], vector<16xf32>,
        %mul3A_1056 = arith.mulf %gather3A_1055, %broadcast_in_dim3A_205 : vector<16xf32>
        %add3A_1057 = arith.addf %add3A_1054, %mul3A_1056 : vector<16xf32>
        %gather3A_1058 = tpu.vector_load_idx %arg9[%add3A_1049] : memref<10240xf32, #tpu.memory_space<vmem>>[vector<16xi32>], vector<16xf32>,
        %add3A_1059 = arith.addf %broadcast_in_dim3A_260, %gather3A_1058 : vector<16xf32>
        %mul3A_1060 = arith.constant 2.000000e+00 : f32
        %mul3A_1061 = vector.broadcast %mul3A_1060 : f32 to vector<16xf32>
        %mul3A_1062 = arith.mulf %mul3A_1061, %add3A_1057 : vector<16xf32>
        %sub3A_1063 = arith.subf %add3A_1059, %mul3A_1062 : vector<16xf32>
        %mul3A_1064 = arith.constant 16 : i32
        %mul3A_1065 = vector.broadcast %mul3A_1064 : i32 to vector<16xi32>
        %mul3A_1066 = arith.muli %select_n3A_1041, %mul3A_1065 : vector<16xi32>
        %eq3A_1067 = arith.cmpf oeq, %sub3A_1063, %broadcast_in_dim3A_993 : vector<16xf32>
        %all_reduce_ffs3A_1068 = tpu.all_reduce %eq3A_1067 {dim = 0 : i64, kind = #tpu.reduction_kind<find_first_set>} : vector<16xi1> -> vector<16xi32>
        %add3A_1069 = arith.addi %mul3A_1066, %all_reduce_ffs3A_1068 : vector<16xi32>
        %mul3A_1070 = arith.constant 16 : i32
        %mul3A_1071 = vector.broadcast %mul3A_1070 : i32 to vector<16xi32>
        %mul3A_1072 = arith.muli %add3A_1069, %mul3A_1071 : vector<16xi32>
        %add3A_1073 = arith.addi %mul3A_1072, %all_reduce_ffs3A : vector<16xi32>
        %eq3A_1074 = vector.broadcast %scan3A_984 : i32 to vector<16xi32>
        %eq3A_1075 = arith.cmpi eq, %iota3A, %eq3A_1074 : vector<16xi32>
        %select_n3A_1076 = arith.select %eq3A_1075, %add3A_1073, %scan3A_986 : vector<16xi1>, vector<16xi32>
        %le3A = arith.cmpf ole, %sub3A_1063, %broadcast_in_dim3A_993 : vector<16xf32>
        %jit3A_1077 = arith.constant 3.000000e+38 : f32
        %broadcast_in_dim3A_1078 = vector.broadcast %jit3A_1077 : f32 to vector<16xf32>
        %select_n3A_1079 = arith.select %le3A, %broadcast_in_dim3A_1078, %sub3A_1063 : vector<16xi1>, vector<16xf32>
        %reduce_min3A_1080 = arith.constant true
        %reduce_min3A_1081 = vector.broadcast %reduce_min3A_1080 : i1 to vector<16xi1>
        %reduce_min3A_1082 = tpu.scan <min>, %select_n3A_1079 masked %reduce_min3A_1081 : vector<16xf32>, vector<16xi1> -> vector<16xf32>
        %reduce_min3A_1083 = vector.extract %reduce_min3A_1082[15] : f32 from vector<16xf32>
        %broadcast_in_dim3A_1084 = vector.broadcast %reduce_min3A_1083 : f32 to vector<16xf32>
        %mul3A_1085 = arith.constant 16 : i32
        %mul3A_1086 = vector.broadcast %mul3A_1085 : i32 to vector<16xi32>
        %mul3A_1087 = arith.muli %select_n3A_1041, %mul3A_1086 : vector<16xi32>
        %add3A_1088 = arith.addi %mul3A_1087, %all_reduce_ffs3A : vector<16xi32>
        %eq3A_1089 = arith.constant 0 : i32
        %eq3A_1090 = vector.broadcast %eq3A_1089 : i32 to vector<16xi32>
        %eq3A_1091 = arith.cmpi eq, %iota3A, %eq3A_1090 : vector<16xi32>
        tpu.vector_store_idx %arg10[%add3A_1088], %broadcast_in_dim3A_1084 masked %eq3A_1091 : memref<768xf32, #tpu.memory_space<vmem>>[vector<16xi32>], vector<16xf32>, vector<16xi1>
        %add3A_1092 = arith.constant 0 : i32
        %add3A_1093 = vector.broadcast %add3A_1092 : i32 to vector<16xi32>
        %add3A_1094 = arith.addi %add3A_1093, %iota3A : vector<16xi32>
        %eq3A_1095 = arith.cmpi eq, %add3A_1094, %select_n3A_1041 : vector<16xi32>
        %select_n3A_1096 = arith.select %eq3A_1095, %broadcast_in_dim3A_1084, %gather3A : vector<16xi1>, vector<16xf32>
        %min3A_1097 = arith.minimumf %broadcast_in_dim3A_1, %select_n3A_1096 : vector<16xf32>
        %add3A_1098 = arith.constant 16 : i32
        %add3A_1099 = vector.broadcast %add3A_1098 : i32 to vector<16xi32>
        %add3A_1100 = arith.addi %add3A_1099, %iota3A : vector<16xi32>
        %eq3A_1101 = arith.cmpi eq, %add3A_1100, %select_n3A_1041 : vector<16xi32>
        %select_n3A_1102 = arith.select %eq3A_1101, %broadcast_in_dim3A_1084, %gather3A_1014 : vector<16xi1>, vector<16xf32>
        %min3A_1103 = arith.minimumf %min3A_1097, %select_n3A_1102 : vector<16xf32>
        %add3A_1104 = arith.constant 32 : i32
        %add3A_1105 = vector.broadcast %add3A_1104 : i32 to vector<16xi32>
        %add3A_1106 = arith.addi %add3A_1105, %iota3A : vector<16xi32>
        %eq3A_1107 = arith.cmpi eq, %add3A_1106, %select_n3A_1041 : vector<16xi32>
        %select_n3A_1108 = arith.select %eq3A_1107, %broadcast_in_dim3A_1084, %gather3A_1028 : vector<16xi1>, vector<16xf32>
        %min3A_1109 = arith.minimumf %min3A_1103, %select_n3A_1108 : vector<16xf32>
        %eq3A_1110 = arith.cmpi eq, %iota3A, %all_reduce_ffs3A : vector<16xi32>
        %reduce_min3A_1111 = arith.constant true
        %reduce_min3A_1112 = vector.broadcast %reduce_min3A_1111 : i1 to vector<16xi1>
        %reduce_min3A_1113 = tpu.scan <min>, %min3A_1109 masked %reduce_min3A_1112 : vector<16xf32>, vector<16xi1> -> vector<16xf32>
        %reduce_min3A_1114 = vector.extract %reduce_min3A_1113[15] : f32 from vector<16xf32>
        %broadcast_in_dim3A_1115 = vector.broadcast %reduce_min3A_1114 : f32 to vector<16xf32>
        %select_n3A_1116 = arith.select %eq3A_1110, %broadcast_in_dim3A_1115, %scan3A_985 : vector<16xi1>, vector<16xf32>
        %reduce_min3A_1117 = arith.constant true
        %reduce_min3A_1118 = vector.broadcast %reduce_min3A_1117 : i1 to vector<16xi1>
        %reduce_min3A_1119 = tpu.scan <min>, %scan3A_987 masked %reduce_min3A_1118 : vector<16xf32>, vector<16xi1> -> vector<16xf32>
        %reduce_min3A_1120 = vector.extract %reduce_min3A_1119[15] : f32 from vector<16xf32>
        %broadcast_in_dim3A_1121 = vector.broadcast %reduce_min3A_1120 : f32 to vector<16xf32>
        %eq3A_1122 = arith.cmpf oeq, %scan3A_987, %broadcast_in_dim3A_1121 : vector<16xf32>
        %all_reduce_ffs3A_1123 = tpu.all_reduce %eq3A_1122 {dim = 0 : i64, kind = #tpu.reduction_kind<find_first_set>} : vector<16xi1> -> vector<16xi32>
        %add3A_1124 = arith.constant 0 : i32
        %add3A_1125 = vector.broadcast %add3A_1124 : i32 to vector<16xi32>
        %add3A_1126 = arith.addi %add3A_1125, %iota3A : vector<16xi32>
        %mul3A_1127 = arith.constant 16 : i32
        %mul3A_1128 = vector.broadcast %mul3A_1127 : i32 to vector<16xi32>
        %mul3A_1129 = arith.muli %add3A_1126, %mul3A_1128 : vector<16xi32>
        %add3A_1130 = arith.addi %mul3A_1129, %all_reduce_ffs3A_1123 : vector<16xi32>
        %gather3A_1131 = tpu.vector_load_idx %arg11[%add3A_1130] : memref<768xf32, #tpu.memory_space<vmem>>[vector<16xi32>], vector<16xf32>,
        %eq3A_1132 = arith.cmpf oeq, %gather3A_1131, %broadcast_in_dim3A_1121 : vector<16xf32>
        %all_reduce_ffs3A_1133 = tpu.all_reduce %eq3A_1132 {dim = 0 : i64, kind = #tpu.reduction_kind<find_first_set>} : vector<16xi1> -> vector<16xi32>
        %add3A_1134 = arith.constant 0 : i32
        %add3A_1135 = vector.broadcast %add3A_1134 : i32 to vector<16xi32>
        %add3A_1136 = arith.addi %all_reduce_ffs3A_1133, %add3A_1135 : vector<16xi32>
        %all_reduce_population_count3A_1137 = tpu.all_reduce %eq3A_1132 {dim = 0 : i64, kind = #tpu.reduction_kind<sum>} : vector<16xi1> -> vector<16xi32>
        %add3A_1138 = arith.constant 16 : i32
        %add3A_1139 = vector.broadcast %add3A_1138 : i32 to vector<16xi32>
        %add3A_1140 = arith.addi %add3A_1139, %iota3A : vector<16xi32>
        %mul3A_1141 = arith.constant 16 : i32
        %mul3A_1142 = vector.broadcast %mul3A_1141 : i32 to vector<16xi32>
        %mul3A_1143 = arith.muli %add3A_1140, %mul3A_1142 : vector<16xi32>
        %add3A_1144 = arith.addi %mul3A_1143, %all_reduce_ffs3A_1123 : vector<16xi32>
        %gather3A_1145 = tpu.vector_load_idx %arg11[%add3A_1144] : memref<768xf32, #tpu.memory_space<vmem>>[vector<16xi32>], vector<16xf32>,
        %eq3A_1146 = arith.cmpf oeq, %gather3A_1145, %broadcast_in_dim3A_1121 : vector<16xf32>
        %all_reduce_ffs3A_1147 = tpu.all_reduce %eq3A_1146 {dim = 0 : i64, kind = #tpu.reduction_kind<find_first_set>} : vector<16xi1> -> vector<16xi32>
        %add3A_1148 = arith.constant 16 : i32
        %add3A_1149 = vector.broadcast %add3A_1148 : i32 to vector<16xi32>
        %add3A_1150 = arith.addi %all_reduce_ffs3A_1147, %add3A_1149 : vector<16xi32>
        %all_reduce_population_count3A_1151 = tpu.all_reduce %eq3A_1146 {dim = 0 : i64, kind = #tpu.reduction_kind<sum>} : vector<16xi1> -> vector<16xi32>
        %add3A_1152 = arith.constant 32 : i32
        %add3A_1153 = vector.broadcast %add3A_1152 : i32 to vector<16xi32>
        %add3A_1154 = arith.addi %add3A_1153, %iota3A : vector<16xi32>
        %mul3A_1155 = arith.constant 16 : i32
        %mul3A_1156 = vector.broadcast %mul3A_1155 : i32 to vector<16xi32>
        %mul3A_1157 = arith.muli %add3A_1154, %mul3A_1156 : vector<16xi32>
        %add3A_1158 = arith.addi %mul3A_1157, %all_reduce_ffs3A_1123 : vector<16xi32>
        %gather3A_1159 = tpu.vector_load_idx %arg11[%add3A_1158] : memref<768xf32, #tpu.memory_space<vmem>>[vector<16xi32>], vector<16xf32>,
        %eq3A_1160 = arith.cmpf oeq, %gather3A_1159, %broadcast_in_dim3A_1121 : vector<16xf32>
        %all_reduce_ffs3A_1161 = tpu.all_reduce %eq3A_1160 {dim = 0 : i64, kind = #tpu.reduction_kind<find_first_set>} : vector<16xi1> -> vector<16xi32>
        %add3A_1162 = arith.constant 32 : i32
        %add3A_1163 = vector.broadcast %add3A_1162 : i32 to vector<16xi32>
        %add3A_1164 = arith.addi %all_reduce_ffs3A_1161, %add3A_1163 : vector<16xi32>
        %all_reduce_population_count3A_1165 = tpu.all_reduce %eq3A_1160 {dim = 0 : i64, kind = #tpu.reduction_kind<sum>} : vector<16xi1> -> vector<16xi32>
        %gt3A_1166 = arith.constant 0 : i32
        %gt3A_1167 = vector.broadcast %gt3A_1166 : i32 to vector<16xi32>
        %gt3A_1168 = arith.cmpi sgt, %all_reduce_population_count3A_1137, %gt3A_1167 : vector<16xi32>
        %gt3A_1169 = arith.constant 0 : i32
        %gt3A_1170 = vector.broadcast %gt3A_1169 : i32 to vector<16xi32>
        %gt3A_1171 = arith.cmpi sgt, %all_reduce_population_count3A_1151, %gt3A_1170 : vector<16xi32>
        %select_n3A_1172 = arith.select %gt3A_1171, %add3A_1150, %add3A_1164 : vector<16xi1>, vector<16xi32>
        %select_n3A_1173 = arith.select %gt3A_1168, %add3A_1136, %select_n3A_1172 : vector<16xi1>, vector<16xi32>
        %mul3A_1174 = arith.constant 16 : i32
        %mul3A_1175 = vector.broadcast %mul3A_1174 : i32 to vector<16xi32>
        %mul3A_1176 = arith.muli %select_n3A_1173, %mul3A_1175 : vector<16xi32>
        %add3A_1177 = arith.addi %mul3A_1176, %iota3A : vector<16xi32>
        %mul3A_1178 = arith.constant 16 : i32
        %mul3A_1179 = vector.broadcast %mul3A_1178 : i32 to vector<16xi32>
        %mul3A_1180 = arith.muli %add3A_1177, %mul3A_1179 : vector<16xi32>
        %add3A_1181 = arith.addi %mul3A_1180, %all_reduce_ffs3A_1123 : vector<16xi32>
        %gather3A_1182 = tpu.vector_load_idx %arg6[%add3A_1181] : memref<10240xf32, #tpu.memory_space<vmem>>[vector<16xi32>], vector<16xf32>,
        %mul3A_1183 = arith.mulf %gather3A_1182, %broadcast_in_dim3A_315 : vector<16xf32>
        %gather3A_1184 = tpu.vector_load_idx %arg7[%add3A_1181] : memref<10240xf32, #tpu.memory_space<vmem>>[vector<16xi32>], vector<16xf32>,
        %mul3A_1185 = arith.mulf %gather3A_1184, %broadcast_in_dim3A_370 : vector<16xf32>
        %add3A_1186 = arith.addf %mul3A_1183, %mul3A_1185 : vector<16xf32>
        %gather3A_1187 = tpu.vector_load_idx %arg8[%add3A_1181] : memref<10240xf32, #tpu.memory_space<vmem>>[vector<16xi32>], vector<16xf32>,
        %mul3A_1188 = arith.mulf %gather3A_1187, %broadcast_in_dim3A_425 : vector<16xf32>
        %add3A_1189 = arith.addf %add3A_1186, %mul3A_1188 : vector<16xf32>
        %gather3A_1190 = tpu.vector_load_idx %arg9[%add3A_1181] : memref<10240xf32, #tpu.memory_space<vmem>>[vector<16xi32>], vector<16xf32>,
        %add3A_1191 = arith.addf %broadcast_in_dim3A_480, %gather3A_1190 : vector<16xf32>
        %mul3A_1192 = arith.constant 2.000000e+00 : f32
        %mul3A_1193 = vector.broadcast %mul3A_1192 : f32 to vector<16xf32>
        %mul3A_1194 = arith.mulf %mul3A_1193, %add3A_1189 : vector<16xf32>
        %sub3A_1195 = arith.subf %add3A_1191, %mul3A_1194 : vector<16xf32>
        %mul3A_1196 = arith.constant 16 : i32
        %mul3A_1197 = vector.broadcast %mul3A_1196 : i32 to vector<16xi32>
        %mul3A_1198 = arith.muli %select_n3A_1173, %mul3A_1197 : vector<16xi32>
        %eq3A_1199 = arith.cmpf oeq, %sub3A_1195, %broadcast_in_dim3A_1121 : vector<16xf32>
        %all_reduce_ffs3A_1200 = tpu.all_reduce %eq3A_1199 {dim = 0 : i64, kind = #tpu.reduction_kind<find_first_set>} : vector<16xi1> -> vector<16xi32>
        %add3A_1201 = arith.addi %mul3A_1198, %all_reduce_ffs3A_1200 : vector<16xi32>
        %mul3A_1202 = arith.constant 16 : i32
        %mul3A_1203 = vector.broadcast %mul3A_1202 : i32 to vector<16xi32>
        %mul3A_1204 = arith.muli %add3A_1201, %mul3A_1203 : vector<16xi32>
        %add3A_1205 = arith.addi %mul3A_1204, %all_reduce_ffs3A_1123 : vector<16xi32>
        %eq3A_1206 = vector.broadcast %scan3A_984 : i32 to vector<16xi32>
        %eq3A_1207 = arith.cmpi eq, %iota3A, %eq3A_1206 : vector<16xi32>
        %select_n3A_1208 = arith.select %eq3A_1207, %add3A_1205, %scan3A_988 : vector<16xi1>, vector<16xi32>
        %le3A_1209 = arith.cmpf ole, %sub3A_1195, %broadcast_in_dim3A_1121 : vector<16xf32>
        %jit3A_1210 = arith.constant 3.000000e+38 : f32
        %broadcast_in_dim3A_1211 = vector.broadcast %jit3A_1210 : f32 to vector<16xf32>
        %select_n3A_1212 = arith.select %le3A_1209, %broadcast_in_dim3A_1211, %sub3A_1195 : vector<16xi1>, vector<16xf32>
        %reduce_min3A_1213 = arith.constant true
        %reduce_min3A_1214 = vector.broadcast %reduce_min3A_1213 : i1 to vector<16xi1>
        %reduce_min3A_1215 = tpu.scan <min>, %select_n3A_1212 masked %reduce_min3A_1214 : vector<16xf32>, vector<16xi1> -> vector<16xf32>
        %reduce_min3A_1216 = vector.extract %reduce_min3A_1215[15] : f32 from vector<16xf32>
        %broadcast_in_dim3A_1217 = vector.broadcast %reduce_min3A_1216 : f32 to vector<16xf32>
        %mul3A_1218 = arith.constant 16 : i32
        %mul3A_1219 = vector.broadcast %mul3A_1218 : i32 to vector<16xi32>
        %mul3A_1220 = arith.muli %select_n3A_1173, %mul3A_1219 : vector<16xi32>
        %add3A_1221 = arith.addi %mul3A_1220, %all_reduce_ffs3A_1123 : vector<16xi32>
        %eq3A_1222 = arith.constant 0 : i32
        %eq3A_1223 = vector.broadcast %eq3A_1222 : i32 to vector<16xi32>
        %eq3A_1224 = arith.cmpi eq, %iota3A, %eq3A_1223 : vector<16xi32>
        tpu.vector_store_idx %arg11[%add3A_1221], %broadcast_in_dim3A_1217 masked %eq3A_1224 : memref<768xf32, #tpu.memory_space<vmem>>[vector<16xi32>], vector<16xf32>, vector<16xi1>
        %add3A_1225 = arith.constant 0 : i32
        %add3A_1226 = vector.broadcast %add3A_1225 : i32 to vector<16xi32>
        %add3A_1227 = arith.addi %add3A_1226, %iota3A : vector<16xi32>
        %eq3A_1228 = arith.cmpi eq, %add3A_1227, %select_n3A_1173 : vector<16xi32>
        %select_n3A_1229 = arith.select %eq3A_1228, %broadcast_in_dim3A_1217, %gather3A_1131 : vector<16xi1>, vector<16xf32>
        %min3A_1230 = arith.minimumf %broadcast_in_dim3A_1, %select_n3A_1229 : vector<16xf32>
        %add3A_1231 = arith.constant 16 : i32
        %add3A_1232 = vector.broadcast %add3A_1231 : i32 to vector<16xi32>
        %add3A_1233 = arith.addi %add3A_1232, %iota3A : vector<16xi32>
        %eq3A_1234 = arith.cmpi eq, %add3A_1233, %select_n3A_1173 : vector<16xi32>
        %select_n3A_1235 = arith.select %eq3A_1234, %broadcast_in_dim3A_1217, %gather3A_1145 : vector<16xi1>, vector<16xf32>
        %min3A_1236 = arith.minimumf %min3A_1230, %select_n3A_1235 : vector<16xf32>
        %add3A_1237 = arith.constant 32 : i32
        %add3A_1238 = vector.broadcast %add3A_1237 : i32 to vector<16xi32>
        %add3A_1239 = arith.addi %add3A_1238, %iota3A : vector<16xi32>
        %eq3A_1240 = arith.cmpi eq, %add3A_1239, %select_n3A_1173 : vector<16xi32>
        %select_n3A_1241 = arith.select %eq3A_1240, %broadcast_in_dim3A_1217, %gather3A_1159 : vector<16xi1>, vector<16xf32>
        %min3A_1242 = arith.minimumf %min3A_1236, %select_n3A_1241 : vector<16xf32>
        %eq3A_1243 = arith.cmpi eq, %iota3A, %all_reduce_ffs3A_1123 : vector<16xi32>
        %reduce_min3A_1244 = arith.constant true
        %reduce_min3A_1245 = vector.broadcast %reduce_min3A_1244 : i1 to vector<16xi1>
        %reduce_min3A_1246 = tpu.scan <min>, %min3A_1242 masked %reduce_min3A_1245 : vector<16xf32>, vector<16xi1> -> vector<16xf32>
        %reduce_min3A_1247 = vector.extract %reduce_min3A_1246[15] : f32 from vector<16xf32>
        %broadcast_in_dim3A_1248 = vector.broadcast %reduce_min3A_1247 : f32 to vector<16xf32>
        %select_n3A_1249 = arith.select %eq3A_1243, %broadcast_in_dim3A_1248, %scan3A_987 : vector<16xi1>, vector<16xf32>
        scf.yield %select_n3A_1116, %select_n3A_1076, %select_n3A_1249, %select_n3A_1208 : vector<16xf32>, vector<16xi32>, vector<16xf32>, vector<16xi32>
      }
      %scan3A_494 = arith.constant 16 : i32
      %min3A = arith.constant 10111 : i32
      %min3A_495 = vector.broadcast %min3A : i32 to vector<16xi32>
      %min3A_496 = arith.minsi %scan3A_493#1, %min3A_495 : vector<16xi32>
      %swap3A_497 = arith.constant 0 : index
      %swap3A_498 = tpu.vector_load %arg12[%swap3A_497] {strides = array<i32>} : memref<64xi32, #tpu.memory_space<vmem>>, vector<16xi32>,
      tpu.vector_store %arg12[%swap3A_497], %min3A_496 {strides = array<i32>} : memref<64xi32, #tpu.memory_space<vmem>>, vector<16xi32>,
      %min3A_499 = arith.constant 10111 : i32
      %min3A_500 = vector.broadcast %min3A_499 : i32 to vector<16xi32>
      %min3A_501 = arith.minsi %scan3A_493#3, %min3A_500 : vector<16xi32>
      %swap3A_502 = arith.constant 16 : index
      %swap3A_503 = tpu.vector_load %arg12[%swap3A_502] {strides = array<i32>} : memref<64xi32, #tpu.memory_space<vmem>>, vector<16xi32>,
      tpu.vector_store %arg12[%swap3A_502], %min3A_501 {strides = array<i32>} : memref<64xi32, #tpu.memory_space<vmem>>, vector<16xi32>,
      %mul3A_504 = arith.constant 316 : i32
      %mul3A_505 = arith.muli %add3A, %mul3A_504 : i32
      %mul3A_506 = arith.constant 4 : i32
      %mul3A_507 = arith.muli %scan3A_44, %mul3A_506 : i32
      %add3A_508 = arith.addi %mul3A_505, %mul3A_507 : i32
      %add3A_509 = arith.constant 2 : i32
      %add3A_510 = arith.addi %add3A_508, %add3A_509 : i32
      %add3A_511 = arith.constant 1 : i32
      %add3A_512 = arith.addi %add3A_510, %add3A_511 : i32
      %jit3A_513 = arith.constant 16 : i32
      %div3A_514 = arith.divsi %add3A_510, %jit3A_513 : i32
      %sign3A_515 = arith.constant 0 : i32
      %sign3A_516 = arith.cmpi sgt, %add3A_510, %sign3A_515 : i32
      %sign3A_517 = arith.extui %sign3A_516 : i1 to i32
      %sign3A_518 = arith.constant 0 : i32
      %sign3A_519 = arith.cmpi slt, %add3A_510, %sign3A_518 : i32
      %sign3A_520 = arith.extui %sign3A_519 : i1 to i32
      %sign3A_521 = arith.subi %sign3A_517, %sign3A_520 : i32
      %sign3A_522 = arith.constant 0 : i32
      %sign3A_523 = arith.cmpi sgt, %jit3A_513, %sign3A_522 : i32
      %sign3A_524 = arith.extui %sign3A_523 : i1 to i32
      %sign3A_525 = arith.constant 0 : i32
      %sign3A_526 = arith.cmpi slt, %jit3A_513, %sign3A_525 : i32
      %sign3A_527 = arith.extui %sign3A_526 : i1 to i32
      %sign3A_528 = arith.subi %sign3A_524, %sign3A_527 : i32
      %ne3A_529 = arith.cmpi ne, %sign3A_521, %sign3A_528 : i32
      %rem3A_530 = arith.remsi %add3A_510, %jit3A_513 : i32
      %ne3A_531 = arith.constant 0 : i32
      %ne3A_532 = arith.cmpi ne, %rem3A_530, %ne3A_531 : i32
      %and3A_533 = arith.andi %ne3A_529, %ne3A_532 : i1
      %sub3A_534 = arith.constant 1 : i32
      %sub3A_535 = arith.subi %div3A_514, %sub3A_534 : i32
      %select_n3A_536 = arith.select %and3A_533, %sub3A_535, %div3A_514 : i32
      %mul3A_537 = arith.constant 16 : i32
      %mul3A_538 = arith.muli %select_n3A_536, %mul3A_537 : i32
      %multiple_of3A_539 = tpu.assume_multiple %mul3A_538, 16 : i32
      %get3A_540 = arith.index_cast %multiple_of3A_539 : i32 to index
      %get3A_541 = tpu.vector_load %arg6[%get3A_540] {strides = array<i32>} : memref<10240xf32, #tpu.memory_space<vmem>>, vector<16xf32>,
      %jit3A_542 = arith.constant 16 : i32
      %eq3A_543 = arith.constant 0 : i32
      %eq3A_544 = arith.cmpi eq, %jit3A_542, %eq3A_543 : i32
      %jit3A_545 = arith.constant 1 : i32
      %select_n3A_546 = arith.select %eq3A_544, %jit3A_545, %jit3A_542 : i32
      %rem3A_547 = arith.remsi %add3A_510, %select_n3A_546 : i32
      %ne3A_548 = arith.constant 0 : i32
      %ne3A_549 = arith.cmpi ne, %rem3A_547, %ne3A_548 : i32
      %lt3A_550 = arith.constant 0 : i32
      %lt3A_551 = arith.cmpi slt, %rem3A_547, %lt3A_550 : i32
      %lt3A_552 = arith.constant 0 : i32
      %lt3A_553 = arith.cmpi slt, %select_n3A_546, %lt3A_552 : i32
      %ne3A_554 = arith.xori %lt3A_551, %lt3A_553 : i1
      %and3A_555 = arith.andi %ne3A_554, %ne3A_549 : i1
      %add3A_556 = arith.addi %rem3A_547, %select_n3A_546 : i32
      %select_n3A_557 = arith.select %and3A_555, %add3A_556, %rem3A_547 : i32
      %eq3A_558 = vector.broadcast %select_n3A_557 : i32 to vector<16xi32>
      %eq3A_559 = arith.cmpi eq, %iota3A, %eq3A_558 : vector<16xi32>
      %jit3A_560 = arith.constant 3.000000e+38 : f32
      %broadcast_in_dim3A_561 = vector.broadcast %jit3A_560 : f32 to vector<16xf32>
      %select_n3A_562 = arith.select %eq3A_559, %get3A_541, %broadcast_in_dim3A_561 : vector<16xi1>, vector<16xf32>
      %reduce_min3A_563 = arith.constant true
      %reduce_min3A_564 = vector.broadcast %reduce_min3A_563 : i1 to vector<16xi1>
      %reduce_min3A_565 = tpu.scan <min>, %select_n3A_562 masked %reduce_min3A_564 : vector<16xf32>, vector<16xi1> -> vector<16xf32>
      %reduce_min3A_566 = vector.extract %reduce_min3A_565[15] : f32 from vector<16xf32>
      %broadcast_in_dim3A_567 = vector.broadcast %reduce_min3A_566 : f32 to vector<16xf32>
      %jit3A_568 = arith.constant 16 : i32
      %div3A_569 = arith.divsi %add3A_510, %jit3A_568 : i32
      %sign3A_570 = arith.constant 0 : i32
      %sign3A_571 = arith.cmpi sgt, %add3A_510, %sign3A_570 : i32
      %sign3A_572 = arith.extui %sign3A_571 : i1 to i32
      %sign3A_573 = arith.constant 0 : i32
      %sign3A_574 = arith.cmpi slt, %add3A_510, %sign3A_573 : i32
      %sign3A_575 = arith.extui %sign3A_574 : i1 to i32
      %sign3A_576 = arith.subi %sign3A_572, %sign3A_575 : i32
      %sign3A_577 = arith.constant 0 : i32
      %sign3A_578 = arith.cmpi sgt, %jit3A_568, %sign3A_577 : i32
      %sign3A_579 = arith.extui %sign3A_578 : i1 to i32
      %sign3A_580 = arith.constant 0 : i32
      %sign3A_581 = arith.cmpi slt, %jit3A_568, %sign3A_580 : i32
      %sign3A_582 = arith.extui %sign3A_581 : i1 to i32
      %sign3A_583 = arith.subi %sign3A_579, %sign3A_582 : i32
      %ne3A_584 = arith.cmpi ne, %sign3A_576, %sign3A_583 : i32
      %rem3A_585 = arith.remsi %add3A_510, %jit3A_568 : i32
      %ne3A_586 = arith.constant 0 : i32
      %ne3A_587 = arith.cmpi ne, %rem3A_585, %ne3A_586 : i32
      %and3A_588 = arith.andi %ne3A_584, %ne3A_587 : i1
      %sub3A_589 = arith.constant 1 : i32
      %sub3A_590 = arith.subi %div3A_569, %sub3A_589 : i32
      %select_n3A_591 = arith.select %and3A_588, %sub3A_590, %div3A_569 : i32
      %mul3A_592 = arith.constant 16 : i32
      %mul3A_593 = arith.muli %select_n3A_591, %mul3A_592 : i32
      %multiple_of3A_594 = tpu.assume_multiple %mul3A_593, 16 : i32
      %get3A_595 = arith.index_cast %multiple_of3A_594 : i32 to index
      %get3A_596 = tpu.vector_load %arg7[%get3A_595] {strides = array<i32>} : memref<10240xf32, #tpu.memory_space<vmem>>, vector<16xf32>,
      %jit3A_597 = arith.constant 16 : i32
      %eq3A_598 = arith.constant 0 : i32
      %eq3A_599 = arith.cmpi eq, %jit3A_597, %eq3A_598 : i32
      %jit3A_600 = arith.constant 1 : i32
      %select_n3A_601 = arith.select %eq3A_599, %jit3A_600, %jit3A_597 : i32
      %rem3A_602 = arith.remsi %add3A_510, %select_n3A_601 : i32
      %ne3A_603 = arith.constant 0 : i32
      %ne3A_604 = arith.cmpi ne, %rem3A_602, %ne3A_603 : i32
      %lt3A_605 = arith.constant 0 : i32
      %lt3A_606 = arith.cmpi slt, %rem3A_602, %lt3A_605 : i32
      %lt3A_607 = arith.constant 0 : i32
      %lt3A_608 = arith.cmpi slt, %select_n3A_601, %lt3A_607 : i32
      %ne3A_609 = arith.xori %lt3A_606, %lt3A_608 : i1
      %and3A_610 = arith.andi %ne3A_609, %ne3A_604 : i1
      %add3A_611 = arith.addi %rem3A_602, %select_n3A_601 : i32
      %select_n3A_612 = arith.select %and3A_610, %add3A_611, %rem3A_602 : i32
      %eq3A_613 = vector.broadcast %select_n3A_612 : i32 to vector<16xi32>
      %eq3A_614 = arith.cmpi eq, %iota3A, %eq3A_613 : vector<16xi32>
      %jit3A_615 = arith.constant 3.000000e+38 : f32
      %broadcast_in_dim3A_616 = vector.broadcast %jit3A_615 : f32 to vector<16xf32>
      %select_n3A_617 = arith.select %eq3A_614, %get3A_596, %broadcast_in_dim3A_616 : vector<16xi1>, vector<16xf32>
      %reduce_min3A_618 = arith.constant true
      %reduce_min3A_619 = vector.broadcast %reduce_min3A_618 : i1 to vector<16xi1>
      %reduce_min3A_620 = tpu.scan <min>, %select_n3A_617 masked %reduce_min3A_619 : vector<16xf32>, vector<16xi1> -> vector<16xf32>
      %reduce_min3A_621 = vector.extract %reduce_min3A_620[15] : f32 from vector<16xf32>
      %broadcast_in_dim3A_622 = vector.broadcast %reduce_min3A_621 : f32 to vector<16xf32>
      %jit3A_623 = arith.constant 16 : i32
      %div3A_624 = arith.divsi %add3A_510, %jit3A_623 : i32
      %sign3A_625 = arith.constant 0 : i32
      %sign3A_626 = arith.cmpi sgt, %add3A_510, %sign3A_625 : i32
      %sign3A_627 = arith.extui %sign3A_626 : i1 to i32
      %sign3A_628 = arith.constant 0 : i32
      %sign3A_629 = arith.cmpi slt, %add3A_510, %sign3A_628 : i32
      %sign3A_630 = arith.extui %sign3A_629 : i1 to i32
      %sign3A_631 = arith.subi %sign3A_627, %sign3A_630 : i32
      %sign3A_632 = arith.constant 0 : i32
      %sign3A_633 = arith.cmpi sgt, %jit3A_623, %sign3A_632 : i32
      %sign3A_634 = arith.extui %sign3A_633 : i1 to i32
      %sign3A_635 = arith.constant 0 : i32
      %sign3A_636 = arith.cmpi slt, %jit3A_623, %sign3A_635 : i32
      %sign3A_637 = arith.extui %sign3A_636 : i1 to i32
      %sign3A_638 = arith.subi %sign3A_634, %sign3A_637 : i32
      %ne3A_639 = arith.cmpi ne, %sign3A_631, %sign3A_638 : i32
      %rem3A_640 = arith.remsi %add3A_510, %jit3A_623 : i32
      %ne3A_641 = arith.constant 0 : i32
      %ne3A_642 = arith.cmpi ne, %rem3A_640, %ne3A_641 : i32
      %and3A_643 = arith.andi %ne3A_639, %ne3A_642 : i1
      %sub3A_644 = arith.constant 1 : i32
      %sub3A_645 = arith.subi %div3A_624, %sub3A_644 : i32
      %select_n3A_646 = arith.select %and3A_643, %sub3A_645, %div3A_624 : i32
      %mul3A_647 = arith.constant 16 : i32
      %mul3A_648 = arith.muli %select_n3A_646, %mul3A_647 : i32
      %multiple_of3A_649 = tpu.assume_multiple %mul3A_648, 16 : i32
      %get3A_650 = arith.index_cast %multiple_of3A_649 : i32 to index
      %get3A_651 = tpu.vector_load %arg8[%get3A_650] {strides = array<i32>} : memref<10240xf32, #tpu.memory_space<vmem>>, vector<16xf32>,
      %jit3A_652 = arith.constant 16 : i32
      %eq3A_653 = arith.constant 0 : i32
      %eq3A_654 = arith.cmpi eq, %jit3A_652, %eq3A_653 : i32
      %jit3A_655 = arith.constant 1 : i32
      %select_n3A_656 = arith.select %eq3A_654, %jit3A_655, %jit3A_652 : i32
      %rem3A_657 = arith.remsi %add3A_510, %select_n3A_656 : i32
      %ne3A_658 = arith.constant 0 : i32
      %ne3A_659 = arith.cmpi ne, %rem3A_657, %ne3A_658 : i32
      %lt3A_660 = arith.constant 0 : i32
      %lt3A_661 = arith.cmpi slt, %rem3A_657, %lt3A_660 : i32
      %lt3A_662 = arith.constant 0 : i32
      %lt3A_663 = arith.cmpi slt, %select_n3A_656, %lt3A_662 : i32
      %ne3A_664 = arith.xori %lt3A_661, %lt3A_663 : i1
      %and3A_665 = arith.andi %ne3A_664, %ne3A_659 : i1
      %add3A_666 = arith.addi %rem3A_657, %select_n3A_656 : i32
      %select_n3A_667 = arith.select %and3A_665, %add3A_666, %rem3A_657 : i32
      %eq3A_668 = vector.broadcast %select_n3A_667 : i32 to vector<16xi32>
      %eq3A_669 = arith.cmpi eq, %iota3A, %eq3A_668 : vector<16xi32>
      %jit3A_670 = arith.constant 3.000000e+38 : f32
      %broadcast_in_dim3A_671 = vector.broadcast %jit3A_670 : f32 to vector<16xf32>
      %select_n3A_672 = arith.select %eq3A_669, %get3A_651, %broadcast_in_dim3A_671 : vector<16xi1>, vector<16xf32>
      %reduce_min3A_673 = arith.constant true
      %reduce_min3A_674 = vector.broadcast %reduce_min3A_673 : i1 to vector<16xi1>
      %reduce_min3A_675 = tpu.scan <min>, %select_n3A_672 masked %reduce_min3A_674 : vector<16xf32>, vector<16xi1> -> vector<16xf32>
      %reduce_min3A_676 = vector.extract %reduce_min3A_675[15] : f32 from vector<16xf32>
      %broadcast_in_dim3A_677 = vector.broadcast %reduce_min3A_676 : f32 to vector<16xf32>
      %jit3A_678 = arith.constant 16 : i32
      %div3A_679 = arith.divsi %add3A_510, %jit3A_678 : i32
      %sign3A_680 = arith.constant 0 : i32
      %sign3A_681 = arith.cmpi sgt, %add3A_510, %sign3A_680 : i32
      %sign3A_682 = arith.extui %sign3A_681 : i1 to i32
      %sign3A_683 = arith.constant 0 : i32
      %sign3A_684 = arith.cmpi slt, %add3A_510, %sign3A_683 : i32
      %sign3A_685 = arith.extui %sign3A_684 : i1 to i32
      %sign3A_686 = arith.subi %sign3A_682, %sign3A_685 : i32
      %sign3A_687 = arith.constant 0 : i32
      %sign3A_688 = arith.cmpi sgt, %jit3A_678, %sign3A_687 : i32
      %sign3A_689 = arith.extui %sign3A_688 : i1 to i32
      %sign3A_690 = arith.constant 0 : i32
      %sign3A_691 = arith.cmpi slt, %jit3A_678, %sign3A_690 : i32
      %sign3A_692 = arith.extui %sign3A_691 : i1 to i32
      %sign3A_693 = arith.subi %sign3A_689, %sign3A_692 : i32
      %ne3A_694 = arith.cmpi ne, %sign3A_686, %sign3A_693 : i32
      %rem3A_695 = arith.remsi %add3A_510, %jit3A_678 : i32
      %ne3A_696 = arith.constant 0 : i32
      %ne3A_697 = arith.cmpi ne, %rem3A_695, %ne3A_696 : i32
      %and3A_698 = arith.andi %ne3A_694, %ne3A_697 : i1
      %sub3A_699 = arith.constant 1 : i32
      %sub3A_700 = arith.subi %div3A_679, %sub3A_699 : i32
      %select_n3A_701 = arith.select %and3A_698, %sub3A_700, %div3A_679 : i32
      %mul3A_702 = arith.constant 16 : i32
      %mul3A_703 = arith.muli %select_n3A_701, %mul3A_702 : i32
      %multiple_of3A_704 = tpu.assume_multiple %mul3A_703, 16 : i32
      %get3A_705 = arith.index_cast %multiple_of3A_704 : i32 to index
      %get3A_706 = tpu.vector_load %arg9[%get3A_705] {strides = array<i32>} : memref<10240xf32, #tpu.memory_space<vmem>>, vector<16xf32>,
      %jit3A_707 = arith.constant 16 : i32
      %eq3A_708 = arith.constant 0 : i32
      %eq3A_709 = arith.cmpi eq, %jit3A_707, %eq3A_708 : i32
      %jit3A_710 = arith.constant 1 : i32
      %select_n3A_711 = arith.select %eq3A_709, %jit3A_710, %jit3A_707 : i32
      %rem3A_712 = arith.remsi %add3A_510, %select_n3A_711 : i32
      %ne3A_713 = arith.constant 0 : i32
      %ne3A_714 = arith.cmpi ne, %rem3A_712, %ne3A_713 : i32
      %lt3A_715 = arith.constant 0 : i32
      %lt3A_716 = arith.cmpi slt, %rem3A_712, %lt3A_715 : i32
      %lt3A_717 = arith.constant 0 : i32
      %lt3A_718 = arith.cmpi slt, %select_n3A_711, %lt3A_717 : i32
      %ne3A_719 = arith.xori %lt3A_716, %lt3A_718 : i1
      %and3A_720 = arith.andi %ne3A_719, %ne3A_714 : i1
      %add3A_721 = arith.addi %rem3A_712, %select_n3A_711 : i32
      %select_n3A_722 = arith.select %and3A_720, %add3A_721, %rem3A_712 : i32
      %eq3A_723 = vector.broadcast %select_n3A_722 : i32 to vector<16xi32>
      %eq3A_724 = arith.cmpi eq, %iota3A, %eq3A_723 : vector<16xi32>
      %jit3A_725 = arith.constant 3.000000e+38 : f32
      %broadcast_in_dim3A_726 = vector.broadcast %jit3A_725 : f32 to vector<16xf32>
      %select_n3A_727 = arith.select %eq3A_724, %get3A_706, %broadcast_in_dim3A_726 : vector<16xi1>, vector<16xf32>
      %reduce_min3A_728 = arith.constant true
      %reduce_min3A_729 = vector.broadcast %reduce_min3A_728 : i1 to vector<16xi1>
      %reduce_min3A_730 = tpu.scan <min>, %select_n3A_727 masked %reduce_min3A_729 : vector<16xf32>, vector<16xi1> -> vector<16xf32>
      %reduce_min3A_731 = vector.extract %reduce_min3A_730[15] : f32 from vector<16xf32>
      %broadcast_in_dim3A_732 = vector.broadcast %reduce_min3A_731 : f32 to vector<16xf32>
      %jit3A_733 = arith.constant 16 : i32
      %div3A_734 = arith.divsi %add3A_512, %jit3A_733 : i32
      %sign3A_735 = arith.constant 0 : i32
      %sign3A_736 = arith.cmpi sgt, %add3A_512, %sign3A_735 : i32
      %sign3A_737 = arith.extui %sign3A_736 : i1 to i32
      %sign3A_738 = arith.constant 0 : i32
      %sign3A_739 = arith.cmpi slt, %add3A_512, %sign3A_738 : i32
      %sign3A_740 = arith.extui %sign3A_739 : i1 to i32
      %sign3A_741 = arith.subi %sign3A_737, %sign3A_740 : i32
      %sign3A_742 = arith.constant 0 : i32
      %sign3A_743 = arith.cmpi sgt, %jit3A_733, %sign3A_742 : i32
      %sign3A_744 = arith.extui %sign3A_743 : i1 to i32
      %sign3A_745 = arith.constant 0 : i32
      %sign3A_746 = arith.cmpi slt, %jit3A_733, %sign3A_745 : i32
      %sign3A_747 = arith.extui %sign3A_746 : i1 to i32
      %sign3A_748 = arith.subi %sign3A_744, %sign3A_747 : i32
      %ne3A_749 = arith.cmpi ne, %sign3A_741, %sign3A_748 : i32
      %rem3A_750 = arith.remsi %add3A_512, %jit3A_733 : i32
      %ne3A_751 = arith.constant 0 : i32
      %ne3A_752 = arith.cmpi ne, %rem3A_750, %ne3A_751 : i32
      %and3A_753 = arith.andi %ne3A_749, %ne3A_752 : i1
      %sub3A_754 = arith.constant 1 : i32
      %sub3A_755 = arith.subi %div3A_734, %sub3A_754 : i32
      %select_n3A_756 = arith.select %and3A_753, %sub3A_755, %div3A_734 : i32
      %mul3A_757 = arith.constant 16 : i32
      %mul3A_758 = arith.muli %select_n3A_756, %mul3A_757 : i32
      %multiple_of3A_759 = tpu.assume_multiple %mul3A_758, 16 : i32
      %get3A_760 = arith.index_cast %multiple_of3A_759 : i32 to index
      %get3A_761 = tpu.vector_load %arg6[%get3A_760] {strides = array<i32>} : memref<10240xf32, #tpu.memory_space<vmem>>, vector<16xf32>,
      %jit3A_762 = arith.constant 16 : i32
      %eq3A_763 = arith.constant 0 : i32
      %eq3A_764 = arith.cmpi eq, %jit3A_762, %eq3A_763 : i32
      %jit3A_765 = arith.constant 1 : i32
      %select_n3A_766 = arith.select %eq3A_764, %jit3A_765, %jit3A_762 : i32
      %rem3A_767 = arith.remsi %add3A_512, %select_n3A_766 : i32
      %ne3A_768 = arith.constant 0 : i32
      %ne3A_769 = arith.cmpi ne, %rem3A_767, %ne3A_768 : i32
      %lt3A_770 = arith.constant 0 : i32
      %lt3A_771 = arith.cmpi slt, %rem3A_767, %lt3A_770 : i32
      %lt3A_772 = arith.constant 0 : i32
      %lt3A_773 = arith.cmpi slt, %select_n3A_766, %lt3A_772 : i32
      %ne3A_774 = arith.xori %lt3A_771, %lt3A_773 : i1
      %and3A_775 = arith.andi %ne3A_774, %ne3A_769 : i1
      %add3A_776 = arith.addi %rem3A_767, %select_n3A_766 : i32
      %select_n3A_777 = arith.select %and3A_775, %add3A_776, %rem3A_767 : i32
      %eq3A_778 = vector.broadcast %select_n3A_777 : i32 to vector<16xi32>
      %eq3A_779 = arith.cmpi eq, %iota3A, %eq3A_778 : vector<16xi32>
      %jit3A_780 = arith.constant 3.000000e+38 : f32
      %broadcast_in_dim3A_781 = vector.broadcast %jit3A_780 : f32 to vector<16xf32>
      %select_n3A_782 = arith.select %eq3A_779, %get3A_761, %broadcast_in_dim3A_781 : vector<16xi1>, vector<16xf32>
      %reduce_min3A_783 = arith.constant true
      %reduce_min3A_784 = vector.broadcast %reduce_min3A_783 : i1 to vector<16xi1>
      %reduce_min3A_785 = tpu.scan <min>, %select_n3A_782 masked %reduce_min3A_784 : vector<16xf32>, vector<16xi1> -> vector<16xf32>
      %reduce_min3A_786 = vector.extract %reduce_min3A_785[15] : f32 from vector<16xf32>
      %broadcast_in_dim3A_787 = vector.broadcast %reduce_min3A_786 : f32 to vector<16xf32>
      %jit3A_788 = arith.constant 16 : i32
      %div3A_789 = arith.divsi %add3A_512, %jit3A_788 : i32
      %sign3A_790 = arith.constant 0 : i32
      %sign3A_791 = arith.cmpi sgt, %add3A_512, %sign3A_790 : i32
      %sign3A_792 = arith.extui %sign3A_791 : i1 to i32
      %sign3A_793 = arith.constant 0 : i32
      %sign3A_794 = arith.cmpi slt, %add3A_512, %sign3A_793 : i32
      %sign3A_795 = arith.extui %sign3A_794 : i1 to i32
      %sign3A_796 = arith.subi %sign3A_792, %sign3A_795 : i32
      %sign3A_797 = arith.constant 0 : i32
      %sign3A_798 = arith.cmpi sgt, %jit3A_788, %sign3A_797 : i32
      %sign3A_799 = arith.extui %sign3A_798 : i1 to i32
      %sign3A_800 = arith.constant 0 : i32
      %sign3A_801 = arith.cmpi slt, %jit3A_788, %sign3A_800 : i32
      %sign3A_802 = arith.extui %sign3A_801 : i1 to i32
      %sign3A_803 = arith.subi %sign3A_799, %sign3A_802 : i32
      %ne3A_804 = arith.cmpi ne, %sign3A_796, %sign3A_803 : i32
      %rem3A_805 = arith.remsi %add3A_512, %jit3A_788 : i32
      %ne3A_806 = arith.constant 0 : i32
      %ne3A_807 = arith.cmpi ne, %rem3A_805, %ne3A_806 : i32
      %and3A_808 = arith.andi %ne3A_804, %ne3A_807 : i1
      %sub3A_809 = arith.constant 1 : i32
      %sub3A_810 = arith.subi %div3A_789, %sub3A_809 : i32
      %select_n3A_811 = arith.select %and3A_808, %sub3A_810, %div3A_789 : i32
      %mul3A_812 = arith.constant 16 : i32
      %mul3A_813 = arith.muli %select_n3A_811, %mul3A_812 : i32
      %multiple_of3A_814 = tpu.assume_multiple %mul3A_813, 16 : i32
      %get3A_815 = arith.index_cast %multiple_of3A_814 : i32 to index
      %get3A_816 = tpu.vector_load %arg7[%get3A_815] {strides = array<i32>} : memref<10240xf32, #tpu.memory_space<vmem>>, vector<16xf32>,
      %jit3A_817 = arith.constant 16 : i32
      %eq3A_818 = arith.constant 0 : i32
      %eq3A_819 = arith.cmpi eq, %jit3A_817, %eq3A_818 : i32
      %jit3A_820 = arith.constant 1 : i32
      %select_n3A_821 = arith.select %eq3A_819, %jit3A_820, %jit3A_817 : i32
      %rem3A_822 = arith.remsi %add3A_512, %select_n3A_821 : i32
      %ne3A_823 = arith.constant 0 : i32
      %ne3A_824 = arith.cmpi ne, %rem3A_822, %ne3A_823 : i32
      %lt3A_825 = arith.constant 0 : i32
      %lt3A_826 = arith.cmpi slt, %rem3A_822, %lt3A_825 : i32
      %lt3A_827 = arith.constant 0 : i32
      %lt3A_828 = arith.cmpi slt, %select_n3A_821, %lt3A_827 : i32
      %ne3A_829 = arith.xori %lt3A_826, %lt3A_828 : i1
      %and3A_830 = arith.andi %ne3A_829, %ne3A_824 : i1
      %add3A_831 = arith.addi %rem3A_822, %select_n3A_821 : i32
      %select_n3A_832 = arith.select %and3A_830, %add3A_831, %rem3A_822 : i32
      %eq3A_833 = vector.broadcast %select_n3A_832 : i32 to vector<16xi32>
      %eq3A_834 = arith.cmpi eq, %iota3A, %eq3A_833 : vector<16xi32>
      %jit3A_835 = arith.constant 3.000000e+38 : f32
      %broadcast_in_dim3A_836 = vector.broadcast %jit3A_835 : f32 to vector<16xf32>
      %select_n3A_837 = arith.select %eq3A_834, %get3A_816, %broadcast_in_dim3A_836 : vector<16xi1>, vector<16xf32>
      %reduce_min3A_838 = arith.constant true
      %reduce_min3A_839 = vector.broadcast %reduce_min3A_838 : i1 to vector<16xi1>
      %reduce_min3A_840 = tpu.scan <min>, %select_n3A_837 masked %reduce_min3A_839 : vector<16xf32>, vector<16xi1> -> vector<16xf32>
      %reduce_min3A_841 = vector.extract %reduce_min3A_840[15] : f32 from vector<16xf32>
      %broadcast_in_dim3A_842 = vector.broadcast %reduce_min3A_841 : f32 to vector<16xf32>
      %jit3A_843 = arith.constant 16 : i32
      %div3A_844 = arith.divsi %add3A_512, %jit3A_843 : i32
      %sign3A_845 = arith.constant 0 : i32
      %sign3A_846 = arith.cmpi sgt, %add3A_512, %sign3A_845 : i32
      %sign3A_847 = arith.extui %sign3A_846 : i1 to i32
      %sign3A_848 = arith.constant 0 : i32
      %sign3A_849 = arith.cmpi slt, %add3A_512, %sign3A_848 : i32
      %sign3A_850 = arith.extui %sign3A_849 : i1 to i32
      %sign3A_851 = arith.subi %sign3A_847, %sign3A_850 : i32
      %sign3A_852 = arith.constant 0 : i32
      %sign3A_853 = arith.cmpi sgt, %jit3A_843, %sign3A_852 : i32
      %sign3A_854 = arith.extui %sign3A_853 : i1 to i32
      %sign3A_855 = arith.constant 0 : i32
      %sign3A_856 = arith.cmpi slt, %jit3A_843, %sign3A_855 : i32
      %sign3A_857 = arith.extui %sign3A_856 : i1 to i32
      %sign3A_858 = arith.subi %sign3A_854, %sign3A_857 : i32
      %ne3A_859 = arith.cmpi ne, %sign3A_851, %sign3A_858 : i32
      %rem3A_860 = arith.remsi %add3A_512, %jit3A_843 : i32
      %ne3A_861 = arith.constant 0 : i32
      %ne3A_862 = arith.cmpi ne, %rem3A_860, %ne3A_861 : i32
      %and3A_863 = arith.andi %ne3A_859, %ne3A_862 : i1
      %sub3A_864 = arith.constant 1 : i32
      %sub3A_865 = arith.subi %div3A_844, %sub3A_864 : i32
      %select_n3A_866 = arith.select %and3A_863, %sub3A_865, %div3A_844 : i32
      %mul3A_867 = arith.constant 16 : i32
      %mul3A_868 = arith.muli %select_n3A_866, %mul3A_867 : i32
      %multiple_of3A_869 = tpu.assume_multiple %mul3A_868, 16 : i32
      %get3A_870 = arith.index_cast %multiple_of3A_869 : i32 to index
      %get3A_871 = tpu.vector_load %arg8[%get3A_870] {strides = array<i32>} : memref<10240xf32, #tpu.memory_space<vmem>>, vector<16xf32>,
      %jit3A_872 = arith.constant 16 : i32
      %eq3A_873 = arith.constant 0 : i32
      %eq3A_874 = arith.cmpi eq, %jit3A_872, %eq3A_873 : i32
      %jit3A_875 = arith.constant 1 : i32
      %select_n3A_876 = arith.select %eq3A_874, %jit3A_875, %jit3A_872 : i32
      %rem3A_877 = arith.remsi %add3A_512, %select_n3A_876 : i32
      %ne3A_878 = arith.constant 0 : i32
      %ne3A_879 = arith.cmpi ne, %rem3A_877, %ne3A_878 : i32
      %lt3A_880 = arith.constant 0 : i32
      %lt3A_881 = arith.cmpi slt, %rem3A_877, %lt3A_880 : i32
      %lt3A_882 = arith.constant 0 : i32
      %lt3A_883 = arith.cmpi slt, %select_n3A_876, %lt3A_882 : i32
      %ne3A_884 = arith.xori %lt3A_881, %lt3A_883 : i1
      %and3A_885 = arith.andi %ne3A_884, %ne3A_879 : i1
      %add3A_886 = arith.addi %rem3A_877, %select_n3A_876 : i32
      %select_n3A_887 = arith.select %and3A_885, %add3A_886, %rem3A_877 : i32
      %eq3A_888 = vector.broadcast %select_n3A_887 : i32 to vector<16xi32>
      %eq3A_889 = arith.cmpi eq, %iota3A, %eq3A_888 : vector<16xi32>
      %jit3A_890 = arith.constant 3.000000e+38 : f32
      %broadcast_in_dim3A_891 = vector.broadcast %jit3A_890 : f32 to vector<16xf32>
      %select_n3A_892 = arith.select %eq3A_889, %get3A_871, %broadcast_in_dim3A_891 : vector<16xi1>, vector<16xf32>
      %reduce_min3A_893 = arith.constant true
      %reduce_min3A_894 = vector.broadcast %reduce_min3A_893 : i1 to vector<16xi1>
      %reduce_min3A_895 = tpu.scan <min>, %select_n3A_892 masked %reduce_min3A_894 : vector<16xf32>, vector<16xi1> -> vector<16xf32>
      %reduce_min3A_896 = vector.extract %reduce_min3A_895[15] : f32 from vector<16xf32>
      %broadcast_in_dim3A_897 = vector.broadcast %reduce_min3A_896 : f32 to vector<16xf32>
      %jit3A_898 = arith.constant 16 : i32
      %div3A_899 = arith.divsi %add3A_512, %jit3A_898 : i32
      %sign3A_900 = arith.constant 0 : i32
      %sign3A_901 = arith.cmpi sgt, %add3A_512, %sign3A_900 : i32
      %sign3A_902 = arith.extui %sign3A_901 : i1 to i32
      %sign3A_903 = arith.constant 0 : i32
      %sign3A_904 = arith.cmpi slt, %add3A_512, %sign3A_903 : i32
      %sign3A_905 = arith.extui %sign3A_904 : i1 to i32
      %sign3A_906 = arith.subi %sign3A_902, %sign3A_905 : i32
      %sign3A_907 = arith.constant 0 : i32
      %sign3A_908 = arith.cmpi sgt, %jit3A_898, %sign3A_907 : i32
      %sign3A_909 = arith.extui %sign3A_908 : i1 to i32
      %sign3A_910 = arith.constant 0 : i32
      %sign3A_911 = arith.cmpi slt, %jit3A_898, %sign3A_910 : i32
      %sign3A_912 = arith.extui %sign3A_911 : i1 to i32
      %sign3A_913 = arith.subi %sign3A_909, %sign3A_912 : i32
      %ne3A_914 = arith.cmpi ne, %sign3A_906, %sign3A_913 : i32
      %rem3A_915 = arith.remsi %add3A_512, %jit3A_898 : i32
      %ne3A_916 = arith.constant 0 : i32
      %ne3A_917 = arith.cmpi ne, %rem3A_915, %ne3A_916 : i32
      %and3A_918 = arith.andi %ne3A_914, %ne3A_917 : i1
      %sub3A_919 = arith.constant 1 : i32
      %sub3A_920 = arith.subi %div3A_899, %sub3A_919 : i32
      %select_n3A_921 = arith.select %and3A_918, %sub3A_920, %div3A_899 : i32
      %mul3A_922 = arith.constant 16 : i32
      %mul3A_923 = arith.muli %select_n3A_921, %mul3A_922 : i32
      %multiple_of3A_924 = tpu.assume_multiple %mul3A_923, 16 : i32
      %get3A_925 = arith.index_cast %multiple_of3A_924 : i32 to index
      %get3A_926 = tpu.vector_load %arg9[%get3A_925] {strides = array<i32>} : memref<10240xf32, #tpu.memory_space<vmem>>, vector<16xf32>,
      %jit3A_927 = arith.constant 16 : i32
      %eq3A_928 = arith.constant 0 : i32
      %eq3A_929 = arith.cmpi eq, %jit3A_927, %eq3A_928 : i32
      %jit3A_930 = arith.constant 1 : i32
      %select_n3A_931 = arith.select %eq3A_929, %jit3A_930, %jit3A_927 : i32
      %rem3A_932 = arith.remsi %add3A_512, %select_n3A_931 : i32
      %ne3A_933 = arith.constant 0 : i32
      %ne3A_934 = arith.cmpi ne, %rem3A_932, %ne3A_933 : i32
      %lt3A_935 = arith.constant 0 : i32
      %lt3A_936 = arith.cmpi slt, %rem3A_932, %lt3A_935 : i32
      %lt3A_937 = arith.constant 0 : i32
      %lt3A_938 = arith.cmpi slt, %select_n3A_931, %lt3A_937 : i32
      %ne3A_939 = arith.xori %lt3A_936, %lt3A_938 : i1
      %and3A_940 = arith.andi %ne3A_939, %ne3A_934 : i1
      %add3A_941 = arith.addi %rem3A_932, %select_n3A_931 : i32
      %select_n3A_942 = arith.select %and3A_940, %add3A_941, %rem3A_932 : i32
      %eq3A_943 = vector.broadcast %select_n3A_942 : i32 to vector<16xi32>
      %eq3A_944 = arith.cmpi eq, %iota3A, %eq3A_943 : vector<16xi32>
      %jit3A_945 = arith.constant 3.000000e+38 : f32
      %broadcast_in_dim3A_946 = vector.broadcast %jit3A_945 : f32 to vector<16xf32>
      %select_n3A_947 = arith.select %eq3A_944, %get3A_926, %broadcast_in_dim3A_946 : vector<16xi1>, vector<16xf32>
      %reduce_min3A_948 = arith.constant true
      %reduce_min3A_949 = vector.broadcast %reduce_min3A_948 : i1 to vector<16xi1>
      %reduce_min3A_950 = tpu.scan <min>, %select_n3A_947 masked %reduce_min3A_949 : vector<16xf32>, vector<16xi1> -> vector<16xf32>
      %reduce_min3A_951 = vector.extract %reduce_min3A_950[15] : f32 from vector<16xf32>
      %broadcast_in_dim3A_952 = vector.broadcast %reduce_min3A_951 : f32 to vector<16xf32>
      %scan3A_953 = arith.constant 0 : i32
      %scan3A_954 = arith.constant 40 : i32
      %scan3A_955 = arith.addi %scan3A_953, %scan3A_954 : i32
      %scan3A_956 = arith.constant 1 : i32
      %scan3A_957:2 = scf.for %scan3A_984 = %scan3A_953 to %scan3A_955 step %scan3A_956 iter_args(%scan3A_985 = %broadcast_in_dim3A_1, %scan3A_986 = %broadcast_in_dim3A_1) -> (vector<16xf32>, vector<16xf32>)  : i32 {
        %mul3A_987 = arith.constant 16 : i32
        %mul3A_988 = arith.muli %scan3A_984, %mul3A_987 : i32
        %add3A_989 = arith.constant 0 : i32
        %add3A_990 = arith.addi %mul3A_988, %add3A_989 : i32
        %mul3A_991 = arith.constant 16 : i32
        %mul3A_992 = arith.muli %add3A_990, %mul3A_991 : i32
        %multiple_of3A_993 = tpu.assume_multiple %mul3A_992, 16 : i32
        %get3A_994 = arith.index_cast %multiple_of3A_993 : i32 to index
        %get3A_995 = tpu.vector_load %arg6[%get3A_994] {strides = array<i32>} : memref<10240xf32, #tpu.memory_space<vmem>>, vector<16xf32>,
        %get3A_996 = arith.index_cast %multiple_of3A_993 : i32 to index
        %get3A_997 = tpu.vector_load %arg7[%get3A_996] {strides = array<i32>} : memref<10240xf32, #tpu.memory_space<vmem>>, vector<16xf32>,
        %get3A_998 = arith.index_cast %multiple_of3A_993 : i32 to index
        %get3A_999 = tpu.vector_load %arg8[%get3A_998] {strides = array<i32>} : memref<10240xf32, #tpu.memory_space<vmem>>, vector<16xf32>,
        %get3A_1000 = arith.index_cast %multiple_of3A_993 : i32 to index
        %get3A_1001 = tpu.vector_load %arg9[%get3A_1000] {strides = array<i32>} : memref<10240xf32, #tpu.memory_space<vmem>>, vector<16xf32>,
        %mul3A_1002 = arith.mulf %get3A_995, %broadcast_in_dim3A_567 : vector<16xf32>
        %mul3A_1003 = arith.mulf %get3A_997, %broadcast_in_dim3A_622 : vector<16xf32>
        %add3A_1004 = arith.addf %mul3A_1002, %mul3A_1003 : vector<16xf32>
        %mul3A_1005 = arith.mulf %get3A_999, %broadcast_in_dim3A_677 : vector<16xf32>
        %add3A_1006 = arith.addf %add3A_1004, %mul3A_1005 : vector<16xf32>
        %add3A_1007 = arith.addf %broadcast_in_dim3A_732, %get3A_1001 : vector<16xf32>
        %mul3A_1008 = arith.constant 2.000000e+00 : f32
        %mul3A_1009 = vector.broadcast %mul3A_1008 : f32 to vector<16xf32>
        %mul3A_1010 = arith.mulf %mul3A_1009, %add3A_1006 : vector<16xf32>
        %sub3A_1011 = arith.subf %add3A_1007, %mul3A_1010 : vector<16xf32>
        %min3A_1012 = arith.minimumf %broadcast_in_dim3A_1, %sub3A_1011 : vector<16xf32>
        %mul3A_1013 = arith.mulf %get3A_995, %broadcast_in_dim3A_787 : vector<16xf32>
        %mul3A_1014 = arith.mulf %get3A_997, %broadcast_in_dim3A_842 : vector<16xf32>
        %add3A_1015 = arith.addf %mul3A_1013, %mul3A_1014 : vector<16xf32>
        %mul3A_1016 = arith.mulf %get3A_999, %broadcast_in_dim3A_897 : vector<16xf32>
        %add3A_1017 = arith.addf %add3A_1015, %mul3A_1016 : vector<16xf32>
        %add3A_1018 = arith.addf %broadcast_in_dim3A_952, %get3A_1001 : vector<16xf32>
        %mul3A_1019 = arith.constant 2.000000e+00 : f32
        %mul3A_1020 = vector.broadcast %mul3A_1019 : f32 to vector<16xf32>
        %mul3A_1021 = arith.mulf %mul3A_1020, %add3A_1017 : vector<16xf32>
        %sub3A_1022 = arith.subf %add3A_1018, %mul3A_1021 : vector<16xf32>
        %min3A_1023 = arith.minimumf %broadcast_in_dim3A_1, %sub3A_1022 : vector<16xf32>
        %mul3A_1024 = arith.constant 16 : i32
        %mul3A_1025 = arith.muli %scan3A_984, %mul3A_1024 : i32
        %add3A_1026 = arith.constant 1 : i32
        %add3A_1027 = arith.addi %mul3A_1025, %add3A_1026 : i32
        %mul3A_1028 = arith.constant 16 : i32
        %mul3A_1029 = arith.muli %add3A_1027, %mul3A_1028 : i32
        %multiple_of3A_1030 = tpu.assume_multiple %mul3A_1029, 16 : i32
        %get3A_1031 = arith.index_cast %multiple_of3A_1030 : i32 to index
        %get3A_1032 = tpu.vector_load %arg6[%get3A_1031] {strides = array<i32>} : memref<10240xf32, #tpu.memory_space<vmem>>, vector<16xf32>,
        %get3A_1033 = arith.index_cast %multiple_of3A_1030 : i32 to index
        %get3A_1034 = tpu.vector_load %arg7[%get3A_1033] {strides = array<i32>} : memref<10240xf32, #tpu.memory_space<vmem>>, vector<16xf32>,
        %get3A_1035 = arith.index_cast %multiple_of3A_1030 : i32 to index
        %get3A_1036 = tpu.vector_load %arg8[%get3A_1035] {strides = array<i32>} : memref<10240xf32, #tpu.memory_space<vmem>>, vector<16xf32>,
        %get3A_1037 = arith.index_cast %multiple_of3A_1030 : i32 to index
        %get3A_1038 = tpu.vector_load %arg9[%get3A_1037] {strides = array<i32>} : memref<10240xf32, #tpu.memory_space<vmem>>, vector<16xf32>,
        %mul3A_1039 = arith.mulf %get3A_1032, %broadcast_in_dim3A_567 : vector<16xf32>
        %mul3A_1040 = arith.mulf %get3A_1034, %broadcast_in_dim3A_622 : vector<16xf32>
        %add3A_1041 = arith.addf %mul3A_1039, %mul3A_1040 : vector<16xf32>
        %mul3A_1042 = arith.mulf %get3A_1036, %broadcast_in_dim3A_677 : vector<16xf32>
        %add3A_1043 = arith.addf %add3A_1041, %mul3A_1042 : vector<16xf32>
        %add3A_1044 = arith.addf %broadcast_in_dim3A_732, %get3A_1038 : vector<16xf32>
        %mul3A_1045 = arith.constant 2.000000e+00 : f32
        %mul3A_1046 = vector.broadcast %mul3A_1045 : f32 to vector<16xf32>
        %mul3A_1047 = arith.mulf %mul3A_1046, %add3A_1043 : vector<16xf32>
        %sub3A_1048 = arith.subf %add3A_1044, %mul3A_1047 : vector<16xf32>
        %min3A_1049 = arith.minimumf %min3A_1012, %sub3A_1048 : vector<16xf32>
        %mul3A_1050 = arith.mulf %get3A_1032, %broadcast_in_dim3A_787 : vector<16xf32>
        %mul3A_1051 = arith.mulf %get3A_1034, %broadcast_in_dim3A_842 : vector<16xf32>
        %add3A_1052 = arith.addf %mul3A_1050, %mul3A_1051 : vector<16xf32>
        %mul3A_1053 = arith.mulf %get3A_1036, %broadcast_in_dim3A_897 : vector<16xf32>
        %add3A_1054 = arith.addf %add3A_1052, %mul3A_1053 : vector<16xf32>
        %add3A_1055 = arith.addf %broadcast_in_dim3A_952, %get3A_1038 : vector<16xf32>
        %mul3A_1056 = arith.constant 2.000000e+00 : f32
        %mul3A_1057 = vector.broadcast %mul3A_1056 : f32 to vector<16xf32>
        %mul3A_1058 = arith.mulf %mul3A_1057, %add3A_1054 : vector<16xf32>
        %sub3A_1059 = arith.subf %add3A_1055, %mul3A_1058 : vector<16xf32>
        %min3A_1060 = arith.minimumf %min3A_1023, %sub3A_1059 : vector<16xf32>
        %mul3A_1061 = arith.constant 16 : i32
        %mul3A_1062 = arith.muli %scan3A_984, %mul3A_1061 : i32
        %add3A_1063 = arith.constant 2 : i32
        %add3A_1064 = arith.addi %mul3A_1062, %add3A_1063 : i32
        %mul3A_1065 = arith.constant 16 : i32
        %mul3A_1066 = arith.muli %add3A_1064, %mul3A_1065 : i32
        %multiple_of3A_1067 = tpu.assume_multiple %mul3A_1066, 16 : i32
        %get3A_1068 = arith.index_cast %multiple_of3A_1067 : i32 to index
        %get3A_1069 = tpu.vector_load %arg6[%get3A_1068] {strides = array<i32>} : memref<10240xf32, #tpu.memory_space<vmem>>, vector<16xf32>,
        %get3A_1070 = arith.index_cast %multiple_of3A_1067 : i32 to index
        %get3A_1071 = tpu.vector_load %arg7[%get3A_1070] {strides = array<i32>} : memref<10240xf32, #tpu.memory_space<vmem>>, vector<16xf32>,
        %get3A_1072 = arith.index_cast %multiple_of3A_1067 : i32 to index
        %get3A_1073 = tpu.vector_load %arg8[%get3A_1072] {strides = array<i32>} : memref<10240xf32, #tpu.memory_space<vmem>>, vector<16xf32>,
        %get3A_1074 = arith.index_cast %multiple_of3A_1067 : i32 to index
        %get3A_1075 = tpu.vector_load %arg9[%get3A_1074] {strides = array<i32>} : memref<10240xf32, #tpu.memory_space<vmem>>, vector<16xf32>,
        %mul3A_1076 = arith.mulf %get3A_1069, %broadcast_in_dim3A_567 : vector<16xf32>
        %mul3A_1077 = arith.mulf %get3A_1071, %broadcast_in_dim3A_622 : vector<16xf32>
        %add3A_1078 = arith.addf %mul3A_1076, %mul3A_1077 : vector<16xf32>
        %mul3A_1079 = arith.mulf %get3A_1073, %broadcast_in_dim3A_677 : vector<16xf32>
        %add3A_1080 = arith.addf %add3A_1078, %mul3A_1079 : vector<16xf32>
        %add3A_1081 = arith.addf %broadcast_in_dim3A_732, %get3A_1075 : vector<16xf32>
        %mul3A_1082 = arith.constant 2.000000e+00 : f32
        %mul3A_1083 = vector.broadcast %mul3A_1082 : f32 to vector<16xf32>
        %mul3A_1084 = arith.mulf %mul3A_1083, %add3A_1080 : vector<16xf32>
        %sub3A_1085 = arith.subf %add3A_1081, %mul3A_1084 : vector<16xf32>
        %min3A_1086 = arith.minimumf %min3A_1049, %sub3A_1085 : vector<16xf32>
        %mul3A_1087 = arith.mulf %get3A_1069, %broadcast_in_dim3A_787 : vector<16xf32>
        %mul3A_1088 = arith.mulf %get3A_1071, %broadcast_in_dim3A_842 : vector<16xf32>
        %add3A_1089 = arith.addf %mul3A_1087, %mul3A_1088 : vector<16xf32>
        %mul3A_1090 = arith.mulf %get3A_1073, %broadcast_in_dim3A_897 : vector<16xf32>
        %add3A_1091 = arith.addf %add3A_1089, %mul3A_1090 : vector<16xf32>
        %add3A_1092 = arith.addf %broadcast_in_dim3A_952, %get3A_1075 : vector<16xf32>
        %mul3A_1093 = arith.constant 2.000000e+00 : f32
        %mul3A_1094 = vector.broadcast %mul3A_1093 : f32 to vector<16xf32>
        %mul3A_1095 = arith.mulf %mul3A_1094, %add3A_1091 : vector<16xf32>
        %sub3A_1096 = arith.subf %add3A_1092, %mul3A_1095 : vector<16xf32>
        %min3A_1097 = arith.minimumf %min3A_1060, %sub3A_1096 : vector<16xf32>
        %mul3A_1098 = arith.constant 16 : i32
        %mul3A_1099 = arith.muli %scan3A_984, %mul3A_1098 : i32
        %add3A_1100 = arith.constant 3 : i32
        %add3A_1101 = arith.addi %mul3A_1099, %add3A_1100 : i32
        %mul3A_1102 = arith.constant 16 : i32
        %mul3A_1103 = arith.muli %add3A_1101, %mul3A_1102 : i32
        %multiple_of3A_1104 = tpu.assume_multiple %mul3A_1103, 16 : i32
        %get3A_1105 = arith.index_cast %multiple_of3A_1104 : i32 to index
        %get3A_1106 = tpu.vector_load %arg6[%get3A_1105] {strides = array<i32>} : memref<10240xf32, #tpu.memory_space<vmem>>, vector<16xf32>,
        %get3A_1107 = arith.index_cast %multiple_of3A_1104 : i32 to index
        %get3A_1108 = tpu.vector_load %arg7[%get3A_1107] {strides = array<i32>} : memref<10240xf32, #tpu.memory_space<vmem>>, vector<16xf32>,
        %get3A_1109 = arith.index_cast %multiple_of3A_1104 : i32 to index
        %get3A_1110 = tpu.vector_load %arg8[%get3A_1109] {strides = array<i32>} : memref<10240xf32, #tpu.memory_space<vmem>>, vector<16xf32>,
        %get3A_1111 = arith.index_cast %multiple_of3A_1104 : i32 to index
        %get3A_1112 = tpu.vector_load %arg9[%get3A_1111] {strides = array<i32>} : memref<10240xf32, #tpu.memory_space<vmem>>, vector<16xf32>,
        %mul3A_1113 = arith.mulf %get3A_1106, %broadcast_in_dim3A_567 : vector<16xf32>
        %mul3A_1114 = arith.mulf %get3A_1108, %broadcast_in_dim3A_622 : vector<16xf32>
        %add3A_1115 = arith.addf %mul3A_1113, %mul3A_1114 : vector<16xf32>
        %mul3A_1116 = arith.mulf %get3A_1110, %broadcast_in_dim3A_677 : vector<16xf32>
        %add3A_1117 = arith.addf %add3A_1115, %mul3A_1116 : vector<16xf32>
        %add3A_1118 = arith.addf %broadcast_in_dim3A_732, %get3A_1112 : vector<16xf32>
        %mul3A_1119 = arith.constant 2.000000e+00 : f32
        %mul3A_1120 = vector.broadcast %mul3A_1119 : f32 to vector<16xf32>
        %mul3A_1121 = arith.mulf %mul3A_1120, %add3A_1117 : vector<16xf32>
        %sub3A_1122 = arith.subf %add3A_1118, %mul3A_1121 : vector<16xf32>
        %min3A_1123 = arith.minimumf %min3A_1086, %sub3A_1122 : vector<16xf32>
        %mul3A_1124 = arith.mulf %get3A_1106, %broadcast_in_dim3A_787 : vector<16xf32>
        %mul3A_1125 = arith.mulf %get3A_1108, %broadcast_in_dim3A_842 : vector<16xf32>
        %add3A_1126 = arith.addf %mul3A_1124, %mul3A_1125 : vector<16xf32>
        %mul3A_1127 = arith.mulf %get3A_1110, %broadcast_in_dim3A_897 : vector<16xf32>
        %add3A_1128 = arith.addf %add3A_1126, %mul3A_1127 : vector<16xf32>
        %add3A_1129 = arith.addf %broadcast_in_dim3A_952, %get3A_1112 : vector<16xf32>
        %mul3A_1130 = arith.constant 2.000000e+00 : f32
        %mul3A_1131 = vector.broadcast %mul3A_1130 : f32 to vector<16xf32>
        %mul3A_1132 = arith.mulf %mul3A_1131, %add3A_1128 : vector<16xf32>
        %sub3A_1133 = arith.subf %add3A_1129, %mul3A_1132 : vector<16xf32>
        %min3A_1134 = arith.minimumf %min3A_1097, %sub3A_1133 : vector<16xf32>
        %mul3A_1135 = arith.constant 16 : i32
        %mul3A_1136 = arith.muli %scan3A_984, %mul3A_1135 : i32
        %add3A_1137 = arith.constant 4 : i32
        %add3A_1138 = arith.addi %mul3A_1136, %add3A_1137 : i32
        %mul3A_1139 = arith.constant 16 : i32
        %mul3A_1140 = arith.muli %add3A_1138, %mul3A_1139 : i32
        %multiple_of3A_1141 = tpu.assume_multiple %mul3A_1140, 16 : i32
        %get3A_1142 = arith.index_cast %multiple_of3A_1141 : i32 to index
        %get3A_1143 = tpu.vector_load %arg6[%get3A_1142] {strides = array<i32>} : memref<10240xf32, #tpu.memory_space<vmem>>, vector<16xf32>,
        %get3A_1144 = arith.index_cast %multiple_of3A_1141 : i32 to index
        %get3A_1145 = tpu.vector_load %arg7[%get3A_1144] {strides = array<i32>} : memref<10240xf32, #tpu.memory_space<vmem>>, vector<16xf32>,
        %get3A_1146 = arith.index_cast %multiple_of3A_1141 : i32 to index
        %get3A_1147 = tpu.vector_load %arg8[%get3A_1146] {strides = array<i32>} : memref<10240xf32, #tpu.memory_space<vmem>>, vector<16xf32>,
        %get3A_1148 = arith.index_cast %multiple_of3A_1141 : i32 to index
        %get3A_1149 = tpu.vector_load %arg9[%get3A_1148] {strides = array<i32>} : memref<10240xf32, #tpu.memory_space<vmem>>, vector<16xf32>,
        %mul3A_1150 = arith.mulf %get3A_1143, %broadcast_in_dim3A_567 : vector<16xf32>
        %mul3A_1151 = arith.mulf %get3A_1145, %broadcast_in_dim3A_622 : vector<16xf32>
        %add3A_1152 = arith.addf %mul3A_1150, %mul3A_1151 : vector<16xf32>
        %mul3A_1153 = arith.mulf %get3A_1147, %broadcast_in_dim3A_677 : vector<16xf32>
        %add3A_1154 = arith.addf %add3A_1152, %mul3A_1153 : vector<16xf32>
        %add3A_1155 = arith.addf %broadcast_in_dim3A_732, %get3A_1149 : vector<16xf32>
        %mul3A_1156 = arith.constant 2.000000e+00 : f32
        %mul3A_1157 = vector.broadcast %mul3A_1156 : f32 to vector<16xf32>
        %mul3A_1158 = arith.mulf %mul3A_1157, %add3A_1154 : vector<16xf32>
        %sub3A_1159 = arith.subf %add3A_1155, %mul3A_1158 : vector<16xf32>
        %min3A_1160 = arith.minimumf %min3A_1123, %sub3A_1159 : vector<16xf32>
        %mul3A_1161 = arith.mulf %get3A_1143, %broadcast_in_dim3A_787 : vector<16xf32>
        %mul3A_1162 = arith.mulf %get3A_1145, %broadcast_in_dim3A_842 : vector<16xf32>
        %add3A_1163 = arith.addf %mul3A_1161, %mul3A_1162 : vector<16xf32>
        %mul3A_1164 = arith.mulf %get3A_1147, %broadcast_in_dim3A_897 : vector<16xf32>
        %add3A_1165 = arith.addf %add3A_1163, %mul3A_1164 : vector<16xf32>
        %add3A_1166 = arith.addf %broadcast_in_dim3A_952, %get3A_1149 : vector<16xf32>
        %mul3A_1167 = arith.constant 2.000000e+00 : f32
        %mul3A_1168 = vector.broadcast %mul3A_1167 : f32 to vector<16xf32>
        %mul3A_1169 = arith.mulf %mul3A_1168, %add3A_1165 : vector<16xf32>
        %sub3A_1170 = arith.subf %add3A_1166, %mul3A_1169 : vector<16xf32>
        %min3A_1171 = arith.minimumf %min3A_1134, %sub3A_1170 : vector<16xf32>
        %mul3A_1172 = arith.constant 16 : i32
        %mul3A_1173 = arith.muli %scan3A_984, %mul3A_1172 : i32
        %add3A_1174 = arith.constant 5 : i32
        %add3A_1175 = arith.addi %mul3A_1173, %add3A_1174 : i32
        %mul3A_1176 = arith.constant 16 : i32
        %mul3A_1177 = arith.muli %add3A_1175, %mul3A_1176 : i32
        %multiple_of3A_1178 = tpu.assume_multiple %mul3A_1177, 16 : i32
        %get3A_1179 = arith.index_cast %multiple_of3A_1178 : i32 to index
        %get3A_1180 = tpu.vector_load %arg6[%get3A_1179] {strides = array<i32>} : memref<10240xf32, #tpu.memory_space<vmem>>, vector<16xf32>,
        %get3A_1181 = arith.index_cast %multiple_of3A_1178 : i32 to index
        %get3A_1182 = tpu.vector_load %arg7[%get3A_1181] {strides = array<i32>} : memref<10240xf32, #tpu.memory_space<vmem>>, vector<16xf32>,
        %get3A_1183 = arith.index_cast %multiple_of3A_1178 : i32 to index
        %get3A_1184 = tpu.vector_load %arg8[%get3A_1183] {strides = array<i32>} : memref<10240xf32, #tpu.memory_space<vmem>>, vector<16xf32>,
        %get3A_1185 = arith.index_cast %multiple_of3A_1178 : i32 to index
        %get3A_1186 = tpu.vector_load %arg9[%get3A_1185] {strides = array<i32>} : memref<10240xf32, #tpu.memory_space<vmem>>, vector<16xf32>,
        %mul3A_1187 = arith.mulf %get3A_1180, %broadcast_in_dim3A_567 : vector<16xf32>
        %mul3A_1188 = arith.mulf %get3A_1182, %broadcast_in_dim3A_622 : vector<16xf32>
        %add3A_1189 = arith.addf %mul3A_1187, %mul3A_1188 : vector<16xf32>
        %mul3A_1190 = arith.mulf %get3A_1184, %broadcast_in_dim3A_677 : vector<16xf32>
        %add3A_1191 = arith.addf %add3A_1189, %mul3A_1190 : vector<16xf32>
        %add3A_1192 = arith.addf %broadcast_in_dim3A_732, %get3A_1186 : vector<16xf32>
        %mul3A_1193 = arith.constant 2.000000e+00 : f32
        %mul3A_1194 = vector.broadcast %mul3A_1193 : f32 to vector<16xf32>
        %mul3A_1195 = arith.mulf %mul3A_1194, %add3A_1191 : vector<16xf32>
        %sub3A_1196 = arith.subf %add3A_1192, %mul3A_1195 : vector<16xf32>
        %min3A_1197 = arith.minimumf %min3A_1160, %sub3A_1196 : vector<16xf32>
        %mul3A_1198 = arith.mulf %get3A_1180, %broadcast_in_dim3A_787 : vector<16xf32>
        %mul3A_1199 = arith.mulf %get3A_1182, %broadcast_in_dim3A_842 : vector<16xf32>
        %add3A_1200 = arith.addf %mul3A_1198, %mul3A_1199 : vector<16xf32>
        %mul3A_1201 = arith.mulf %get3A_1184, %broadcast_in_dim3A_897 : vector<16xf32>
        %add3A_1202 = arith.addf %add3A_1200, %mul3A_1201 : vector<16xf32>
        %add3A_1203 = arith.addf %broadcast_in_dim3A_952, %get3A_1186 : vector<16xf32>
        %mul3A_1204 = arith.constant 2.000000e+00 : f32
        %mul3A_1205 = vector.broadcast %mul3A_1204 : f32 to vector<16xf32>
        %mul3A_1206 = arith.mulf %mul3A_1205, %add3A_1202 : vector<16xf32>
        %sub3A_1207 = arith.subf %add3A_1203, %mul3A_1206 : vector<16xf32>
        %min3A_1208 = arith.minimumf %min3A_1171, %sub3A_1207 : vector<16xf32>
        %mul3A_1209 = arith.constant 16 : i32
        %mul3A_1210 = arith.muli %scan3A_984, %mul3A_1209 : i32
        %add3A_1211 = arith.constant 6 : i32
        %add3A_1212 = arith.addi %mul3A_1210, %add3A_1211 : i32
        %mul3A_1213 = arith.constant 16 : i32
        %mul3A_1214 = arith.muli %add3A_1212, %mul3A_1213 : i32
        %multiple_of3A_1215 = tpu.assume_multiple %mul3A_1214, 16 : i32
        %get3A_1216 = arith.index_cast %multiple_of3A_1215 : i32 to index
        %get3A_1217 = tpu.vector_load %arg6[%get3A_1216] {strides = array<i32>} : memref<10240xf32, #tpu.memory_space<vmem>>, vector<16xf32>,
        %get3A_1218 = arith.index_cast %multiple_of3A_1215 : i32 to index
        %get3A_1219 = tpu.vector_load %arg7[%get3A_1218] {strides = array<i32>} : memref<10240xf32, #tpu.memory_space<vmem>>, vector<16xf32>,
        %get3A_1220 = arith.index_cast %multiple_of3A_1215 : i32 to index
        %get3A_1221 = tpu.vector_load %arg8[%get3A_1220] {strides = array<i32>} : memref<10240xf32, #tpu.memory_space<vmem>>, vector<16xf32>,
        %get3A_1222 = arith.index_cast %multiple_of3A_1215 : i32 to index
        %get3A_1223 = tpu.vector_load %arg9[%get3A_1222] {strides = array<i32>} : memref<10240xf32, #tpu.memory_space<vmem>>, vector<16xf32>,
        %mul3A_1224 = arith.mulf %get3A_1217, %broadcast_in_dim3A_567 : vector<16xf32>
        %mul3A_1225 = arith.mulf %get3A_1219, %broadcast_in_dim3A_622 : vector<16xf32>
        %add3A_1226 = arith.addf %mul3A_1224, %mul3A_1225 : vector<16xf32>
        %mul3A_1227 = arith.mulf %get3A_1221, %broadcast_in_dim3A_677 : vector<16xf32>
        %add3A_1228 = arith.addf %add3A_1226, %mul3A_1227 : vector<16xf32>
        %add3A_1229 = arith.addf %broadcast_in_dim3A_732, %get3A_1223 : vector<16xf32>
        %mul3A_1230 = arith.constant 2.000000e+00 : f32
        %mul3A_1231 = vector.broadcast %mul3A_1230 : f32 to vector<16xf32>
        %mul3A_1232 = arith.mulf %mul3A_1231, %add3A_1228 : vector<16xf32>
        %sub3A_1233 = arith.subf %add3A_1229, %mul3A_1232 : vector<16xf32>
        %min3A_1234 = arith.minimumf %min3A_1197, %sub3A_1233 : vector<16xf32>
        %mul3A_1235 = arith.mulf %get3A_1217, %broadcast_in_dim3A_787 : vector<16xf32>
        %mul3A_1236 = arith.mulf %get3A_1219, %broadcast_in_dim3A_842 : vector<16xf32>
        %add3A_1237 = arith.addf %mul3A_1235, %mul3A_1236 : vector<16xf32>
        %mul3A_1238 = arith.mulf %get3A_1221, %broadcast_in_dim3A_897 : vector<16xf32>
        %add3A_1239 = arith.addf %add3A_1237, %mul3A_1238 : vector<16xf32>
        %add3A_1240 = arith.addf %broadcast_in_dim3A_952, %get3A_1223 : vector<16xf32>
        %mul3A_1241 = arith.constant 2.000000e+00 : f32
        %mul3A_1242 = vector.broadcast %mul3A_1241 : f32 to vector<16xf32>
        %mul3A_1243 = arith.mulf %mul3A_1242, %add3A_1239 : vector<16xf32>
        %sub3A_1244 = arith.subf %add3A_1240, %mul3A_1243 : vector<16xf32>
        %min3A_1245 = arith.minimumf %min3A_1208, %sub3A_1244 : vector<16xf32>
        %mul3A_1246 = arith.constant 16 : i32
        %mul3A_1247 = arith.muli %scan3A_984, %mul3A_1246 : i32
        %add3A_1248 = arith.constant 7 : i32
        %add3A_1249 = arith.addi %mul3A_1247, %add3A_1248 : i32
        %mul3A_1250 = arith.constant 16 : i32
        %mul3A_1251 = arith.muli %add3A_1249, %mul3A_1250 : i32
        %multiple_of3A_1252 = tpu.assume_multiple %mul3A_1251, 16 : i32
        %get3A_1253 = arith.index_cast %multiple_of3A_1252 : i32 to index
        %get3A_1254 = tpu.vector_load %arg6[%get3A_1253] {strides = array<i32>} : memref<10240xf32, #tpu.memory_space<vmem>>, vector<16xf32>,
        %get3A_1255 = arith.index_cast %multiple_of3A_1252 : i32 to index
        %get3A_1256 = tpu.vector_load %arg7[%get3A_1255] {strides = array<i32>} : memref<10240xf32, #tpu.memory_space<vmem>>, vector<16xf32>,
        %get3A_1257 = arith.index_cast %multiple_of3A_1252 : i32 to index
        %get3A_1258 = tpu.vector_load %arg8[%get3A_1257] {strides = array<i32>} : memref<10240xf32, #tpu.memory_space<vmem>>, vector<16xf32>,
        %get3A_1259 = arith.index_cast %multiple_of3A_1252 : i32 to index
        %get3A_1260 = tpu.vector_load %arg9[%get3A_1259] {strides = array<i32>} : memref<10240xf32, #tpu.memory_space<vmem>>, vector<16xf32>,
        %mul3A_1261 = arith.mulf %get3A_1254, %broadcast_in_dim3A_567 : vector<16xf32>
        %mul3A_1262 = arith.mulf %get3A_1256, %broadcast_in_dim3A_622 : vector<16xf32>
        %add3A_1263 = arith.addf %mul3A_1261, %mul3A_1262 : vector<16xf32>
        %mul3A_1264 = arith.mulf %get3A_1258, %broadcast_in_dim3A_677 : vector<16xf32>
        %add3A_1265 = arith.addf %add3A_1263, %mul3A_1264 : vector<16xf32>
        %add3A_1266 = arith.addf %broadcast_in_dim3A_732, %get3A_1260 : vector<16xf32>
        %mul3A_1267 = arith.constant 2.000000e+00 : f32
        %mul3A_1268 = vector.broadcast %mul3A_1267 : f32 to vector<16xf32>
        %mul3A_1269 = arith.mulf %mul3A_1268, %add3A_1265 : vector<16xf32>
        %sub3A_1270 = arith.subf %add3A_1266, %mul3A_1269 : vector<16xf32>
        %min3A_1271 = arith.minimumf %min3A_1234, %sub3A_1270 : vector<16xf32>
        %mul3A_1272 = arith.mulf %get3A_1254, %broadcast_in_dim3A_787 : vector<16xf32>
        %mul3A_1273 = arith.mulf %get3A_1256, %broadcast_in_dim3A_842 : vector<16xf32>
        %add3A_1274 = arith.addf %mul3A_1272, %mul3A_1273 : vector<16xf32>
        %mul3A_1275 = arith.mulf %get3A_1258, %broadcast_in_dim3A_897 : vector<16xf32>
        %add3A_1276 = arith.addf %add3A_1274, %mul3A_1275 : vector<16xf32>
        %add3A_1277 = arith.addf %broadcast_in_dim3A_952, %get3A_1260 : vector<16xf32>
        %mul3A_1278 = arith.constant 2.000000e+00 : f32
        %mul3A_1279 = vector.broadcast %mul3A_1278 : f32 to vector<16xf32>
        %mul3A_1280 = arith.mulf %mul3A_1279, %add3A_1276 : vector<16xf32>
        %sub3A_1281 = arith.subf %add3A_1277, %mul3A_1280 : vector<16xf32>
        %min3A_1282 = arith.minimumf %min3A_1245, %sub3A_1281 : vector<16xf32>
        %mul3A_1283 = arith.constant 16 : i32
        %mul3A_1284 = arith.muli %scan3A_984, %mul3A_1283 : i32
        %add3A_1285 = arith.constant 8 : i32
        %add3A_1286 = arith.addi %mul3A_1284, %add3A_1285 : i32
        %mul3A_1287 = arith.constant 16 : i32
        %mul3A_1288 = arith.muli %add3A_1286, %mul3A_1287 : i32
        %multiple_of3A_1289 = tpu.assume_multiple %mul3A_1288, 16 : i32
        %get3A_1290 = arith.index_cast %multiple_of3A_1289 : i32 to index
        %get3A_1291 = tpu.vector_load %arg6[%get3A_1290] {strides = array<i32>} : memref<10240xf32, #tpu.memory_space<vmem>>, vector<16xf32>,
        %get3A_1292 = arith.index_cast %multiple_of3A_1289 : i32 to index
        %get3A_1293 = tpu.vector_load %arg7[%get3A_1292] {strides = array<i32>} : memref<10240xf32, #tpu.memory_space<vmem>>, vector<16xf32>,
        %get3A_1294 = arith.index_cast %multiple_of3A_1289 : i32 to index
        %get3A_1295 = tpu.vector_load %arg8[%get3A_1294] {strides = array<i32>} : memref<10240xf32, #tpu.memory_space<vmem>>, vector<16xf32>,
        %get3A_1296 = arith.index_cast %multiple_of3A_1289 : i32 to index
        %get3A_1297 = tpu.vector_load %arg9[%get3A_1296] {strides = array<i32>} : memref<10240xf32, #tpu.memory_space<vmem>>, vector<16xf32>,
        %mul3A_1298 = arith.mulf %get3A_1291, %broadcast_in_dim3A_567 : vector<16xf32>
        %mul3A_1299 = arith.mulf %get3A_1293, %broadcast_in_dim3A_622 : vector<16xf32>
        %add3A_1300 = arith.addf %mul3A_1298, %mul3A_1299 : vector<16xf32>
        %mul3A_1301 = arith.mulf %get3A_1295, %broadcast_in_dim3A_677 : vector<16xf32>
        %add3A_1302 = arith.addf %add3A_1300, %mul3A_1301 : vector<16xf32>
        %add3A_1303 = arith.addf %broadcast_in_dim3A_732, %get3A_1297 : vector<16xf32>
        %mul3A_1304 = arith.constant 2.000000e+00 : f32
        %mul3A_1305 = vector.broadcast %mul3A_1304 : f32 to vector<16xf32>
        %mul3A_1306 = arith.mulf %mul3A_1305, %add3A_1302 : vector<16xf32>
        %sub3A_1307 = arith.subf %add3A_1303, %mul3A_1306 : vector<16xf32>
        %min3A_1308 = arith.minimumf %min3A_1271, %sub3A_1307 : vector<16xf32>
        %mul3A_1309 = arith.mulf %get3A_1291, %broadcast_in_dim3A_787 : vector<16xf32>
        %mul3A_1310 = arith.mulf %get3A_1293, %broadcast_in_dim3A_842 : vector<16xf32>
        %add3A_1311 = arith.addf %mul3A_1309, %mul3A_1310 : vector<16xf32>
        %mul3A_1312 = arith.mulf %get3A_1295, %broadcast_in_dim3A_897 : vector<16xf32>
        %add3A_1313 = arith.addf %add3A_1311, %mul3A_1312 : vector<16xf32>
        %add3A_1314 = arith.addf %broadcast_in_dim3A_952, %get3A_1297 : vector<16xf32>
        %mul3A_1315 = arith.constant 2.000000e+00 : f32
        %mul3A_1316 = vector.broadcast %mul3A_1315 : f32 to vector<16xf32>
        %mul3A_1317 = arith.mulf %mul3A_1316, %add3A_1313 : vector<16xf32>
        %sub3A_1318 = arith.subf %add3A_1314, %mul3A_1317 : vector<16xf32>
        %min3A_1319 = arith.minimumf %min3A_1282, %sub3A_1318 : vector<16xf32>
        %mul3A_1320 = arith.constant 16 : i32
        %mul3A_1321 = arith.muli %scan3A_984, %mul3A_1320 : i32
        %add3A_1322 = arith.constant 9 : i32
        %add3A_1323 = arith.addi %mul3A_1321, %add3A_1322 : i32
        %mul3A_1324 = arith.constant 16 : i32
        %mul3A_1325 = arith.muli %add3A_1323, %mul3A_1324 : i32
        %multiple_of3A_1326 = tpu.assume_multiple %mul3A_1325, 16 : i32
        %get3A_1327 = arith.index_cast %multiple_of3A_1326 : i32 to index
        %get3A_1328 = tpu.vector_load %arg6[%get3A_1327] {strides = array<i32>} : memref<10240xf32, #tpu.memory_space<vmem>>, vector<16xf32>,
        %get3A_1329 = arith.index_cast %multiple_of3A_1326 : i32 to index
        %get3A_1330 = tpu.vector_load %arg7[%get3A_1329] {strides = array<i32>} : memref<10240xf32, #tpu.memory_space<vmem>>, vector<16xf32>,
        %get3A_1331 = arith.index_cast %multiple_of3A_1326 : i32 to index
        %get3A_1332 = tpu.vector_load %arg8[%get3A_1331] {strides = array<i32>} : memref<10240xf32, #tpu.memory_space<vmem>>, vector<16xf32>,
        %get3A_1333 = arith.index_cast %multiple_of3A_1326 : i32 to index
        %get3A_1334 = tpu.vector_load %arg9[%get3A_1333] {strides = array<i32>} : memref<10240xf32, #tpu.memory_space<vmem>>, vector<16xf32>,
        %mul3A_1335 = arith.mulf %get3A_1328, %broadcast_in_dim3A_567 : vector<16xf32>
        %mul3A_1336 = arith.mulf %get3A_1330, %broadcast_in_dim3A_622 : vector<16xf32>
        %add3A_1337 = arith.addf %mul3A_1335, %mul3A_1336 : vector<16xf32>
        %mul3A_1338 = arith.mulf %get3A_1332, %broadcast_in_dim3A_677 : vector<16xf32>
        %add3A_1339 = arith.addf %add3A_1337, %mul3A_1338 : vector<16xf32>
        %add3A_1340 = arith.addf %broadcast_in_dim3A_732, %get3A_1334 : vector<16xf32>
        %mul3A_1341 = arith.constant 2.000000e+00 : f32
        %mul3A_1342 = vector.broadcast %mul3A_1341 : f32 to vector<16xf32>
        %mul3A_1343 = arith.mulf %mul3A_1342, %add3A_1339 : vector<16xf32>
        %sub3A_1344 = arith.subf %add3A_1340, %mul3A_1343 : vector<16xf32>
        %min3A_1345 = arith.minimumf %min3A_1308, %sub3A_1344 : vector<16xf32>
        %mul3A_1346 = arith.mulf %get3A_1328, %broadcast_in_dim3A_787 : vector<16xf32>
        %mul3A_1347 = arith.mulf %get3A_1330, %broadcast_in_dim3A_842 : vector<16xf32>
        %add3A_1348 = arith.addf %mul3A_1346, %mul3A_1347 : vector<16xf32>
        %mul3A_1349 = arith.mulf %get3A_1332, %broadcast_in_dim3A_897 : vector<16xf32>
        %add3A_1350 = arith.addf %add3A_1348, %mul3A_1349 : vector<16xf32>
        %add3A_1351 = arith.addf %broadcast_in_dim3A_952, %get3A_1334 : vector<16xf32>
        %mul3A_1352 = arith.constant 2.000000e+00 : f32
        %mul3A_1353 = vector.broadcast %mul3A_1352 : f32 to vector<16xf32>
        %mul3A_1354 = arith.mulf %mul3A_1353, %add3A_1350 : vector<16xf32>
        %sub3A_1355 = arith.subf %add3A_1351, %mul3A_1354 : vector<16xf32>
        %min3A_1356 = arith.minimumf %min3A_1319, %sub3A_1355 : vector<16xf32>
        %mul3A_1357 = arith.constant 16 : i32
        %mul3A_1358 = arith.muli %scan3A_984, %mul3A_1357 : i32
        %add3A_1359 = arith.constant 10 : i32
        %add3A_1360 = arith.addi %mul3A_1358, %add3A_1359 : i32
        %mul3A_1361 = arith.constant 16 : i32
        %mul3A_1362 = arith.muli %add3A_1360, %mul3A_1361 : i32
        %multiple_of3A_1363 = tpu.assume_multiple %mul3A_1362, 16 : i32
        %get3A_1364 = arith.index_cast %multiple_of3A_1363 : i32 to index
        %get3A_1365 = tpu.vector_load %arg6[%get3A_1364] {strides = array<i32>} : memref<10240xf32, #tpu.memory_space<vmem>>, vector<16xf32>,
        %get3A_1366 = arith.index_cast %multiple_of3A_1363 : i32 to index
        %get3A_1367 = tpu.vector_load %arg7[%get3A_1366] {strides = array<i32>} : memref<10240xf32, #tpu.memory_space<vmem>>, vector<16xf32>,
        %get3A_1368 = arith.index_cast %multiple_of3A_1363 : i32 to index
        %get3A_1369 = tpu.vector_load %arg8[%get3A_1368] {strides = array<i32>} : memref<10240xf32, #tpu.memory_space<vmem>>, vector<16xf32>,
        %get3A_1370 = arith.index_cast %multiple_of3A_1363 : i32 to index
        %get3A_1371 = tpu.vector_load %arg9[%get3A_1370] {strides = array<i32>} : memref<10240xf32, #tpu.memory_space<vmem>>, vector<16xf32>,
        %mul3A_1372 = arith.mulf %get3A_1365, %broadcast_in_dim3A_567 : vector<16xf32>
        %mul3A_1373 = arith.mulf %get3A_1367, %broadcast_in_dim3A_622 : vector<16xf32>
        %add3A_1374 = arith.addf %mul3A_1372, %mul3A_1373 : vector<16xf32>
        %mul3A_1375 = arith.mulf %get3A_1369, %broadcast_in_dim3A_677 : vector<16xf32>
        %add3A_1376 = arith.addf %add3A_1374, %mul3A_1375 : vector<16xf32>
        %add3A_1377 = arith.addf %broadcast_in_dim3A_732, %get3A_1371 : vector<16xf32>
        %mul3A_1378 = arith.constant 2.000000e+00 : f32
        %mul3A_1379 = vector.broadcast %mul3A_1378 : f32 to vector<16xf32>
        %mul3A_1380 = arith.mulf %mul3A_1379, %add3A_1376 : vector<16xf32>
        %sub3A_1381 = arith.subf %add3A_1377, %mul3A_1380 : vector<16xf32>
        %min3A_1382 = arith.minimumf %min3A_1345, %sub3A_1381 : vector<16xf32>
        %mul3A_1383 = arith.mulf %get3A_1365, %broadcast_in_dim3A_787 : vector<16xf32>
        %mul3A_1384 = arith.mulf %get3A_1367, %broadcast_in_dim3A_842 : vector<16xf32>
        %add3A_1385 = arith.addf %mul3A_1383, %mul3A_1384 : vector<16xf32>
        %mul3A_1386 = arith.mulf %get3A_1369, %broadcast_in_dim3A_897 : vector<16xf32>
        %add3A_1387 = arith.addf %add3A_1385, %mul3A_1386 : vector<16xf32>
        %add3A_1388 = arith.addf %broadcast_in_dim3A_952, %get3A_1371 : vector<16xf32>
        %mul3A_1389 = arith.constant 2.000000e+00 : f32
        %mul3A_1390 = vector.broadcast %mul3A_1389 : f32 to vector<16xf32>
        %mul3A_1391 = arith.mulf %mul3A_1390, %add3A_1387 : vector<16xf32>
        %sub3A_1392 = arith.subf %add3A_1388, %mul3A_1391 : vector<16xf32>
        %min3A_1393 = arith.minimumf %min3A_1356, %sub3A_1392 : vector<16xf32>
        %mul3A_1394 = arith.constant 16 : i32
        %mul3A_1395 = arith.muli %scan3A_984, %mul3A_1394 : i32
        %add3A_1396 = arith.constant 11 : i32
        %add3A_1397 = arith.addi %mul3A_1395, %add3A_1396 : i32
        %mul3A_1398 = arith.constant 16 : i32
        %mul3A_1399 = arith.muli %add3A_1397, %mul3A_1398 : i32
        %multiple_of3A_1400 = tpu.assume_multiple %mul3A_1399, 16 : i32
        %get3A_1401 = arith.index_cast %multiple_of3A_1400 : i32 to index
        %get3A_1402 = tpu.vector_load %arg6[%get3A_1401] {strides = array<i32>} : memref<10240xf32, #tpu.memory_space<vmem>>, vector<16xf32>,
        %get3A_1403 = arith.index_cast %multiple_of3A_1400 : i32 to index
        %get3A_1404 = tpu.vector_load %arg7[%get3A_1403] {strides = array<i32>} : memref<10240xf32, #tpu.memory_space<vmem>>, vector<16xf32>,
        %get3A_1405 = arith.index_cast %multiple_of3A_1400 : i32 to index
        %get3A_1406 = tpu.vector_load %arg8[%get3A_1405] {strides = array<i32>} : memref<10240xf32, #tpu.memory_space<vmem>>, vector<16xf32>,
        %get3A_1407 = arith.index_cast %multiple_of3A_1400 : i32 to index
        %get3A_1408 = tpu.vector_load %arg9[%get3A_1407] {strides = array<i32>} : memref<10240xf32, #tpu.memory_space<vmem>>, vector<16xf32>,
        %mul3A_1409 = arith.mulf %get3A_1402, %broadcast_in_dim3A_567 : vector<16xf32>
        %mul3A_1410 = arith.mulf %get3A_1404, %broadcast_in_dim3A_622 : vector<16xf32>
        %add3A_1411 = arith.addf %mul3A_1409, %mul3A_1410 : vector<16xf32>
        %mul3A_1412 = arith.mulf %get3A_1406, %broadcast_in_dim3A_677 : vector<16xf32>
        %add3A_1413 = arith.addf %add3A_1411, %mul3A_1412 : vector<16xf32>
        %add3A_1414 = arith.addf %broadcast_in_dim3A_732, %get3A_1408 : vector<16xf32>
        %mul3A_1415 = arith.constant 2.000000e+00 : f32
        %mul3A_1416 = vector.broadcast %mul3A_1415 : f32 to vector<16xf32>
        %mul3A_1417 = arith.mulf %mul3A_1416, %add3A_1413 : vector<16xf32>
        %sub3A_1418 = arith.subf %add3A_1414, %mul3A_1417 : vector<16xf32>
        %min3A_1419 = arith.minimumf %min3A_1382, %sub3A_1418 : vector<16xf32>
        %mul3A_1420 = arith.mulf %get3A_1402, %broadcast_in_dim3A_787 : vector<16xf32>
        %mul3A_1421 = arith.mulf %get3A_1404, %broadcast_in_dim3A_842 : vector<16xf32>
        %add3A_1422 = arith.addf %mul3A_1420, %mul3A_1421 : vector<16xf32>
        %mul3A_1423 = arith.mulf %get3A_1406, %broadcast_in_dim3A_897 : vector<16xf32>
        %add3A_1424 = arith.addf %add3A_1422, %mul3A_1423 : vector<16xf32>
        %add3A_1425 = arith.addf %broadcast_in_dim3A_952, %get3A_1408 : vector<16xf32>
        %mul3A_1426 = arith.constant 2.000000e+00 : f32
        %mul3A_1427 = vector.broadcast %mul3A_1426 : f32 to vector<16xf32>
        %mul3A_1428 = arith.mulf %mul3A_1427, %add3A_1424 : vector<16xf32>
        %sub3A_1429 = arith.subf %add3A_1425, %mul3A_1428 : vector<16xf32>
        %min3A_1430 = arith.minimumf %min3A_1393, %sub3A_1429 : vector<16xf32>
        %mul3A_1431 = arith.constant 16 : i32
        %mul3A_1432 = arith.muli %scan3A_984, %mul3A_1431 : i32
        %add3A_1433 = arith.constant 12 : i32
        %add3A_1434 = arith.addi %mul3A_1432, %add3A_1433 : i32
        %mul3A_1435 = arith.constant 16 : i32
        %mul3A_1436 = arith.muli %add3A_1434, %mul3A_1435 : i32
        %multiple_of3A_1437 = tpu.assume_multiple %mul3A_1436, 16 : i32
        %get3A_1438 = arith.index_cast %multiple_of3A_1437 : i32 to index
        %get3A_1439 = tpu.vector_load %arg6[%get3A_1438] {strides = array<i32>} : memref<10240xf32, #tpu.memory_space<vmem>>, vector<16xf32>,
        %get3A_1440 = arith.index_cast %multiple_of3A_1437 : i32 to index
        %get3A_1441 = tpu.vector_load %arg7[%get3A_1440] {strides = array<i32>} : memref<10240xf32, #tpu.memory_space<vmem>>, vector<16xf32>,
        %get3A_1442 = arith.index_cast %multiple_of3A_1437 : i32 to index
        %get3A_1443 = tpu.vector_load %arg8[%get3A_1442] {strides = array<i32>} : memref<10240xf32, #tpu.memory_space<vmem>>, vector<16xf32>,
        %get3A_1444 = arith.index_cast %multiple_of3A_1437 : i32 to index
        %get3A_1445 = tpu.vector_load %arg9[%get3A_1444] {strides = array<i32>} : memref<10240xf32, #tpu.memory_space<vmem>>, vector<16xf32>,
        %mul3A_1446 = arith.mulf %get3A_1439, %broadcast_in_dim3A_567 : vector<16xf32>
        %mul3A_1447 = arith.mulf %get3A_1441, %broadcast_in_dim3A_622 : vector<16xf32>
        %add3A_1448 = arith.addf %mul3A_1446, %mul3A_1447 : vector<16xf32>
        %mul3A_1449 = arith.mulf %get3A_1443, %broadcast_in_dim3A_677 : vector<16xf32>
        %add3A_1450 = arith.addf %add3A_1448, %mul3A_1449 : vector<16xf32>
        %add3A_1451 = arith.addf %broadcast_in_dim3A_732, %get3A_1445 : vector<16xf32>
        %mul3A_1452 = arith.constant 2.000000e+00 : f32
        %mul3A_1453 = vector.broadcast %mul3A_1452 : f32 to vector<16xf32>
        %mul3A_1454 = arith.mulf %mul3A_1453, %add3A_1450 : vector<16xf32>
        %sub3A_1455 = arith.subf %add3A_1451, %mul3A_1454 : vector<16xf32>
        %min3A_1456 = arith.minimumf %min3A_1419, %sub3A_1455 : vector<16xf32>
        %mul3A_1457 = arith.mulf %get3A_1439, %broadcast_in_dim3A_787 : vector<16xf32>
        %mul3A_1458 = arith.mulf %get3A_1441, %broadcast_in_dim3A_842 : vector<16xf32>
        %add3A_1459 = arith.addf %mul3A_1457, %mul3A_1458 : vector<16xf32>
        %mul3A_1460 = arith.mulf %get3A_1443, %broadcast_in_dim3A_897 : vector<16xf32>
        %add3A_1461 = arith.addf %add3A_1459, %mul3A_1460 : vector<16xf32>
        %add3A_1462 = arith.addf %broadcast_in_dim3A_952, %get3A_1445 : vector<16xf32>
        %mul3A_1463 = arith.constant 2.000000e+00 : f32
        %mul3A_1464 = vector.broadcast %mul3A_1463 : f32 to vector<16xf32>
        %mul3A_1465 = arith.mulf %mul3A_1464, %add3A_1461 : vector<16xf32>
        %sub3A_1466 = arith.subf %add3A_1462, %mul3A_1465 : vector<16xf32>
        %min3A_1467 = arith.minimumf %min3A_1430, %sub3A_1466 : vector<16xf32>
        %mul3A_1468 = arith.constant 16 : i32
        %mul3A_1469 = arith.muli %scan3A_984, %mul3A_1468 : i32
        %add3A_1470 = arith.constant 13 : i32
        %add3A_1471 = arith.addi %mul3A_1469, %add3A_1470 : i32
        %mul3A_1472 = arith.constant 16 : i32
        %mul3A_1473 = arith.muli %add3A_1471, %mul3A_1472 : i32
        %multiple_of3A_1474 = tpu.assume_multiple %mul3A_1473, 16 : i32
        %get3A_1475 = arith.index_cast %multiple_of3A_1474 : i32 to index
        %get3A_1476 = tpu.vector_load %arg6[%get3A_1475] {strides = array<i32>} : memref<10240xf32, #tpu.memory_space<vmem>>, vector<16xf32>,
        %get3A_1477 = arith.index_cast %multiple_of3A_1474 : i32 to index
        %get3A_1478 = tpu.vector_load %arg7[%get3A_1477] {strides = array<i32>} : memref<10240xf32, #tpu.memory_space<vmem>>, vector<16xf32>,
        %get3A_1479 = arith.index_cast %multiple_of3A_1474 : i32 to index
        %get3A_1480 = tpu.vector_load %arg8[%get3A_1479] {strides = array<i32>} : memref<10240xf32, #tpu.memory_space<vmem>>, vector<16xf32>,
        %get3A_1481 = arith.index_cast %multiple_of3A_1474 : i32 to index
        %get3A_1482 = tpu.vector_load %arg9[%get3A_1481] {strides = array<i32>} : memref<10240xf32, #tpu.memory_space<vmem>>, vector<16xf32>,
        %mul3A_1483 = arith.mulf %get3A_1476, %broadcast_in_dim3A_567 : vector<16xf32>
        %mul3A_1484 = arith.mulf %get3A_1478, %broadcast_in_dim3A_622 : vector<16xf32>
        %add3A_1485 = arith.addf %mul3A_1483, %mul3A_1484 : vector<16xf32>
        %mul3A_1486 = arith.mulf %get3A_1480, %broadcast_in_dim3A_677 : vector<16xf32>
        %add3A_1487 = arith.addf %add3A_1485, %mul3A_1486 : vector<16xf32>
        %add3A_1488 = arith.addf %broadcast_in_dim3A_732, %get3A_1482 : vector<16xf32>
        %mul3A_1489 = arith.constant 2.000000e+00 : f32
        %mul3A_1490 = vector.broadcast %mul3A_1489 : f32 to vector<16xf32>
        %mul3A_1491 = arith.mulf %mul3A_1490, %add3A_1487 : vector<16xf32>
        %sub3A_1492 = arith.subf %add3A_1488, %mul3A_1491 : vector<16xf32>
        %min3A_1493 = arith.minimumf %min3A_1456, %sub3A_1492 : vector<16xf32>
        %mul3A_1494 = arith.mulf %get3A_1476, %broadcast_in_dim3A_787 : vector<16xf32>
        %mul3A_1495 = arith.mulf %get3A_1478, %broadcast_in_dim3A_842 : vector<16xf32>
        %add3A_1496 = arith.addf %mul3A_1494, %mul3A_1495 : vector<16xf32>
        %mul3A_1497 = arith.mulf %get3A_1480, %broadcast_in_dim3A_897 : vector<16xf32>
        %add3A_1498 = arith.addf %add3A_1496, %mul3A_1497 : vector<16xf32>
        %add3A_1499 = arith.addf %broadcast_in_dim3A_952, %get3A_1482 : vector<16xf32>
        %mul3A_1500 = arith.constant 2.000000e+00 : f32
        %mul3A_1501 = vector.broadcast %mul3A_1500 : f32 to vector<16xf32>
        %mul3A_1502 = arith.mulf %mul3A_1501, %add3A_1498 : vector<16xf32>
        %sub3A_1503 = arith.subf %add3A_1499, %mul3A_1502 : vector<16xf32>
        %min3A_1504 = arith.minimumf %min3A_1467, %sub3A_1503 : vector<16xf32>
        %mul3A_1505 = arith.constant 16 : i32
        %mul3A_1506 = arith.muli %scan3A_984, %mul3A_1505 : i32
        %add3A_1507 = arith.constant 14 : i32
        %add3A_1508 = arith.addi %mul3A_1506, %add3A_1507 : i32
        %mul3A_1509 = arith.constant 16 : i32
        %mul3A_1510 = arith.muli %add3A_1508, %mul3A_1509 : i32
        %multiple_of3A_1511 = tpu.assume_multiple %mul3A_1510, 16 : i32
        %get3A_1512 = arith.index_cast %multiple_of3A_1511 : i32 to index
        %get3A_1513 = tpu.vector_load %arg6[%get3A_1512] {strides = array<i32>} : memref<10240xf32, #tpu.memory_space<vmem>>, vector<16xf32>,
        %get3A_1514 = arith.index_cast %multiple_of3A_1511 : i32 to index
        %get3A_1515 = tpu.vector_load %arg7[%get3A_1514] {strides = array<i32>} : memref<10240xf32, #tpu.memory_space<vmem>>, vector<16xf32>,
        %get3A_1516 = arith.index_cast %multiple_of3A_1511 : i32 to index
        %get3A_1517 = tpu.vector_load %arg8[%get3A_1516] {strides = array<i32>} : memref<10240xf32, #tpu.memory_space<vmem>>, vector<16xf32>,
        %get3A_1518 = arith.index_cast %multiple_of3A_1511 : i32 to index
        %get3A_1519 = tpu.vector_load %arg9[%get3A_1518] {strides = array<i32>} : memref<10240xf32, #tpu.memory_space<vmem>>, vector<16xf32>,
        %mul3A_1520 = arith.mulf %get3A_1513, %broadcast_in_dim3A_567 : vector<16xf32>
        %mul3A_1521 = arith.mulf %get3A_1515, %broadcast_in_dim3A_622 : vector<16xf32>
        %add3A_1522 = arith.addf %mul3A_1520, %mul3A_1521 : vector<16xf32>
        %mul3A_1523 = arith.mulf %get3A_1517, %broadcast_in_dim3A_677 : vector<16xf32>
        %add3A_1524 = arith.addf %add3A_1522, %mul3A_1523 : vector<16xf32>
        %add3A_1525 = arith.addf %broadcast_in_dim3A_732, %get3A_1519 : vector<16xf32>
        %mul3A_1526 = arith.constant 2.000000e+00 : f32
        %mul3A_1527 = vector.broadcast %mul3A_1526 : f32 to vector<16xf32>
        %mul3A_1528 = arith.mulf %mul3A_1527, %add3A_1524 : vector<16xf32>
        %sub3A_1529 = arith.subf %add3A_1525, %mul3A_1528 : vector<16xf32>
        %min3A_1530 = arith.minimumf %min3A_1493, %sub3A_1529 : vector<16xf32>
        %mul3A_1531 = arith.mulf %get3A_1513, %broadcast_in_dim3A_787 : vector<16xf32>
        %mul3A_1532 = arith.mulf %get3A_1515, %broadcast_in_dim3A_842 : vector<16xf32>
        %add3A_1533 = arith.addf %mul3A_1531, %mul3A_1532 : vector<16xf32>
        %mul3A_1534 = arith.mulf %get3A_1517, %broadcast_in_dim3A_897 : vector<16xf32>
        %add3A_1535 = arith.addf %add3A_1533, %mul3A_1534 : vector<16xf32>
        %add3A_1536 = arith.addf %broadcast_in_dim3A_952, %get3A_1519 : vector<16xf32>
        %mul3A_1537 = arith.constant 2.000000e+00 : f32
        %mul3A_1538 = vector.broadcast %mul3A_1537 : f32 to vector<16xf32>
        %mul3A_1539 = arith.mulf %mul3A_1538, %add3A_1535 : vector<16xf32>
        %sub3A_1540 = arith.subf %add3A_1536, %mul3A_1539 : vector<16xf32>
        %min3A_1541 = arith.minimumf %min3A_1504, %sub3A_1540 : vector<16xf32>
        %mul3A_1542 = arith.constant 16 : i32
        %mul3A_1543 = arith.muli %scan3A_984, %mul3A_1542 : i32
        %add3A_1544 = arith.constant 15 : i32
        %add3A_1545 = arith.addi %mul3A_1543, %add3A_1544 : i32
        %mul3A_1546 = arith.constant 16 : i32
        %mul3A_1547 = arith.muli %add3A_1545, %mul3A_1546 : i32
        %multiple_of3A_1548 = tpu.assume_multiple %mul3A_1547, 16 : i32
        %get3A_1549 = arith.index_cast %multiple_of3A_1548 : i32 to index
        %get3A_1550 = tpu.vector_load %arg6[%get3A_1549] {strides = array<i32>} : memref<10240xf32, #tpu.memory_space<vmem>>, vector<16xf32>,
        %get3A_1551 = arith.index_cast %multiple_of3A_1548 : i32 to index
        %get3A_1552 = tpu.vector_load %arg7[%get3A_1551] {strides = array<i32>} : memref<10240xf32, #tpu.memory_space<vmem>>, vector<16xf32>,
        %get3A_1553 = arith.index_cast %multiple_of3A_1548 : i32 to index
        %get3A_1554 = tpu.vector_load %arg8[%get3A_1553] {strides = array<i32>} : memref<10240xf32, #tpu.memory_space<vmem>>, vector<16xf32>,
        %get3A_1555 = arith.index_cast %multiple_of3A_1548 : i32 to index
        %get3A_1556 = tpu.vector_load %arg9[%get3A_1555] {strides = array<i32>} : memref<10240xf32, #tpu.memory_space<vmem>>, vector<16xf32>,
        %mul3A_1557 = arith.mulf %get3A_1550, %broadcast_in_dim3A_567 : vector<16xf32>
        %mul3A_1558 = arith.mulf %get3A_1552, %broadcast_in_dim3A_622 : vector<16xf32>
        %add3A_1559 = arith.addf %mul3A_1557, %mul3A_1558 : vector<16xf32>
        %mul3A_1560 = arith.mulf %get3A_1554, %broadcast_in_dim3A_677 : vector<16xf32>
        %add3A_1561 = arith.addf %add3A_1559, %mul3A_1560 : vector<16xf32>
        %add3A_1562 = arith.addf %broadcast_in_dim3A_732, %get3A_1556 : vector<16xf32>
        %mul3A_1563 = arith.constant 2.000000e+00 : f32
        %mul3A_1564 = vector.broadcast %mul3A_1563 : f32 to vector<16xf32>
        %mul3A_1565 = arith.mulf %mul3A_1564, %add3A_1561 : vector<16xf32>
        %sub3A_1566 = arith.subf %add3A_1562, %mul3A_1565 : vector<16xf32>
        %min3A_1567 = arith.minimumf %min3A_1530, %sub3A_1566 : vector<16xf32>
        %mul3A_1568 = arith.mulf %get3A_1550, %broadcast_in_dim3A_787 : vector<16xf32>
        %mul3A_1569 = arith.mulf %get3A_1552, %broadcast_in_dim3A_842 : vector<16xf32>
        %add3A_1570 = arith.addf %mul3A_1568, %mul3A_1569 : vector<16xf32>
        %mul3A_1571 = arith.mulf %get3A_1554, %broadcast_in_dim3A_897 : vector<16xf32>
        %add3A_1572 = arith.addf %add3A_1570, %mul3A_1571 : vector<16xf32>
        %add3A_1573 = arith.addf %broadcast_in_dim3A_952, %get3A_1556 : vector<16xf32>
        %mul3A_1574 = arith.constant 2.000000e+00 : f32
        %mul3A_1575 = vector.broadcast %mul3A_1574 : f32 to vector<16xf32>
        %mul3A_1576 = arith.mulf %mul3A_1575, %add3A_1572 : vector<16xf32>
        %sub3A_1577 = arith.subf %add3A_1573, %mul3A_1576 : vector<16xf32>
        %min3A_1578 = arith.minimumf %min3A_1541, %sub3A_1577 : vector<16xf32>
        %mul3A_1579 = arith.constant 16 : i32
        %mul3A_1580 = arith.muli %scan3A_984, %mul3A_1579 : i32
        %multiple_of3A_1581 = tpu.assume_multiple %mul3A_1580, 16 : i32
        %swap3A_1582 = arith.index_cast %multiple_of3A_1581 : i32 to index
        %swap3A_1583 = tpu.vector_load %arg10[%swap3A_1582] {strides = array<i32>} : memref<768xf32, #tpu.memory_space<vmem>>, vector<16xf32>,
        tpu.vector_store %arg10[%swap3A_1582], %min3A_1567 {strides = array<i32>} : memref<768xf32, #tpu.memory_space<vmem>>, vector<16xf32>,
        %swap3A_1584 = arith.index_cast %multiple_of3A_1581 : i32 to index
        %swap3A_1585 = tpu.vector_load %arg11[%swap3A_1584] {strides = array<i32>} : memref<768xf32, #tpu.memory_space<vmem>>, vector<16xf32>,
        tpu.vector_store %arg11[%swap3A_1584], %min3A_1578 {strides = array<i32>} : memref<768xf32, #tpu.memory_space<vmem>>, vector<16xf32>,
        %min3A_1586 = arith.minimumf %scan3A_985, %min3A_1567 : vector<16xf32>
        %min3A_1587 = arith.minimumf %scan3A_986, %min3A_1578 : vector<16xf32>
        scf.yield %min3A_1586, %min3A_1587 : vector<16xf32>, vector<16xf32>
      }
      %scan3A_958 = arith.constant 40 : i32
      %broadcast_in_dim3A_959 = arith.constant 0 : i32
      %broadcast_in_dim3A_960 = vector.broadcast %broadcast_in_dim3A_959 : i32 to vector<16xi32>
      %scan3A_961 = arith.constant 0 : i32
      %scan3A_962 = arith.constant 16 : i32
      %scan3A_963 = arith.addi %scan3A_961, %scan3A_962 : i32
      %scan3A_964 = arith.constant 1 : i32
      %scan3A_965:4 = scf.for %scan3A_984 = %scan3A_961 to %scan3A_963 step %scan3A_964 iter_args(%scan3A_985 = %scan3A_957#0, %scan3A_986 = %broadcast_in_dim3A_960, %scan3A_987 = %scan3A_957#1, %scan3A_988 = %broadcast_in_dim3A_960) -> (vector<16xf32>, vector<16xi32>, vector<16xf32>, vector<16xi32>)  : i32 {
        %reduce_min3A_989 = arith.constant true
        %reduce_min3A_990 = vector.broadcast %reduce_min3A_989 : i1 to vector<16xi1>
        %reduce_min3A_991 = tpu.scan <min>, %scan3A_985 masked %reduce_min3A_990 : vector<16xf32>, vector<16xi1> -> vector<16xf32>
        %reduce_min3A_992 = vector.extract %reduce_min3A_991[15] : f32 from vector<16xf32>
        %broadcast_in_dim3A_993 = vector.broadcast %reduce_min3A_992 : f32 to vector<16xf32>
        %eq3A_994 = arith.cmpf oeq, %scan3A_985, %broadcast_in_dim3A_993 : vector<16xf32>
        %all_reduce_ffs3A = tpu.all_reduce %eq3A_994 {dim = 0 : i64, kind = #tpu.reduction_kind<find_first_set>} : vector<16xi1> -> vector<16xi32>
        %add3A_995 = arith.constant 0 : i32
        %add3A_996 = vector.broadcast %add3A_995 : i32 to vector<16xi32>
        %add3A_997 = arith.addi %add3A_996, %iota3A : vector<16xi32>
        %mul3A_998 = arith.constant 16 : i32
        %mul3A_999 = vector.broadcast %mul3A_998 : i32 to vector<16xi32>
        %mul3A_1000 = arith.muli %add3A_997, %mul3A_999 : vector<16xi32>
        %add3A_1001 = arith.addi %mul3A_1000, %all_reduce_ffs3A : vector<16xi32>
        %gather3A = tpu.vector_load_idx %arg10[%add3A_1001] : memref<768xf32, #tpu.memory_space<vmem>>[vector<16xi32>], vector<16xf32>,
        %eq3A_1002 = arith.cmpf oeq, %gather3A, %broadcast_in_dim3A_993 : vector<16xf32>
        %all_reduce_ffs3A_1003 = tpu.all_reduce %eq3A_1002 {dim = 0 : i64, kind = #tpu.reduction_kind<find_first_set>} : vector<16xi1> -> vector<16xi32>
        %add3A_1004 = arith.constant 0 : i32
        %add3A_1005 = vector.broadcast %add3A_1004 : i32 to vector<16xi32>
        %add3A_1006 = arith.addi %all_reduce_ffs3A_1003, %add3A_1005 : vector<16xi32>
        %all_reduce_population_count3A = tpu.all_reduce %eq3A_1002 {dim = 0 : i64, kind = #tpu.reduction_kind<sum>} : vector<16xi1> -> vector<16xi32>
        %add3A_1007 = arith.constant 16 : i32
        %add3A_1008 = vector.broadcast %add3A_1007 : i32 to vector<16xi32>
        %add3A_1009 = arith.addi %add3A_1008, %iota3A : vector<16xi32>
        %mul3A_1010 = arith.constant 16 : i32
        %mul3A_1011 = vector.broadcast %mul3A_1010 : i32 to vector<16xi32>
        %mul3A_1012 = arith.muli %add3A_1009, %mul3A_1011 : vector<16xi32>
        %add3A_1013 = arith.addi %mul3A_1012, %all_reduce_ffs3A : vector<16xi32>
        %gather3A_1014 = tpu.vector_load_idx %arg10[%add3A_1013] : memref<768xf32, #tpu.memory_space<vmem>>[vector<16xi32>], vector<16xf32>,
        %eq3A_1015 = arith.cmpf oeq, %gather3A_1014, %broadcast_in_dim3A_993 : vector<16xf32>
        %all_reduce_ffs3A_1016 = tpu.all_reduce %eq3A_1015 {dim = 0 : i64, kind = #tpu.reduction_kind<find_first_set>} : vector<16xi1> -> vector<16xi32>
        %add3A_1017 = arith.constant 16 : i32
        %add3A_1018 = vector.broadcast %add3A_1017 : i32 to vector<16xi32>
        %add3A_1019 = arith.addi %all_reduce_ffs3A_1016, %add3A_1018 : vector<16xi32>
        %all_reduce_population_count3A_1020 = tpu.all_reduce %eq3A_1015 {dim = 0 : i64, kind = #tpu.reduction_kind<sum>} : vector<16xi1> -> vector<16xi32>
        %add3A_1021 = arith.constant 32 : i32
        %add3A_1022 = vector.broadcast %add3A_1021 : i32 to vector<16xi32>
        %add3A_1023 = arith.addi %add3A_1022, %iota3A : vector<16xi32>
        %mul3A_1024 = arith.constant 16 : i32
        %mul3A_1025 = vector.broadcast %mul3A_1024 : i32 to vector<16xi32>
        %mul3A_1026 = arith.muli %add3A_1023, %mul3A_1025 : vector<16xi32>
        %add3A_1027 = arith.addi %mul3A_1026, %all_reduce_ffs3A : vector<16xi32>
        %gather3A_1028 = tpu.vector_load_idx %arg10[%add3A_1027] : memref<768xf32, #tpu.memory_space<vmem>>[vector<16xi32>], vector<16xf32>,
        %eq3A_1029 = arith.cmpf oeq, %gather3A_1028, %broadcast_in_dim3A_993 : vector<16xf32>
        %all_reduce_ffs3A_1030 = tpu.all_reduce %eq3A_1029 {dim = 0 : i64, kind = #tpu.reduction_kind<find_first_set>} : vector<16xi1> -> vector<16xi32>
        %add3A_1031 = arith.constant 32 : i32
        %add3A_1032 = vector.broadcast %add3A_1031 : i32 to vector<16xi32>
        %add3A_1033 = arith.addi %all_reduce_ffs3A_1030, %add3A_1032 : vector<16xi32>
        %all_reduce_population_count3A_1034 = tpu.all_reduce %eq3A_1029 {dim = 0 : i64, kind = #tpu.reduction_kind<sum>} : vector<16xi1> -> vector<16xi32>
        %gt3A = arith.constant 0 : i32
        %gt3A_1035 = vector.broadcast %gt3A : i32 to vector<16xi32>
        %gt3A_1036 = arith.cmpi sgt, %all_reduce_population_count3A, %gt3A_1035 : vector<16xi32>
        %gt3A_1037 = arith.constant 0 : i32
        %gt3A_1038 = vector.broadcast %gt3A_1037 : i32 to vector<16xi32>
        %gt3A_1039 = arith.cmpi sgt, %all_reduce_population_count3A_1020, %gt3A_1038 : vector<16xi32>
        %select_n3A_1040 = arith.select %gt3A_1039, %add3A_1019, %add3A_1033 : vector<16xi1>, vector<16xi32>
        %select_n3A_1041 = arith.select %gt3A_1036, %add3A_1006, %select_n3A_1040 : vector<16xi1>, vector<16xi32>
        %mul3A_1042 = arith.constant 16 : i32
        %mul3A_1043 = vector.broadcast %mul3A_1042 : i32 to vector<16xi32>
        %mul3A_1044 = arith.muli %select_n3A_1041, %mul3A_1043 : vector<16xi32>
        %add3A_1045 = arith.addi %mul3A_1044, %iota3A : vector<16xi32>
        %mul3A_1046 = arith.constant 16 : i32
        %mul3A_1047 = vector.broadcast %mul3A_1046 : i32 to vector<16xi32>
        %mul3A_1048 = arith.muli %add3A_1045, %mul3A_1047 : vector<16xi32>
        %add3A_1049 = arith.addi %mul3A_1048, %all_reduce_ffs3A : vector<16xi32>
        %gather3A_1050 = tpu.vector_load_idx %arg6[%add3A_1049] : memref<10240xf32, #tpu.memory_space<vmem>>[vector<16xi32>], vector<16xf32>,
        %mul3A_1051 = arith.mulf %gather3A_1050, %broadcast_in_dim3A_567 : vector<16xf32>
        %gather3A_1052 = tpu.vector_load_idx %arg7[%add3A_1049] : memref<10240xf32, #tpu.memory_space<vmem>>[vector<16xi32>], vector<16xf32>,
        %mul3A_1053 = arith.mulf %gather3A_1052, %broadcast_in_dim3A_622 : vector<16xf32>
        %add3A_1054 = arith.addf %mul3A_1051, %mul3A_1053 : vector<16xf32>
        %gather3A_1055 = tpu.vector_load_idx %arg8[%add3A_1049] : memref<10240xf32, #tpu.memory_space<vmem>>[vector<16xi32>], vector<16xf32>,
        %mul3A_1056 = arith.mulf %gather3A_1055, %broadcast_in_dim3A_677 : vector<16xf32>
        %add3A_1057 = arith.addf %add3A_1054, %mul3A_1056 : vector<16xf32>
        %gather3A_1058 = tpu.vector_load_idx %arg9[%add3A_1049] : memref<10240xf32, #tpu.memory_space<vmem>>[vector<16xi32>], vector<16xf32>,
        %add3A_1059 = arith.addf %broadcast_in_dim3A_732, %gather3A_1058 : vector<16xf32>
        %mul3A_1060 = arith.constant 2.000000e+00 : f32
        %mul3A_1061 = vector.broadcast %mul3A_1060 : f32 to vector<16xf32>
        %mul3A_1062 = arith.mulf %mul3A_1061, %add3A_1057 : vector<16xf32>
        %sub3A_1063 = arith.subf %add3A_1059, %mul3A_1062 : vector<16xf32>
        %mul3A_1064 = arith.constant 16 : i32
        %mul3A_1065 = vector.broadcast %mul3A_1064 : i32 to vector<16xi32>
        %mul3A_1066 = arith.muli %select_n3A_1041, %mul3A_1065 : vector<16xi32>
        %eq3A_1067 = arith.cmpf oeq, %sub3A_1063, %broadcast_in_dim3A_993 : vector<16xf32>
        %all_reduce_ffs3A_1068 = tpu.all_reduce %eq3A_1067 {dim = 0 : i64, kind = #tpu.reduction_kind<find_first_set>} : vector<16xi1> -> vector<16xi32>
        %add3A_1069 = arith.addi %mul3A_1066, %all_reduce_ffs3A_1068 : vector<16xi32>
        %mul3A_1070 = arith.constant 16 : i32
        %mul3A_1071 = vector.broadcast %mul3A_1070 : i32 to vector<16xi32>
        %mul3A_1072 = arith.muli %add3A_1069, %mul3A_1071 : vector<16xi32>
        %add3A_1073 = arith.addi %mul3A_1072, %all_reduce_ffs3A : vector<16xi32>
        %eq3A_1074 = vector.broadcast %scan3A_984 : i32 to vector<16xi32>
        %eq3A_1075 = arith.cmpi eq, %iota3A, %eq3A_1074 : vector<16xi32>
        %select_n3A_1076 = arith.select %eq3A_1075, %add3A_1073, %scan3A_986 : vector<16xi1>, vector<16xi32>
        %le3A = arith.cmpf ole, %sub3A_1063, %broadcast_in_dim3A_993 : vector<16xf32>
        %jit3A_1077 = arith.constant 3.000000e+38 : f32
        %broadcast_in_dim3A_1078 = vector.broadcast %jit3A_1077 : f32 to vector<16xf32>
        %select_n3A_1079 = arith.select %le3A, %broadcast_in_dim3A_1078, %sub3A_1063 : vector<16xi1>, vector<16xf32>
        %reduce_min3A_1080 = arith.constant true
        %reduce_min3A_1081 = vector.broadcast %reduce_min3A_1080 : i1 to vector<16xi1>
        %reduce_min3A_1082 = tpu.scan <min>, %select_n3A_1079 masked %reduce_min3A_1081 : vector<16xf32>, vector<16xi1> -> vector<16xf32>
        %reduce_min3A_1083 = vector.extract %reduce_min3A_1082[15] : f32 from vector<16xf32>
        %broadcast_in_dim3A_1084 = vector.broadcast %reduce_min3A_1083 : f32 to vector<16xf32>
        %mul3A_1085 = arith.constant 16 : i32
        %mul3A_1086 = vector.broadcast %mul3A_1085 : i32 to vector<16xi32>
        %mul3A_1087 = arith.muli %select_n3A_1041, %mul3A_1086 : vector<16xi32>
        %add3A_1088 = arith.addi %mul3A_1087, %all_reduce_ffs3A : vector<16xi32>
        %eq3A_1089 = arith.constant 0 : i32
        %eq3A_1090 = vector.broadcast %eq3A_1089 : i32 to vector<16xi32>
        %eq3A_1091 = arith.cmpi eq, %iota3A, %eq3A_1090 : vector<16xi32>
        tpu.vector_store_idx %arg10[%add3A_1088], %broadcast_in_dim3A_1084 masked %eq3A_1091 : memref<768xf32, #tpu.memory_space<vmem>>[vector<16xi32>], vector<16xf32>, vector<16xi1>
        %add3A_1092 = arith.constant 0 : i32
        %add3A_1093 = vector.broadcast %add3A_1092 : i32 to vector<16xi32>
        %add3A_1094 = arith.addi %add3A_1093, %iota3A : vector<16xi32>
        %eq3A_1095 = arith.cmpi eq, %add3A_1094, %select_n3A_1041 : vector<16xi32>
        %select_n3A_1096 = arith.select %eq3A_1095, %broadcast_in_dim3A_1084, %gather3A : vector<16xi1>, vector<16xf32>
        %min3A_1097 = arith.minimumf %broadcast_in_dim3A_1, %select_n3A_1096 : vector<16xf32>
        %add3A_1098 = arith.constant 16 : i32
        %add3A_1099 = vector.broadcast %add3A_1098 : i32 to vector<16xi32>
        %add3A_1100 = arith.addi %add3A_1099, %iota3A : vector<16xi32>
        %eq3A_1101 = arith.cmpi eq, %add3A_1100, %select_n3A_1041 : vector<16xi32>
        %select_n3A_1102 = arith.select %eq3A_1101, %broadcast_in_dim3A_1084, %gather3A_1014 : vector<16xi1>, vector<16xf32>
        %min3A_1103 = arith.minimumf %min3A_1097, %select_n3A_1102 : vector<16xf32>
        %add3A_1104 = arith.constant 32 : i32
        %add3A_1105 = vector.broadcast %add3A_1104 : i32 to vector<16xi32>
        %add3A_1106 = arith.addi %add3A_1105, %iota3A : vector<16xi32>
        %eq3A_1107 = arith.cmpi eq, %add3A_1106, %select_n3A_1041 : vector<16xi32>
        %select_n3A_1108 = arith.select %eq3A_1107, %broadcast_in_dim3A_1084, %gather3A_1028 : vector<16xi1>, vector<16xf32>
        %min3A_1109 = arith.minimumf %min3A_1103, %select_n3A_1108 : vector<16xf32>
        %eq3A_1110 = arith.cmpi eq, %iota3A, %all_reduce_ffs3A : vector<16xi32>
        %reduce_min3A_1111 = arith.constant true
        %reduce_min3A_1112 = vector.broadcast %reduce_min3A_1111 : i1 to vector<16xi1>
        %reduce_min3A_1113 = tpu.scan <min>, %min3A_1109 masked %reduce_min3A_1112 : vector<16xf32>, vector<16xi1> -> vector<16xf32>
        %reduce_min3A_1114 = vector.extract %reduce_min3A_1113[15] : f32 from vector<16xf32>
        %broadcast_in_dim3A_1115 = vector.broadcast %reduce_min3A_1114 : f32 to vector<16xf32>
        %select_n3A_1116 = arith.select %eq3A_1110, %broadcast_in_dim3A_1115, %scan3A_985 : vector<16xi1>, vector<16xf32>
        %reduce_min3A_1117 = arith.constant true
        %reduce_min3A_1118 = vector.broadcast %reduce_min3A_1117 : i1 to vector<16xi1>
        %reduce_min3A_1119 = tpu.scan <min>, %scan3A_987 masked %reduce_min3A_1118 : vector<16xf32>, vector<16xi1> -> vector<16xf32>
        %reduce_min3A_1120 = vector.extract %reduce_min3A_1119[15] : f32 from vector<16xf32>
        %broadcast_in_dim3A_1121 = vector.broadcast %reduce_min3A_1120 : f32 to vector<16xf32>
        %eq3A_1122 = arith.cmpf oeq, %scan3A_987, %broadcast_in_dim3A_1121 : vector<16xf32>
        %all_reduce_ffs3A_1123 = tpu.all_reduce %eq3A_1122 {dim = 0 : i64, kind = #tpu.reduction_kind<find_first_set>} : vector<16xi1> -> vector<16xi32>
        %add3A_1124 = arith.constant 0 : i32
        %add3A_1125 = vector.broadcast %add3A_1124 : i32 to vector<16xi32>
        %add3A_1126 = arith.addi %add3A_1125, %iota3A : vector<16xi32>
        %mul3A_1127 = arith.constant 16 : i32
        %mul3A_1128 = vector.broadcast %mul3A_1127 : i32 to vector<16xi32>
        %mul3A_1129 = arith.muli %add3A_1126, %mul3A_1128 : vector<16xi32>
        %add3A_1130 = arith.addi %mul3A_1129, %all_reduce_ffs3A_1123 : vector<16xi32>
        %gather3A_1131 = tpu.vector_load_idx %arg11[%add3A_1130] : memref<768xf32, #tpu.memory_space<vmem>>[vector<16xi32>], vector<16xf32>,
        %eq3A_1132 = arith.cmpf oeq, %gather3A_1131, %broadcast_in_dim3A_1121 : vector<16xf32>
        %all_reduce_ffs3A_1133 = tpu.all_reduce %eq3A_1132 {dim = 0 : i64, kind = #tpu.reduction_kind<find_first_set>} : vector<16xi1> -> vector<16xi32>
        %add3A_1134 = arith.constant 0 : i32
        %add3A_1135 = vector.broadcast %add3A_1134 : i32 to vector<16xi32>
        %add3A_1136 = arith.addi %all_reduce_ffs3A_1133, %add3A_1135 : vector<16xi32>
        %all_reduce_population_count3A_1137 = tpu.all_reduce %eq3A_1132 {dim = 0 : i64, kind = #tpu.reduction_kind<sum>} : vector<16xi1> -> vector<16xi32>
        %add3A_1138 = arith.constant 16 : i32
        %add3A_1139 = vector.broadcast %add3A_1138 : i32 to vector<16xi32>
        %add3A_1140 = arith.addi %add3A_1139, %iota3A : vector<16xi32>
        %mul3A_1141 = arith.constant 16 : i32
        %mul3A_1142 = vector.broadcast %mul3A_1141 : i32 to vector<16xi32>
        %mul3A_1143 = arith.muli %add3A_1140, %mul3A_1142 : vector<16xi32>
        %add3A_1144 = arith.addi %mul3A_1143, %all_reduce_ffs3A_1123 : vector<16xi32>
        %gather3A_1145 = tpu.vector_load_idx %arg11[%add3A_1144] : memref<768xf32, #tpu.memory_space<vmem>>[vector<16xi32>], vector<16xf32>,
        %eq3A_1146 = arith.cmpf oeq, %gather3A_1145, %broadcast_in_dim3A_1121 : vector<16xf32>
        %all_reduce_ffs3A_1147 = tpu.all_reduce %eq3A_1146 {dim = 0 : i64, kind = #tpu.reduction_kind<find_first_set>} : vector<16xi1> -> vector<16xi32>
        %add3A_1148 = arith.constant 16 : i32
        %add3A_1149 = vector.broadcast %add3A_1148 : i32 to vector<16xi32>
        %add3A_1150 = arith.addi %all_reduce_ffs3A_1147, %add3A_1149 : vector<16xi32>
        %all_reduce_population_count3A_1151 = tpu.all_reduce %eq3A_1146 {dim = 0 : i64, kind = #tpu.reduction_kind<sum>} : vector<16xi1> -> vector<16xi32>
        %add3A_1152 = arith.constant 32 : i32
        %add3A_1153 = vector.broadcast %add3A_1152 : i32 to vector<16xi32>
        %add3A_1154 = arith.addi %add3A_1153, %iota3A : vector<16xi32>
        %mul3A_1155 = arith.constant 16 : i32
        %mul3A_1156 = vector.broadcast %mul3A_1155 : i32 to vector<16xi32>
        %mul3A_1157 = arith.muli %add3A_1154, %mul3A_1156 : vector<16xi32>
        %add3A_1158 = arith.addi %mul3A_1157, %all_reduce_ffs3A_1123 : vector<16xi32>
        %gather3A_1159 = tpu.vector_load_idx %arg11[%add3A_1158] : memref<768xf32, #tpu.memory_space<vmem>>[vector<16xi32>], vector<16xf32>,
        %eq3A_1160 = arith.cmpf oeq, %gather3A_1159, %broadcast_in_dim3A_1121 : vector<16xf32>
        %all_reduce_ffs3A_1161 = tpu.all_reduce %eq3A_1160 {dim = 0 : i64, kind = #tpu.reduction_kind<find_first_set>} : vector<16xi1> -> vector<16xi32>
        %add3A_1162 = arith.constant 32 : i32
        %add3A_1163 = vector.broadcast %add3A_1162 : i32 to vector<16xi32>
        %add3A_1164 = arith.addi %all_reduce_ffs3A_1161, %add3A_1163 : vector<16xi32>
        %all_reduce_population_count3A_1165 = tpu.all_reduce %eq3A_1160 {dim = 0 : i64, kind = #tpu.reduction_kind<sum>} : vector<16xi1> -> vector<16xi32>
        %gt3A_1166 = arith.constant 0 : i32
        %gt3A_1167 = vector.broadcast %gt3A_1166 : i32 to vector<16xi32>
        %gt3A_1168 = arith.cmpi sgt, %all_reduce_population_count3A_1137, %gt3A_1167 : vector<16xi32>
        %gt3A_1169 = arith.constant 0 : i32
        %gt3A_1170 = vector.broadcast %gt3A_1169 : i32 to vector<16xi32>
        %gt3A_1171 = arith.cmpi sgt, %all_reduce_population_count3A_1151, %gt3A_1170 : vector<16xi32>
        %select_n3A_1172 = arith.select %gt3A_1171, %add3A_1150, %add3A_1164 : vector<16xi1>, vector<16xi32>
        %select_n3A_1173 = arith.select %gt3A_1168, %add3A_1136, %select_n3A_1172 : vector<16xi1>, vector<16xi32>
        %mul3A_1174 = arith.constant 16 : i32
        %mul3A_1175 = vector.broadcast %mul3A_1174 : i32 to vector<16xi32>
        %mul3A_1176 = arith.muli %select_n3A_1173, %mul3A_1175 : vector<16xi32>
        %add3A_1177 = arith.addi %mul3A_1176, %iota3A : vector<16xi32>
        %mul3A_1178 = arith.constant 16 : i32
        %mul3A_1179 = vector.broadcast %mul3A_1178 : i32 to vector<16xi32>
        %mul3A_1180 = arith.muli %add3A_1177, %mul3A_1179 : vector<16xi32>
        %add3A_1181 = arith.addi %mul3A_1180, %all_reduce_ffs3A_1123 : vector<16xi32>
        %gather3A_1182 = tpu.vector_load_idx %arg6[%add3A_1181] : memref<10240xf32, #tpu.memory_space<vmem>>[vector<16xi32>], vector<16xf32>,
        %mul3A_1183 = arith.mulf %gather3A_1182, %broadcast_in_dim3A_787 : vector<16xf32>
        %gather3A_1184 = tpu.vector_load_idx %arg7[%add3A_1181] : memref<10240xf32, #tpu.memory_space<vmem>>[vector<16xi32>], vector<16xf32>,
        %mul3A_1185 = arith.mulf %gather3A_1184, %broadcast_in_dim3A_842 : vector<16xf32>
        %add3A_1186 = arith.addf %mul3A_1183, %mul3A_1185 : vector<16xf32>
        %gather3A_1187 = tpu.vector_load_idx %arg8[%add3A_1181] : memref<10240xf32, #tpu.memory_space<vmem>>[vector<16xi32>], vector<16xf32>,
        %mul3A_1188 = arith.mulf %gather3A_1187, %broadcast_in_dim3A_897 : vector<16xf32>
        %add3A_1189 = arith.addf %add3A_1186, %mul3A_1188 : vector<16xf32>
        %gather3A_1190 = tpu.vector_load_idx %arg9[%add3A_1181] : memref<10240xf32, #tpu.memory_space<vmem>>[vector<16xi32>], vector<16xf32>,
        %add3A_1191 = arith.addf %broadcast_in_dim3A_952, %gather3A_1190 : vector<16xf32>
        %mul3A_1192 = arith.constant 2.000000e+00 : f32
        %mul3A_1193 = vector.broadcast %mul3A_1192 : f32 to vector<16xf32>
        %mul3A_1194 = arith.mulf %mul3A_1193, %add3A_1189 : vector<16xf32>
        %sub3A_1195 = arith.subf %add3A_1191, %mul3A_1194 : vector<16xf32>
        %mul3A_1196 = arith.constant 16 : i32
        %mul3A_1197 = vector.broadcast %mul3A_1196 : i32 to vector<16xi32>
        %mul3A_1198 = arith.muli %select_n3A_1173, %mul3A_1197 : vector<16xi32>
        %eq3A_1199 = arith.cmpf oeq, %sub3A_1195, %broadcast_in_dim3A_1121 : vector<16xf32>
        %all_reduce_ffs3A_1200 = tpu.all_reduce %eq3A_1199 {dim = 0 : i64, kind = #tpu.reduction_kind<find_first_set>} : vector<16xi1> -> vector<16xi32>
        %add3A_1201 = arith.addi %mul3A_1198, %all_reduce_ffs3A_1200 : vector<16xi32>
        %mul3A_1202 = arith.constant 16 : i32
        %mul3A_1203 = vector.broadcast %mul3A_1202 : i32 to vector<16xi32>
        %mul3A_1204 = arith.muli %add3A_1201, %mul3A_1203 : vector<16xi32>
        %add3A_1205 = arith.addi %mul3A_1204, %all_reduce_ffs3A_1123 : vector<16xi32>
        %eq3A_1206 = vector.broadcast %scan3A_984 : i32 to vector<16xi32>
        %eq3A_1207 = arith.cmpi eq, %iota3A, %eq3A_1206 : vector<16xi32>
        %select_n3A_1208 = arith.select %eq3A_1207, %add3A_1205, %scan3A_988 : vector<16xi1>, vector<16xi32>
        %le3A_1209 = arith.cmpf ole, %sub3A_1195, %broadcast_in_dim3A_1121 : vector<16xf32>
        %jit3A_1210 = arith.constant 3.000000e+38 : f32
        %broadcast_in_dim3A_1211 = vector.broadcast %jit3A_1210 : f32 to vector<16xf32>
        %select_n3A_1212 = arith.select %le3A_1209, %broadcast_in_dim3A_1211, %sub3A_1195 : vector<16xi1>, vector<16xf32>
        %reduce_min3A_1213 = arith.constant true
        %reduce_min3A_1214 = vector.broadcast %reduce_min3A_1213 : i1 to vector<16xi1>
        %reduce_min3A_1215 = tpu.scan <min>, %select_n3A_1212 masked %reduce_min3A_1214 : vector<16xf32>, vector<16xi1> -> vector<16xf32>
        %reduce_min3A_1216 = vector.extract %reduce_min3A_1215[15] : f32 from vector<16xf32>
        %broadcast_in_dim3A_1217 = vector.broadcast %reduce_min3A_1216 : f32 to vector<16xf32>
        %mul3A_1218 = arith.constant 16 : i32
        %mul3A_1219 = vector.broadcast %mul3A_1218 : i32 to vector<16xi32>
        %mul3A_1220 = arith.muli %select_n3A_1173, %mul3A_1219 : vector<16xi32>
        %add3A_1221 = arith.addi %mul3A_1220, %all_reduce_ffs3A_1123 : vector<16xi32>
        %eq3A_1222 = arith.constant 0 : i32
        %eq3A_1223 = vector.broadcast %eq3A_1222 : i32 to vector<16xi32>
        %eq3A_1224 = arith.cmpi eq, %iota3A, %eq3A_1223 : vector<16xi32>
        tpu.vector_store_idx %arg11[%add3A_1221], %broadcast_in_dim3A_1217 masked %eq3A_1224 : memref<768xf32, #tpu.memory_space<vmem>>[vector<16xi32>], vector<16xf32>, vector<16xi1>
        %add3A_1225 = arith.constant 0 : i32
        %add3A_1226 = vector.broadcast %add3A_1225 : i32 to vector<16xi32>
        %add3A_1227 = arith.addi %add3A_1226, %iota3A : vector<16xi32>
        %eq3A_1228 = arith.cmpi eq, %add3A_1227, %select_n3A_1173 : vector<16xi32>
        %select_n3A_1229 = arith.select %eq3A_1228, %broadcast_in_dim3A_1217, %gather3A_1131 : vector<16xi1>, vector<16xf32>
        %min3A_1230 = arith.minimumf %broadcast_in_dim3A_1, %select_n3A_1229 : vector<16xf32>
        %add3A_1231 = arith.constant 16 : i32
        %add3A_1232 = vector.broadcast %add3A_1231 : i32 to vector<16xi32>
        %add3A_1233 = arith.addi %add3A_1232, %iota3A : vector<16xi32>
        %eq3A_1234 = arith.cmpi eq, %add3A_1233, %select_n3A_1173 : vector<16xi32>
        %select_n3A_1235 = arith.select %eq3A_1234, %broadcast_in_dim3A_1217, %gather3A_1145 : vector<16xi1>, vector<16xf32>
        %min3A_1236 = arith.minimumf %min3A_1230, %select_n3A_1235 : vector<16xf32>
        %add3A_1237 = arith.constant 32 : i32
        %add3A_1238 = vector.broadcast %add3A_1237 : i32 to vector<16xi32>
        %add3A_1239 = arith.addi %add3A_1238, %iota3A : vector<16xi32>
        %eq3A_1240 = arith.cmpi eq, %add3A_1239, %select_n3A_1173 : vector<16xi32>
        %select_n3A_1241 = arith.select %eq3A_1240, %broadcast_in_dim3A_1217, %gather3A_1159 : vector<16xi1>, vector<16xf32>
        %min3A_1242 = arith.minimumf %min3A_1236, %select_n3A_1241 : vector<16xf32>
        %eq3A_1243 = arith.cmpi eq, %iota3A, %all_reduce_ffs3A_1123 : vector<16xi32>
        %reduce_min3A_1244 = arith.constant true
        %reduce_min3A_1245 = vector.broadcast %reduce_min3A_1244 : i1 to vector<16xi1>
        %reduce_min3A_1246 = tpu.scan <min>, %min3A_1242 masked %reduce_min3A_1245 : vector<16xf32>, vector<16xi1> -> vector<16xf32>
        %reduce_min3A_1247 = vector.extract %reduce_min3A_1246[15] : f32 from vector<16xf32>
        %broadcast_in_dim3A_1248 = vector.broadcast %reduce_min3A_1247 : f32 to vector<16xf32>
        %select_n3A_1249 = arith.select %eq3A_1243, %broadcast_in_dim3A_1248, %scan3A_987 : vector<16xi1>, vector<16xf32>
        scf.yield %select_n3A_1116, %select_n3A_1076, %select_n3A_1249, %select_n3A_1208 : vector<16xf32>, vector<16xi32>, vector<16xf32>, vector<16xi32>
      }
      %scan3A_966 = arith.constant 16 : i32
      %min3A_967 = arith.constant 10111 : i32
      %min3A_968 = vector.broadcast %min3A_967 : i32 to vector<16xi32>
      %min3A_969 = arith.minsi %scan3A_965#1, %min3A_968 : vector<16xi32>
      %swap3A_970 = arith.constant 32 : index
      %swap3A_971 = tpu.vector_load %arg12[%swap3A_970] {strides = array<i32>} : memref<64xi32, #tpu.memory_space<vmem>>, vector<16xi32>,
      tpu.vector_store %arg12[%swap3A_970], %min3A_969 {strides = array<i32>} : memref<64xi32, #tpu.memory_space<vmem>>, vector<16xi32>,
      %min3A_972 = arith.constant 10111 : i32
      %min3A_973 = vector.broadcast %min3A_972 : i32 to vector<16xi32>
      %min3A_974 = arith.minsi %scan3A_965#3, %min3A_973 : vector<16xi32>
      %swap3A_975 = arith.constant 48 : index
      %swap3A_976 = tpu.vector_load %arg12[%swap3A_975] {strides = array<i32>} : memref<64xi32, #tpu.memory_space<vmem>>, vector<16xi32>,
      tpu.vector_store %arg12[%swap3A_975], %min3A_974 {strides = array<i32>} : memref<64xi32, #tpu.memory_space<vmem>>, vector<16xi32>,
      %mul3A_977 = arith.constant 316 : i32
      %mul3A_978 = arith.muli %add3A, %mul3A_977 : i32
      %mul3A_979 = arith.constant 4 : i32
      %mul3A_980 = arith.muli %scan3A_44, %mul3A_979 : i32
      %add3A_981 = arith.addi %mul3A_978, %mul3A_980 : i32
      %mul3A_982 = arith.constant 16 : i32
      %mul3A_983 = arith.muli %add3A_981, %mul3A_982 : i32
      "tpu.region"() ({
        %run_scoped3A = tpu.sem_alloc : memref<!tpu.dma_semaphore, #tpu.memory_space<semaphore_mem>>
        %dma_start3A = tpu.memref_slice %arg5[%mul3A_983] : memref<161792xi32, #tpu.memory_space<hbm>> -> memref<64xi32, #tpu.memory_space<hbm>>
        %dma_start3A_984 = tpu.memref_slice %arg5[%mul3A_983] : memref<161792xi32, #tpu.memory_space<hbm>> -> memref<64xi32, #tpu.memory_space<hbm>>
        tpu.enqueue_dma source(%arg12 : memref<64xi32, #tpu.memory_space<vmem>>) target(%dma_start3A_984 : memref<64xi32, #tpu.memory_space<hbm>>) target_semaphore(%run_scoped3A : memref<!tpu.dma_semaphore, #tpu.memory_space<semaphore_mem>>)
        %dma_wait3A = tpu.memref_slice %arg5[%mul3A_983] : memref<161792xi32, #tpu.memory_space<hbm>> -> memref<64xi32, #tpu.memory_space<hbm>>
        %dma_wait3A_985 = tpu.memref_slice %arg5[%mul3A_983] : memref<161792xi32, #tpu.memory_space<hbm>> -> memref<64xi32, #tpu.memory_space<hbm>>
        tpu.wait_dma2 semaphore(%run_scoped3A : memref<!tpu.dma_semaphore, #tpu.memory_space<semaphore_mem>>) src(%arg12 : memref<64xi32, #tpu.memory_space<vmem>>) dst(%dma_wait3A_985 : memref<64xi32, #tpu.memory_space<hbm>>)
        tpu.yield
      }) : () -> ()
    }
    %scan3A_43 = arith.constant 79 : i32
    return
  }
}

module attributes {stable_mosaic.version = 14 : i64} {
  func.func @_prep_body(%arg0: i32, %arg1: memref<128x128xf32, #tpu.memory_space<vmem>>, %arg2: memref<128x16xf32, #tpu.memory_space<vmem>>, %arg3: memref<128x128xf32, #tpu.memory_space<vmem>>, %arg4: memref<128x128xf32, #tpu.memory_space<vmem>>, %arg5: memref<128x128xf32, #tpu.memory_space<vmem>>, %arg6: memref<1x128xf32, #tpu.memory_space<vmem>>, %arg7: memref<1x128xf32, #tpu.memory_space<vmem>>, %arg8: memref<1x128xf32, #tpu.memory_space<vmem>>, %arg9: memref<16x16xf32, #tpu.memory_space<vmem>>, %arg10: memref<1x16xf32, #tpu.memory_space<vmem>>, %arg11: memref<1x16xf32, #tpu.memory_space<vmem>>, %arg12: memref<1x16xf32, #tpu.memory_space<vmem>>, %arg13: memref<16x128xf32, #tpu.memory_space<vmem>>, %arg14: memref<1x128xf32, #tpu.memory_space<vmem>>, %arg15: memref<128x128xf32, #tpu.memory_space<vmem>>, %arg16: memref<128x256xf32, #tpu.memory_space<vmem>>) attributes {dimension_semantics = [#tpu.dimension_semantics<arbitrary>], iteration_bounds = array<i64: 79>, scalar_prefetch = 0 : i64, scratch_operands = 0 : i64, tpu.core_type = #tpu.core_type<tc>, window_params = [{transform_indices = @transform_0, window_bounds = array<i64: 128, 128>}, {transform_indices = @transform_1, window_bounds = array<i64: 128, 16>}, {pipeline_mode = #tpu.pipeline_mode<synchronous>, transform_indices = @transform_2, window_bounds = array<i64: 128, 128>}, {pipeline_mode = #tpu.pipeline_mode<synchronous>, transform_indices = @transform_3, window_bounds = array<i64: 128, 128>}, {pipeline_mode = #tpu.pipeline_mode<synchronous>, transform_indices = @transform_4, window_bounds = array<i64: 128, 128>}, {pipeline_mode = #tpu.pipeline_mode<synchronous>, transform_indices = @transform_5, window_bounds = array<i64: 1, 128>}, {pipeline_mode = #tpu.pipeline_mode<synchronous>, transform_indices = @transform_6, window_bounds = array<i64: 1, 128>}, {pipeline_mode = #tpu.pipeline_mode<synchronous>, transform_indices = @transform_7, window_bounds = array<i64: 1, 128>}, {pipeline_mode = #tpu.pipeline_mode<synchronous>, transform_indices = @transform_8, window_bounds = array<i64: 16, 16>}, {pipeline_mode = #tpu.pipeline_mode<synchronous>, transform_indices = @transform_9, window_bounds = array<i64: 1, 16>}, {pipeline_mode = #tpu.pipeline_mode<synchronous>, transform_indices = @transform_10, window_bounds = array<i64: 1, 16>}, {pipeline_mode = #tpu.pipeline_mode<synchronous>, transform_indices = @transform_11, window_bounds = array<i64: 1, 16>}, {pipeline_mode = #tpu.pipeline_mode<synchronous>, transform_indices = @transform_12, window_bounds = array<i64: 16, 128>}, {pipeline_mode = #tpu.pipeline_mode<synchronous>, transform_indices = @transform_13, window_bounds = array<i64: 1, 128>}, {transform_indices = @transform_14, window_bounds = array<i64: 128, 128>}, {transform_indices = @transform_15, window_bounds = array<i64: 128, 256>}]} {
    %get3A = arith.constant 0 : index
    %get3A_0 = arith.constant 0 : index
    %get3A_1 = vector.load %arg1[%get3A, %get3A_0] : memref<128x128xf32, #tpu.memory_space<vmem>>, vector<128x128xf32>
    %get3A_2 = arith.constant 0 : index
    %get3A_3 = arith.constant 0 : index
    %get3A_4 = vector.load %arg3[%get3A_2, %get3A_3] : memref<128x128xf32, #tpu.memory_space<vmem>>, vector<128x128xf32>
    %dot_general3A = arith.constant dense<0.000000e+00> : vector<128x128xf32>
    %dot_general3A_5 = tpu.matmul %get3A_1, %get3A_4, %dot_general3A {dimension_numbers = #tpu.dot_dimension_numbers<[1], [0], [0], [1], [0, 0, 1, 1], [], []>, transpose_lhs_hint = false} : vector<128x128xf32>, vector<128x128xf32>, vector<128x128xf32> -> vector<128x128xf32>
    %get3A_6 = arith.constant 0 : index
    %get3A_7 = arith.constant 0 : index
    %get3A_8 = vector.load %arg6[%get3A_6, %get3A_7] : memref<1x128xf32, #tpu.memory_space<vmem>>, vector<1x128xf32>
    %add3A = vector.broadcast %get3A_8 : vector<1x128xf32> to vector<128x128xf32>
    %add3A_9 = arith.addf %dot_general3A_5, %add3A : vector<128x128xf32>
    %get3A_10 = arith.constant 0 : index
    %get3A_11 = arith.constant 0 : index
    %get3A_12 = vector.load %arg4[%get3A_10, %get3A_11] : memref<128x128xf32, #tpu.memory_space<vmem>>, vector<128x128xf32>
    %dot_general3A_13 = arith.constant dense<0.000000e+00> : vector<128x128xf32>
    %dot_general3A_14 = tpu.matmul %get3A_1, %get3A_12, %dot_general3A_13 {dimension_numbers = #tpu.dot_dimension_numbers<[1], [0], [0], [1], [0, 0, 1, 1], [], []>, transpose_lhs_hint = false} : vector<128x128xf32>, vector<128x128xf32>, vector<128x128xf32> -> vector<128x128xf32>
    %get3A_15 = arith.constant 0 : index
    %get3A_16 = arith.constant 0 : index
    %get3A_17 = vector.load %arg7[%get3A_15, %get3A_16] : memref<1x128xf32, #tpu.memory_space<vmem>>, vector<1x128xf32>
    %add3A_18 = vector.broadcast %get3A_17 : vector<1x128xf32> to vector<128x128xf32>
    %add3A_19 = arith.addf %dot_general3A_14, %add3A_18 : vector<128x128xf32>
    %get3A_20 = arith.constant 0 : index
    %get3A_21 = arith.constant 0 : index
    %get3A_22 = vector.load %arg5[%get3A_20, %get3A_21] : memref<128x128xf32, #tpu.memory_space<vmem>>, vector<128x128xf32>
    %dot_general3A_23 = arith.constant dense<0.000000e+00> : vector<128x128xf32>
    %dot_general3A_24 = tpu.matmul %get3A_1, %get3A_22, %dot_general3A_23 {dimension_numbers = #tpu.dot_dimension_numbers<[1], [0], [0], [1], [0, 0, 1, 1], [], []>, transpose_lhs_hint = false} : vector<128x128xf32>, vector<128x128xf32>, vector<128x128xf32> -> vector<128x128xf32>
    %get3A_25 = arith.constant 0 : index
    %get3A_26 = arith.constant 0 : index
    %get3A_27 = vector.load %arg8[%get3A_25, %get3A_26] : memref<1x128xf32, #tpu.memory_space<vmem>>, vector<1x128xf32>
    %add3A_28 = vector.broadcast %get3A_27 : vector<1x128xf32> to vector<128x128xf32>
    %add3A_29 = arith.addf %dot_general3A_24, %add3A_28 : vector<128x128xf32>
    %get3A_30 = arith.constant 0 : index
    %get3A_31 = arith.constant 0 : index
    %get3A_32 = vector.load %arg2[%get3A_30, %get3A_31] : memref<128x16xf32, #tpu.memory_space<vmem>>, vector<128x16xf32>
    %get3A_33 = arith.constant 0 : index
    %get3A_34 = arith.constant 0 : index
    %get3A_35 = vector.load %arg9[%get3A_33, %get3A_34] : memref<16x16xf32, #tpu.memory_space<vmem>>, vector<16x16xf32>
    %dot_general3A_36 = arith.constant dense<0.000000e+00> : vector<128x16xf32>
    %dot_general3A_37 = tpu.matmul %get3A_32, %get3A_35, %dot_general3A_36 {dimension_numbers = #tpu.dot_dimension_numbers<[1], [0], [0], [1], [0, 0, 1, 1], [], []>, transpose_lhs_hint = false} : vector<128x16xf32>, vector<16x16xf32>, vector<128x16xf32> -> vector<128x16xf32>
    %get3A_38 = arith.constant 0 : index
    %get3A_39 = arith.constant 0 : index
    %get3A_40 = vector.load %arg10[%get3A_38, %get3A_39] : memref<1x16xf32, #tpu.memory_space<vmem>>, vector<1x16xf32>
    %add3A_41 = vector.broadcast %get3A_40 : vector<1x16xf32> to vector<128x16xf32>
    %add3A_42 = arith.addf %dot_general3A_37, %add3A_41 : vector<128x16xf32>
    %get3A_43 = arith.constant 0 : index
    %get3A_44 = arith.constant 0 : index
    %get3A_45 = vector.load %arg11[%get3A_43, %get3A_44] : memref<1x16xf32, #tpu.memory_space<vmem>>, vector<1x16xf32>
    %mul3A = vector.broadcast %get3A_45 : vector<1x16xf32> to vector<128x16xf32>
    %mul3A_46 = arith.mulf %add3A_42, %mul3A : vector<128x16xf32>
    %get3A_47 = arith.constant 0 : index
    %get3A_48 = arith.constant 0 : index
    %get3A_49 = vector.load %arg12[%get3A_47, %get3A_48] : memref<1x16xf32, #tpu.memory_space<vmem>>, vector<1x16xf32>
    %add3A_50 = vector.broadcast %get3A_49 : vector<1x16xf32> to vector<128x16xf32>
    %add3A_51 = arith.addf %mul3A_46, %add3A_50 : vector<128x16xf32>
    %max3A = arith.constant 0.000000e+00 : f32
    %max3A_52 = vector.broadcast %max3A : f32 to vector<128x16xf32>
    %max3A_53 = arith.maximumf %add3A_51, %max3A_52 : vector<128x16xf32>
    %get3A_54 = arith.constant 0 : index
    %get3A_55 = arith.constant 0 : index
    %get3A_56 = vector.load %arg13[%get3A_54, %get3A_55] : memref<16x128xf32, #tpu.memory_space<vmem>>, vector<16x128xf32>
    %dot_general3A_57 = arith.constant dense<0.000000e+00> : vector<128x128xf32>
    %dot_general3A_58 = tpu.matmul %max3A_53, %get3A_56, %dot_general3A_57 {dimension_numbers = #tpu.dot_dimension_numbers<[1], [0], [0], [1], [0, 0, 1, 1], [], []>, transpose_lhs_hint = false} : vector<128x16xf32>, vector<16x128xf32>, vector<128x128xf32> -> vector<128x128xf32>
    %get3A_59 = arith.constant 0 : index
    %get3A_60 = arith.constant 0 : index
    %get3A_61 = vector.load %arg14[%get3A_59, %get3A_60] : memref<1x128xf32, #tpu.memory_space<vmem>>, vector<1x128xf32>
    %add3A_62 = vector.broadcast %get3A_61 : vector<1x128xf32> to vector<128x128xf32>
    %add3A_63 = arith.addf %dot_general3A_58, %add3A_62 : vector<128x128xf32>
    %swap3A = arith.constant 0 : index
    %swap3A_64 = arith.constant 0 : index
    %swap3A_65 = vector.load %arg15[%swap3A, %swap3A_64] : memref<128x128xf32, #tpu.memory_space<vmem>>, vector<128x128xf32>
    tpu.vector_store %arg15[%swap3A, %swap3A_64], %add3A_9 {strides = array<i32>} : memref<128x128xf32, #tpu.memory_space<vmem>>, vector<128x128xf32>,
    %add3A_66 = arith.addf %add3A_19, %add3A_63 : vector<128x128xf32>
    %add3A_67 = arith.addf %add3A_29, %add3A_63 : vector<128x128xf32>
    %concatenate3A = tpu.concatenate %add3A_66, %add3A_67 in 1 : vector<128x128xf32>, vector<128x128xf32> -> vector<128x256xf32>
    %swap3A_68 = arith.constant 0 : index
    %swap3A_69 = arith.constant 0 : index
    %swap3A_70 = vector.load %arg16[%swap3A_68, %swap3A_69] : memref<128x256xf32, #tpu.memory_space<vmem>>, vector<128x256xf32>
    tpu.vector_store %arg16[%swap3A_68, %swap3A_69], %concatenate3A {strides = array<i32>} : memref<128x256xf32, #tpu.memory_space<vmem>>, vector<128x256xf32>,
    return
  }
  func.func @transform_0(%arg0: i32) -> (i32, i32) {
    %c0_i32 = arith.constant 0 : i32
    %c0_i32_0 = arith.constant 0 : i32
    return %arg0, %c0_i32 : i32, i32
  }
  func.func @transform_1(%arg0: i32) -> (i32, i32) {
    %c0_i32 = arith.constant 0 : i32
    %c0_i32_0 = arith.constant 0 : i32
    return %arg0, %c0_i32 : i32, i32
  }
  func.func @transform_2(%arg0: i32) -> (i32, i32) {
    %c0_i32 = arith.constant 0 : i32
    %c0_i32_0 = arith.constant 0 : i32
    %c0_i32_1 = arith.constant 0 : i32
    return %c0_i32, %c0_i32_0 : i32, i32
  }
  func.func @transform_3(%arg0: i32) -> (i32, i32) {
    %c0_i32 = arith.constant 0 : i32
    %c0_i32_0 = arith.constant 0 : i32
    %c0_i32_1 = arith.constant 0 : i32
    return %c0_i32, %c0_i32_0 : i32, i32
  }
  func.func @transform_4(%arg0: i32) -> (i32, i32) {
    %c0_i32 = arith.constant 0 : i32
    %c0_i32_0 = arith.constant 0 : i32
    %c0_i32_1 = arith.constant 0 : i32
    return %c0_i32, %c0_i32_0 : i32, i32
  }
  func.func @transform_5(%arg0: i32) -> (i32, i32) {
    %c0_i32 = arith.constant 0 : i32
    %c0_i32_0 = arith.constant 0 : i32
    %c0_i32_1 = arith.constant 0 : i32
    return %c0_i32, %c0_i32_0 : i32, i32
  }
  func.func @transform_6(%arg0: i32) -> (i32, i32) {
    %c0_i32 = arith.constant 0 : i32
    %c0_i32_0 = arith.constant 0 : i32
    %c0_i32_1 = arith.constant 0 : i32
    return %c0_i32, %c0_i32_0 : i32, i32
  }
  func.func @transform_7(%arg0: i32) -> (i32, i32) {
    %c0_i32 = arith.constant 0 : i32
    %c0_i32_0 = arith.constant 0 : i32
    %c0_i32_1 = arith.constant 0 : i32
    return %c0_i32, %c0_i32_0 : i32, i32
  }
  func.func @transform_8(%arg0: i32) -> (i32, i32) {
    %c0_i32 = arith.constant 0 : i32
    %c0_i32_0 = arith.constant 0 : i32
    %c0_i32_1 = arith.constant 0 : i32
    return %c0_i32, %c0_i32_0 : i32, i32
  }
  func.func @transform_9(%arg0: i32) -> (i32, i32) {
    %c0_i32 = arith.constant 0 : i32
    %c0_i32_0 = arith.constant 0 : i32
    %c0_i32_1 = arith.constant 0 : i32
    return %c0_i32, %c0_i32_0 : i32, i32
  }
  func.func @transform_10(%arg0: i32) -> (i32, i32) {
    %c0_i32 = arith.constant 0 : i32
    %c0_i32_0 = arith.constant 0 : i32
    %c0_i32_1 = arith.constant 0 : i32
    return %c0_i32, %c0_i32_0 : i32, i32
  }
  func.func @transform_11(%arg0: i32) -> (i32, i32) {
    %c0_i32 = arith.constant 0 : i32
    %c0_i32_0 = arith.constant 0 : i32
    %c0_i32_1 = arith.constant 0 : i32
    return %c0_i32, %c0_i32_0 : i32, i32
  }
  func.func @transform_12(%arg0: i32) -> (i32, i32) {
    %c0_i32 = arith.constant 0 : i32
    %c0_i32_0 = arith.constant 0 : i32
    %c0_i32_1 = arith.constant 0 : i32
    return %c0_i32, %c0_i32_0 : i32, i32
  }
  func.func @transform_13(%arg0: i32) -> (i32, i32) {
    %c0_i32 = arith.constant 0 : i32
    %c0_i32_0 = arith.constant 0 : i32
    %c0_i32_1 = arith.constant 0 : i32
    return %c0_i32, %c0_i32_0 : i32, i32
  }
  func.func @transform_14(%arg0: i32) -> (i32, i32) {
    %c0_i32 = arith.constant 0 : i32
    %c0_i32_0 = arith.constant 0 : i32
    return %arg0, %c0_i32 : i32, i32
  }
  func.func @transform_15(%arg0: i32) -> (i32, i32) {
    %c0_i32 = arith.constant 0 : i32
    %c0_i32_0 = arith.constant 0 : i32
    return %arg0, %c0_i32 : i32, i32
  }
}

module attributes {stable_mosaic.version = 14 : i64} {
  func.func @_attn_body(%arg0: i32, %arg1: memref<2048x256xf32, #tpu.memory_space<vmem>>, %arg2: memref<128x128xf32, #tpu.memory_space<vmem>>, %arg3: memref<1x128xf32, #tpu.memory_space<vmem>>, %arg4: memref<1x128xf32, #tpu.memory_space<vmem>>, %arg5: memref<128x16xf32, #tpu.memory_space<vmem>>, %arg6: memref<1x16xf32, #tpu.memory_space<vmem>>, %arg7: memref<1x16xf32, #tpu.memory_space<vmem>>, %arg8: memref<1x16xf32, #tpu.memory_space<vmem>>, %arg9: memref<16x16xf32, #tpu.memory_space<vmem>>, %arg10: memref<1x16xf32, #tpu.memory_space<vmem>>, %arg11: memref<16x128xf32, #tpu.memory_space<vmem>>, %arg12: memref<128x128xf32, #tpu.memory_space<vmem>>) attributes {dimension_semantics = [#tpu.dimension_semantics<arbitrary>], iteration_bounds = array<i64: 79>, scalar_prefetch = 0 : i64, scratch_operands = 0 : i64, tpu.core_type = #tpu.core_type<tc>, window_params = [{transform_indices = @transform_0, window_bounds = array<i64: 2048, 256>}, {transform_indices = @transform_1, window_bounds = array<i64: 128, 128>}, {pipeline_mode = #tpu.pipeline_mode<synchronous>, transform_indices = @transform_2, window_bounds = array<i64: 1, 128>}, {pipeline_mode = #tpu.pipeline_mode<synchronous>, transform_indices = @transform_3, window_bounds = array<i64: 1, 128>}, {pipeline_mode = #tpu.pipeline_mode<synchronous>, transform_indices = @transform_4, window_bounds = array<i64: 128, 16>}, {pipeline_mode = #tpu.pipeline_mode<synchronous>, transform_indices = @transform_5, window_bounds = array<i64: 1, 16>}, {pipeline_mode = #tpu.pipeline_mode<synchronous>, transform_indices = @transform_6, window_bounds = array<i64: 1, 16>}, {pipeline_mode = #tpu.pipeline_mode<synchronous>, transform_indices = @transform_7, window_bounds = array<i64: 1, 16>}, {pipeline_mode = #tpu.pipeline_mode<synchronous>, transform_indices = @transform_8, window_bounds = array<i64: 16, 16>}, {pipeline_mode = #tpu.pipeline_mode<synchronous>, transform_indices = @transform_9, window_bounds = array<i64: 1, 16>}, {pipeline_mode = #tpu.pipeline_mode<synchronous>, transform_indices = @transform_10, window_bounds = array<i64: 16, 128>}, {transform_indices = @transform_11, window_bounds = array<i64: 128, 128>}]} {
    %get3A = arith.constant 0 : index
    %get3A_0 = arith.constant 0 : index
    %get3A_1 = vector.load %arg1[%get3A, %get3A_0] : memref<2048x256xf32, #tpu.memory_space<vmem>>, vector<2048x256xf32>
    %slice3A = vector.extract_strided_slice %get3A_1 {offsets = [0, 0], sizes = [2048, 128], strides = [1, 1]} : vector<2048x256xf32> to vector<2048x128xf32>
    %slice3A_2 = vector.extract_strided_slice %get3A_1 {offsets = [0, 128], sizes = [2048, 128], strides = [1, 1]} : vector<2048x256xf32> to vector<2048x128xf32>
    %get3A_3 = arith.constant 0 : index
    %get3A_4 = arith.constant 0 : index
    %get3A_5 = vector.load %arg2[%get3A_3, %get3A_4] : memref<128x128xf32, #tpu.memory_space<vmem>>, vector<128x128xf32>
    %broadcast_in_dim3A = vector.shape_cast %get3A_5 : vector<128x128xf32> to vector<128x1x128xf32>
    %broadcast_in_dim3A_6 = vector.shape_cast %broadcast_in_dim3A : vector<128x1x128xf32> to vector<128x1x128xf32>
    %broadcast_in_dim3A_7 = vector.broadcast %broadcast_in_dim3A_6 : vector<128x1x128xf32> to vector<128x16x128xf32>
    %reshape3A = vector.shape_cast %broadcast_in_dim3A_7 : vector<128x16x128xf32> to vector<2048x128xf32>
    %sub3A = arith.subf %slice3A, %reshape3A : vector<2048x128xf32>
    %get3A_8 = arith.constant 0 : index
    %get3A_9 = arith.constant 0 : index
    %get3A_10 = vector.load %arg3[%get3A_8, %get3A_9] : memref<1x128xf32, #tpu.memory_space<vmem>>, vector<1x128xf32>
    %mul3A = vector.broadcast %get3A_10 : vector<1x128xf32> to vector<2048x128xf32>
    %mul3A_11 = arith.mulf %sub3A, %mul3A : vector<2048x128xf32>
    %get3A_12 = arith.constant 0 : index
    %get3A_13 = arith.constant 0 : index
    %get3A_14 = vector.load %arg4[%get3A_12, %get3A_13] : memref<1x128xf32, #tpu.memory_space<vmem>>, vector<1x128xf32>
    %add3A = vector.broadcast %get3A_14 : vector<1x128xf32> to vector<2048x128xf32>
    %add3A_15 = arith.addf %mul3A_11, %add3A : vector<2048x128xf32>
    %max3A = arith.constant 0.000000e+00 : f32
    %max3A_16 = vector.broadcast %max3A : f32 to vector<2048x128xf32>
    %max3A_17 = arith.maximumf %add3A_15, %max3A_16 : vector<2048x128xf32>
    %get3A_18 = arith.constant 0 : index
    %get3A_19 = arith.constant 0 : index
    %get3A_20 = vector.load %arg5[%get3A_18, %get3A_19] : memref<128x16xf32, #tpu.memory_space<vmem>>, vector<128x16xf32>
    %dot_general3A = arith.constant dense<0.000000e+00> : vector<2048x16xf32>
    %dot_general3A_21 = tpu.matmul %max3A_17, %get3A_20, %dot_general3A {dimension_numbers = #tpu.dot_dimension_numbers<[1], [0], [0], [1], [0, 0, 1, 1], [], []>, transpose_lhs_hint = false} : vector<2048x128xf32>, vector<128x16xf32>, vector<2048x16xf32> -> vector<2048x16xf32>
    %get3A_22 = arith.constant 0 : index
    %get3A_23 = arith.constant 0 : index
    %get3A_24 = vector.load %arg6[%get3A_22, %get3A_23] : memref<1x16xf32, #tpu.memory_space<vmem>>, vector<1x16xf32>
    %add3A_25 = vector.broadcast %get3A_24 : vector<1x16xf32> to vector<2048x16xf32>
    %add3A_26 = arith.addf %dot_general3A_21, %add3A_25 : vector<2048x16xf32>
    %get3A_27 = arith.constant 0 : index
    %get3A_28 = arith.constant 0 : index
    %get3A_29 = vector.load %arg7[%get3A_27, %get3A_28] : memref<1x16xf32, #tpu.memory_space<vmem>>, vector<1x16xf32>
    %mul3A_30 = vector.broadcast %get3A_29 : vector<1x16xf32> to vector<2048x16xf32>
    %mul3A_31 = arith.mulf %add3A_26, %mul3A_30 : vector<2048x16xf32>
    %get3A_32 = arith.constant 0 : index
    %get3A_33 = arith.constant 0 : index
    %get3A_34 = vector.load %arg8[%get3A_32, %get3A_33] : memref<1x16xf32, #tpu.memory_space<vmem>>, vector<1x16xf32>
    %add3A_35 = vector.broadcast %get3A_34 : vector<1x16xf32> to vector<2048x16xf32>
    %add3A_36 = arith.addf %mul3A_31, %add3A_35 : vector<2048x16xf32>
    %max3A_37 = arith.constant 0.000000e+00 : f32
    %max3A_38 = vector.broadcast %max3A_37 : f32 to vector<2048x16xf32>
    %max3A_39 = arith.maximumf %add3A_36, %max3A_38 : vector<2048x16xf32>
    %get3A_40 = arith.constant 0 : index
    %get3A_41 = arith.constant 0 : index
    %get3A_42 = vector.load %arg9[%get3A_40, %get3A_41] : memref<16x16xf32, #tpu.memory_space<vmem>>, vector<16x16xf32>
    %dot_general3A_43 = arith.constant dense<0.000000e+00> : vector<2048x16xf32>
    %dot_general3A_44 = tpu.matmul %max3A_39, %get3A_42, %dot_general3A_43 {dimension_numbers = #tpu.dot_dimension_numbers<[1], [0], [0], [1], [0, 0, 1, 1], [], []>, transpose_lhs_hint = false} : vector<2048x16xf32>, vector<16x16xf32>, vector<2048x16xf32> -> vector<2048x16xf32>
    %get3A_45 = arith.constant 0 : index
    %get3A_46 = arith.constant 0 : index
    %get3A_47 = vector.load %arg10[%get3A_45, %get3A_46] : memref<1x16xf32, #tpu.memory_space<vmem>>, vector<1x16xf32>
    %add3A_48 = vector.broadcast %get3A_47 : vector<1x16xf32> to vector<2048x16xf32>
    %add3A_49 = arith.addf %dot_general3A_44, %add3A_48 : vector<2048x16xf32>
    %reshape3A_50 = vector.shape_cast %add3A_49 : vector<2048x16xf32> to vector<128x16x16xf32>
    %reduce_max3A = arith.constant dense<0xFF800000> : vector<128x16xf32>
    %reduce_max3A_51 = vector.multi_reduction <maximumf>, %reshape3A_50, %reduce_max3A [1] : vector<128x16x16xf32> to vector<128x16xf32>
    %broadcast_in_dim3A_52 = vector.shape_cast %reduce_max3A_51 : vector<128x16xf32> to vector<128x1x16xf32>
    %sub3A_53 = vector.broadcast %broadcast_in_dim3A_52 : vector<128x1x16xf32> to vector<128x16x16xf32>
    %sub3A_54 = arith.subf %reshape3A_50, %sub3A_53 : vector<128x16x16xf32>
    %exp3A = math.exp %sub3A_54 : vector<128x16x16xf32>
    %reduce_sum3A = arith.constant dense<0.000000e+00> : vector<128x16xf32>
    %reduce_sum3A_55 = vector.multi_reduction <add>, %exp3A, %reduce_sum3A [1] : vector<128x16x16xf32> to vector<128x16xf32>
    %broadcast_in_dim3A_56 = vector.shape_cast %reduce_sum3A_55 : vector<128x16xf32> to vector<128x1x16xf32>
    %div3A = vector.broadcast %broadcast_in_dim3A_56 : vector<128x1x16xf32> to vector<128x16x16xf32>
    %div3A_57 = arith.divf %exp3A, %div3A : vector<128x16x16xf32>
    %reshape3A_58 = vector.shape_cast %div3A_57 : vector<128x16x16xf32> to vector<2048x16xf32>
    %get3A_59 = arith.constant 0 : index
    %get3A_60 = arith.constant 0 : index
    %get3A_61 = vector.load %arg11[%get3A_59, %get3A_60] : memref<16x128xf32, #tpu.memory_space<vmem>>, vector<16x128xf32>
    %dot_general3A_62 = arith.constant dense<0.000000e+00> : vector<2048x128xf32>
    %dot_general3A_63 = tpu.matmul %reshape3A_58, %get3A_61, %dot_general3A_62 {dimension_numbers = #tpu.dot_dimension_numbers<[1], [0], [0], [1], [0, 0, 1, 1], [], []>, transpose_lhs_hint = false} : vector<2048x16xf32>, vector<16x128xf32>, vector<2048x128xf32> -> vector<2048x128xf32>
    %mul3A_64 = arith.mulf %slice3A_2, %dot_general3A_63 : vector<2048x128xf32>
    %reshape3A_65 = vector.shape_cast %mul3A_64 : vector<2048x128xf32> to vector<128x16x128xf32>
    %reduce_sum3A_66 = arith.constant dense<0.000000e+00> : vector<128x128xf32>
    %reduce_sum3A_67 = vector.multi_reduction <add>, %reshape3A_65, %reduce_sum3A_66 [1] : vector<128x16x128xf32> to vector<128x128xf32>
    %swap3A = arith.constant 0 : index
    %swap3A_68 = arith.constant 0 : index
    %swap3A_69 = vector.load %arg12[%swap3A, %swap3A_68] : memref<128x128xf32, #tpu.memory_space<vmem>>, vector<128x128xf32>
    tpu.vector_store %arg12[%swap3A, %swap3A_68], %reduce_sum3A_67 {strides = array<i32>} : memref<128x128xf32, #tpu.memory_space<vmem>>, vector<128x128xf32>,
    return
  }
  func.func @transform_0(%arg0: i32) -> (i32, i32) {
    %c0_i32 = arith.constant 0 : i32
    %c0_i32_0 = arith.constant 0 : i32
    return %arg0, %c0_i32 : i32, i32
  }
  func.func @transform_1(%arg0: i32) -> (i32, i32) {
    %c0_i32 = arith.constant 0 : i32
    %c0_i32_0 = arith.constant 0 : i32
    return %arg0, %c0_i32 : i32, i32
  }
  func.func @transform_2(%arg0: i32) -> (i32, i32) {
    %c0_i32 = arith.constant 0 : i32
    %c0_i32_0 = arith.constant 0 : i32
    %c0_i32_1 = arith.constant 0 : i32
    return %c0_i32, %c0_i32_0 : i32, i32
  }
  func.func @transform_3(%arg0: i32) -> (i32, i32) {
    %c0_i32 = arith.constant 0 : i32
    %c0_i32_0 = arith.constant 0 : i32
    %c0_i32_1 = arith.constant 0 : i32
    return %c0_i32, %c0_i32_0 : i32, i32
  }
  func.func @transform_4(%arg0: i32) -> (i32, i32) {
    %c0_i32 = arith.constant 0 : i32
    %c0_i32_0 = arith.constant 0 : i32
    %c0_i32_1 = arith.constant 0 : i32
    return %c0_i32, %c0_i32_0 : i32, i32
  }
  func.func @transform_5(%arg0: i32) -> (i32, i32) {
    %c0_i32 = arith.constant 0 : i32
    %c0_i32_0 = arith.constant 0 : i32
    %c0_i32_1 = arith.constant 0 : i32
    return %c0_i32, %c0_i32_0 : i32, i32
  }
  func.func @transform_6(%arg0: i32) -> (i32, i32) {
    %c0_i32 = arith.constant 0 : i32
    %c0_i32_0 = arith.constant 0 : i32
    %c0_i32_1 = arith.constant 0 : i32
    return %c0_i32, %c0_i32_0 : i32, i32
  }
  func.func @transform_7(%arg0: i32) -> (i32, i32) {
    %c0_i32 = arith.constant 0 : i32
    %c0_i32_0 = arith.constant 0 : i32
    %c0_i32_1 = arith.constant 0 : i32
    return %c0_i32, %c0_i32_0 : i32, i32
  }
  func.func @transform_8(%arg0: i32) -> (i32, i32) {
    %c0_i32 = arith.constant 0 : i32
    %c0_i32_0 = arith.constant 0 : i32
    %c0_i32_1 = arith.constant 0 : i32
    return %c0_i32, %c0_i32_0 : i32, i32
  }
  func.func @transform_9(%arg0: i32) -> (i32, i32) {
    %c0_i32 = arith.constant 0 : i32
    %c0_i32_0 = arith.constant 0 : i32
    %c0_i32_1 = arith.constant 0 : i32
    return %c0_i32, %c0_i32_0 : i32, i32
  }
  func.func @transform_10(%arg0: i32) -> (i32, i32) {
    %c0_i32 = arith.constant 0 : i32
    %c0_i32_0 = arith.constant 0 : i32
    %c0_i32_1 = arith.constant 0 : i32
    return %c0_i32, %c0_i32_0 : i32, i32
  }
  func.func @transform_11(%arg0: i32) -> (i32, i32) {
    %c0_i32 = arith.constant 0 : i32
    %c0_i32_0 = arith.constant 0 : i32
    return %arg0, %c0_i32 : i32, i32
  }
}

</mosaic_0001>

<sc_bundles>
// kernel: kernel.6.cloned.1.call-start
scs
__scs_entry_jumppad:
0x0: {  	(pc) =	sbr.rel $0x88, $3  }
0x1: {  	(tag) =	ssettag $0x0;
	lr =	simm.s32 $0x1  }
0x2: {  	[smem:$0x3F85] =	sst lr;
	_ =	strace $0xD0000000  }
0x3: {  	_ = 	snop  }
0x4: {  	_ = 	snop  }
0x5: {  	_ = 	snop  }
0x6: {  	_ = 	snop  }
0x7: {  	_ = 	snop  }
__scs_overlays_trampoline_lowered:
0x8: {  	[smem:$0x3F94] =	sst s0  }
0x9: {  	[smem:$0x3F95] =	sst s1  }
0xa: {  	[smem:$0x3F96] =	sst s2  }
0xb: {  	[smem:$0x3F97] =	sst s3  }
0xc: {  	[smem:$0x3F98] =	sst s4  }
0xd: {  	[smem:$0x3F99] =	sst s5  }
0xe: {  	[smem:$0x3F9A] =	sst s6  }
0xf: {  	[smem:$0x3F9B] =	sst s7  }
0x10: {  	[smem:$0x3F9C] =	sst s8  }
0x11: {  	[smem:$0x3F9D] =	sst s9;
	s0 =	simm.s32 @!p0 $0x0  }
0x12: {  	s1 =	sld [smem:$0x3F83];
	s0 =	simm.s32 @p0 $0x1  }
0x13: {  	[smem:$0x3F9E] =	sst s0;
	s0 =	simm.s32 @!p1 $0x0  }
0x14: {  	s2 =	sld [smem:$0x3F82];
	s0 =	simm.s32 @p1 $0x1  }
0x15: {  	[smem:$0x3F9F] =	sst s0;
	s0 =	simm.s32 @!p2 $0x0  }
0x16: {  	s3 =	sld [smem:$0x3FDB];
	s0 =	simm.s32 @p2 $0x1  }
0x17: {  	s4 =	simm.s32 $0x1BF5;
	[smem:$0x3FA1] =	sst s0  }
0x18: {  	s0 =	sld [smem:$0x3F84];
	_ =	swait.ge [sflag:s4], $0x0  }
0x19: {  	s7 =	sld [smem:$0x3F85]  }
0x1a: {  	s8 =	sadd.s32 $0xFFFFE003, lr  }
0x1b: {  	s9 =	sadd.s32 $0xFFFFFEF7, lr;
	s5 =	simm.s32 $0xFFFFFFFF;
	p2 =	slt.u32 s8, $0xFFFFF086  }
0x1c: {  	p1 =	slt.u32 s9, $0xF7A;
	s5 =	simm.s32 @!p2 $0x0  }
0x1d: {  	s5 =	simm.s32 @p1 $0x1;
	p0 =	seq.s32 s7, s2  }
0x1e: {  	s7 =	smul.u32 @!p0 $0xF7A, s2;
	p2 =	seq.s32 @!p0 s5, $0x0  }
0x1f: {  	s9 =	smul.u32 $0xF7A, s1;
	s8 =	simm.s32 @!p0 $0x1BF5;
	p2 =	por !p2, p0  }
0x20: {  	[sflag:s8] =	ssyncset.s32 @!p0 $0xFFFFF086;
	s6 =	sadd.s32 @!p0 s3, s7;
	s7 =	simm.s32 @!p0 $0x108  }
0x21: {  	s3 =	sadd.s32 s3, s9;
	s6 =	sadd.s32 @!p0 $0x88, s6;
	s7 =	simm.s32 @p2 $0x1082  }
0x22: {  	[simem:s7], [sflag:s8] =	dma.local @!p0 [hbm:s6], $0xF7A  }
0x23: {  	s9 =	sor.u32 $0xD0000000, s2;
	s6 =	simm.s32 $0x108;
	_ =	swait.ge @!p0 [sflag:s8], $0x0  }
0x24: {  	s3 =	sadd.s32 $0x88, s3;
	s6 =	simm.s32 @!p1 $0x1082;
	[sflag:s4] =	ssyncset.s32 $0xFFFFF086  }
0x25: {  	[simem:s6], [sflag:s4] =	dma.local [hbm:s3], $0xF7A  }
0x26: {  	[smem:$0x3F85] =	sst s1;
	(tag) =	ssettag s2;
	_ =	strace s9  }
0x27: {  	s1 =	sld [smem:$0x3F95]  }
0x28: {  	s2 =	sld [smem:$0x3F96]  }
0x29: {  	s4 =	sld [smem:$0x3F98]  }
0x2a: {  	p0 =	seq.s32 s5, $0x0;
	s5 =	sld [smem:$0x3F99]  }
0x2b: {  	s6 =	sld [smem:$0x3F9A]  }
0x2c: {  	s7 =	sld [smem:$0x3F9B]  }
0x2d: {  	s3 =	simm.s32 $0x108;
	s8 =	sld [smem:$0x3F9C]  }
0x2e: {  	s3 =	simm.s32 @!p0 $0x1082;
	s9 =	sld [smem:$0x3F9D]  }
0x2f: {  	lr =	sadd.s32 s0, s3;
	s0 =	sld [smem:$0x3F94]  }
0x30: {  	s3 =	sld [smem:$0x3F97]  }
0x31: {  	[smem:$0x3FA0] =	sst s10  }
0x32: {  	s10 =	sld [smem:$0x3F9E];
	_ =	sdelay $0x3  }
0x33: {  	p0 =	seq.s32 s10, $0x1;
	s10 =	sld [smem:$0x3FA0];
	_ =	sdelay $0x3  }
0x34: {  	[smem:$0x3FA0] =	sst s10  }
0x35: {  	s10 =	sld [smem:$0x3F9F];
	_ =	sdelay $0x3  }
0x36: {  	p1 =	seq.s32 s10, $0x1;
	s10 =	sld [smem:$0x3FA0];
	_ =	sdelay $0x3  }
0x37: {  	[smem:$0x3FA0] =	sst s10  }
0x38: {  	s10 =	sld [smem:$0x3FA1]  }
0x39: {  	_ = 	snop;
	(pc) =	sbr.ind lr, $3  }
0x3a: {  	_ = 	snop  }
0x3b: {  	_ = 	snop  }
0x3c: {  	p2 =	seq.s32 s10, $0x1;
	s10 =	sld [smem:$0x3FA0]  }
0x3d: {  	_ =	shalt  }
0x3e: {  	_ =	shalt  }
0x3f: {  	_ =	shalt  }
0x40: {  	_ =	shalt  }
0x41: {  	_ =	shalt  }
0x42: {  	_ =	shalt  }
0x43: {  	_ =	shalt  }
0x44: {  	_ =	shalt  }
0x45: {  	_ =	shalt  }
0x46: {  	_ =	shalt  }
0x47: {  	_ =	shalt  }
0x48: {  	_ =	shalt  }
0x49: {  	_ =	shalt  }
0x4a: {  	_ =	shalt  }
0x4b: {  	_ =	shalt  }
0x4c: {  	_ =	shalt  }
0x4d: {  	_ =	shalt  }
0x4e: {  	_ =	shalt  }
0x4f: {  	_ =	shalt  }
0x50: {  	_ =	shalt  }
0x51: {  	_ =	shalt  }
0x52: {  	_ =	shalt  }
0x53: {  	_ =	shalt  }
0x54: {  	_ =	shalt  }
0x55: {  	_ =	shalt  }
0x56: {  	_ =	shalt  }
0x57: {  	_ =	shalt  }
0x58: {  	_ =	shalt  }
0x59: {  	_ =	shalt  }
0x5a: {  	_ =	shalt  }
0x5b: {  	_ =	shalt  }
0x5c: {  	_ =	shalt  }
0x5d: {  	_ =	shalt  }
0x5e: {  	_ =	shalt  }
0x5f: {  	_ =	shalt  }
0x60: {  	_ =	shalt  }
0x61: {  	_ =	shalt  }
0x62: {  	_ =	shalt  }
0x63: {  	_ =	shalt  }
0x64: {  	_ =	shalt  }
0x65: {  	_ =	shalt  }
0x66: {  	_ =	shalt  }
0x67: {  	_ =	shalt  }
0x68: {  	_ =	shalt  }
0x69: {  	_ =	shalt  }
0x6a: {  	_ =	shalt  }
0x6b: {  	_ =	shalt  }
0x6c: {  	_ =	shalt  }
0x6d: {  	_ =	shalt  }
0x6e: {  	_ =	shalt  }
0x6f: {  	_ =	shalt  }
0x70: {  	_ =	shalt  }
0x71: {  	_ =	shalt  }
0x72: {  	_ =	shalt  }
0x73: {  	_ =	shalt  }
0x74: {  	_ =	shalt  }
0x75: {  	_ =	shalt  }
0x76: {  	_ =	shalt  }
0x77: {  	_ =	shalt  }
0x78: {  	_ =	shalt  }
0x79: {  	_ =	shalt  }
0x7a: {  	_ =	shalt  }
0x7b: {  	_ =	shalt  }
0x7c: {  	_ =	shalt  }
0x7d: {  	_ =	shalt  }
0x7e: {  	_ =	shalt  }
0x7f: {  	_ =	shalt  }
0x80: {  	_ =	shalt  }
0x81: {  	_ =	shalt  }
0x82: {  	_ =	shalt  }
0x83: {  	_ =	shalt  }
0x84: {  	_ =	shalt  }
0x85: {  	_ =	shalt  }
0x86: {  	_ =	shalt  }
0x87: {  	_ =	shalt  }
.Lfunc_end0:
.L_simem_size_0:
called_computation_lowered:
.L_overlay_start_0:
0x88: {  	s2 =	sld [smem:$0x3FD9]  }
0x89: {  	s3 =	sld [smem:$0x3FFE];
	_ =	sdelay $0x1  }
0x8a: {  	s1 =	srdreg.scid  }
0x8b: {  	s0 =	sand.u32 $0x1, s1  }
0x8c: {  	s17 =	sshll.u32 s0, $0xA;
	s2 =	sadd.s32 s3, s2  }
0x8d: {  	s2 =	sadd.s32 s2, s17  }
0x8e: {  	[smem:$0x3FAC] =	sst s2  }
0x8f: {  	_ = 	snop  }
0x90: {  	s2 =	sld [smem:$0x3FD0];
	(tm) =	ssettm $0x1  }
0x91: {  	s18 =	sld [smem:$0x3FFB];
	_ =	sdelay $0x3  }
0x92: {  	_ =	strace s18  }
0x93: {  	s3 =	sld [smem:$0x3FFC];
	_ =	sdelay $0x3  }
0x94: {  	_ =	strace s3  }
0x95: {  	s3 =	sld [smem:$0x3FFD];
	_ =	sdelay $0x3  }
0x96: {  	_ =	strace s3  }
0x97: {  	_ =	strace $0x8FFFFFFF  }
0x98: {  	s19 =	sld [smem:$0x3FDB];
	_ =	sdelay $0x1  }
0x99: {  	s4 =	simm.s32 $_scs_section_size  }
0x9a: {  	s5 =	simm.s32 $_size__tile_overlayer_lowered;
	s6 =	simm.s32 $_tile_overlayer_lowered  }
0x9b: {  	s22 =	simm.s32 $0x1BFF;
	s21 =	sshll.u32 s6, $0x1;
	s3 =	sadd.s32 s4, s19  }
0x9c: {  	s7 =	simm.s32 $0x0;
	s20 =	sshll.u32 s5, $0x1;
	s5 =	sadd.s32 s21, s3  }
0x9d: {  	[timem:s7], [sflag:s22] =	dma.local [hbm:s5], s20  }
0x9e: {  	_ =	swait.ge [sflag:s22], s20  }
0x9f: {  	s4 =	ssub.s32 $0x0, s20;
	[sflag:s22] =	ssyncset.done $0x0  }
0xa0: {  	[sflag:s22] =	ssyncadd.s32 s4;
	_ =	sdelay $0x1  }
0xa1: {  	s23 =	simm.s32 $0x1B8B  }
0xa2: {  	_ =	swait.ge [sflag:s23], $0x1  }
0xa3: {  	[sflag:s23] =	ssyncset.done $0x0  }
0xa4: {  	s25 =	simm.s32 $0x1B8E;
	s24 =	sld [smem:$0x3FFE];
	[sflag:s23] =	ssyncadd.s32 $0xFFFFFFFF  }
0xa5: {  	s26 =	simm.s32 $execute0_lowered;
	[smem:$0x3FD2] =	sst s25  }
0xa6: {  	s5 =	sshll.u32 s26, $0x1;
	_ =	strace $0x80000046;
	[dreg:$0x1] =	wrdreg $0xFFFFFFFF  }
0xa7: {  	s28 =	simm.s32 $_size_execute0_lowered;
	s3 =	sadd.s32 s3, s5;
	[dreg:$0x0] =	wrdreg $0x0  }
0xa8: {  	s5 =	sshll.u32 s28, $0x1;
	[dreg:$0x2] =	wrdreg s3  }
0xa9: {  	[dreg:$0x3] =	wrdreg s5  }
0xaa: {  	[dreg:$0x4] =	wrdreg $0xC0  }
0xab: {  	_ =	task [dreg:s7], $0x5FFFF  }
0xac: {  	[dreg:$0x1] =	wrdreg $0xFFFFFFFF  }
0xad: {  	[dreg:$0x0] =	wrdreg $0x60  }
0xae: {  	[dreg:$0x2] =	wrdreg s2  }
0xaf: {  	[dreg:$0x3] =	wrdreg s24  }
0xb0: {  	[dreg:$0x4] =	wrdreg $0x9  }
0xb1: {  	_ =	task.clear_ibuf [dreg:s7], $0x5FFFF;
	_ =	strace $0x90000046  }
0xb2: {  	s29 =	simm.s32 $0x9;
	_ =	strace $0x80000048  }
0xb3: {  	_ =	swait.ge [sflag:s29], $0x1  }
0xb4: {  	[sflag:s29] =	ssyncadd.s32 $0xFFFFFFFF  }
0xb5: {  	_ =	strace $0x90000048  }
0xb6: {  	_ =	sfence  }
0xb7: {  	s30 =	sld [smem:$0x0];
	_ =	sdelay $0x2  }
0xb8: {  	s31 =	sshll.u32 s1, $0xD;
	s1 =	sshrl.u32 s1, $0x2  }
0xb9: {  	s3 =	sand.u32 $0x4000, s31;
	s1 =	sadd.s32 s1, s30  }
0xba: {  	s0 =	sor.u32 s3, s0;
	s1 =	sshll.u32 s1, $0x11  }
0xbb: {  	s0 =	sor.u32 s1, s0  }
0xbc: {  	s0 =	sadd.s32 $0x8F2B, s0  }
0xbd: {  	[sflag:s0] =	ssyncadd.remote.s32 $0x1  }
0xbe: {  	_ =	sfence.sel $0xFFFF  }
0xbf: {  	[dreg:$0x0] =	wrdreg $0xFFFFFFFF;
	(pc) =	sbr.abs _section_cstart, $3  }
0xc0: {  	[dreg:$0x1] =	wrdreg $0xFFFFFFFF  }
0xc1: {  	_ =	task.clear_ibuf [dreg:s7], $0x2FFFF;
	_ =	strace $0x9FFFFFFF  }
0xc2: {  	(tm) =	ssettm $0x7FFFFFFF  }
0xc3: {  	_ =	shalt  }
tec
execute0_lowered:
.L_overlay_start_1:
0x0: {  	(tag) =	ssettag $0x1  }
0x1: {  	s1 =	rddreg [dreg:$0x0]  }
0x2: {  	s6 =	rddreg [dreg:$0x1]  }
0x3: {  	s0 =	rddreg [dreg:$0x2]  }
0x4: {  	s3 =	simm.s32 $0x0;
	s4 =	srdreg.scid;
	s2 =	stileid.u32  }
0x5: {  	s11 =	simm.s32 $0x5000;
	s12 =	simm.s32 $0xA000;
	s13 =	simm.s32 $0x7800  }
0x6: {  	s14 =	simm.s32 $0xA300;
	s15 =	simm.s32 $0xA600;
	s16 =	simm.s32 $0x0  }
0x7: {  	[smem:$0x7FF] =	sst s3;
	s7 =	sand.u32 $0x1, s4;
	s4 =	sadd.s32 $0x3E00, s6  }
0x8: {  	s9 =	sshll.u32 s2, $0x1;
	s5 =	sadd.s32 $0x4400, s6;
	s8 =	ssub.s32 $0x2, s7  }
0x9: {  	s6 =	sadd.s32 $0x4A00, s6;
	_ =	strace $0x80000047;
	s10 =	sshrl.u32 s8, $0x1  }
0xa: {  	s7 =	sor.u32 s7, s9;
	s9 =	simm.s32 $0x1;
	s8 =	ssub.s32 s8, s10  }
0xb: {  	v0 =	vimm.f32 $3.000000010e+38;
	v1 =	vlaneseq.u32;
	s7 =	smul.u32 $0x13C, s7;
	s10 =	simm.s32 $0x2800;
	s8 =	smax.u32 s8, $0x1  }
.LBB2_1:
0xc: {  	[tilespmem:s3], [sflag:$0x1] =	stream.linear.gather [hbm4b:s1+s3], $0x2800, $0x38;
	[tilespmem:$0xA680] =	vst v63  }
0xd: {  	_ =	swait.ge [sflag:s9], $0x2800  }
0xe: {  	[sflag:s9] =	ssyncset.done $0x0  }
0xf: {  	[sflag:s9] =	ssyncadd.s32 $0xFFFFD800  }
0x10: {  	[tilespmem:s10], [sflag:$0x1] =	stream.linear.gather [hbm4b:s4+s3], $0x2800, $0x38;
	[tilespmem:$0xA680] =	vst v63  }
0x11: {  	_ =	swait.ge [sflag:s9], $0x2800  }
0x12: {  	[sflag:s9] =	ssyncset.done $0x0  }
0x13: {  	[sflag:s9] =	ssyncadd.s32 $0xFFFFD800  }
0x14: {  	[tilespmem:s11], [sflag:$0x1] =	stream.linear.gather [hbm4b:s5+s3], $0x2800, $0x38;
	[tilespmem:$0xA680] =	vst v63  }
0x15: {  	_ =	swait.ge [sflag:s9], $0x2800  }
0x16: {  	[sflag:s9] =	ssyncset.done $0x0  }
0x17: {  	[sflag:s9] =	ssyncadd.s32 $0xFFFFD800  }
0x18: {  	[tilespmem:$0xA280] =	vst v0  }
0x19: {  	[tilespmem:$0xA580] =	vst v0  }
0x1a: {  	[tilespmem:$0xA290] =	vst v0  }
0x1b: {  	[tilespmem:$0xA590] =	vst v0  }
0x1c: {  	[tilespmem:$0xA2A0] =	vst v0  }
0x1d: {  	[tilespmem:$0xA5A0] =	vst v0  }
0x1e: {  	[tilespmem:$0xA2B0] =	vst v0  }
0x1f: {  	[tilespmem:$0xA5B0] =	vst v0  }
0x20: {  	[tilespmem:$0xA2C0] =	vst v0  }
0x21: {  	[tilespmem:$0xA5C0] =	vst v0  }
0x22: {  	[tilespmem:$0xA2D0] =	vst v0  }
0x23: {  	[tilespmem:$0xA5D0] =	vst v0  }
0x24: {  	[tilespmem:$0xA2E0] =	vst v0  }
0x25: {  	[tilespmem:$0xA5E0] =	vst v0  }
0x26: {  	[tilespmem:$0xA2F0] =	vst v0  }
0x27: {  	s17 =	simm.s32 $0x0;
	[tilespmem:$0xA5F0] =	vst v0  }
0x28: {  	v2 =	vld [tilespmem:s17+$0x0];
	_ =	sdelay $0x1  }
0x29: {  	v3 =	vld [tilespmem:s17+$0x2800]  }
0x2a: {  	v4 =	vld [tilespmem:s17+$0x5000];
	_ =	sdelay $0x1  }
0x2b: {  	v5 =	vshrl.u32 v2, $0x10  }
0x2c: {  	v5 =	vand.u32 $0x1, v5  }
0x2d: {  	v6 =	vmul.f32 v2, v2;
	v7 =	vshrl.u32 v3, $0x10;
	v2 =	vadd.s32 v5, v2  }
0x2e: {  	v5 =	vand.u32 $0x1, v7;
	v7 =	vshrl.u32 v4, $0x10;
	v2 =	vadd.s32 $0x7FFF, v2  }
0x2f: {  	v5 =	vadd.s32 v5, v3;
	v7 =	vand.u32 $0x1, v7;
	v3 =	vmul.f32 v3, v3  }
0x30: {  	v2 =	vand.u32 $0xFFFF0000, v2;
	v5 =	vadd.s32 $0x7FFF, v5;
	v7 =	vadd.s32 v7, v4  }
0x31: {  	s18 =	simm.s32 $0x10;
	[tilespmem:s17+$0x0] =	vst v2;
	v5 =	vand.u32 $0xFFFF0000, v5;
	v7 =	vadd.s32 $0x7FFF, v7  }
0x32: {  	s19 =	simm.s32 $0x80;
	v4 =	vmul.f32 v4, v4;
	v3 =	vadd.f32 v3, v6;
	v2 =	vld [tilespmem:s18+$0x0];
	[tilespmem:s17+$0x2800] =	vst v5;
	v5 =	vand.u32 $0xFFFF0000, v7  }
.LBB2_2:
0x33: {  	p0 =	sne.s32 s19, $0x9FC0;
	v6 =	vld [tilespmem:s18+$0x2800];
	[tilespmem:s17+$0x5000] =	vst v5  }
0x34: {  	v5 =	vld [tilespmem:s18+$0x5000];
	v3 =	vadd.f32 v4, v3;
	_ =	sdelay $0x1  }
0x35: {  	[tilespmem:s17+$0x7800] =	vst v3;
	s17 =	smov.u32 s18  }
0x36: {  	v3 =	vmul.f32 v2, v2;
	v4 =	vshrl.u32 v2, $0x10  }
0x37: {  	v7 =	vmul.f32 v6, v6;
	v4 =	vand.u32 $0x1, v4;
	v8 =	vshrl.u32 v6, $0x10  }
.Ltmp0:
0x38: {  	v2 =	vadd.s32 v4, v2;
	v4 =	vand.u32 $0x1, v8;
	v8 =	vshrl.u32 v5, $0x10;
	(pc) =	sbr.rel @p0 .LBB2_2-.Ltmp0, $4  }
0x39: {  	v2 =	vadd.s32 $0x7FFF, v2;
	v4 =	vadd.s32 v4, v6;
	v6 =	vand.u32 $0x1, v8  }
0x3a: {  	v2 =	vand.u32 $0xFFFF0000, v2;
	v4 =	vadd.s32 $0x7FFF, v4;
	v6 =	vadd.s32 v6, v5  }
0x3b: {  	s18 =	sshra.s32 s19, $0x2;
	v3 =	vadd.f32 v7, v3;
	[tilespmem:s17+$0x0] =	vst v2;
	v7 =	vand.u32 $0xFFFF0000, v4;
	v6 =	vadd.s32 $0x7FFF, v6  }
0x3c: {  	s19 =	sadd.s32 $0x40, s19;
	v4 =	vmul.f32 v5, v5;
	v2 =	vld [tilespmem:s18+$0x0];
	[tilespmem:s17+$0x2800] =	vst v7;
	v5 =	vand.u32 $0xFFFF0000, v6  }
0x3d: {  	v6 =	vld [tilespmem:s18+$0x2800]  }
0x3e: {  	[tilespmem:s17+$0x5000] =	vst v5  }
0x3f: {  	v5 =	vld [tilespmem:s18+$0x5000];
	_ =	sdelay $0x1  }
0x40: {  	v3 =	vadd.f32 v4, v3;
	v61 =	vshrl.u32 v2, $0x10  }
0x41: {  	v7 =	vmul.f32 v2, v2;
	v4 =	vand.u32 $0x1, v61;
	v8 =	vshrl.u32 v6, $0x10  }
0x42: {  	v62 =	vmul.f32 v6, v6;
	v2 =	vadd.s32 v4, v2;
	v8 =	vand.u32 $0x1, v8  }
0x43: {  	v63 =	vshrl.u32 v5, $0x10;
	v6 =	vadd.s32 v8, v6;
	v2 =	vadd.s32 $0x7FFF, v2  }
0x44: {  	v8 =	vand.u32 $0x1, v63;
	v4 =	vadd.f32 v62, v7;
	v2 =	vand.u32 $0xFFFF0000, v2  }
0x45: {  	[tilespmem:s17+$0x7800] =	vst v3;
	v6 =	vadd.s32 $0x7FFF, v6;
	v3 =	vadd.s32 v8, v5;
	v5 =	vmul.f32 v5, v5  }
0x46: {  	[tilespmem:s18+$0x0] =	vst v2;
	v2 =	vand.u32 $0xFFFF0000, v6;
	v3 =	vadd.s32 $0x7FFF, v3  }
0x47: {  	[tilespmem:s18+$0x2800] =	vst v2;
	v2 =	vand.u32 $0xFFFF0000, v3;
	v3 =	vadd.f32 v5, v4  }
0x48: {  	[tilespmem:s18+$0x5000] =	vst v2  }
0x49: {  	s17 =	simm.s32 $0x0;
	[tilespmem:s18+$0x7800] =	vst v3  }
.LBB2_4:
0x4a: {  	s18 =	sshll.u32 s17, $0x2  }
0x4b: {  	s18 =	sadd.s32 s7, s18  }
0x4c: {  	s20 =	sand.u32 $0x7FF0, s18  }
0x4d: {  	v2 =	vld [tilespmem:s20+$0x0]  }
0x4e: {  	v3 =	vld [tilespmem:s20+$0x2800]  }
0x4f: {  	s19 =	sand.u32 $0xC, s18;
	v4 =	vld [tilespmem:s20+$0x5000]  }
0x50: {  	v5 =	vmov s19;
	v6 =	vld [tilespmem:s20+$0x7800]  }
0x51: {  	vm0 =	veq.s32 v5, v1  }
0x52: {  	v5 =	vnsel vm0, $0x7F61B1E6, v2  }
0x53: {  	s21 =	sor.u32 $0x1, s19;
	(xrf0) =	vmin.scan.msk.f32 $0xffff, v5;
	v5 =	vnsel vm0, $0x7F61B1E6, v3  }
0x54: {  	v7 =	vmov s21;
	(xrf0) =	vmin.scan.msk.f32 $0xffff, v5;
	v5 =	vnsel vm0, $0x7F61B1E6, v4  }
0x55: {  	vm15 =	veq.s32 v7, v1;
	(xrf0) =	vmin.scan.msk.f32 $0xffff, v5;
	v5 =	vnsel vm0, $0x7F61B1E6, v6  }
0x56: {  	v2 =	vnsel vm15, $0x7F61B1E6, v2;
	(xrf0) =	vmin.scan.msk.f32 $0xffff, v5  }
0x57: {  	(xrf0) =	vmin.scan.msk.f32 $0xffff, v2;
	v2 =	vnsel vm15, $0x7F61B1E6, v3  }
0x58: {  	(xrf0) =	vmin.scan.msk.f32 $0xffff, v2;
	v2 =	vnsel vm15, $0x7F61B1E6, v4  }
0x59: {  	v3, _, _ =	vpop (xrf0);
	(xrf0) =	vmin.scan.msk.f32 $0xffff, v2;
	v2 =	vnsel vm15, $0x7F61B1E6, v6;
	_ =	sdelay $0x1  }
0x5a: {  	v4, _, _ =	vpop (xrf0);
	(xrf0) =	vmin.scan.msk.f32 $0xffff, v2  }
0x5b: {  	v2, _, _ =	vpop (xrf0)  }
0x5c: {  	v5, _, _ =	vpop (xrf0)  }
0x5d: {  	v6, _, _ =	vpop (xrf0)  }
0x5e: {  	v14 =	vbroadcast v3, $0xF;
	v15 =	vbroadcast v4, $0xF;
	v7, _, _ =	vpop (xrf0)  }
0x5f: {  	v12 =	vbroadcast v2, $0xF;
	v11 =	vbroadcast v5, $0xF;
	v3, _, _ =	vpop (xrf0)  }
0x60: {  	v13 =	vimm.f32 $3.000000010e+38;
	v8 =	vbroadcast v6, $0xF;
	v9 =	vbroadcast v7, $0xF;
	v2, _, _ =	vpop (xrf0)  }
0x61: {  	s22 =	simm.s32 $0xA300;
	s23 =	simm.s32 $0x0;
	v16 =	vimm.f32 $3.000000010e+38;
	s21 =	simm.s32 $0xA000;
	v10 =	vbroadcast v3, $0xF;
	v7 =	vbroadcast v2, $0xF  }
.LBB2_5:
0x62: {  	s24 =	sshra.s32 s23, $0x2  }
0x63: {  	v2 =	vld [tilespmem:s24+$0x0]  }
0x64: {  	v3 =	vld [tilespmem:s24+$0x2800]  }
0x65: {  	v18 =	vld [tilespmem:s24+$0x10]  }
0x66: {  	v19 =	vld [tilespmem:s24+$0x2810]  }
0x67: {  	v20 =	vld [tilespmem:s24+$0x5010]  }
0x68: {  	v21 =	vld [tilespmem:s24+$0x7810]  }
0x69: {  	v46 =	vld [tilespmem:s24+$0x2820]  }
0x6a: {  	v49 =	vld [tilespmem:s24+$0x30]  }
0x6b: {  	v50 =	vld [tilespmem:s24+$0x2830]  }
0x6c: {  	v51 =	vld [tilespmem:s24+$0x5030]  }
0x6d: {  	v53 =	vld [tilespmem:s24+$0x7830]  }
0x6e: {  	v27 =	vld [tilespmem:s24+$0x2840]  }
0x6f: {  	v56 =	vld [tilespmem:s24+$0x5040];
	v6 =	vmul.f32 v2, v14;
	v17 =	vmul.f32 v3, v15  }
0x70: {  	v58 =	vld [tilespmem:s24+$0x50];
	v2 =	vmul.f32 v2, v8;
	v3 =	vmul.f32 v3, v9  }
0x71: {  	v28 =	vld [tilespmem:s24+$0x2850];
	v22 =	vmul.f32 v18, v14;
	v23 =	vmul.f32 v19, v15  }
0x72: {  	v29 =	vld [tilespmem:s24+$0x7840];
	v45 =	vmul.f32 v20, v12;
	v18 =	vmul.f32 v18, v8  }
0x73: {  	v30 =	vld [tilespmem:s24+$0x5050];
	v19 =	vmul.f32 v19, v9;
	v24 =	vmul.f32 v46, v15  }
0x74: {  	v36 =	vld [tilespmem:s24+$0x7850];
	v25 =	vmul.f32 v49, v14;
	v26 =	vmul.f32 v50, v15  }
0x75: {  	v4 =	vld [tilespmem:s24+$0x5000];
	v47 =	vadd.f32 v21, v11;
	v55 =	vmul.f32 v51, v12;
	v60 =	vmul.f32 v27, v15  }
0x76: {  	v21 =	vadd.f32 v21, v7;
	v61 =	vmul.f32 v56, v12;
	v62 =	vmul.f32 v27, v9  }
0x77: {  	v5 =	vld [tilespmem:s24+$0x7800];
	v57 =	vadd.f32 v53, v11;
	v63 =	vmul.f32 v56, v10;
	v37 =	vmul.f32 v58, v14  }
0x78: {  	v32 =	vld [tilespmem:s24+$0x2860];
	v38 =	vmul.f32 v28, v15;
	v31 =	vadd.f32 v29, v11;
	v41 =	vadd.f32 v29, v7  }
0x79: {  	v40 =	vmul.f32 v30, v12;
	v43 =	vadd.f32 v36, v11;
	v6 =	vadd.f32 v17, v6  }
0x7a: {  	v17 =	vmul.f32 v4, v12;
	v2 =	vadd.f32 v3, v2;
	v3 =	vmul.f32 v4, v10;
	v4 =	vld [tilespmem:s24+$0x20]  }
0x7b: {  	v18 =	vadd.f32 v19, v18;
	v19 =	vmul.f32 v20, v10;
	v54 =	vadd.f32 v26, v25  }
0x7c: {  	v44 =	vmul.f32 v58, v8;
	v6 =	vadd.f32 v17, v6;
	v17 =	vadd.f32 v5, v11  }
0x7d: {  	v39 =	vld [tilespmem:s24+$0x60];
	v33 =	vmul.f32 v32, v15;
	v2 =	vadd.f32 v3, v2;
	v18 =	vadd.f32 v19, v18  }
0x7e: {  	v56 =	vmul.f32 v32, v9;
	v3 =	vadd.f32 v5, v7;
	v5 =	vld [tilespmem:s24+$0x5020];
	v6 =	vadd.f32 v6, v6  }
0x7f: {  	v2 =	vadd.f32 v2, v2;
	v18 =	vadd.f32 v18, v18;
	v48 =	vmul.f32 v4, v14  }
0x80: {  	v4 =	vmul.f32 v4, v8;
	v6 =	vsub.f32 v17, v6;
	v17 =	vadd.f32 v23, v22  }
0x81: {  	v2 =	vsub.f32 v3, v2;
	v23 =	vmul.f32 v46, v9;
	v18 =	vsub.f32 v21, v18  }
0x82: {  	v58 =	vld [tilespmem:s24+$0x7870];
	v22 =	vmul.f32 v49, v8;
	v21 =	vadd.f32 v55, v54;
	v55 =	vmul.f32 v39, v8  }
0x83: {  	v19 =	vmul.f32 v5, v12;
	v20 =	vadd.f32 v24, v48;
	v5 =	vmul.f32 v5, v10  }
0x84: {  	v42 =	vld [tilespmem:s24+$0x5060];
	v24 =	vmul.f32 v50, v9;
	v17 =	vadd.f32 v45, v17;
	v4 =	vadd.f32 v23, v4  }
0x85: {  	v3 =	vld [tilespmem:s24+$0x7820];
	v48 =	vmul.f32 v30, v10;
	v21 =	vadd.f32 v21, v21;
	v23 =	vadd.f32 v53, v7  }
0x86: {  	v6 =	vmin.f32 v6, $3.000000010e+38;
	v2 =	vmin.f32 v2, $3.000000010e+38;
	v53 =	vadd.f32 v36, v7  }
0x87: {  	v49 =	vld [tilespmem:s24+$0x70];
	v45 =	vmul.f32 v28, v9;
	v25 =	vadd.f32 v56, v55;
	v36 =	vadd.f32 v58, v11  }
0x88: {  	v19 =	vadd.f32 v19, v20;
	v20 =	vmul.f32 v51, v10;
	v17 =	vadd.f32 v17, v17  }
0x89: {  	v54 =	vld [tilespmem:s24+$0x5070];
	v51 =	vmul.f32 v42, v12;
	v4 =	vadd.f32 v5, v4;
	v21 =	vsub.f32 v57, v21  }
0x8a: {  	v2 =	vmin.f32 v2, v18;
	v5 =	vld [tilespmem:s24+$0x40];
	v52 =	vadd.f32 v3, v11;
	v19 =	vadd.f32 v19, v19  }
0x8b: {  	v46 =	vld [tilespmem:s24+$0x7860];
	v57 =	vmul.f32 v42, v10;
	v3 =	vadd.f32 v3, v7;
	v4 =	vadd.f32 v4, v4  }
0x8c: {  	v26 =	vmul.f32 v49, v8;
	v17 =	vsub.f32 v47, v17;
	v19 =	vsub.f32 v52, v19  }
0x8d: {  	v47 =	vmul.f32 v39, v14;
	v3 =	vsub.f32 v3, v4;
	v4 =	vadd.f32 v24, v22  }
0x8e: {  	v34 =	vld [tilespmem:s24+$0x2880];
	v22 =	vadd.f32 v38, v37;
	v6 =	vmin.f32 v6, v17;
	v24 =	vmul.f32 v54, v10  }
0x8f: {  	v35 =	vld [tilespmem:s24+$0x5080];
	v50 =	vadd.f32 v33, v47;
	v59 =	vmul.f32 v5, v14;
	v5 =	vmul.f32 v5, v8  }
0x90: {  	v6 =	vmin.f32 v6, v19;
	v19 =	vadd.f32 v46, v11;
	v4 =	vadd.f32 v20, v4  }
0x91: {  	v52 =	vld [tilespmem:s24+$0x2870];
	v17 =	vadd.f32 v40, v22;
	v22 =	vadd.f32 v51, v50;
	v2 =	vmin.f32 v2, v3  }
0x92: {  	v3 =	vadd.f32 v46, v7;
	v6 =	vmin.f32 v6, v21;
	v20 =	vadd.f32 v60, v59  }
0x93: {  	v40 =	vmul.f32 v34, v15;
	v5 =	vadd.f32 v62, v5;
	v4 =	vadd.f32 v4, v4  }
0x94: {  	v38 =	vld [tilespmem:s24+$0x90];
	v46 =	vmul.f32 v35, v10;
	v17 =	vadd.f32 v17, v17;
	v22 =	vadd.f32 v22, v22  }
0x95: {  	v59 =	vmul.f32 v49, v14;
	v20 =	vadd.f32 v61, v20;
	v5 =	vadd.f32 v63, v5  }
0x96: {  	v56 =	vld [tilespmem:s24+$0x50A0];
	v60 =	vmul.f32 v52, v15;
	v61 =	vadd.f32 v57, v25;
	v4 =	vsub.f32 v23, v4  }
0x97: {  	v33 =	vmul.f32 v52, v9;
	v23 =	vadd.f32 v45, v44;
	v17 =	vsub.f32 v43, v17  }
0x98: {  	v37 =	vld [tilespmem:s24+$0x7880];
	v62 =	vmul.f32 v54, v12;
	v19 =	vsub.f32 v19, v22;
	v29 =	vadd.f32 v60, v59  }
0x99: {  	v49 =	vld [tilespmem:s24+$0xA0];
	v50 =	vmul.f32 v38, v14;
	v26 =	vadd.f32 v33, v26;
	v20 =	vadd.f32 v20, v20  }
0x9a: {  	v57 =	vmul.f32 v38, v8;
	v5 =	vadd.f32 v5, v5;
	v22 =	vadd.f32 v61, v61  }
0x9b: {  	v63 =	vld [tilespmem:s24+$0x80];
	v38 =	vmul.f32 v56, v12;
	v18 =	vadd.f32 v48, v23;
	v25 =	vadd.f32 v62, v29  }
0x9c: {  	v52 =	vld [tilespmem:s24+$0x28A0];
	v43 =	vmul.f32 v35, v12;
	v24 =	vadd.f32 v24, v26;
	v23 =	vadd.f32 v58, v7  }
0x9d: {  	v44 =	vld [tilespmem:s24+$0x5090];
	v2 =	vmin.f32 v2, v4;
	v48 =	vadd.f32 v37, v11;
	v20 =	vsub.f32 v31, v20  }
0x9e: {  	v62 =	vmul.f32 v49, v14;
	v5 =	vsub.f32 v41, v5;
	v3 =	vsub.f32 v3, v22  }
0x9f: {  	v31 =	vmul.f32 v34, v9;
	v18 =	vadd.f32 v18, v18;
	v4 =	vadd.f32 v25, v25  }
0xa0: {  	v54 =	vld [tilespmem:s24+$0x7890];
	v39 =	vmul.f32 v63, v14;
	v24 =	vadd.f32 v24, v24;
	v27 =	vmul.f32 v63, v8  }
0xa1: {  	v41 =	vld [tilespmem:s24+$0x2890];
	v63 =	vmul.f32 v52, v15;
	v6 =	vmin.f32 v6, v20;
	v2 =	vmin.f32 v2, v5  }
0xa2: {  	v55 =	vmul.f32 v44, v12;
	v18 =	vsub.f32 v53, v18;
	v4 =	vsub.f32 v36, v4  }
0xa3: {  	v61 =	vld [tilespmem:s24+$0x78A0];
	v60 =	vmul.f32 v44, v10;
	v42 =	vadd.f32 v40, v39;
	v23 =	vsub.f32 v23, v24  }
0xa4: {  	v45 =	vadd.f32 v31, v27;
	v53 =	vadd.f32 v37, v7;
	v6 =	vmin.f32 v6, v17  }
0xa5: {  	v44 =	vld [tilespmem:s24+$0x78B0];
	v17 =	vadd.f32 v54, v11;
	v25 =	vadd.f32 v63, v62;
	v6 =	vmin.f32 v6, v19  }
0xa6: {  	v36 =	vld [tilespmem:s24+$0xB0];
	v47 =	vadd.f32 v43, v42;
	v24 =	vadd.f32 v46, v45;
	v51 =	vmul.f32 v41, v15  }
0xa7: {  	v37 =	vld [tilespmem:s24+$0x28B0];
	v58 =	vmul.f32 v41, v9;
	v2 =	vmin.f32 v2, v18;
	v18 =	vadd.f32 v54, v7  }
0xa8: {  	v39 =	vld [tilespmem:s24+$0x50B0];
	v40 =	vadd.f32 v38, v25;
	v41 =	vadd.f32 v61, v11;
	v42 =	vmul.f32 v49, v8  }
0xa9: {  	v43 =	vmul.f32 v52, v9;
	v4 =	vmin.f32 v6, v4;
	v5 =	vadd.f32 v47, v47  }
0xaa: {  	v62 =	vld [tilespmem:s24+$0x50D0];
	v2 =	vmin.f32 v2, v3;
	v24 =	vadd.f32 v24, v24;
	v27 =	vadd.f32 v51, v50  }
0xab: {  	v52 =	vld [tilespmem:s24+$0x50C0];
	v21 =	vadd.f32 v58, v57;
	v47 =	vmul.f32 v56, v10;
	v6 =	vadd.f32 v44, v11  }
0xac: {  	v2 =	vmin.f32 v2, v23;
	v45 =	vmul.f32 v36, v14;
	v46 =	vmul.f32 v37, v15  }
0xad: {  	v50 =	vmul.f32 v39, v12;
	v54 =	vmul.f32 v37, v9;
	v5 =	vsub.f32 v48, v5  }
0xae: {  	v51 =	vld [tilespmem:s24+$0x28C0];
	v22 =	vmul.f32 v39, v10;
	v20 =	vsub.f32 v53, v24;
	v59 =	vadd.f32 v55, v27  }
0xaf: {  	v58 =	vld [tilespmem:s24+$0xD0];
	v21 =	vadd.f32 v60, v21;
	v53 =	vmul.f32 v36, v8;
	v27 =	vmul.f32 v62, v10  }
0xb0: {  	v49 =	vadd.f32 v46, v45;
	v57 =	vmul.f32 v52, v12;
	v24 =	vadd.f32 v59, v59  }
0xb1: {  	v48 =	vld [tilespmem:s24+$0xC0];
	v25 =	vmul.f32 v52, v10;
	v19 =	vadd.f32 v21, v21;
	v21 =	vadd.f32 v40, v40  }
0xb2: {  	v28 =	vadd.f32 v54, v53;
	v4 =	vmin.f32 v4, v5;
	v2 =	vmin.f32 v2, v20  }
0xb3: {  	v60 =	vld [tilespmem:s24+$0x28D0];
	v56 =	vmul.f32 v51, v15;
	v59 =	vmul.f32 v51, v9;
	v17 =	vsub.f32 v17, v24  }
0xb4: {  	v33 =	vld [tilespmem:s24+$0x78D0];
	v37 =	vmul.f32 v58, v14;
	v18 =	vsub.f32 v18, v19;
	v19 =	vadd.f32 v43, v42  }
0xb5: {  	v21 =	vsub.f32 v41, v21;
	v22 =	vadd.f32 v22, v28;
	v28 =	vmul.f32 v58, v8  }
0xb6: {  	v39 =	vld [tilespmem:s24+$0x28E0];
	v24 =	vadd.f32 v50, v49;
	v41 =	vmul.f32 v62, v12;
	v55 =	vmul.f32 v48, v14  }
0xb7: {  	v36 =	vld [tilespmem:s24+$0xE0];
	v26 =	vmul.f32 v48, v8;
	v3 =	vadd.f32 v47, v19;
	v19 =	vadd.f32 v61, v7  }
0xb8: {  	v38 =	vmul.f32 v60, v15;
	v24 =	vadd.f32 v24, v24;
	v61 =	vadd.f32 v44, v7  }
0xb9: {  	v45 =	vld [tilespmem:s24+$0xF0];
	v31 =	vmul.f32 v60, v9;
	v22 =	vadd.f32 v22, v22;
	v44 =	vadd.f32 v33, v11  }
0xba: {  	v53 =	vld [tilespmem:s24+$0x50F0];
	v2 =	vmin.f32 v2, v18;
	v18 =	vadd.f32 v33, v7;
	v29 =	vadd.f32 v56, v55  }
0xbb: {  	v49 =	vld [tilespmem:s24+$0x78E0];
	v52 =	vmul.f32 v39, v9;
	v26 =	vadd.f32 v59, v26;
	v40 =	vadd.f32 v38, v37  }
0xbc: {  	v42 =	vld [tilespmem:s24+$0x50E0];
	v51 =	vmul.f32 v36, v8;
	v43 =	vadd.f32 v31, v28;
	v3 =	vadd.f32 v3, v3  }
0xbd: {  	v46 =	vmul.f32 v36, v14;
	v48 =	vld [tilespmem:s24+$0x28F0];
	v6 =	vsub.f32 v6, v24;
	v5 =	vsub.f32 v61, v22  }
0xbe: {  	v4 =	vmin.f32 v4, v17;
	v22 =	vadd.f32 v52, v51;
	v3 =	vsub.f32 v19, v3;
	v19 =	vld [tilespmem:s24+$0x78C0]  }
0xbf: {  	v47 =	vmul.f32 v39, v15;
	v24 =	vadd.f32 v57, v29;
	v35 =	vadd.f32 v25, v26  }
0xc0: {  	v55 =	vmul.f32 v45, v14;
	v17 =	vadd.f32 v41, v40;
	v57 =	vadd.f32 v49, v11  }
0xc1: {  	v26 =	vmul.f32 v45, v8;
	v29 =	vmul.f32 v42, v10;
	v34 =	vadd.f32 v24, v24  }
0xc2: {  	v58 =	vmul.f32 v48, v9;
	v24 =	vadd.f32 v35, v35;
	v17 =	vadd.f32 v17, v17  }
0xc3: {  	v30 =	vmul.f32 v53, v10;
	v63 =	vadd.f32 v19, v11;
	v19 =	vadd.f32 v19, v7  }
0xc4: {  	v50 =	vmul.f32 v42, v12;
	v61 =	vadd.f32 v29, v22;
	v26 =	vadd.f32 v58, v26  }
0xc5: {  	v56 =	vmul.f32 v48, v15;
	v19 =	vsub.f32 v19, v24;
	v24 =	vadd.f32 v27, v43  }
0xc6: {  	v2 =	vmin.f32 v2, v3;
	v17 =	vsub.f32 v44, v17;
	v27 =	vadd.f32 v47, v46  }
0xc7: {  	v59 =	vld [tilespmem:s24+$0x78F0];
	v2 =	vmin.f32 v2, v5;
	v5 =	vadd.f32 v49, v7;
	v24 =	vadd.f32 v24, v24  }
0xc8: {  	v62 =	vadd.f32 v30, v26;
	v54 =	vadd.f32 v50, v27  }
0xc9: {  	v60 =	vmul.f32 v53, v12;
	v18 =	vsub.f32 v18, v24;
	v24 =	vadd.f32 v56, v55  }
0xca: {  	v4 =	vmin.f32 v4, v21;
	v22 =	vadd.f32 v62, v62;
	v21 =	vadd.f32 v54, v54  }
0xcb: {  	v4 =	vmin.f32 v4, v6;
	v20 =	vsub.f32 v63, v34;
	v6 =	vadd.f32 v60, v24  }
0xcc: {  	v63 =	vadd.f32 v59, v11;
	v3 =	vsub.f32 v57, v21  }
0xcd: {  	v21 =	vadd.f32 v61, v61;
	v6 =	vadd.f32 v6, v6  }
0xce: {  	p0 =	sne.s32 s23, $0x9C00;
	v4 =	vmin.f32 v4, v20;
	v2 =	vmin.f32 v2, v19;
	v19 =	vadd.f32 v59, v7  }
.Ltmp1:
0xcf: {  	v4 =	vmin.f32 v4, v17;
	v5 =	vsub.f32 v5, v21;
	v6 =	vsub.f32 v63, v6;
	(pc) =	sbr.rel @p0 .LBB2_5-.Ltmp1, $4  }
0xd0: {  	v2 =	vmin.f32 v2, v18;
	v3 =	vmin.f32 v4, v3;
	v4 =	vsub.f32 v19, v22  }
0xd1: {  	v2 =	vmin.f32 v2, v5;
	v3 =	vmin.f32 v3, v6  }
0xd2: {  	v2 =	vmin.f32 v2, v4;
	[tilespmem:s21+$0x0] =	vst v3  }
0xd3: {  	s23 =	sadd.s32 $0x400, s23;
	v13 =	vmin.f32 v13, v2;
	v16 =	vmin.f32 v16, v3;
	s21 =	sadd.s32 $0x10, s21;
	[tilespmem:s22+$0x0] =	vst v2;
	s22 =	sadd.s32 $0x10, s22  }
0xd4: {  	(xrf0) =	vmin.scan.msk.f32 $0xffff, v16;
	_ =	sdelay $0x5  }
0xd5: {  	v2, _, _ =	vpop (xrf0)  }
0xd6: {  	v17 =	vbroadcast v2, $0xF;
	_ =	sdelay $0x1  }
0xd7: {  	v2 =	vmul.u32 $0x10, v1;
	vm0 =	veq.f32 v16, v17  }
0xd8: {  	v23 =	vmctz.xlane vm0  }
0xd9: {  	v3 =	vor.u32 $0x100, v2  }
0xda: {  	v4 =	vor.u32 $0x200, v2;
	v5 =	vadd.s32 v3, v23  }
0xdb: {  	v6 =	vadd.s32 v4, v23  }
0xdc: {  	v18 =	vadd.s32 v2, v23;
	_ =	sdelay $0x2  }
0xdd: {  	v20 =	vld.idx.msk [tilespmem:v5+s12+$0x0], $0xffff  }
0xde: {  	v21 =	vld.idx.msk [tilespmem:v6+s12+$0x0], $0xffff  }
0xdf: {  	v24 =	vld.idx.msk [tilespmem:v18+s12+$0x0], $0xffff;
	_ =	sdelay $0x2  }
0xe0: {  	vm0 =	veq.f32 v20, v17  }
0xe1: {  	vm1 =	veq.f32 v21, v17;
	v5 =	vmctz.xlane vm0  }
0xe2: {  	v6 =	vmpcnt.ones.xlane vm0;
	vm0 =	veq.f32 v24, v17;
	v19 =	vmctz.xlane vm1  }
0xe3: {  	v22 =	vmctz.xlane vm0;
	v25 =	vmpcnt.ones.xlane vm0  }
0xe4: {  	vm0 =	vgt.s32 v6, $0x0;
	v5 =	vadd.s32 $0x10, v5;
	v6 =	vadd.s32 $0x20, v19  }
0xe5: {  	vm1 =	vgt.s32 v25, $0x0;
	v5 =	vsel vm0, v5, v6  }
0xe6: {  	v25 =	vsel vm1, v22, v5  }
0xe7: {  	v5 =	vshll.u32 v25, $0x8  }
0xe8: {  	v5 =	vadd.s32 v5, v18;
	_ =	sdelay $0x4  }
0xe9: {  	v6 =	vld.idx.msk [tilespmem:v5+s10+$0x0], $0xffff  }
0xea: {  	v18 =	vld.idx.msk [tilespmem:v5+s3+$0x0], $0xffff;
	_ =	sdelay $0x1  }
0xeb: {  	v19 =	vld.idx.msk [tilespmem:v5+s11+$0x0], $0xffff;
	_ =	sdelay $0x2  }
0xec: {  	v18 =	vmul.f32 v18, v14;
	v6 =	vmul.f32 v6, v15  }
0xed: {  	v5 =	vld.idx.msk [tilespmem:v5+s13+$0x0], $0xffff  }
0xee: {  	v6 =	vadd.f32 v6, v18;
	v18 =	vmul.f32 v19, v12;
	_ =	sdelay $0x1  }
0xef: {  	v6 =	vadd.f32 v18, v6  }
0xf0: {  	(xrf0) =	vmin.scan.msk.f32 $0xffff, v13  }
0xf1: {  	v5 =	vadd.f32 v5, v11;
	v6 =	vadd.f32 v6, v6;
	_ =	sdelay $0x1  }
0xf2: {  	v18 =	vsub.f32 v5, v6;
	_ =	sdelay $0x1  }
0xf3: {  	vm0 =	vle.f32 v18, v17  }
0xf4: {  	v5, _, _ =	vpop (xrf0);
	v6 =	vsel vm0, $0x7F61B1E6, v18  }
0xf5: {  	v26 =	vbroadcast v5, $0xF;
	(xrf0) =	vmin.scan.msk.f32 $0xffff, v6;
	_ =	sdelay $0x1  }
0xf6: {  	vm0 =	veq.f32 v13, v26  }
0xf7: {  	v27 =	vshll.u32 v25, $0x4;
	v19 =	vmctz.xlane vm0  }
0xf8: {  	v5 =	vadd.s32 v23, v27  }
0xf9: {  	v6 =	vadd.s32 v3, v19  }
0xfa: {  	v28 =	vadd.s32 v4, v19;
	v22, _, _ =	vpop (xrf0)  }
0xfb: {  	v30 =	vadd.s32 v2, v19;
	v29 =	vbroadcast v22, $0xF;
	_ =	sdelay $0x1  }
0xfc: {  	[tilespmem:v5+s12+$0x0] =	vst.idx.msk $0x1, v29  }
0xfd: {  	v22 =	vld.idx.msk [tilespmem:v6+s14+$0x0], $0xffff  }
0xfe: {  	v31 =	vld.idx.msk [tilespmem:v28+s14+$0x0], $0xffff  }
0xff: {  	v28 =	vld.idx.msk [tilespmem:v30+s14+$0x0], $0xffff;
	_ =	sdelay $0x2  }
0x100: {  	vm0 =	veq.f32 v22, v26  }
0x101: {  	vm1 =	veq.f32 v31, v26;
	v5 =	vmpcnt.ones.xlane vm0  }
0x102: {  	vm2 =	veq.f32 v28, v26;
	v6 =	vmctz.xlane vm0;
	v32 =	vmctz.xlane vm1  }
0x103: {  	v33 =	vmpcnt.ones.xlane vm2;
	vm0 =	vgt.s32 v5, $0x0  }
0x104: {  	v5 =	vmctz.xlane vm2;
	v6 =	vadd.s32 $0x10, v6;
	v32 =	vadd.s32 $0x20, v32  }
0x105: {  	v6 =	vsel vm0, v6, v32;
	vm0 =	vgt.s32 v33, $0x0  }
0x106: {  	v32 =	vsel vm0, v5, v6  }
0x107: {  	v5 =	vshll.u32 v32, $0x8  }
0x108: {  	v30 =	vadd.s32 v5, v30  }
0x109: {  	v6 =	vor.u32 $0x10, v1;
	vm0 =	veq.s32 v25, v1  }
0x10a: {  	v24 =	vsel vm0, v29, v24;
	vm0 =	veq.s32 v25, v6;
	v5 =	vor.u32 $0x20, v1  }
0x10b: {  	v20 =	vsel vm0, v29, v20;
	v24 =	vmin.f32 v24, $3.000000010e+38;
	vm1 =	veq.s32 v25, v5  }
0x10c: {  	v20 =	vmin.f32 v24, v20;
	v21 =	vsel vm1, v29, v21  }
0x10d: {  	v20 =	vmin.f32 v20, v21;
	v21 =	vld.idx.msk [tilespmem:v30+s3+$0x0], $0xffff  }
0x10e: {  	(xrf0) =	vmin.scan.msk.f32 $0xffff, v20;
	v20 =	vld.idx.msk [tilespmem:v30+s10+$0x0], $0xffff;
	_ =	sdelay $0x1  }
0x10f: {  	v24 =	vld.idx.msk [tilespmem:v30+s11+$0x0], $0xffff;
	_ =	sdelay $0x2  }
0x110: {  	v21 =	vmul.f32 v21, v8;
	v20 =	vmul.f32 v20, v9  }
0x111: {  	v29 =	vld.idx.msk [tilespmem:v30+s13+$0x0], $0xffff;
	v25, _, _ =	vpop (xrf0)  }
0x112: {  	v24 =	vmul.f32 v24, v10;
	v25 =	vbroadcast v25, $0xF;
	v21 =	vadd.f32 v20, v21  }
0x113: {  	vm0 =	veq.s32 v23, v1  }
0x114: {  	v20 =	vsel vm0, v25, v16;
	v16 =	vadd.f32 v24, v21  }
0x115: {  	(xrf0) =	vmin.scan.msk.f32 $0xffff, v20  }
0x116: {  	v21 =	vadd.f32 v29, v7;
	v16 =	vadd.f32 v16, v16;
	_ =	sdelay $0x1  }
0x117: {  	v16 =	vsub.f32 v21, v16  }
0x118: {  	vm0 =	veq.f32 v18, v17  }
0x119: {  	v17 =	vmctz.xlane vm0;
	vm0 =	vle.f32 v16, v26  }
0x11a: {  	v18, _, _ =	vpop (xrf0);
	v24 =	vsel vm0, $0x7F61B1E6, v16  }
0x11b: {  	v21 =	vbroadcast v18, $0xF;
	(xrf0) =	vmin.scan.msk.f32 $0xffff, v24  }
0x11c: {  	vm2 =	veq.s32 v32, v5;
	v25 =	vshll.u32 v32, $0x4;
	vm1 =	veq.f32 v16, v26  }
0x11d: {  	v17 =	vadd.s32 v27, v17;
	v26 =	vmctz.xlane vm1;
	vm0 =	veq.f32 v20, v21  }
0x11e: {  	v29 =	vadd.s32 v19, v25;
	v17 =	vshll.u32 v17, $0x4;
	v18 =	vmctz.xlane vm0  }
0x11f: {  	s21 =	simm.s32 $0x0;
	v27 =	vimm.s32 $0x0;
	v16 =	vadd.s32 v23, v17;
	vm1 =	veq.s32 v32, v1  }
0x120: {  	v24 =	vmov s21;
	v17 =	vadd.s32 v25, v26;
	v25 =	vadd.s32 v3, v18  }
0x121: {  	vm0 =	veq.s32 v24, v1;
	v17 =	vshll.u32 v17, $0x4;
	v24 =	vadd.s32 v4, v18;
	v26, _, _ =	vpop (xrf0)  }
0x122: {  	v17 =	vadd.s32 v19, v17;
	v23 =	vadd.s32 v2, v18;
	v26 =	vbroadcast v26, $0xF  }
0x123: {  	v16 =	vsel vm0, v16, v27;
	v17 =	vsel vm0, v17, v27;
	vm0 =	veq.s32 v32, v6  }
0x124: {  	s22 =	simm.s32 $0x2;
	s21 =	simm.s32 $0x1;
	[tilespmem:v29+s14+$0x0] =	vst.idx.msk $0x1, v26;
	v28 =	vsel vm1, v26, v28;
	v27 =	vsel vm2, v26, v31  }
.LBB2_7:
0x125: {  	p0 =	sne.s32 s22, $0xF;
	v25 =	vld.idx.msk [tilespmem:v25+s12+$0x0], $0xffff;
	v28 =	vmin.f32 v28, $3.000000010e+38;
	v22 =	vsel vm0, v26, v22;
	s23 =	smov.u32 s22;
	s22 =	sadd.s32 $0x1, s22  }
0x126: {  	v24 =	vld.idx.msk [tilespmem:v24+s12+$0x0], $0xffff;
	v22 =	vmin.f32 v28, v22  }
0x127: {  	v26 =	vld.idx.msk [tilespmem:v23+s12+$0x0], $0xffff;
	v22 =	vmin.f32 v22, v27  }
0x128: {  	(xrf0) =	vmin.scan.msk.f32 $0xffff, v22;
	_ =	sdelay $0x2  }
0x129: {  	vm1 =	veq.s32 v19, v1;
	vm0 =	veq.f32 v25, v21  }
0x12a: {  	v19 =	vmctz.xlane vm0;
	v30 =	vmpcnt.ones.xlane vm0;
	vm0 =	veq.f32 v24, v21  }
0x12b: {  	vm2 =	veq.f32 v26, v21;
	v27 =	vmctz.xlane vm0  }
0x12c: {  	v28 =	vmctz.xlane vm2;
	v29 =	vmpcnt.ones.xlane vm2;
	vm0 =	vgt.s32 v30, $0x0;
	v22, _, _ =	vpop (xrf0)  }
0x12d: {  	v19 =	vadd.s32 $0x10, v19;
	v27 =	vadd.s32 $0x20, v27;
	v22 =	vbroadcast v22, $0xF  }
0x12e: {  	vm2 =	vgt.s32 v29, $0x0;
	v19 =	vsel vm0, v19, v27  }
0x12f: {  	v27 =	vsel vm2, v28, v19;
	v13 =	vsel vm1, v22, v13  }
0x130: {  	v19 =	vshll.u32 v27, $0x4;
	v22 =	vshll.u32 v27, $0x8;
	(xrf0) =	vmin.scan.msk.f32 $0xffff, v13  }
0x131: {  	v22 =	vadd.s32 v22, v23;
	v23 =	vadd.s32 v18, v19;
	_ =	sdelay $0x4  }
0x132: {  	v28 =	vld.idx.msk [tilespmem:v22+s10+$0x0], $0xffff;
	v29, _, _ =	vpop (xrf0)  }
0x133: {  	v30 =	vld.idx.msk [tilespmem:v22+s3+$0x0], $0xffff;
	_ =	sdelay $0x1  }
0x134: {  	v31 =	vld.idx.msk [tilespmem:v22+s11+$0x0], $0xffff;
	_ =	sdelay $0x3  }
0x135: {  	v28 =	vmul.f32 v28, v15;
	v30 =	vmul.f32 v30, v14;
	v22 =	vld.idx.msk [tilespmem:v22+s13+$0x0], $0xffff;
	_ =	sdelay $0x1  }
0x136: {  	v28 =	vadd.f32 v28, v30;
	v30 =	vmul.f32 v31, v12;
	_ =	sdelay $0x1  }
0x137: {  	v28 =	vadd.f32 v30, v28;
	_ =	sdelay $0x1  }
0x138: {  	v22 =	vadd.f32 v22, v11;
	v28 =	vadd.f32 v28, v28;
	_ =	sdelay $0x1  }
0x139: {  	v22 =	vsub.f32 v22, v28;
	_ =	sdelay $0x1  }
0x13a: {  	vm0 =	veq.f32 v22, v21;
	vm1 =	vle.f32 v22, v21  }
0x13b: {  	v21 =	vmctz.xlane vm0;
	v22 =	vsel vm1, $0x7F61B1E6, v22  }
0x13c: {  	v28 =	vbroadcast v29, $0xF;
	(xrf0) =	vmin.scan.msk.f32 $0xffff, v22  }
0x13d: {  	v19 =	vadd.s32 v19, v21  }
0x13e: {  	vm1 =	veq.f32 v13, v28;
	v21 =	vmov s21;
	s21 =	smov.u32 s23;
	v19 =	vshll.u32 v19, $0x4  }
0x13f: {  	vm0 =	veq.s32 v21, v1;
	v22 =	vadd.s32 v18, v19;
	v19 =	vmctz.xlane vm1  }
0x140: {  	v16 =	vsel vm0, v22, v16  }
0x141: {  	v21 =	vadd.s32 v3, v19  }
0x142: {  	v29 =	vadd.s32 v4, v19;
	v22, _, _ =	vpop (xrf0)  }
0x143: {  	v30 =	vadd.s32 v2, v19;
	v22 =	vbroadcast v22, $0xF  }
0x144: {  	vm2 =	veq.s32 v27, v6;
	vm3 =	veq.s32 v27, v5;
	vm1 =	veq.s32 v27, v1  }
0x145: {  	[tilespmem:v23+s12+$0x0] =	vst.idx.msk $0x1, v22;
	v23 =	vsel vm1, v22, v26;
	v25 =	vsel vm2, v22, v25  }
0x146: {  	v24 =	vsel vm3, v22, v24;
	v23 =	vmin.f32 v23, $3.000000010e+38;
	v22 =	vld.idx.msk [tilespmem:v21+s14+$0x0], $0xffff  }
0x147: {  	v21 =	vmin.f32 v23, v25;
	v27 =	vld.idx.msk [tilespmem:v29+s14+$0x0], $0xffff  }
0x148: {  	v21 =	vmin.f32 v21, v24;
	v29 =	vld.idx.msk [tilespmem:v30+s14+$0x0], $0xffff  }
0x149: {  	(xrf0) =	vmin.scan.msk.f32 $0xffff, v21;
	_ =	sdelay $0x2  }
0x14a: {  	vm1 =	veq.f32 v22, v28  }
0x14b: {  	v21 =	vmpcnt.ones.xlane vm1;
	vm2 =	veq.f32 v27, v28  }
0x14c: {  	v23 =	vmctz.xlane vm1;
	vm3 =	veq.f32 v29, v28;
	v24 =	vmctz.xlane vm2  }
0x14d: {  	v25 =	vmctz.xlane vm3;
	v26 =	vmpcnt.ones.xlane vm3;
	v31, _, _ =	vpop (xrf0)  }
0x14e: {  	v23 =	vadd.s32 $0x10, v23;
	vm1 =	vgt.s32 v21, $0x0;
	v24 =	vadd.s32 $0x20, v24  }
0x14f: {  	v21 =	vbroadcast v31, $0xF;
	vm2 =	vgt.s32 v26, $0x0;
	v23 =	vsel vm1, v23, v24  }
0x150: {  	vm1 =	veq.s32 v18, v1;
	v31 =	vsel vm2, v25, v23  }
0x151: {  	v20 =	vsel vm1, v21, v20;
	v18 =	vshll.u32 v31, $0x8  }
0x152: {  	v18 =	vadd.s32 v18, v30;
	_ =	sdelay $0x4  }
0x153: {  	v21 =	vld.idx.msk [tilespmem:v18+s3+$0x0], $0xffff  }
0x154: {  	v23 =	vld.idx.msk [tilespmem:v18+s10+$0x0], $0xffff  }
0x155: {  	v24 =	vld.idx.msk [tilespmem:v18+s11+$0x0], $0xffff  }
0x156: {  	v18 =	vld.idx.msk [tilespmem:v18+s13+$0x0], $0xffff  }
0x157: {  	(xrf0) =	vmin.scan.msk.f32 $0xffff, v20;
	_ =	sdelay $0x2  }
0x158: {  	v25 =	vmul.f32 v21, v8;
	v23 =	vmul.f32 v23, v9  }
0x159: {  	v24 =	vmul.f32 v24, v10  }
0x15a: {  	v23 =	vadd.f32 v23, v25  }
0x15b: {  	v21, _, _ =	vpop (xrf0)  }
0x15c: {  	v23 =	vadd.f32 v24, v23;
	v21 =	vbroadcast v21, $0xF  }
0x15d: {  	v24 =	vadd.f32 v18, v7  }
0x15e: {  	v23 =	vadd.f32 v23, v23;
	vm1 =	veq.f32 v20, v21  }
0x15f: {  	v18 =	vmctz.xlane vm1  }
0x160: {  	v26 =	vsub.f32 v24, v23  }
0x161: {  	v23 =	vadd.s32 v2, v18;
	v25 =	vadd.s32 v3, v18;
	v24 =	vadd.s32 v4, v18  }
0x162: {  	v30 =	vshll.u32 v31, $0x4;
	vm1 =	veq.f32 v26, v28;
	vm2 =	vle.f32 v26, v28  }
0x163: {  	v32 =	vadd.s32 v19, v30;
	v28 =	vmctz.xlane vm1;
	v26 =	vsel vm2, $0x7F61B1E6, v26  }
0x164: {  	(xrf0) =	vmin.scan.msk.f32 $0xffff, v26  }
0x165: {  	v26 =	vadd.s32 v30, v28  }
0x166: {  	v26 =	vshll.u32 v26, $0x4  }
0x167: {  	vm1 =	veq.s32 v31, v1;
	v26 =	vadd.s32 v19, v26  }
0x168: {  	v17 =	vsel vm0, v26, v17  }
.Ltmp2:
0x169: {  	vm2 =	veq.s32 v31, v5;
	(pc) =	sbr.rel @p0 .LBB2_7-.Ltmp2, $4  }
0x16a: {  	v26, _, _ =	vpop (xrf0)  }
0x16b: {  	v26 =	vbroadcast v26, $0xF  }
0x16c: {  	vm0 =	veq.s32 v31, v6  }
0x16d: {  	[tilespmem:v32+s14+$0x0] =	vst.idx.msk $0x1, v26;
	v28 =	vsel vm1, v26, v29;
	v27 =	vsel vm2, v26, v27  }
0x16e: {  	_ =	sdelay $0x3  }
0x16f: {  	v20 =	vld.idx.msk [tilespmem:v25+s12+$0x0], $0xffff  }
0x170: {  	v24 =	vld.idx.msk [tilespmem:v24+s12+$0x0], $0xffff  }
0x171: {  	v46 =	vld.idx.msk [tilespmem:v23+s12+$0x0], $0xffff;
	_ =	sdelay $0x2  }
0x172: {  	vm1 =	veq.f32 v20, v21  }
0x173: {  	vm2 =	veq.f32 v24, v21;
	v29 =	vmpcnt.ones.xlane vm1  }
0x174: {  	vm15 =	veq.f32 v46, v21;
	v30 =	vmctz.xlane vm1;
	v31 =	vmctz.xlane vm2  }
0x175: {  	v32 =	vmpcnt.ones.xlane vm15;
	v47 =	vmctz.xlane vm15  }
0x176: {  	vm4 =	vgt.s32 v29, $0x0;
	v30 =	vadd.s32 $0x10, v30;
	v31 =	vadd.s32 $0x20, v31  }
0x177: {  	vm5 =	vgt.s32 v32, $0x0;
	v30 =	vsel vm4, v30, v31  }
0x178: {  	v29 =	vsel vm5, v47, v30  }
0x179: {  	v30 =	vshll.u32 v29, $0x8  }
0x17a: {  	v48 =	vadd.s32 v30, v23;
	_ =	sdelay $0x2  }
0x17b: {  	v28 =	vmin.f32 v28, $3.000000010e+38;
	v22 =	vsel vm0, v26, v22  }
0x17c: {  	v22 =	vmin.f32 v28, v22  }
0x17d: {  	v22 =	vmin.f32 v22, v27;
	v49 =	vld.idx.msk [tilespmem:v48+s10+$0x0], $0xffff  }
0x17e: {  	(xrf0) =	vmin.scan.msk.f32 $0xffff, v22;
	v50 =	vld.idx.msk [tilespmem:v48+s3+$0x0], $0xffff;
	_ =	sdelay $0x1  }
0x17f: {  	v51 =	vld.idx.msk [tilespmem:v48+s11+$0x0], $0xffff;
	_ =	sdelay $0x2  }
0x180: {  	v14 =	vmul.f32 v50, v14;
	v15 =	vmul.f32 v49, v15  }
0x181: {  	v52, _, _ =	vpop (xrf0);
	v23 =	vld.idx.msk [tilespmem:v48+s13+$0x0], $0xffff  }
0x182: {  	v22 =	vbroadcast v52, $0xF;
	v12 =	vmul.f32 v51, v12;
	v14 =	vadd.f32 v15, v14  }
0x183: {  	vm6 =	veq.s32 v19, v1  }
0x184: {  	v13 =	vsel vm6, v22, v13;
	v12 =	vadd.f32 v12, v14  }
0x185: {  	(xrf0) =	vmin.scan.msk.f32 $0xffff, v13  }
0x186: {  	v11 =	vadd.f32 v23, v11;
	v12 =	vadd.f32 v12, v12;
	_ =	sdelay $0x1  }
0x187: {  	v11 =	vsub.f32 v11, v12;
	_ =	sdelay $0x1  }
0x188: {  	vm7 =	vle.f32 v11, v21  }
0x189: {  	v12, _, _ =	vpop (xrf0);
	v14 =	vsel vm7, $0x7F61B1E6, v11  }
0x18a: {  	v12 =	vbroadcast v12, $0xF;
	(xrf0) =	vmin.scan.msk.f32 $0xffff, v14;
	_ =	sdelay $0x1  }
0x18b: {  	vm8 =	veq.f32 v13, v12  }
0x18c: {  	v13 =	vshll.u32 v29, $0x4;
	v14 =	vmctz.xlane vm8  }
0x18d: {  	v15 =	vadd.s32 v18, v13  }
0x18e: {  	v19 =	vadd.s32 v3, v14  }
0x18f: {  	v53 =	vadd.s32 v4, v14;
	v54, _, _ =	vpop (xrf0)  }
0x190: {  	v55 =	vadd.s32 v2, v14;
	v23 =	vbroadcast v54, $0xF;
	_ =	sdelay $0x1  }
0x191: {  	[tilespmem:v15+s12+$0x0] =	vst.idx.msk $0x1, v23  }
0x192: {  	v15 =	vld.idx.msk [tilespmem:v19+s14+$0x0], $0xffff  }
0x193: {  	v19 =	vld.idx.msk [tilespmem:v53+s14+$0x0], $0xffff  }
0x194: {  	v56 =	vld.idx.msk [tilespmem:v55+s14+$0x0], $0xffff;
	_ =	sdelay $0x2  }
0x195: {  	vm9 =	veq.f32 v15, v12  }
0x196: {  	vm10 =	veq.f32 v19, v12;
	v57 =	vmpcnt.ones.xlane vm9  }
0x197: {  	vm11 =	veq.f32 v56, v12;
	v58 =	vmctz.xlane vm9;
	v59 =	vmctz.xlane vm10  }
0x198: {  	v60 =	vmpcnt.ones.xlane vm11;
	v61 =	vmctz.xlane vm11  }
0x199: {  	vm12 =	vgt.s32 v57, $0x0;
	v28 =	vadd.s32 $0x10, v58;
	v30 =	vadd.s32 $0x20, v59  }
0x19a: {  	vm13 =	vgt.s32 v60, $0x0;
	v28 =	vsel vm12, v28, v30  }
0x19b: {  	v27 =	vsel vm13, v61, v28  }
0x19c: {  	v28 =	vshll.u32 v27, $0x8  }
0x19d: {  	v26 =	vadd.s32 v28, v55;
	_ =	sdelay $0x4  }
0x19e: {  	v28 =	vld.idx.msk [tilespmem:v26+s3+$0x0], $0xffff  }
0x19f: {  	v62 =	vld.idx.msk [tilespmem:v26+s10+$0x0], $0xffff;
	_ =	sdelay $0x1  }
0x1a0: {  	v63 =	vld.idx.msk [tilespmem:v26+s11+$0x0], $0xffff;
	_ =	sdelay $0x2  }
0x1a1: {  	v8 =	vmul.f32 v28, v8;
	v9 =	vmul.f32 v62, v9  }
0x1a2: {  	v26 =	vld.idx.msk [tilespmem:v26+s13+$0x0], $0xffff  }
0x1a3: {  	v10 =	vmul.f32 v63, v10;
	v8 =	vadd.f32 v9, v8;
	_ =	sdelay $0x1  }
0x1a4: {  	v8 =	vadd.f32 v10, v8;
	_ =	sdelay $0x1  }
0x1a5: {  	vm14 =	veq.s32 v29, v1;
	v7 =	vadd.f32 v26, v7;
	v8 =	vadd.f32 v8, v8  }
0x1a6: {  	vm15 =	veq.s32 v29, v6;
	vm4 =	veq.s32 v29, v5;
	v9 =	vsel vm14, v23, v46  }
0x1a7: {  	v9 =	vmin.f32 v9, $3.000000010e+38;
	v10 =	vsel vm15, v23, v20;
	v7 =	vsub.f32 v7, v8  }
0x1a8: {  	v9 =	vmin.f32 v9, v10;
	v8 =	vsel vm4, v23, v24  }
0x1a9: {  	v8 =	vmin.f32 v9, v8;
	vm5 =	vle.f32 v7, v12  }
0x1aa: {  	(xrf0) =	vmin.scan.msk.f32 $0xffff, v8;
	v8 =	vsel vm5, $0x7F61B1E6, v7  }
0x1ab: {  	(xrf0) =	vmin.scan.msk.f32 $0xffff, v8  }
0x1ac: {  	vm6 =	veq.f32 v11, v21;
	vm7 =	veq.f32 v7, v12  }
0x1ad: {  	v9 =	vmctz.xlane vm7;
	v8 =	vmctz.xlane vm6  }
0x1ae: {  	v7 =	vshll.u32 v27, $0x4  }
0x1af: {  	v10 =	vadd.s32 v14, v7;
	v8 =	vadd.s32 v13, v8  }
0x1b0: {  	v11 =	vmov s21;
	v7 =	vadd.s32 v7, v9;
	v8 =	vshll.u32 v8, $0x4;
	v12, _, _ =	vpop (xrf0)  }
0x1b1: {  	vm8 =	veq.s32 v11, v1;
	v7 =	vshll.u32 v7, $0x4;
	v8 =	vadd.s32 v18, v8;
	v9, _, _ =	vpop (xrf0)  }
0x1b2: {  	v7 =	vadd.s32 v14, v7;
	v8 =	vsel vm8, v8, v16;
	v9 =	vbroadcast v9, $0xF  }
0x1b3: {  	v7 =	vsel vm8, v7, v17;
	vm9 =	vlt.s32 v8, $0x277F  }
0x1b4: {  	vm10 =	vlt.s32 v7, $0x277F;
	v8 =	vnsel vm9, $0x277F, v8;
	[tilespmem:v10+s14+$0x0] =	vst.idx.msk $0x1, v9  }
0x1b5: {  	v7 =	vnsel vm10, $0x277F, v7;
	[tilespmem:$0xA600] =	vst v8  }
0x1b6: {  	[tilespmem:$0xA610] =	vst v7  }
0x1b7: {  	vm11 =	veq.s32 v27, v1;
	v7 =	vld [tilespmem:s20+$0x0]  }
0x1b8: {  	vm12 =	veq.s32 v27, v6;
	v8 =	vsel vm11, v9, v56;
	v10 =	vld [tilespmem:s20+$0x2800]  }
0x1b9: {  	s30 =	sor.u32 $0x2, s19;
	vm13 =	veq.s32 v27, v5;
	v11 =	vsel vm12, v9, v15;
	v8 =	vmin.f32 v8, $3.000000010e+38;
	v12 =	vld [tilespmem:s20+$0x5000]  }
0x1ba: {  	v9 =	vsel vm13, v9, v19;
	v13 =	vld [tilespmem:s20+$0x7800];
	v8 =	vmin.f32 v8, v11;
	v11 =	vmov s30  }
0x1bb: {  	v8 =	vmin.f32 v8, v9;
	vm14 =	veq.s32 v11, v1  }
0x1bc: {  	(xrf0) =	vmin.scan.msk.f32 $0xffff, v8;
	v8 =	vnsel vm14, $0x7F61B1E6, v7  }
0x1bd: {  	s31 =	sor.u32 $0x3, s19;
	(xrf0) =	vmin.scan.msk.f32 $0xffff, v8;
	v8 =	vnsel vm14, $0x7F61B1E6, v10  }
0x1be: {  	v9 =	vmov s31;
	(xrf0) =	vmin.scan.msk.f32 $0xffff, v8;
	v8 =	vnsel vm14, $0x7F61B1E6, v12  }
0x1bf: {  	vm15 =	veq.s32 v9, v1;
	(xrf0) =	vmin.scan.msk.f32 $0xffff, v8;
	v8 =	vnsel vm14, $0x7F61B1E6, v13  }
0x1c0: {  	v7 =	vnsel vm15, $0x7F61B1E6, v7;
	(xrf0) =	vmin.scan.msk.f32 $0xffff, v8  }
0x1c1: {  	(xrf0) =	vmin.scan.msk.f32 $0xffff, v7;
	v7 =	vnsel vm15, $0x7F61B1E6, v10  }
0x1c2: {  	v8, _, _ =	vpop (xrf0);
	(xrf0) =	vmin.scan.msk.f32 $0xffff, v7;
	v7 =	vnsel vm15, $0x7F61B1E6, v12  }
0x1c3: {  	v8, _, _ =	vpop (xrf0);
	(xrf0) =	vmin.scan.msk.f32 $0xffff, v7;
	v7 =	vnsel vm15, $0x7F61B1E6, v13;
	_ =	sdelay $0x1  }
0x1c4: {  	v9, _, _ =	vpop (xrf0);
	(xrf0) =	vmin.scan.msk.f32 $0xffff, v7  }
0x1c5: {  	v7, _, _ =	vpop (xrf0)  }
0x1c6: {  	v10, _, _ =	vpop (xrf0)  }
0x1c7: {  	v16, _, _ =	vpop (xrf0)  }
0x1c8: {  	v14 =	vbroadcast v8, $0xF;
	v15 =	vbroadcast v9, $0xF;
	v17, _, _ =	vpop (xrf0)  }
0x1c9: {  	v12 =	vbroadcast v7, $0xF;
	v11 =	vbroadcast v10, $0xF;
	v18, _, _ =	vpop (xrf0)  }
0x1ca: {  	s19 =	simm.s32 $0x0;
	v13 =	vimm.f32 $3.000000010e+38;
	v8 =	vbroadcast v16, $0xF;
	v9 =	vbroadcast v17, $0xF;
	v7, _, _ =	vpop (xrf0)  }
0x1cb: {  	s22 =	simm.s32 $0x0;
	s21 =	simm.s32 $0xA300;
	s20 =	simm.s32 $0xA000;
	v16 =	vimm.f32 $3.000000010e+38;
	v10 =	vbroadcast v18, $0xF;
	v7 =	vbroadcast v7, $0xF  }
.LBB2_9:
0x1cc: {  	s23 =	sshra.s32 s22, $0x2  }
0x1cd: {  	v17 =	vld [tilespmem:s23+$0x0]  }
0x1ce: {  	v18 =	vld [tilespmem:s23+$0x2800]  }
0x1cf: {  	v19 =	vld [tilespmem:s23+$0x5000]  }
0x1d0: {  	v20 =	vld [tilespmem:s23+$0x7800]  }
0x1d1: {  	v23 =	vld [tilespmem:s23+$0x10]  }
0x1d2: {  	v24 =	vld [tilespmem:s23+$0x2810]  }
0x1d3: {  	v25 =	vld [tilespmem:s23+$0x5010]  }
0x1d4: {  	v26 =	vld [tilespmem:s23+$0x7810]  }
0x1d5: {  	v62 =	vld [tilespmem:s23+$0x2820]  }
0x1d6: {  	v63 =	vld [tilespmem:s23+$0x5020]  }
0x1d7: {  	v36 =	vld [tilespmem:s23+$0x30]  }
0x1d8: {  	v37 =	vld [tilespmem:s23+$0x2830];
	v21 =	vmul.f32 v17, v14  }
0x1d9: {  	v38 =	vld [tilespmem:s23+$0x5030];
	v22 =	vmul.f32 v18, v15;
	v58 =	vmul.f32 v19, v12  }
0x1da: {  	v40 =	vld [tilespmem:s23+$0x7830];
	v17 =	vmul.f32 v17, v8;
	v18 =	vmul.f32 v18, v9  }
0x1db: {  	v41 =	vld [tilespmem:s23+$0x40];
	v27 =	vmul.f32 v23, v14;
	v28 =	vmul.f32 v24, v15  }
0x1dc: {  	v44 =	vld [tilespmem:s23+$0x5040];
	v61 =	vmul.f32 v25, v12;
	v23 =	vmul.f32 v23, v8  }
0x1dd: {  	v59 =	vadd.f32 v20, v11;
	v24 =	vmul.f32 v24, v9;
	v33 =	vmul.f32 v25, v10  }
0x1de: {  	v32 =	vadd.f32 v26, v11;
	v29 =	vmul.f32 v62, v15;
	v35 =	vmul.f32 v63, v12  }
0x1df: {  	v46 =	vld [tilespmem:s23+$0x50];
	v26 =	vadd.f32 v26, v7;
	v30 =	vmul.f32 v36, v14;
	v31 =	vmul.f32 v37, v15  }
0x1e0: {  	v43 =	vmul.f32 v38, v12;
	v45 =	vadd.f32 v40, v11;
	v47 =	vmul.f32 v41, v14  }
0x1e1: {  	v52 =	vld [tilespmem:s23+$0x7850];
	v49 =	vmul.f32 v44, v12;
	v21 =	vadd.f32 v22, v21;
	v17 =	vadd.f32 v18, v17  }
0x1e2: {  	v18 =	vmul.f32 v19, v10;
	v60 =	vadd.f32 v28, v27;
	v23 =	vadd.f32 v24, v23  }
0x1e3: {  	v51 =	vmul.f32 v44, v10;
	v19 =	vld [tilespmem:s23+$0x20];
	v42 =	vadd.f32 v31, v30;
	v21 =	vadd.f32 v58, v21  }
0x1e4: {  	v53 =	vmul.f32 v46, v14;
	v17 =	vadd.f32 v18, v17;
	v18 =	vadd.f32 v20, v7  }
0x1e5: {  	v28 =	vmul.f32 v62, v9;
	v22 =	vadd.f32 v61, v60;
	v23 =	vadd.f32 v33, v23  }
0x1e6: {  	v55 =	vld [tilespmem:s23+$0x60];
	v27 =	vmul.f32 v36, v8;
	v60 =	vadd.f32 v52, v11;
	v21 =	vadd.f32 v21, v21  }
0x1e7: {  	v20 =	vmul.f32 v63, v10;
	v33 =	vld [tilespmem:s23+$0x2850];
	v17 =	vadd.f32 v17, v17;
	v22 =	vadd.f32 v22, v22  }
0x1e8: {  	v58 =	vld [tilespmem:s23+$0x5060];
	v23 =	vadd.f32 v23, v23;
	v34 =	vmul.f32 v19, v14;
	v21 =	vsub.f32 v59, v21  }
0x1e9: {  	v19 =	vmul.f32 v19, v8;
	v17 =	vsub.f32 v18, v17;
	v22 =	vsub.f32 v32, v22  }
0x1ea: {  	v61 =	vmul.f32 v46, v8;
	v23 =	vsub.f32 v26, v23;
	v26 =	vadd.f32 v43, v42  }
0x1eb: {  	v18 =	vld [tilespmem:s23+$0x7820];
	v25 =	vadd.f32 v29, v34;
	v19 =	vadd.f32 v28, v19;
	v29 =	vmul.f32 v37, v9  }
0x1ec: {  	v32 =	vld [tilespmem:s23+$0x2840];
	v28 =	vadd.f32 v40, v7;
	v54 =	vmul.f32 v33, v15;
	v62 =	vmul.f32 v33, v9  }
0x1ed: {  	v34 =	vld [tilespmem:s23+$0x7840];
	v40 =	vmul.f32 v55, v14;
	v44 =	vmul.f32 v58, v12;
	v26 =	vadd.f32 v26, v26  }
0x1ee: {  	v21 =	vmin.f32 v21, $3.000000010e+38;
	v17 =	vmin.f32 v17, $3.000000010e+38;
	v24 =	vadd.f32 v35, v25  }
0x1ef: {  	v37 =	vld [tilespmem:s23+$0x2860];
	v19 =	vadd.f32 v20, v19;
	v25 =	vmul.f32 v38, v10;
	v20 =	vmul.f32 v41, v8  }
0x1f0: {  	v42 =	vld [tilespmem:s23+$0x70];
	v21 =	vmin.f32 v21, v22;
	v26 =	vsub.f32 v45, v26;
	v39 =	vadd.f32 v18, v11  }
0x1f1: {  	v17 =	vmin.f32 v17, v23;
	v24 =	vadd.f32 v24, v24;
	v18 =	vadd.f32 v18, v7  }
0x1f2: {  	v35 =	vld [tilespmem:s23+$0x5050];
	v19 =	vadd.f32 v19, v19;
	v48 =	vmul.f32 v32, v15;
	v36 =	vadd.f32 v34, v11  }
0x1f3: {  	v63 =	vld [tilespmem:s23+$0x7860];
	v50 =	vmul.f32 v32, v9;
	v57 =	vadd.f32 v34, v7;
	v24 =	vsub.f32 v39, v24  }
0x1f4: {  	v38 =	vmul.f32 v37, v15;
	v18 =	vsub.f32 v18, v19;
	v19 =	vadd.f32 v29, v27  }
0x1f5: {  	v31 =	vmul.f32 v42, v8;
	v20 =	vadd.f32 v50, v20;
	v27 =	vadd.f32 v54, v53  }
0x1f6: {  	v50 =	vmul.f32 v37, v9;
	v43 =	vadd.f32 v38, v40;
	v19 =	vadd.f32 v25, v19  }
0x1f7: {  	v56 =	vmul.f32 v35, v12;
	v25 =	vadd.f32 v48, v47;
	v20 =	vadd.f32 v51, v20  }
0x1f8: {  	v45 =	vld [tilespmem:s23+$0x2870];
	v54 =	vmul.f32 v42, v14;
	v47 =	vadd.f32 v52, v7;
	v51 =	vadd.f32 v63, v11  }
0x1f9: {  	v17 =	vmin.f32 v17, v18;
	v18 =	vadd.f32 v63, v7;
	v59 =	vadd.f32 v56, v27  }
0x1fa: {  	v53 =	vld [tilespmem:s23+$0x7870];
	v41 =	vmul.f32 v35, v10;
	v27 =	vadd.f32 v44, v43;
	v19 =	vadd.f32 v19, v19  }
0x1fb: {  	v48 =	vld [tilespmem:s23+$0x5070];
	v52 =	vmul.f32 v58, v10;
	v25 =	vadd.f32 v49, v25;
	v20 =	vadd.f32 v20, v20  }
0x1fc: {  	v58 =	vld [tilespmem:s23+$0x80];
	v49 =	vmul.f32 v55, v8;
	v22 =	vadd.f32 v59, v59;
	v27 =	vadd.f32 v27, v27  }
0x1fd: {  	v63 =	vld [tilespmem:s23+$0x7880];
	v55 =	vmul.f32 v45, v15;
	v19 =	vsub.f32 v28, v19;
	v25 =	vadd.f32 v25, v25  }
0x1fe: {  	v40 =	vld [tilespmem:s23+$0x90];
	v21 =	vmin.f32 v21, v24;
	v20 =	vsub.f32 v57, v20;
	v28 =	vadd.f32 v62, v61  }
0x1ff: {  	v59 =	vmul.f32 v45, v9;
	v30 =	vadd.f32 v50, v49;
	v34 =	vadd.f32 v55, v54  }
0x200: {  	v21 =	vmin.f32 v21, v26;
	v62 =	vadd.f32 v53, v11;
	v22 =	vsub.f32 v60, v22  }
0x201: {  	v43 =	vld [tilespmem:s23+$0x2890];
	v24 =	vsub.f32 v51, v27;
	v57 =	vmul.f32 v48, v12;
	v31 =	vadd.f32 v59, v31  }
0x202: {  	v29 =	vmul.f32 v48, v10;
	v32 =	vmul.f32 v58, v8;
	v50 =	vadd.f32 v63, v11  }
0x203: {  	v51 =	vmul.f32 v40, v14;
	v55 =	vadd.f32 v63, v7;
	v25 =	vsub.f32 v36, v25  }
0x204: {  	v61 =	vld [tilespmem:s23+$0x5080];
	v59 =	vmul.f32 v40, v8;
	v46 =	vadd.f32 v41, v28;
	v56 =	vadd.f32 v52, v30  }
0x205: {  	v60 =	vld [tilespmem:s23+$0x2880];
	v17 =	vmin.f32 v17, v19;
	v28 =	vadd.f32 v53, v7;
	v41 =	vmul.f32 v58, v14  }
0x206: {  	v52 =	vmul.f32 v43, v15;
	v30 =	vadd.f32 v57, v34;
	v29 =	vadd.f32 v29, v31  }
0x207: {  	v31 =	vld [tilespmem:s23+$0xA0];
	v17 =	vmin.f32 v17, v20;
	v23 =	vadd.f32 v46, v46;
	v27 =	vadd.f32 v56, v56  }
0x208: {  	v53 =	vld [tilespmem:s23+$0x28A0];
	v21 =	vmin.f32 v21, v25;
	v19 =	vadd.f32 v30, v30;
	v29 =	vadd.f32 v29, v29  }
0x209: {  	v46 =	vld [tilespmem:s23+$0x5090];
	v45 =	vmul.f32 v61, v12;
	v48 =	vmul.f32 v61, v10;
	v23 =	vsub.f32 v47, v23  }
0x20a: {  	v56 =	vld [tilespmem:s23+$0x7890];
	v18 =	vsub.f32 v18, v27;
	v42 =	vmul.f32 v60, v15;
	v36 =	vmul.f32 v60, v9  }
0x20b: {  	v60 =	vmul.f32 v43, v9;
	v19 =	vsub.f32 v62, v19;
	v28 =	vsub.f32 v28, v29  }
0x20c: {  	v44 =	vadd.f32 v42, v41;
	v47 =	vadd.f32 v36, v32;
	v40 =	vmul.f32 v31, v14  }
0x20d: {  	v58 =	vld [tilespmem:s23+$0x50A0];
	v32 =	vadd.f32 v52, v51;
	v41 =	vmul.f32 v53, v15;
	v51 =	vmul.f32 v31, v8  }
0x20e: {  	v63 =	vld [tilespmem:s23+$0x78A0];
	v26 =	vadd.f32 v60, v59;
	v52 =	vmul.f32 v53, v9;
	v57 =	vmul.f32 v46, v12  }
0x20f: {  	v62 =	vmul.f32 v46, v10;
	v43 =	vadd.f32 v56, v11;
	v46 =	vadd.f32 v56, v7  }
0x210: {  	v21 =	vmin.f32 v21, v22;
	v49 =	vadd.f32 v45, v44;
	v29 =	vadd.f32 v48, v47  }
0x211: {  	v21 =	vmin.f32 v21, v24;
	v53 =	vld [tilespmem:s23+$0x78B0];
	v30 =	vadd.f32 v41, v40;
	v56 =	vadd.f32 v52, v51  }
0x212: {  	v45 =	vmul.f32 v58, v12;
	v61 =	vadd.f32 v57, v32;
	v26 =	vadd.f32 v62, v26  }
0x213: {  	v42 =	vld [tilespmem:s23+$0xB0];
	v57 =	vmul.f32 v58, v10;
	v62 =	vadd.f32 v63, v7;
	v54 =	vadd.f32 v49, v49  }
0x214: {  	v17 =	vmin.f32 v17, v23;
	v44 =	vld [tilespmem:s23+$0x28B0];
	v29 =	vadd.f32 v29, v29;
	v49 =	vadd.f32 v45, v30  }
0x215: {  	v17 =	vmin.f32 v17, v18;
	v47 =	vld [tilespmem:s23+$0x50B0];
	v48 =	vadd.f32 v26, v26;
	v18 =	vadd.f32 v57, v56  }
0x216: {  	v19 =	vmin.f32 v21, v19;
	v41 =	vadd.f32 v53, v11;
	v20 =	vsub.f32 v50, v54  }
0x217: {  	v17 =	vmin.f32 v17, v28;
	v58 =	vld [tilespmem:s23+$0xC0];
	v25 =	vsub.f32 v55, v29;
	v29 =	vadd.f32 v61, v61  }
0x218: {  	v39 =	vmul.f32 v42, v8;
	v50 =	vadd.f32 v63, v11;
	v26 =	vadd.f32 v49, v49  }
0x219: {  	v52 =	vld [tilespmem:s23+$0x78D0];
	v54 =	vmul.f32 v42, v14;
	v49 =	vadd.f32 v53, v7;
	v55 =	vmul.f32 v44, v15  }
0x21a: {  	v61 =	vld [tilespmem:s23+$0x28C0];
	v23 =	vsub.f32 v46, v48;
	v60 =	vmul.f32 v47, v12;
	v40 =	vmul.f32 v44, v9  }
0x21b: {  	v63 =	vld [tilespmem:s23+$0x50C0];
	v18 =	vadd.f32 v18, v18;
	v27 =	vmul.f32 v47, v10;
	v22 =	vsub.f32 v43, v29  }
0x21c: {  	v42 =	vld [tilespmem:s23+$0x78C0];
	v26 =	vsub.f32 v50, v26;
	v43 =	vmul.f32 v58, v14;
	v31 =	vmul.f32 v58, v8  }
0x21d: {  	v46 =	vld [tilespmem:s23+$0xD0];
	v19 =	vmin.f32 v19, v20;
	v59 =	vadd.f32 v55, v54;
	v33 =	vadd.f32 v40, v39  }
0x21e: {  	v48 =	vld [tilespmem:s23+$0x28D0];
	v17 =	vmin.f32 v17, v25;
	v18 =	vsub.f32 v62, v18;
	v40 =	vadd.f32 v52, v11  }
0x21f: {  	v17 =	vmin.f32 v17, v23;
	v19 =	vmin.f32 v19, v22;
	v29 =	vadd.f32 v60, v59  }
0x220: {  	v50 =	vld [tilespmem:s23+$0x50D0];
	v44 =	vmul.f32 v61, v15;
	v27 =	vadd.f32 v27, v33;
	v45 =	vmul.f32 v63, v12  }
0x221: {  	v47 =	vmul.f32 v61, v9;
	v30 =	vmul.f32 v63, v10;
	v51 =	vadd.f32 v42, v11  }
0x222: {  	v55 =	vld [tilespmem:s23+$0xE0];
	v24 =	vadd.f32 v42, v7;
	v19 =	vmin.f32 v19, v26;
	v56 =	vmul.f32 v46, v14  }
0x223: {  	v58 =	vld [tilespmem:s23+$0x28E0];
	v57 =	vmul.f32 v48, v15;
	v33 =	vmul.f32 v46, v8;
	v29 =	vadd.f32 v29, v29  }
0x224: {  	v36 =	vmul.f32 v48, v9;
	v34 =	vadd.f32 v44, v43;
	v27 =	vadd.f32 v27, v27  }
0x225: {  	v61 =	vld [tilespmem:s23+$0x50E0];
	v31 =	vadd.f32 v47, v31;
	v60 =	vmul.f32 v50, v12;
	v59 =	vadd.f32 v57, v56  }
0x226: {  	v46 =	vld [tilespmem:s23+$0x78E0];
	v32 =	vmul.f32 v50, v10;
	v62 =	vadd.f32 v36, v33;
	v21 =	vsub.f32 v41, v29  }
0x227: {  	v48 =	vmul.f32 v55, v8;
	v29 =	vadd.f32 v45, v34;
	v20 =	vsub.f32 v49, v27  }
0x228: {  	v44 =	vld [tilespmem:s23+$0x28F0];
	v54 =	vadd.f32 v30, v31;
	v45 =	vadd.f32 v52, v7;
	v49 =	vmul.f32 v58, v9  }
0x229: {  	v43 =	vmul.f32 v58, v15;
	v56 =	vld [tilespmem:s23+$0x78F0];
	v63 =	vadd.f32 v60, v59;
	v53 =	vadd.f32 v29, v29  }
0x22a: {  	v41 =	vld [tilespmem:s23+$0xF0];
	v47 =	vmul.f32 v61, v12;
	v29 =	vadd.f32 v54, v54;
	v27 =	vadd.f32 v49, v48  }
0x22b: {  	v34 =	vmul.f32 v61, v10;
	v54 =	vadd.f32 v46, v11;
	v61 =	vadd.f32 v46, v7  }
0x22c: {  	v50 =	vld [tilespmem:s23+$0x50F0];
	v42 =	vmul.f32 v55, v14;
	v22 =	vadd.f32 v63, v63;
	v25 =	vsub.f32 v51, v53  }
0x22d: {  	v55 =	vmul.f32 v44, v9;
	v24 =	vsub.f32 v24, v29;
	v29 =	vadd.f32 v32, v62  }
0x22e: {  	v32 =	vadd.f32 v43, v42;
	v53 =	vmul.f32 v44, v15;
	v58 =	vadd.f32 v34, v27  }
0x22f: {  	v62 =	vadd.f32 v56, v11;
	v52 =	vmul.f32 v41, v14;
	v29 =	vadd.f32 v29, v29  }
0x230: {  	v63 =	vadd.f32 v56, v7;
	v31 =	vmul.f32 v41, v8;
	v51 =	vadd.f32 v47, v32  }
0x231: {  	v57 =	vmul.f32 v50, v12;
	v23 =	vsub.f32 v45, v29;
	v29 =	vadd.f32 v53, v52  }
0x232: {  	v35 =	vmul.f32 v50, v10;
	v31 =	vadd.f32 v55, v31;
	v26 =	vadd.f32 v51, v51  }
0x233: {  	v17 =	vmin.f32 v17, v18;
	v22 =	vsub.f32 v40, v22;
	v59 =	vadd.f32 v57, v29  }
0x234: {  	v19 =	vmin.f32 v19, v21;
	v60 =	vadd.f32 v35, v31;
	v18 =	vsub.f32 v54, v26  }
0x235: {  	v17 =	vmin.f32 v17, v20;
	v26 =	vadd.f32 v58, v58;
	v21 =	vadd.f32 v59, v59  }
0x236: {  	p0 =	sne.s32 s22, $0x9C00;
	v19 =	vmin.f32 v19, v25;
	v17 =	vmin.f32 v17, v24;
	v27 =	vadd.f32 v60, v60  }
.Ltmp3:
0x237: {  	v19 =	vmin.f32 v19, v22;
	v20 =	vsub.f32 v61, v26;
	v21 =	vsub.f32 v62, v21;
	(pc) =	sbr.rel @p0 .LBB2_9-.Ltmp3, $4  }
0x238: {  	v17 =	vmin.f32 v17, v23;
	v18 =	vmin.f32 v19, v18;
	v19 =	vsub.f32 v63, v27  }
0x239: {  	v17 =	vmin.f32 v17, v20;
	v18 =	vmin.f32 v18, v21  }
0x23a: {  	v17 =	vmin.f32 v17, v19;
	[tilespmem:s20+$0x0] =	vst v18  }
0x23b: {  	s22 =	sadd.s32 $0x400, s22;
	v13 =	vmin.f32 v13, v17;
	v16 =	vmin.f32 v16, v18;
	s20 =	sadd.s32 $0x10, s20;
	[tilespmem:s21+$0x0] =	vst v17;
	s21 =	sadd.s32 $0x10, s21  }
0x23c: {  	(xrf0) =	vmin.scan.msk.f32 $0xffff, v16;
	_ =	sdelay $0x5  }
0x23d: {  	v17, _, _ =	vpop (xrf0)  }
0x23e: {  	v17 =	vbroadcast v17, $0xF;
	_ =	sdelay $0x1  }
0x23f: {  	vm0 =	veq.f32 v16, v17  }
0x240: {  	v22 =	vmctz.xlane vm0;
	_ =	sdelay $0x1  }
0x241: {  	v18 =	vadd.s32 v3, v22  }
0x242: {  	v19 =	vadd.s32 v4, v22  }
0x243: {  	v20 =	vadd.s32 v2, v22;
	_ =	sdelay $0x2  }
0x244: {  	v18 =	vld.idx.msk [tilespmem:v18+s12+$0x0], $0xffff  }
0x245: {  	v19 =	vld.idx.msk [tilespmem:v19+s12+$0x0], $0xffff  }
0x246: {  	v21 =	vld.idx.msk [tilespmem:v20+s12+$0x0], $0xffff;
	_ =	sdelay $0x2  }
0x247: {  	vm6 =	veq.f32 v18, v17  }
0x248: {  	vm1 =	veq.f32 v19, v17;
	v23 =	vmctz.xlane vm6  }
0x249: {  	vm7 =	veq.f32 v21, v17;
	v24 =	vmpcnt.ones.xlane vm6;
	v25 =	vmctz.xlane vm1  }
0x24a: {  	v26 =	vmctz.xlane vm7;
	v27 =	vmpcnt.ones.xlane vm7  }
0x24b: {  	vm8 =	vgt.s32 v24, $0x0;
	v23 =	vadd.s32 $0x10, v23;
	v24 =	vadd.s32 $0x20, v25  }
0x24c: {  	vm9 =	vgt.s32 v27, $0x0;
	v23 =	vsel vm8, v23, v24  }
0x24d: {  	v23 =	vsel vm9, v26, v23  }
0x24e: {  	v24 =	vshll.u32 v23, $0x8  }
0x24f: {  	v20 =	vadd.s32 v24, v20;
	_ =	sdelay $0x4  }
0x250: {  	v24 =	vld.idx.msk [tilespmem:v20+s3+$0x0], $0xffff  }
0x251: {  	v25 =	vld.idx.msk [tilespmem:v20+s10+$0x0], $0xffff;
	_ =	sdelay $0x1  }
0x252: {  	v26 =	vld.idx.msk [tilespmem:v20+s11+$0x0], $0xffff;
	_ =	sdelay $0x2  }
0x253: {  	v24 =	vmul.f32 v24, v14;
	v25 =	vmul.f32 v25, v15  }
0x254: {  	v20 =	vld.idx.msk [tilespmem:v20+s13+$0x0], $0xffff  }
0x255: {  	v24 =	vadd.f32 v25, v24;
	v25 =	vmul.f32 v26, v12;
	_ =	sdelay $0x1  }
0x256: {  	v24 =	vadd.f32 v25, v24  }
0x257: {  	(xrf0) =	vmin.scan.msk.f32 $0xffff, v13  }
0x258: {  	v20 =	vadd.f32 v20, v11;
	v24 =	vadd.f32 v24, v24;
	_ =	sdelay $0x1  }
0x259: {  	v24 =	vsub.f32 v20, v24;
	_ =	sdelay $0x1  }
0x25a: {  	vm10 =	vle.f32 v24, v17  }
0x25b: {  	v20, _, _ =	vpop (xrf0);
	v25 =	vsel vm10, $0x7F61B1E6, v24  }
0x25c: {  	v26 =	vbroadcast v20, $0xF;
	(xrf0) =	vmin.scan.msk.f32 $0xffff, v25;
	_ =	sdelay $0x1  }
0x25d: {  	vm11 =	veq.f32 v13, v26  }
0x25e: {  	v25 =	vshll.u32 v23, $0x4;
	v20 =	vmctz.xlane vm11  }
0x25f: {  	v27 =	vadd.s32 v22, v25  }
0x260: {  	v28 =	vadd.s32 v3, v20  }
0x261: {  	v29 =	vadd.s32 v4, v20;
	v30, _, _ =	vpop (xrf0)  }
0x262: {  	v31 =	vadd.s32 v2, v20;
	v30 =	vbroadcast v30, $0xF;
	_ =	sdelay $0x1  }
0x263: {  	[tilespmem:v27+s12+$0x0] =	vst.idx.msk $0x1, v30  }
0x264: {  	v27 =	vld.idx.msk [tilespmem:v28+s14+$0x0], $0xffff  }
0x265: {  	v60 =	vld.idx.msk [tilespmem:v29+s14+$0x0], $0xffff  }
0x266: {  	v61 =	vld.idx.msk [tilespmem:v31+s14+$0x0], $0xffff;
	_ =	sdelay $0x2  }
0x267: {  	vm12 =	veq.f32 v27, v26  }
0x268: {  	vm13 =	veq.f32 v60, v26;
	v32 =	vmctz.xlane vm12  }
0x269: {  	vm14 =	veq.f32 v61, v26;
	v33 =	vmpcnt.ones.xlane vm12;
	v34 =	vmctz.xlane vm13  }
0x26a: {  	v35 =	vmpcnt.ones.xlane vm14;
	v62 =	vmctz.xlane vm14  }
0x26b: {  	v32 =	vadd.s32 $0x10, v32;
	vm15 =	vgt.s32 v33, $0x0;
	v34 =	vadd.s32 $0x20, v34  }
0x26c: {  	vm4 =	vgt.s32 v35, $0x0;
	v32 =	vsel vm15, v32, v34  }
0x26d: {  	v32 =	vsel vm4, v62, v32  }
0x26e: {  	v33 =	vshll.u32 v32, $0x8  }
0x26f: {  	v31 =	vadd.s32 v33, v31;
	_ =	sdelay $0x1  }
0x270: {  	vm5 =	veq.s32 v23, v1  }
0x271: {  	vm6 =	veq.s32 v23, v6;
	v21 =	vsel vm5, v30, v21  }
0x272: {  	v18 =	vsel vm6, v30, v18;
	v21 =	vmin.f32 v21, $3.000000010e+38  }
0x273: {  	vm7 =	veq.s32 v23, v5;
	v18 =	vmin.f32 v21, v18;
	v21 =	vld.idx.msk [tilespmem:v31+s3+$0x0], $0xffff  }
0x274: {  	v19 =	vsel vm7, v30, v19  }
0x275: {  	v18 =	vmin.f32 v18, v19;
	v19 =	vld.idx.msk [tilespmem:v31+s10+$0x0], $0xffff  }
0x276: {  	(xrf0) =	vmin.scan.msk.f32 $0xffff, v18  }
0x277: {  	v18 =	vld.idx.msk [tilespmem:v31+s11+$0x0], $0xffff  }
0x278: {  	v21 =	vmul.f32 v21, v8;
	_ =	sdelay $0x1  }
0x279: {  	v19 =	vmul.f32 v19, v9  }
0x27a: {  	v23 =	vld.idx.msk [tilespmem:v31+s13+$0x0], $0xffff  }
0x27b: {  	v18 =	vmul.f32 v18, v10;
	v19 =	vadd.f32 v19, v21;
	v21, _, _ =	vpop (xrf0)  }
0x27c: {  	v21 =	vbroadcast v21, $0xF  }
0x27d: {  	vm8 =	veq.s32 v22, v1;
	v18 =	vadd.f32 v18, v19  }
0x27e: {  	v19 =	vsel vm8, v21, v16  }
0x27f: {  	v18 =	vadd.f32 v18, v18;
	v16 =	vadd.f32 v23, v7;
	(xrf0) =	vmin.scan.msk.f32 $0xffff, v19;
	_ =	sdelay $0x1  }
0x280: {  	v16 =	vsub.f32 v16, v18;
	_ =	sdelay $0x1  }
0x281: {  	vm9 =	vle.f32 v16, v26  }
0x282: {  	v18 =	vsel vm9, $0x7F61B1E6, v16  }
0x283: {  	vm10 =	veq.f32 v24, v17;
	v17, _, _ =	vpop (xrf0);
	(xrf0) =	vmin.scan.msk.f32 $0xffff, v18  }
0x284: {  	v21 =	vbroadcast v17, $0xF  }
0x285: {  	v18 =	vmctz.xlane vm10  }
0x286: {  	vm12 =	veq.f32 v16, v26;
	vm11 =	veq.f32 v19, v21  }
0x287: {  	v16 =	vshll.u32 v32, $0x4;
	v17 =	vadd.s32 v25, v18;
	v18 =	vmctz.xlane vm11  }
0x288: {  	v23 =	vmctz.xlane vm12;
	v24 =	vadd.s32 v20, v16;
	v17 =	vshll.u32 v17, $0x4  }
0x289: {  	v17 =	vadd.s32 v22, v17;
	v22 =	vadd.s32 v3, v18;
	v25, _, _ =	vpop (xrf0)  }
0x28a: {  	v16 =	vadd.s32 v16, v23;
	v26 =	vadd.s32 v4, v18;
	v23 =	vbroadcast v25, $0xF  }
0x28b: {  	v63 =	vimm.s32 $0x0;
	vm13 =	veq.s32 v32, v1;
	v25 =	vadd.s32 v2, v18  }
0x28c: {  	vm14 =	veq.s32 v32, v6;
	vm2 =	veq.s32 v32, v5;
	v29 =	vsel vm13, v23, v61  }
0x28d: {  	v16 =	vshll.u32 v16, $0x4;
	[tilespmem:v24+s14+$0x0] =	vst.idx.msk $0x1, v23;
	v27 =	vsel vm14, v23, v27;
	v29 =	vmin.f32 v29, $3.000000010e+38  }
0x28e: {  	v24 =	vmov s19;
	v28 =	vsel vm2, v23, v60;
	v22 =	vld.idx.msk [tilespmem:v22+s12+$0x0], $0xffff;
	v27 =	vmin.f32 v29, v27  }
0x28f: {  	v16 =	vadd.s32 v20, v16;
	vm15 =	veq.s32 v24, v1;
	v23 =	vld.idx.msk [tilespmem:v26+s12+$0x0], $0xffff;
	v26 =	vmin.f32 v27, v28  }
0x290: {  	s20 =	simm.s32 $0x2;
	s19 =	simm.s32 $0x1;
	v17 =	vsel vm15, v17, v63;
	v16 =	vsel vm15, v16, v63;
	v24 =	vld.idx.msk [tilespmem:v25+s12+$0x0], $0xffff;
	(xrf0) =	vmin.scan.msk.f32 $0xffff, v26  }
.LBB2_11:
0x291: {  	p0 =	sne.s32 s20, $0xF;
	s21 =	smov.u32 s20;
	s20 =	sadd.s32 $0x1, s20  }
0x292: {  	_ = 	snop  }
0x293: {  	vm1 =	veq.s32 v20, v1;
	vm0 =	veq.f32 v22, v21  }
0x294: {  	v20 =	vmctz.xlane vm0;
	v30 =	vmpcnt.ones.xlane vm0;
	vm0 =	veq.f32 v23, v21  }
0x295: {  	vm2 =	veq.f32 v24, v21;
	v27 =	vmctz.xlane vm0  }
0x296: {  	v28 =	vmctz.xlane vm2;
	v29 =	vmpcnt.ones.xlane vm2;
	vm0 =	vgt.s32 v30, $0x0;
	v26, _, _ =	vpop (xrf0)  }
0x297: {  	v20 =	vadd.s32 $0x10, v20;
	v27 =	vadd.s32 $0x20, v27;
	v26 =	vbroadcast v26, $0xF  }
0x298: {  	vm2 =	vgt.s32 v29, $0x0;
	v20 =	vsel vm0, v20, v27  }
0x299: {  	v27 =	vsel vm2, v28, v20;
	v13 =	vsel vm1, v26, v13  }
0x29a: {  	v20 =	vshll.u32 v27, $0x4;
	v26 =	vshll.u32 v27, $0x8;
	(xrf0) =	vmin.scan.msk.f32 $0xffff, v13  }
0x29b: {  	v25 =	vadd.s32 v26, v25;
	v26 =	vadd.s32 v18, v20;
	_ =	sdelay $0x4  }
0x29c: {  	v28 =	vld.idx.msk [tilespmem:v25+s3+$0x0], $0xffff;
	v29, _, _ =	vpop (xrf0)  }
0x29d: {  	v30 =	vld.idx.msk [tilespmem:v25+s10+$0x0], $0xffff;
	_ =	sdelay $0x1  }
0x29e: {  	v31 =	vld.idx.msk [tilespmem:v25+s11+$0x0], $0xffff;
	_ =	sdelay $0x3  }
0x29f: {  	v28 =	vmul.f32 v28, v14;
	v30 =	vmul.f32 v30, v15;
	v25 =	vld.idx.msk [tilespmem:v25+s13+$0x0], $0xffff;
	_ =	sdelay $0x1  }
0x2a0: {  	v28 =	vadd.f32 v30, v28;
	v30 =	vmul.f32 v31, v12;
	_ =	sdelay $0x1  }
0x2a1: {  	v28 =	vadd.f32 v30, v28;
	_ =	sdelay $0x1  }
0x2a2: {  	v25 =	vadd.f32 v25, v11;
	v28 =	vadd.f32 v28, v28;
	_ =	sdelay $0x1  }
0x2a3: {  	v25 =	vsub.f32 v25, v28;
	_ =	sdelay $0x1  }
0x2a4: {  	vm0 =	veq.f32 v25, v21;
	vm1 =	vle.f32 v25, v21  }
0x2a5: {  	v21 =	vmctz.xlane vm0;
	v25 =	vsel vm1, $0x7F61B1E6, v25  }
0x2a6: {  	v28 =	vbroadcast v29, $0xF;
	(xrf0) =	vmin.scan.msk.f32 $0xffff, v25  }
0x2a7: {  	v20 =	vadd.s32 v20, v21  }
0x2a8: {  	vm1 =	veq.f32 v13, v28;
	v21 =	vmov s19;
	s19 =	smov.u32 s21;
	v20 =	vshll.u32 v20, $0x4  }
0x2a9: {  	vm0 =	veq.s32 v21, v1;
	v25 =	vadd.s32 v18, v20;
	v20 =	vmctz.xlane vm1  }
0x2aa: {  	v17 =	vsel vm0, v25, v17  }
0x2ab: {  	v21 =	vadd.s32 v3, v20  }
0x2ac: {  	v25 =	vadd.s32 v4, v20;
	v29, _, _ =	vpop (xrf0)  }
0x2ad: {  	v30 =	vadd.s32 v2, v20;
	v29 =	vbroadcast v29, $0xF  }
0x2ae: {  	vm2 =	veq.s32 v27, v6;
	vm3 =	veq.s32 v27, v5;
	vm1 =	veq.s32 v27, v1  }
0x2af: {  	[tilespmem:v26+s12+$0x0] =	vst.idx.msk $0x1, v29;
	v24 =	vsel vm1, v29, v24;
	v22 =	vsel vm2, v29, v22  }
0x2b0: {  	v23 =	vsel vm3, v29, v23;
	v24 =	vmin.f32 v24, $3.000000010e+38;
	v26 =	vld.idx.msk [tilespmem:v21+s14+$0x0], $0xffff  }
0x2b1: {  	v21 =	vmin.f32 v24, v22;
	v24 =	vld.idx.msk [tilespmem:v25+s14+$0x0], $0xffff  }
0x2b2: {  	v21 =	vmin.f32 v21, v23;
	v22 =	vld.idx.msk [tilespmem:v30+s14+$0x0], $0xffff  }
0x2b3: {  	(xrf0) =	vmin.scan.msk.f32 $0xffff, v21;
	_ =	sdelay $0x2  }
0x2b4: {  	vm1 =	veq.f32 v26, v28  }
0x2b5: {  	v21 =	vmctz.xlane vm1;
	v29 =	vmpcnt.ones.xlane vm1;
	vm1 =	veq.f32 v24, v28  }
0x2b6: {  	vm2 =	veq.f32 v22, v28;
	v25 =	vmctz.xlane vm1  }
0x2b7: {  	v27 =	vmpcnt.ones.xlane vm2;
	v21 =	vadd.s32 $0x10, v21;
	vm1 =	vgt.s32 v29, $0x0;
	v23, _, _ =	vpop (xrf0)  }
0x2b8: {  	v29 =	vmctz.xlane vm2;
	v25 =	vadd.s32 $0x20, v25;
	v23 =	vbroadcast v23, $0xF  }
0x2b9: {  	vm2 =	veq.s32 v18, v1;
	vm3 =	vgt.s32 v27, $0x0;
	v18 =	vsel vm1, v21, v25  }
0x2ba: {  	v19 =	vsel vm2, v23, v19;
	v23 =	vsel vm3, v29, v18  }
0x2bb: {  	v18 =	vshll.u32 v23, $0x8  }
0x2bc: {  	v18 =	vadd.s32 v18, v30;
	_ =	sdelay $0x4  }
0x2bd: {  	v21 =	vld.idx.msk [tilespmem:v18+s3+$0x0], $0xffff  }
0x2be: {  	v25 =	vld.idx.msk [tilespmem:v18+s10+$0x0], $0xffff  }
0x2bf: {  	v27 =	vld.idx.msk [tilespmem:v18+s11+$0x0], $0xffff  }
0x2c0: {  	v18 =	vld.idx.msk [tilespmem:v18+s13+$0x0], $0xffff;
	_ =	sdelay $0x2  }
0x2c1: {  	v21 =	vmul.f32 v21, v8  }
0x2c2: {  	v25 =	vmul.f32 v25, v9  }
0x2c3: {  	v27 =	vmul.f32 v27, v10;
	(xrf0) =	vmin.scan.msk.f32 $0xffff, v19  }
0x2c4: {  	v21 =	vadd.f32 v25, v21;
	_ =	sdelay $0x1  }
0x2c5: {  	v27 =	vadd.f32 v27, v21  }
0x2c6: {  	v18 =	vadd.f32 v18, v7  }
0x2c7: {  	v25 =	vadd.f32 v27, v27  }
0x2c8: {  	v21, _, _ =	vpop (xrf0)  }
0x2c9: {  	v25 =	vsub.f32 v18, v25;
	v21 =	vbroadcast v21, $0xF;
	_ =	sdelay $0x1  }
0x2ca: {  	vm2 =	veq.f32 v25, v28;
	vm3 =	vle.f32 v25, v28;
	vm1 =	veq.f32 v19, v21  }
0x2cb: {  	v27 =	vmctz.xlane vm2;
	v25 =	vsel vm3, $0x7F61B1E6, v25;
	v18 =	vmctz.xlane vm1  }
0x2cc: {  	v28 =	vshll.u32 v23, $0x4;
	(xrf0) =	vmin.scan.msk.f32 $0xffff, v25  }
0x2cd: {  	v25 =	vadd.s32 v2, v18;
	v29 =	vadd.s32 v3, v18;
	v30 =	vadd.s32 v4, v18  }
0x2ce: {  	v27 =	vadd.s32 v28, v27;
	v28 =	vadd.s32 v20, v28  }
0x2cf: {  	v27 =	vshll.u32 v27, $0x4  }
0x2d0: {  	v31 =	vadd.s32 v20, v27  }
0x2d1: {  	v16 =	vsel vm0, v31, v16  }
0x2d2: {  	v27, _, _ =	vpop (xrf0)  }
0x2d3: {  	vm0 =	veq.s32 v23, v1;
	v27 =	vbroadcast v27, $0xF  }
0x2d4: {  	vm2 =	veq.s32 v23, v5;
	vm1 =	veq.s32 v23, v6  }
.Ltmp4:
0x2d5: {  	[tilespmem:v28+s14+$0x0] =	vst.idx.msk $0x1, v27;
	v23 =	vsel vm0, v27, v22;
	v26 =	vsel vm1, v27, v26;
	(pc) =	sbr.rel @p0 .LBB2_11-.Ltmp4, $4  }
0x2d6: {  	v27 =	vsel vm2, v27, v24;
	v22 =	vld.idx.msk [tilespmem:v29+s12+$0x0], $0xffff;
	v28 =	vmin.f32 v23, $3.000000010e+38  }
0x2d7: {  	v23 =	vld.idx.msk [tilespmem:v30+s12+$0x0], $0xffff;
	v26 =	vmin.f32 v28, v26  }
0x2d8: {  	v24 =	vld.idx.msk [tilespmem:v25+s12+$0x0], $0xffff;
	v26 =	vmin.f32 v26, v27  }
0x2d9: {  	(xrf0) =	vmin.scan.msk.f32 $0xffff, v26  }
0x2da: {  	_ = 	snop  }
0x2db: {  	vm0 =	veq.f32 v22, v21  }
0x2dc: {  	v19 =	vmctz.xlane vm0;
	vm1 =	veq.f32 v23, v21  }
0x2dd: {  	v26 =	vmpcnt.ones.xlane vm0;
	vm6 =	veq.f32 v24, v21;
	v27 =	vmctz.xlane vm1  }
0x2de: {  	v28 =	vmctz.xlane vm6;
	v29 =	vmpcnt.ones.xlane vm6  }
0x2df: {  	vm7 =	vgt.s32 v26, $0x0;
	v19 =	vadd.s32 $0x10, v19;
	v30 =	vadd.s32 $0x20, v27  }
0x2e0: {  	vm8 =	vgt.s32 v29, $0x0;
	v19 =	vsel vm7, v19, v30  }
0x2e1: {  	v19 =	vsel vm8, v28, v19  }
0x2e2: {  	v31 =	vshll.u32 v19, $0x8  }
0x2e3: {  	v25 =	vadd.s32 v31, v25;
	_ =	sdelay $0x4  }
0x2e4: {  	v26 =	vld.idx.msk [tilespmem:v25+s3+$0x0], $0xffff  }
0x2e5: {  	v32 =	vld.idx.msk [tilespmem:v25+s10+$0x0], $0xffff;
	_ =	sdelay $0x1  }
0x2e6: {  	v33 =	vld.idx.msk [tilespmem:v25+s11+$0x0], $0xffff;
	_ =	sdelay $0x2  }
0x2e7: {  	v14 =	vmul.f32 v26, v14;
	v15 =	vmul.f32 v32, v15  }
0x2e8: {  	v34, _, _ =	vpop (xrf0);
	v25 =	vld.idx.msk [tilespmem:v25+s13+$0x0], $0xffff  }
0x2e9: {  	v26 =	vbroadcast v34, $0xF;
	v12 =	vmul.f32 v33, v12;
	v14 =	vadd.f32 v15, v14  }
0x2ea: {  	vm9 =	veq.s32 v20, v1  }
0x2eb: {  	v13 =	vsel vm9, v26, v13;
	v12 =	vadd.f32 v12, v14  }
0x2ec: {  	(xrf0) =	vmin.scan.msk.f32 $0xffff, v13  }
0x2ed: {  	v11 =	vadd.f32 v25, v11;
	v12 =	vadd.f32 v12, v12;
	_ =	sdelay $0x1  }
0x2ee: {  	v11 =	vsub.f32 v11, v12;
	_ =	sdelay $0x1  }
0x2ef: {  	vm10 =	vle.f32 v11, v21  }
0x2f0: {  	v35, _, _ =	vpop (xrf0);
	v36 =	vsel vm10, $0x7F61B1E6, v11  }
0x2f1: {  	v12 =	vbroadcast v35, $0xF;
	(xrf0) =	vmin.scan.msk.f32 $0xffff, v36;
	_ =	sdelay $0x1  }
0x2f2: {  	vm11 =	veq.f32 v13, v12  }
0x2f3: {  	v37 =	vshll.u32 v19, $0x4;
	v38 =	vmctz.xlane vm11  }
0x2f4: {  	v39 =	vadd.s32 v18, v37  }
0x2f5: {  	v3 =	vadd.s32 v3, v38  }
0x2f6: {  	v4 =	vadd.s32 v4, v38;
	v40, _, _ =	vpop (xrf0)  }
0x2f7: {  	v2 =	vadd.s32 v2, v38;
	v20 =	vbroadcast v40, $0xF;
	_ =	sdelay $0x1  }
0x2f8: {  	[tilespmem:v39+s12+$0x0] =	vst.idx.msk $0x1, v20  }
0x2f9: {  	v3 =	vld.idx.msk [tilespmem:v3+s14+$0x0], $0xffff  }
0x2fa: {  	v4 =	vld.idx.msk [tilespmem:v4+s14+$0x0], $0xffff  }
0x2fb: {  	v15 =	vld.idx.msk [tilespmem:v2+s14+$0x0], $0xffff;
	_ =	sdelay $0x2  }
0x2fc: {  	vm12 =	veq.f32 v3, v12  }
0x2fd: {  	vm13 =	veq.f32 v4, v12;
	v41 =	vmctz.xlane vm12  }
0x2fe: {  	vm14 =	veq.f32 v15, v12;
	v42 =	vmpcnt.ones.xlane vm12;
	v43 =	vmctz.xlane vm13  }
0x2ff: {  	v44 =	vmpcnt.ones.xlane vm14;
	v45 =	vmctz.xlane vm14  }
0x300: {  	v25 =	vadd.s32 $0x10, v41;
	vm15 =	vgt.s32 v42, $0x0;
	v27 =	vadd.s32 $0x20, v43  }
0x301: {  	vm4 =	vgt.s32 v44, $0x0;
	v25 =	vsel vm15, v25, v27  }
0x302: {  	v25 =	vsel vm4, v45, v25  }
0x303: {  	v26 =	vshll.u32 v25, $0x8  }
0x304: {  	v2 =	vadd.s32 v26, v2;
	_ =	sdelay $0x4  }
0x305: {  	v26 =	vld.idx.msk [tilespmem:v2+s3+$0x0], $0xffff  }
0x306: {  	v46 =	vld.idx.msk [tilespmem:v2+s10+$0x0], $0xffff;
	_ =	sdelay $0x1  }
0x307: {  	v47 =	vld.idx.msk [tilespmem:v2+s11+$0x0], $0xffff;
	_ =	sdelay $0x2  }
0x308: {  	v8 =	vmul.f32 v26, v8;
	v9 =	vmul.f32 v46, v9  }
0x309: {  	v2 =	vld.idx.msk [tilespmem:v2+s13+$0x0], $0xffff  }
0x30a: {  	v10 =	vmul.f32 v47, v10;
	v8 =	vadd.f32 v9, v8;
	_ =	sdelay $0x1  }
0x30b: {  	v8 =	vadd.f32 v10, v8;
	_ =	sdelay $0x1  }
0x30c: {  	vm5 =	veq.s32 v19, v1;
	v2 =	vadd.f32 v2, v7;
	v48 =	vadd.f32 v8, v8  }
0x30d: {  	vm6 =	veq.s32 v19, v6;
	vm2 =	veq.s32 v19, v5;
	v49 =	vsel vm5, v20, v24  }
0x30e: {  	v50 =	vsel vm6, v20, v22;
	v8 =	vmin.f32 v49, $3.000000010e+38;
	v2 =	vsub.f32 v2, v48  }
0x30f: {  	v51 =	vsel vm2, v20, v23;
	v8 =	vmin.f32 v8, v50  }
0x310: {  	v7 =	vmin.f32 v8, v51;
	vm7 =	vle.f32 v2, v12  }
0x311: {  	(xrf0) =	vmin.scan.msk.f32 $0xffff, v7;
	v52 =	vsel vm7, $0x7F61B1E6, v2  }
0x312: {  	(xrf0) =	vmin.scan.msk.f32 $0xffff, v52;
	_ =	sdelay $0x4  }
0x313: {  	v60 =	vmov s19;
	vm8 =	veq.f32 v11, v21;
	v53, _, _ =	vpop (xrf0)  }
0x314: {  	vm13 =	veq.s32 v60, v1;
	vm10 =	veq.s32 v25, v1;
	v56 =	vshll.u32 v25, $0x4;
	v54, _, _ =	vpop (xrf0)  }
0x315: {  	v7 =	vmctz.xlane vm8;
	vm9 =	veq.f32 v2, v12;
	v2 =	vbroadcast v54, $0xF  }
0x316: {  	vm11 =	veq.s32 v25, v6;
	vm12 =	veq.s32 v25, v5;
	v59 =	vadd.s32 v38, v56  }
0x317: {  	v7 =	vadd.s32 v37, v7;
	v55 =	vmctz.xlane vm9;
	v57 =	vsel vm10, v2, v15  }
0x318: {  	v7 =	vshll.u32 v7, $0x4;
	v3 =	vsel vm11, v2, v3;
	v58 =	vmin.f32 v57, $3.000000010e+38  }
0x319: {  	v8 =	vadd.s32 v56, v55;
	v4 =	vsel vm12, v2, v4;
	v3 =	vmin.f32 v58, v3  }
0x31a: {  	v61 =	vadd.s32 v18, v7;
	v62 =	vshll.u32 v8, $0x4;
	v3 =	vmin.f32 v3, v4  }
0x31b: {  	v63 =	vadd.s32 v38, v62;
	(xrf0) =	vmin.scan.msk.f32 $0xffff, v3;
	v3 =	vsel vm13, v61, v17  }
0x31c: {  	v4 =	vsel vm13, v63, v16;
	vm14 =	vlt.s32 v3, $0x277F  }
0x31d: {  	[tilespmem:v59+s14+$0x0] =	vst.idx.msk $0x1, v2;
	vm15 =	vlt.s32 v4, $0x277F;
	v2 =	vnsel vm14, $0x277F, v3  }
0x31e: {  	s17 =	sadd.s32 $0x1, s17;
	[tilespmem:$0xA620] =	vst v2;
	v2 =	vnsel vm15, $0x277F, v4  }
0x31f: {  	s18 =	sshll.u32 s18, $0x1;
	p0 =	sne.s32 s17, $0x4F  }
.Ltmp5:
0x320: {  	s18 =	sadd.s32 s6, s18;
	[tilespmem:$0xA630] =	vst v2;
	(pc) =	sbr.rel @p0 .LBB2_4-.Ltmp5, $4  }
0x321: {  	[hbm4b:s18+s3] =	stream.linear.scatter [tilespmem:s15], [sflag:$0x1], $0x40, $0x38;
	v2, _, _ =	vpop (xrf0);
	[tilespmem:$0xA680] =	vst v63  }
0x322: {  	_ =	swait.ge [sflag:s9], $0x40  }
0x323: {  	[sflag:s9] =	ssyncset.done $0x0  }
0x324: {  	[sflag:s9] =	ssyncadd.s32 $0xFFFFFFC0  }
0x325: {  	s16 =	sadd.s32 $0x1, s16  }
0x326: {  	p0 =	sne.s32 s16, s8  }
.Ltmp6:
0x327: {  	_ = 	snop;
	(pc) =	sbr.rel @p0 .LBB2_1-.Ltmp6, $1  }
0x328: {  	_ =	sdelay $0x3  }
0x329: {  	_ =	sfence.sel $0x180000  }
0x32a: {  	[bflag:$0x0] =	sbarrier.arrive $0xFFFF  }
0x32b: {  	p0 =	sne.s32 s2, $0x0;
	_ =	strace $0x90000047  }
0x32c: {  	s0 =	sadd.s32 @!p0 $0x100000, s0;
	[bflag:$0x2] =	sbarrier.arrive $0xFFFF  }
0x32d: {  	[sflag:s0] =	ssyncadd.tile.s32 @!p0 $0x1;
	_ =	shalt  }
.Lfunc_end2:
_tile_overlayer_lowered:
.L_overlay_start_2:
0x32e: {  	(tag) =	ssettag $0x2  }
0x32f: {  	s0 =	rddreg [dreg:$0x0];
	s2 =	stileid.u32  }
0x330: {  	s1 =	rddreg [dreg:$0x1];
	p0 =	sne.s32 s2, $0x0  }
0x331: {  	s3 =	rddreg [dreg:$0x2];
	[bflag:$0x3] =	sbarrier.arrive $0xFFFF;
	s2 =	simm.s32 @!p0 $0x1C01  }
0x332: {  	[timem:s3], [sflag:s2] =	dma.local @!p0 [hbm:s0], s1  }
0x333: {  	s0 =	simm.s32 @!p0 $0x1  }
0x334: {  	_ =	swait.ge @!p0 [sflag:s0], s1  }
0x335: {  	s1 =	ssub.s32 @!p0 $0x0, s1;
	[sflag:s0] =	ssyncset.done @!p0 $0x0  }
0x336: {  	[sflag:s0] =	ssyncadd.s32 @!p0 s1  }
0x337: {  	[bflag:$0x3] =	sbarrier.arrive $0xFFFF  }
0x338: {  	_ =	shalt  }

// kernel: kernel.9.cloned.1.call-start
scs
__scs_entry_jumppad:
0x0: {  	(pc) =	sbr.rel $0x88, $3  }
0x1: {  	(tag) =	ssettag $0x0;
	lr =	simm.s32 $0x1  }
0x2: {  	[smem:$0x3F85] =	sst lr;
	_ =	strace $0xD0000000  }
0x3: {  	_ = 	snop  }
0x4: {  	_ = 	snop  }
0x5: {  	_ = 	snop  }
0x6: {  	_ = 	snop  }
0x7: {  	_ = 	snop  }
__scs_overlays_trampoline_lowered:
0x8: {  	[smem:$0x3F94] =	sst s0  }
0x9: {  	[smem:$0x3F95] =	sst s1  }
0xa: {  	[smem:$0x3F96] =	sst s2  }
0xb: {  	[smem:$0x3F97] =	sst s3  }
0xc: {  	[smem:$0x3F98] =	sst s4  }
0xd: {  	[smem:$0x3F99] =	sst s5  }
0xe: {  	[smem:$0x3F9A] =	sst s6  }
0xf: {  	[smem:$0x3F9B] =	sst s7  }
0x10: {  	[smem:$0x3F9C] =	sst s8  }
0x11: {  	[smem:$0x3F9D] =	sst s9;
	s0 =	simm.s32 @!p0 $0x0  }
0x12: {  	s1 =	sld [smem:$0x3F83];
	s0 =	simm.s32 @p0 $0x1  }
0x13: {  	[smem:$0x3F9E] =	sst s0;
	s0 =	simm.s32 @!p1 $0x0  }
0x14: {  	s2 =	sld [smem:$0x3F82];
	s0 =	simm.s32 @p1 $0x1  }
0x15: {  	[smem:$0x3F9F] =	sst s0;
	s0 =	simm.s32 @!p2 $0x0  }
0x16: {  	s3 =	sld [smem:$0x3FDB];
	s0 =	simm.s32 @p2 $0x1  }
0x17: {  	s4 =	simm.s32 $0x1BF5;
	[smem:$0x3FA1] =	sst s0  }
0x18: {  	s0 =	sld [smem:$0x3F84];
	_ =	swait.ge [sflag:s4], $0x0  }
0x19: {  	s7 =	sld [smem:$0x3F85]  }
0x1a: {  	s8 =	sadd.s32 $0xFFFFE003, lr  }
0x1b: {  	s9 =	sadd.s32 $0xFFFFFEF7, lr;
	s5 =	simm.s32 $0xFFFFFFFF;
	p2 =	slt.u32 s8, $0xFFFFF086  }
0x1c: {  	p1 =	slt.u32 s9, $0xF7A;
	s5 =	simm.s32 @!p2 $0x0  }
0x1d: {  	s5 =	simm.s32 @p1 $0x1;
	p0 =	seq.s32 s7, s2  }
0x1e: {  	s7 =	smul.u32 @!p0 $0xF7A, s2;
	p2 =	seq.s32 @!p0 s5, $0x0  }
0x1f: {  	s9 =	smul.u32 $0xF7A, s1;
	s8 =	simm.s32 @!p0 $0x1BF5;
	p2 =	por !p2, p0  }
0x20: {  	[sflag:s8] =	ssyncset.s32 @!p0 $0xFFFFF086;
	s6 =	sadd.s32 @!p0 s3, s7;
	s7 =	simm.s32 @!p0 $0x108  }
0x21: {  	s3 =	sadd.s32 s3, s9;
	s6 =	sadd.s32 @!p0 $0x88, s6;
	s7 =	simm.s32 @p2 $0x1082  }
0x22: {  	[simem:s7], [sflag:s8] =	dma.local @!p0 [hbm:s6], $0xF7A  }
0x23: {  	s9 =	sor.u32 $0xD0000000, s2;
	s6 =	simm.s32 $0x108;
	_ =	swait.ge @!p0 [sflag:s8], $0x0  }
0x24: {  	s3 =	sadd.s32 $0x88, s3;
	s6 =	simm.s32 @!p1 $0x1082;
	[sflag:s4] =	ssyncset.s32 $0xFFFFF086  }
0x25: {  	[simem:s6], [sflag:s4] =	dma.local [hbm:s3], $0xF7A  }
0x26: {  	[smem:$0x3F85] =	sst s1;
	(tag) =	ssettag s2;
	_ =	strace s9  }
0x27: {  	s1 =	sld [smem:$0x3F95]  }
0x28: {  	s2 =	sld [smem:$0x3F96]  }
0x29: {  	s4 =	sld [smem:$0x3F98]  }
0x2a: {  	p0 =	seq.s32 s5, $0x0;
	s5 =	sld [smem:$0x3F99]  }
0x2b: {  	s6 =	sld [smem:$0x3F9A]  }
0x2c: {  	s7 =	sld [smem:$0x3F9B]  }
0x2d: {  	s3 =	simm.s32 $0x108;
	s8 =	sld [smem:$0x3F9C]  }
0x2e: {  	s3 =	simm.s32 @!p0 $0x1082;
	s9 =	sld [smem:$0x3F9D]  }
0x2f: {  	lr =	sadd.s32 s0, s3;
	s0 =	sld [smem:$0x3F94]  }
0x30: {  	s3 =	sld [smem:$0x3F97]  }
0x31: {  	[smem:$0x3FA0] =	sst s10  }
0x32: {  	s10 =	sld [smem:$0x3F9E];
	_ =	sdelay $0x3  }
0x33: {  	p0 =	seq.s32 s10, $0x1;
	s10 =	sld [smem:$0x3FA0];
	_ =	sdelay $0x3  }
0x34: {  	[smem:$0x3FA0] =	sst s10  }
0x35: {  	s10 =	sld [smem:$0x3F9F];
	_ =	sdelay $0x3  }
0x36: {  	p1 =	seq.s32 s10, $0x1;
	s10 =	sld [smem:$0x3FA0];
	_ =	sdelay $0x3  }
0x37: {  	[smem:$0x3FA0] =	sst s10  }
0x38: {  	s10 =	sld [smem:$0x3FA1]  }
0x39: {  	_ = 	snop;
	(pc) =	sbr.ind lr, $3  }
0x3a: {  	_ = 	snop  }
0x3b: {  	_ = 	snop  }
0x3c: {  	p2 =	seq.s32 s10, $0x1;
	s10 =	sld [smem:$0x3FA0]  }
0x3d: {  	_ =	shalt  }
0x3e: {  	_ =	shalt  }
0x3f: {  	_ =	shalt  }
0x40: {  	_ =	shalt  }
0x41: {  	_ =	shalt  }
0x42: {  	_ =	shalt  }
0x43: {  	_ =	shalt  }
0x44: {  	_ =	shalt  }
0x45: {  	_ =	shalt  }
0x46: {  	_ =	shalt  }
0x47: {  	_ =	shalt  }
0x48: {  	_ =	shalt  }
0x49: {  	_ =	shalt  }
0x4a: {  	_ =	shalt  }
0x4b: {  	_ =	shalt  }
0x4c: {  	_ =	shalt  }
0x4d: {  	_ =	shalt  }
0x4e: {  	_ =	shalt  }
0x4f: {  	_ =	shalt  }
0x50: {  	_ =	shalt  }
0x51: {  	_ =	shalt  }
0x52: {  	_ =	shalt  }
0x53: {  	_ =	shalt  }
0x54: {  	_ =	shalt  }
0x55: {  	_ =	shalt  }
0x56: {  	_ =	shalt  }
0x57: {  	_ =	shalt  }
0x58: {  	_ =	shalt  }
0x59: {  	_ =	shalt  }
0x5a: {  	_ =	shalt  }
0x5b: {  	_ =	shalt  }
0x5c: {  	_ =	shalt  }
0x5d: {  	_ =	shalt  }
0x5e: {  	_ =	shalt  }
0x5f: {  	_ =	shalt  }
0x60: {  	_ =	shalt  }
0x61: {  	_ =	shalt  }
0x62: {  	_ =	shalt  }
0x63: {  	_ =	shalt  }
0x64: {  	_ =	shalt  }
0x65: {  	_ =	shalt  }
0x66: {  	_ =	shalt  }
0x67: {  	_ =	shalt  }
0x68: {  	_ =	shalt  }
0x69: {  	_ =	shalt  }
0x6a: {  	_ =	shalt  }
0x6b: {  	_ =	shalt  }
0x6c: {  	_ =	shalt  }
0x6d: {  	_ =	shalt  }
0x6e: {  	_ =	shalt  }
0x6f: {  	_ =	shalt  }
0x70: {  	_ =	shalt  }
0x71: {  	_ =	shalt  }
0x72: {  	_ =	shalt  }
0x73: {  	_ =	shalt  }
0x74: {  	_ =	shalt  }
0x75: {  	_ =	shalt  }
0x76: {  	_ =	shalt  }
0x77: {  	_ =	shalt  }
0x78: {  	_ =	shalt  }
0x79: {  	_ =	shalt  }
0x7a: {  	_ =	shalt  }
0x7b: {  	_ =	shalt  }
0x7c: {  	_ =	shalt  }
0x7d: {  	_ =	shalt  }
0x7e: {  	_ =	shalt  }
0x7f: {  	_ =	shalt  }
0x80: {  	_ =	shalt  }
0x81: {  	_ =	shalt  }
0x82: {  	_ =	shalt  }
0x83: {  	_ =	shalt  }
0x84: {  	_ =	shalt  }
0x85: {  	_ =	shalt  }
0x86: {  	_ =	shalt  }
0x87: {  	_ =	shalt  }
.Lfunc_end0:
.L_simem_size_0:
called_computation.1_lowered:
.L_overlay_start_0:
0x88: {  	s2 =	sld [smem:$0x3FD9]  }
0x89: {  	s3 =	sld [smem:$0x3FFE];
	_ =	sdelay $0x1  }
0x8a: {  	s1 =	srdreg.scid  }
0x8b: {  	s0 =	sand.u32 $0x1, s1  }
0x8c: {  	s17 =	sshll.u32 s0, $0xA;
	s2 =	sadd.s32 s3, s2  }
0x8d: {  	s2 =	sadd.s32 s2, s17  }
0x8e: {  	[smem:$0x3FAC] =	sst s2  }
0x8f: {  	_ = 	snop  }
0x90: {  	s2 =	sld [smem:$0x3FD0];
	(tm) =	ssettm $0x1  }
0x91: {  	s18 =	sld [smem:$0x3FFB];
	_ =	sdelay $0x3  }
0x92: {  	_ =	strace s18  }
0x93: {  	s3 =	sld [smem:$0x3FFC];
	_ =	sdelay $0x3  }
0x94: {  	_ =	strace s3  }
0x95: {  	s3 =	sld [smem:$0x3FFD];
	_ =	sdelay $0x3  }
0x96: {  	_ =	strace s3  }
0x97: {  	_ =	strace $0x8FFFFFFF  }
0x98: {  	s19 =	sld [smem:$0x3FDB];
	_ =	sdelay $0x1  }
0x99: {  	s4 =	simm.s32 $_scs_section_size  }
0x9a: {  	s5 =	simm.s32 $_size__tile_overlayer_lowered;
	s6 =	simm.s32 $_tile_overlayer_lowered  }
0x9b: {  	s22 =	simm.s32 $0x1BFF;
	s21 =	sshll.u32 s6, $0x1;
	s3 =	sadd.s32 s4, s19  }
0x9c: {  	s7 =	simm.s32 $0x0;
	s20 =	sshll.u32 s5, $0x1;
	s5 =	sadd.s32 s21, s3  }
0x9d: {  	[timem:s7], [sflag:s22] =	dma.local [hbm:s5], s20  }
0x9e: {  	_ =	swait.ge [sflag:s22], s20  }
0x9f: {  	s4 =	ssub.s32 $0x0, s20;
	[sflag:s22] =	ssyncset.done $0x0  }
0xa0: {  	[sflag:s22] =	ssyncadd.s32 s4;
	_ =	sdelay $0x1  }
0xa1: {  	s23 =	simm.s32 $0x1B8B  }
0xa2: {  	_ =	swait.ge [sflag:s23], $0x1  }
0xa3: {  	[sflag:s23] =	ssyncset.done $0x0  }
0xa4: {  	s25 =	simm.s32 $0x1B8E;
	s24 =	sld [smem:$0x3FFE];
	[sflag:s23] =	ssyncadd.s32 $0xFFFFFFFF  }
0xa5: {  	s26 =	simm.s32 $execute0_lowered;
	[smem:$0x3FD2] =	sst s25  }
0xa6: {  	s5 =	sshll.u32 s26, $0x1;
	_ =	strace $0x80000049;
	[dreg:$0x1] =	wrdreg $0xFFFFFFFF  }
0xa7: {  	s28 =	simm.s32 $_size_execute0_lowered;
	s3 =	sadd.s32 s3, s5;
	[dreg:$0x0] =	wrdreg $0x0  }
0xa8: {  	s5 =	sshll.u32 s28, $0x1;
	[dreg:$0x2] =	wrdreg s3  }
0xa9: {  	[dreg:$0x3] =	wrdreg s5  }
0xaa: {  	[dreg:$0x4] =	wrdreg $0xC0  }
0xab: {  	_ =	task [dreg:s7], $0x5FFFF  }
0xac: {  	[dreg:$0x1] =	wrdreg $0xFFFFFFFF  }
0xad: {  	[dreg:$0x0] =	wrdreg $0x60  }
0xae: {  	[dreg:$0x2] =	wrdreg s24  }
0xaf: {  	[dreg:$0x3] =	wrdreg s2  }
0xb0: {  	[dreg:$0x4] =	wrdreg $0x9  }
0xb1: {  	_ =	task.clear_ibuf [dreg:s7], $0x5FFFF;
	_ =	strace $0x90000049  }
0xb2: {  	s29 =	simm.s32 $0x9;
	_ =	strace $0x8000004B  }
0xb3: {  	_ =	swait.ge [sflag:s29], $0x1  }
0xb4: {  	[sflag:s29] =	ssyncadd.s32 $0xFFFFFFFF  }
0xb5: {  	_ =	strace $0x9000004B  }
0xb6: {  	_ =	sfence  }
0xb7: {  	s30 =	sld [smem:$0x0];
	_ =	sdelay $0x2  }
0xb8: {  	s31 =	sshll.u32 s1, $0xD;
	s1 =	sshrl.u32 s1, $0x2  }
0xb9: {  	s3 =	sand.u32 $0x4000, s31;
	s1 =	sadd.s32 s1, s30  }
0xba: {  	s0 =	sor.u32 s3, s0;
	s1 =	sshll.u32 s1, $0x11  }
0xbb: {  	s0 =	sor.u32 s1, s0  }
0xbc: {  	s0 =	sadd.s32 $0x8F2B, s0  }
0xbd: {  	[sflag:s0] =	ssyncadd.remote.s32 $0x1  }
0xbe: {  	_ =	sfence.sel $0xFFFF  }
0xbf: {  	[dreg:$0x0] =	wrdreg $0xFFFFFFFF;
	(pc) =	sbr.abs _section_cstart, $3  }
0xc0: {  	[dreg:$0x1] =	wrdreg $0xFFFFFFFF  }
0xc1: {  	_ =	task.clear_ibuf [dreg:s7], $0x2FFFF;
	_ =	strace $0x9FFFFFFF  }
0xc2: {  	(tm) =	ssettm $0x7FFFFFFF  }
0xc3: {  	_ =	shalt  }
tec
execute0_lowered:
.L_overlay_start_1:
0x0: {  	(tag) =	ssettag $0x1  }
0x1: {  	s4 =	rddreg [dreg:$0x0]  }
0x2: {  	s5 =	rddreg [dreg:$0x1]  }
0x3: {  	s0 =	rddreg [dreg:$0x2]  }
0x4: {  	s3 =	srdreg.scid;
	s1 =	stileid.u32  }
0x5: {  	s2 =	simm.s32 $0x0;
	s10 =	simm.s32 $0x3800;
	s11 =	simm.s32 $0x4000  }
0x6: {  	s12 =	simm.s32 $0x4800;
	s13 =	simm.s32 $0x5000;
	s14 =	simm.s32 $0x5800  }
0x7: {  	s15 =	simm.s32 $0x6000;
	s16 =	simm.s32 $0x1;
	s17 =	simm.s32 $0x0  }
0x8: {  	s3 =	sand.u32 $0x1, s3;
	s6 =	smul.u32 $0x278000, s1;
	[smem:$0x7FF] =	sst s2  }
0x9: {  	s8 =	sshll.u32 s1, $0x1;
	s7 =	smul.u32 $0x13C000, s3;
	s9 =	ssub.s32 $0x2, s3  }
0xa: {  	_ =	strace $0x8000004A;
	s3 =	sor.u32 s3, s8;
	s31 =	sshrl.u32 s9, $0x1  }
0xb: {  	s8 =	smul.u32 $0x500, s3;
	s3 =	sadd.s32 $0x9A00, s4;
	s6 =	sadd.s32 s7, s6  }
0xc: {  	v2 =	vlaneseq.u32;
	s7 =	ssub.s32 s9, s31;
	s9 =	simm.s32 $0x3000;
	s6 =	sshrl.u32 s6, $0x3  }
0xd: {  	vm0 =	vmmov $0xffff;
	v1 =	vshrl.u32 v2, $0x3;
	s6 =	sadd.s32 s6, s4;
	s4 =	sadd.s32 s5, s8;
	s5 =	smax.u32 s7, $0x1  }
0xe: {  	v0 =	vand.u32 $0x7, v2;
	v2 =	vor.u32 $0x8, v2;
	v1 =	vmul.u32 $0x8, v1;
	s7 =	simm.s32 $0x2;
	s8 =	simm.s32 $0x2800;
	s6 =	sadd.s32 $0x80200, s6  }
.LBB2_1:
0xf: {  	[tilespmem:s2], [sflag:$0x2] =	stream.linear.gather [hbm4b:s4+s2], $0x2780, $0x38;
	[tilespmem:$0x6800] =	vst v63  }
0x10: {  	_ =	swait.ge [sflag:s7], $0x2780  }
0x11: {  	[sflag:s7] =	ssyncset.done $0x0  }
0x12: {  	s18 =	simm.s32 $0x20;
	s19 =	simm.s32 $0x0;
	[sflag:s7] =	ssyncadd.s32 $0xFFFFD880  }
.LBB2_2:
0x13: {  	v3 =	vld [tilespmem:s18+$0xFFFFFFE0];
	_ =	sdelay $0x4  }
0x14: {  	v4 =	vshll.u32 v3, $0x1  }
0x15: {  	v3 =	vand.u32 $0x7, v3;
	v4 =	vand.u32 $0xFFFFFFF0, v4  }
0x16: {  	v3 =	vor.u32 v3, v4  }
0x17: {  	v4 =	vperm.xlane v3, v0;
	_ =	sdelay $0x1  }
0x18: {  	v3 =	vperm.xlane v3, v2;
	v4 =	vadd.s32 v1, v4;
	_ =	sdelay $0x1  }
0x19: {  	v3 =	vadd.s32 v1, v3;
	_ =	sdelay $0x2  }
0x1a: {  	[tilespmem:s8], [sflag:$0x1] =	stream.indirect_vreg.gather [hbm4b:s3+s2], $0x80, v4, vm0, $0xb8;
	[tilespmem:$0x6800] =	vst v63  }
0x1b: {  	_ = 	snop  }
0x1c: {  	[tilespmem:s9], [sflag:$0x1] =	stream.indirect_vreg.gather [hbm4b:s3+s2], $0x80, v3, vm0, $0xb8;
	[tilespmem:$0x6800] =	vst v63  }
0x1d: {  	v3 =	vld [tilespmem:s18+$0xFFFFFFF0];
	_ =	sdelay $0x4  }
0x1e: {  	v61 =	vshll.u32 v3, $0x1  }
0x1f: {  	v3 =	vand.u32 $0x7, v3;
	v4 =	vand.u32 $0xFFFFFFF0, v61  }
0x20: {  	v3 =	vor.u32 v3, v4  }
0x21: {  	v4 =	vperm.xlane v3, v0;
	_ =	sdelay $0x1  }
0x22: {  	v3 =	vperm.xlane v3, v2;
	v4 =	vadd.s32 v1, v4;
	_ =	sdelay $0x1  }
0x23: {  	v3 =	vadd.s32 v1, v3;
	_ =	sdelay $0x2  }
0x24: {  	[tilespmem:s10], [sflag:$0x1] =	stream.indirect_vreg.gather [hbm4b:s3+s2], $0x80, v4, vm0, $0xb8;
	[tilespmem:$0x6800] =	vst v63  }
0x25: {  	_ = 	snop  }
0x26: {  	[tilespmem:s11], [sflag:$0x1] =	stream.indirect_vreg.gather [hbm4b:s3+s2], $0x80, v3, vm0, $0xb8;
	[tilespmem:$0x6800] =	vst v63  }
0x27: {  	v3 =	vld [tilespmem:s18+$0x0];
	_ =	sdelay $0x4  }
0x28: {  	v62 =	vshll.u32 v3, $0x1  }
0x29: {  	v3 =	vand.u32 $0x7, v3;
	v4 =	vand.u32 $0xFFFFFFF0, v62  }
0x2a: {  	v3 =	vor.u32 v3, v4  }
0x2b: {  	v4 =	vperm.xlane v3, v0;
	_ =	sdelay $0x1  }
0x2c: {  	v3 =	vperm.xlane v3, v2;
	v4 =	vadd.s32 v1, v4;
	_ =	sdelay $0x1  }
0x2d: {  	v3 =	vadd.s32 v1, v3;
	_ =	sdelay $0x2  }
0x2e: {  	[tilespmem:s12], [sflag:$0x1] =	stream.indirect_vreg.gather [hbm4b:s3+s2], $0x80, v4, vm0, $0xb8;
	[tilespmem:$0x6800] =	vst v63  }
0x2f: {  	_ = 	snop  }
0x30: {  	[tilespmem:s13], [sflag:$0x1] =	stream.indirect_vreg.gather [hbm4b:s3+s2], $0x80, v3, vm0, $0xb8;
	[tilespmem:$0x6800] =	vst v63  }
0x31: {  	v3 =	vld [tilespmem:s18+$0x10];
	_ =	sdelay $0x4  }
0x32: {  	v63 =	vshll.u32 v3, $0x1  }
0x33: {  	v3 =	vand.u32 $0x7, v3;
	v4 =	vand.u32 $0xFFFFFFF0, v63  }
0x34: {  	v3 =	vor.u32 v3, v4  }
0x35: {  	v4 =	vperm.xlane v3, v0;
	_ =	sdelay $0x1  }
0x36: {  	v3 =	vperm.xlane v3, v2;
	v4 =	vadd.s32 v1, v4;
	_ =	sdelay $0x1  }
0x37: {  	v3 =	vadd.s32 v1, v3;
	_ =	sdelay $0x2  }
0x38: {  	[tilespmem:s14], [sflag:$0x1] =	stream.indirect_vreg.gather [hbm4b:s3+s2], $0x80, v4, vm0, $0xb8;
	[tilespmem:$0x6800] =	vst v63  }
0x39: {  	_ = 	snop  }
0x3a: {  	[tilespmem:s15], [sflag:$0x1] =	stream.indirect_vreg.gather [hbm4b:s3+s2], $0x80, v3, vm0, $0xb8;
	[tilespmem:$0x6800] =	vst v63  }
0x3b: {  	_ =	swait.ge [sflag:s16], $0x4000  }
0x3c: {  	p0 =	sne.s32 s19, $0x27000;
	[sflag:s16] =	ssyncset.done $0x0  }
.Ltmp0:
0x3d: {  	s20 =	sadd.s32 s19, s6;
	[sflag:s16] =	ssyncadd.s32 $0xFFFFC000;
	(pc) =	sbr.rel @p0 .LBB2_2-.Ltmp0, $4  }
0x3e: {  	[hbm4b:s20+s2] =	stream.linear.scatter [tilespmem:s8], [sflag:$0x2], $0x4000, $0x38;
	[tilespmem:$0x6800] =	vst v63  }
0x3f: {  	_ =	swait.ge [sflag:s7], $0x4000  }
0x40: {  	[sflag:s7] =	ssyncset.done $0x0  }
0x41: {  	s19 =	sadd.s32 $0x800, s19;
	s18 =	sadd.s32 $0x80, s18;
	[sflag:s7] =	ssyncadd.s32 $0xFFFFC000  }
0x42: {  	s17 =	sadd.s32 $0x1, s17  }
0x43: {  	p0 =	sne.s32 s17, s5  }
.Ltmp1:
0x44: {  	_ = 	snop;
	(pc) =	sbr.rel @p0 .LBB2_1-.Ltmp1, $1  }
0x45: {  	_ =	sdelay $0x3  }
0x46: {  	_ =	sfence.sel $0x180000  }
0x47: {  	[bflag:$0x0] =	sbarrier.arrive $0xFFFF  }
0x48: {  	p0 =	sne.s32 s1, $0x0;
	_ =	strace $0x9000004A  }
0x49: {  	s0 =	sadd.s32 @!p0 $0x100000, s0;
	[bflag:$0x2] =	sbarrier.arrive $0xFFFF  }
0x4a: {  	[sflag:s0] =	ssyncadd.tile.s32 @!p0 $0x1;
	_ =	shalt  }
.Lfunc_end2:
_tile_overlayer_lowered:
.L_overlay_start_2:
0x4b: {  	(tag) =	ssettag $0x2  }
0x4c: {  	s0 =	rddreg [dreg:$0x0];
	s2 =	stileid.u32  }
0x4d: {  	s1 =	rddreg [dreg:$0x1];
	p0 =	sne.s32 s2, $0x0  }
0x4e: {  	s3 =	rddreg [dreg:$0x2];
	[bflag:$0x3] =	sbarrier.arrive $0xFFFF;
	s2 =	simm.s32 @!p0 $0x1C02  }
0x4f: {  	[timem:s3], [sflag:s2] =	dma.local @!p0 [hbm:s0], s1  }
0x50: {  	s0 =	simm.s32 @!p0 $0x2  }
0x51: {  	_ =	swait.ge @!p0 [sflag:s0], s1  }
0x52: {  	s1 =	ssub.s32 @!p0 $0x0, s1;
	[sflag:s0] =	ssyncset.done @!p0 $0x0  }
0x53: {  	[sflag:s0] =	ssyncadd.s32 @!p0 s1  }
0x54: {  	[bflag:$0x3] =	sbarrier.arrive $0xFFFF  }
0x55: {  	_ =	shalt  }

</sc_bundles>
